<compile_context>
chip_gen: v7x
topology: tpu7x:2x2x1
jax: 0.10.2.dev20260603
libtpu: 0.0.44.dev20260713+nightly
codegen_flags: <defaults>
</compile_context>

<pallas_src>
import functools

import jax
import jax.numpy as jnp
import numpy as np
from jax import lax
from jax.experimental import pallas as pl
from jax.experimental.pallas import tpu as pltpu
from jax.experimental.pallas import tpu_sc as plsc

N = 10000
E = 320000
D = 128
NZ = 10
NRBF = 8
NSYS = 16

NC = 2
NS = 16
NW = NC * NS
EPW = E // NW
CH = 80
GRP = CH // 16
ESTG = 2000
NSTG = EPW // ESTG
NCHUNK = ESTG // CH
NZ2 = NZ // 2
RW = 2 * NRBF
NROWS = N * NZ2
NROWSP = ((NROWS + NS * 64 - 1) // (NS * 64)) * (NS * 64)
RPT = NROWSP // NS
DRC = 64
HDRC = DRC * RW // 128
HRPT = RPT * RW // 128
HROWS = NC * NROWSP * RW // 128

_CENTERS = np.linspace(0.0, 6.0, NRBF, dtype=np.float32)


def _sc_edge_body(px_hbm, py_hbm, pz_hbm, z_hbm, src_hbm, dst_hbm,
                  out_hbm,
                  px_v, py_v, pz_v, z_v, src_v, dst_v, rbf_v, idx_v,
                  tmp_v, pack_v, ridx_v, r_sh):
    cid = lax.axis_index("c")
    sid = lax.axis_index("s")
    wid = sid * NC + cid
    base = wid * EPW

    pltpu.sync_copy(px_hbm, px_v)
    pltpu.sync_copy(py_hbm, py_v)
    pltpu.sync_copy(pz_hbm, pz_v)
    pltpu.sync_copy(z_hbm, z_v)

    zero16 = jnp.zeros((16,), jnp.float32)
    lane = lax.iota(jnp.int32, 16)

    def zrow(r, _):
        tmp_v[r] = zero16
        return 0

    lax.fori_loop(0, 16, zrow, 0)
    r0 = sid * RPT

    def zchunk(j, _):
        pltpu.sync_copy(tmp_v.at[pl.ds(0, 16)], r_sh.at[r0 + j * 16 + lane])
        return 0

    lax.fori_loop(0, RPT // 16, zchunk, 0)
    plsc.subcore_barrier()

    def chunk(ci, _):
        off = ci * CH

        def group(g, _):
            o = off + g * 16
            s16 = src_v[pl.ds(o, 16)]
            d16 = dst_v[pl.ds(o, 16)]
            z16 = plsc.load_gather(z_v, [s16])
            dx = plsc.load_gather(px_v, [s16]) - plsc.load_gather(px_v, [d16])
            dy = plsc.load_gather(py_v, [s16]) - plsc.load_gather(py_v, [d16])
            dz = plsc.load_gather(pz_v, [s16]) - plsc.load_gather(pz_v, [d16])
            d2 = dx * dx + dy * dy + dz * dz + jnp.float32(1e-9)
            ii = jnp.int32(0x5F3759DF) - (plsc.bitcast(d2, jnp.int32) >> 1)
            y = plsc.bitcast(ii, jnp.float32)
            h2 = jnp.float32(0.5) * d2
            for _ in range(3):
                y = y * (jnp.float32(1.5) - h2 * y * y)
            dist = d2 * y
            row16 = d16 * NZ2 + (z16 >> 1)
            col0 = (z16 & 1) * NRBF
            col1 = NRBF - col0
            erow = lane + g * 16
            for k in range(NRBF):
                t = dist - jnp.float32(_CENTERS[k])
                rk = jnp.exp(-(t * t))
                plsc.store_scatter(rbf_v, [erow, col0 + k], rk)
                plsc.store_scatter(rbf_v, [erow, col1 + k], zero16)
            pltpu.sync_copy(rbf_v.at[pl.ds(g * 16, 16)], r_sh.at[row16],
                            add=True)
            return 0

        lax.fori_loop(0, GRP, group, 0)
        return 0

    def stage(si, _):
        b2 = base + si * ESTG
        pltpu.sync_copy(src_hbm.at[pl.ds(b2, ESTG)], src_v)
        pltpu.sync_copy(dst_hbm.at[pl.ds(b2, ESTG)], dst_v)
        lax.fori_loop(0, NCHUNK, chunk, 0)
        return 0

    lax.fori_loop(0, NSTG, stage, 0)

    plsc.subcore_barrier()

    hbase = cid * (NROWSP * RW // 128) + sid * HRPT
    for j in range(RPT // DRC):
        def drow(q, _):
            pltpu.sync_copy(r_sh.at[r0 + j * DRC + q * 16 + lane],
                            tmp_v.at[pl.ds(q * 16, 16)])
            return 0

        lax.fori_loop(0, DRC // 16, drow, 0)

        def prow(r, _):
            pack_v[r >> 3, pl.ds((r & 7) * RW, RW)] = tmp_v[r]
            return 0

        lax.fori_loop(0, DRC, prow, 0)
        pltpu.sync_copy(pack_v, out_hbm.at[pl.ds(hbase + j * HDRC, HDRC)])


@functools.cache
def _sc_edge_pass():
    return pl.kernel(
        _sc_edge_body,
        mesh=plsc.VectorSubcoreMesh(core_axis_name="c", subcore_axis_name="s"),
        out_type=jax.ShapeDtypeStruct((HROWS, 128), jnp.float32),
        compiler_params=pltpu.CompilerParams(needs_layout_passes=False),
        scratch_types=[
            pltpu.VMEM((N,), jnp.float32),
            pltpu.VMEM((N,), jnp.float32),
            pltpu.VMEM((N,), jnp.float32),
            pltpu.VMEM((N,), jnp.int32),
            pltpu.VMEM((ESTG,), jnp.int32),
            pltpu.VMEM((ESTG,), jnp.int32),
            pltpu.VMEM((CH, RW), jnp.float32),
            pltpu.VMEM((CH,), jnp.int32),
            pltpu.VMEM((DRC, RW), jnp.float32),
            pltpu.VMEM((HDRC, 128), jnp.float32),
            pltpu.VMEM((DRC,), jnp.int32),
            pltpu.VMEM_SHARED((NROWSP, RW), jnp.float32),
        ],
    )


BN = 1000
NBLK = N // BN


def _tc_body(rp_ref, zf_ref, bf_ref, wemb_ref, wrbf_ref, w1_ref, w2_ref,
             wout_ref, out_ref):
    i = pl.program_id(0)
    r = rp_ref[0] + rp_ref[1]
    wemb = wemb_ref[...]
    wrbf = wrbf_ref[...]
    t = (wemb[:NZ, None, :] * wrbf[None, :, :]).reshape(NZ * NRBF, D)
    tw1 = jnp.dot(t, w1_ref[...], preferred_element_type=jnp.float32)
    ew2 = jnp.dot(wemb, w2_ref[...], preferred_element_type=jnp.float32)
    cols = lax.broadcasted_iota(jnp.int32, (BN, 16), 1)
    ohz = (zf_ref[...] == cols).astype(jnp.float32)
    pre = (jnp.dot(r, tw1, preferred_element_type=jnp.float32)
           + jnp.dot(ohz, ew2, preferred_element_type=jnp.float32))
    h = pre * (jnp.float32(1.0) / (jnp.float32(1.0) + jnp.exp(-pre)))
    e_atom = jnp.dot(h, wout_ref[...], preferred_element_type=jnp.float32)
    ohb = (bf_ref[...] == cols).astype(jnp.float32)
    es = jnp.sum(ohb * e_atom, axis=0)
    rows8 = lax.broadcasted_iota(jnp.int32, (8, NSYS), 0)
    contrib = jnp.where(rows8 == 0, es[None, :], jnp.float32(0.0))

    @pl.when(i == 0)
    def _():
        out_ref[...] = contrib

    @pl.when(i > 0)
    def _():
        out_ref[...] = out_ref[...] + contrib


def _tc_tail(rp, zf, bf, wemb16, wrbf, w1, w2, wout2):
    return pl.pallas_call(
        _tc_body,
        grid=(NBLK,),
        in_specs=[
            pl.BlockSpec((NC, BN, NZ * NRBF), lambda i: (0, i, 0)),
            pl.BlockSpec((BN, 1), lambda i: (i, 0)),
            pl.BlockSpec((BN, 1), lambda i: (i, 0)),
            pl.BlockSpec((16, D), lambda i: (0, 0)),
            pl.BlockSpec((NRBF, D), lambda i: (0, 0)),
            pl.BlockSpec((D, D), lambda i: (0, 0)),
            pl.BlockSpec((D, D), lambda i: (0, 0)),
            pl.BlockSpec((D, 1), lambda i: (0, 0)),
        ],
        out_specs=pl.BlockSpec((8, NSYS), lambda i: (0, 0)),
        out_shape=jax.ShapeDtypeStruct((8, NSYS), jnp.float32),
    )(rp, zf, bf, wemb16, wrbf, w1, w2, wout2)


@jax.jit
def kernel(positions, W_emb, W_rbf, W1, W2, w_out, atomic_numbers, edge_index,
           batch):
    assert positions.shape == (N, 3) and edge_index.shape == (2, E)
    post = positions.T.astype(jnp.float32)
    zi = atomic_numbers.astype(jnp.int32)
    src = edge_index[0].astype(jnp.int32)
    dst = edge_index[1].astype(jnp.int32)
    rp = _sc_edge_pass()(post[0], post[1], post[2], zi, src, dst)
    rp = rp.reshape(NC, NROWSP, RW)[:, :NROWS, :].reshape(NC, N, NZ * NRBF)

    wemb16 = jnp.zeros((16, D), jnp.float32).at[:NZ].set(W_emb)
    zf = zi.reshape(N, 1)
    bf = batch.astype(jnp.int32).reshape(N, 1)
    out = _tc_tail(rp, zf, bf, wemb16, W_rbf, W1, W2, w_out.reshape(D, 1))
    return out[0]

# --- scband reference (transcript-rebuilt; emitter-appended) ---
"""Pipeline reference for scband-mace-model-30176440222231 (READ-ONLY COPY).

The authoritative reference and input builder live on the scoring server;
editing this copy changes nothing except your own understanding.
"""

import jax, jax.numpy as jnp
import numpy as np

N = 10000
E = 320000
D = 128
NZ = 10
NRBF = 8
NSYS = 16


def setup_inputs(seed: int = 0) -> dict:
    key = jax.random.key(seed)
    ks = jax.random.split(key, 10)
    positions = jax.random.normal(ks[0], (N, 3), dtype=jnp.float32) * 5.0
    atomic_numbers = jax.random.randint(ks[1], (N,), 0, NZ)
    edge_index = jax.random.randint(ks[2], (2, E), 0, N)
    batch = jnp.sort(jax.random.randint(ks[3], (N,), 0, NSYS))
    W_emb = jax.random.normal(ks[4], (NZ, D), dtype=jnp.float32) * 0.1
    W_rbf = jax.random.normal(ks[5], (NRBF, D), dtype=jnp.float32) * 0.1
    W1 = jax.random.normal(ks[6], (D, D), dtype=jnp.float32) * 0.05
    W2 = jax.random.normal(ks[7], (D, D), dtype=jnp.float32) * 0.05
    w_out = jax.random.normal(ks[8], (D,), dtype=jnp.float32) * 0.05
    return {
        "positions": positions,
        "W_emb": W_emb,
        "W_rbf": W_rbf,
        "W1": W1,
        "W2": W2,
        "w_out": w_out,
        "atomic_numbers": atomic_numbers,
        "edge_index": edge_index,
        "batch": batch,
    }


def reference(positions, W_emb, W_rbf, W1, W2, w_out, atomic_numbers, edge_index, batch):
    # MACE-style batched message passing over atomic graph.
    src = edge_index[0]
    dst = edge_index[1]
    # one-hot element embedding via gather (equivalent to to_one_hot @ W_emb)
    node_feats = jnp.take(W_emb, atomic_numbers, axis=0)  # [N, D]
    # edge geometry -> radial basis expansion
    rel = jnp.take(positions, src, axis=0) - jnp.take(positions, dst, axis=0)  # [E, 3]
    dist = jnp.sqrt(jnp.sum(rel * rel, axis=-1) + 1e-9)  # [E]
    centers = jnp.linspace(0.0, 6.0, NRBF, dtype=jnp.float32)
    rbf = jnp.exp(-((dist[:, None] - centers[None, :]) ** 2))  # [E, NRBF]
    edge_w = rbf @ W_rbf  # [E, D]
    # message = neighbor feature modulated by radial weights
    msg = jnp.take(node_feats, src, axis=0) * edge_w  # [E, D]
    # scatter-add aggregation onto destination nodes
    agg = jax.ops.segment_sum(msg, dst, num_segments=N)  # [N, D]
    # node update
    h = jax.nn.silu(agg @ W1 + node_feats @ W2)  # [N, D]
    # per-atom energy readout
    e_atom = h @ w_out  # [N]
    # reduce per-atom energies to per-system energies via batch segment ids
    energy = jax.ops.segment_sum(e_atom, batch, num_segments=NSYS)  # [NSYS]
    return energy

if __name__ == "__main__":
    import jax
    _d = setup_inputs()
    print(jax.jit(kernel)(*tuple(_d.values())))

</pallas_src>

<mosaic_0001>
#map = affine_map<(d0, d1) -> (0)>
#map1 = affine_map<(d0, d1) -> (0, 0)>
module attributes {stable_mosaic.version = 14 : i64} {
  func.func @_sc_edge_body(%arg0: i32, %arg1: i32, %arg2: memref<10000xf32, #tpu.memory_space<hbm>>, %arg3: memref<10000xf32, #tpu.memory_space<hbm>>, %arg4: memref<10000xf32, #tpu.memory_space<hbm>>, %arg5: memref<10000xi32, #tpu.memory_space<hbm>>, %arg6: memref<320000xi32, #tpu.memory_space<hbm>>, %arg7: memref<320000xi32, #tpu.memory_space<hbm>>, %arg8: memref<12544x128xf32, #tpu.memory_space<hbm>>, %arg9: memref<10000xf32, #tpu.memory_space<vmem>>, %arg10: memref<10000xf32, #tpu.memory_space<vmem>>, %arg11: memref<10000xf32, #tpu.memory_space<vmem>>, %arg12: memref<10000xi32, #tpu.memory_space<vmem>>, %arg13: memref<2000xi32, #tpu.memory_space<vmem>>, %arg14: memref<2000xi32, #tpu.memory_space<vmem>>, %arg15: memref<80x16xf32, #tpu.memory_space<vmem>>, %arg16: memref<80xi32, #tpu.memory_space<vmem>>, %arg17: memref<64x16xf32, #tpu.memory_space<vmem>>, %arg18: memref<8x128xf32, #tpu.memory_space<vmem>>, %arg19: memref<64xi32, #tpu.memory_space<vmem>>, %arg20: memref<50176x16xf32, #tpu.memory_space<vmem_shared>>) attributes {dimension_semantics = [#tpu.dimension_semantics<core_parallel>, #tpu.dimension_semantics<subcore_parallel>], iteration_bounds = array<i64: 2, 16>, scalar_prefetch = 0 : i64, scratch_operands = 12 : i64, tpu.core_type = #tpu.core_type<sc_vector_subcore>, window_params = [{transform_indices = #map}, {transform_indices = #map}, {transform_indices = #map}, {transform_indices = #map}, {transform_indices = #map}, {transform_indices = #map}, {transform_indices = #map1}]} {
    %mul3A = arith.constant 2 : i32
    %mul3A_0 = arith.muli %arg1, %mul3A : i32
    %add3A = arith.addi %mul3A_0, %arg0 : i32
    %mul3A_1 = arith.constant 10000 : i32
    %mul3A_2 = arith.muli %add3A, %mul3A_1 : i32
    "tpu.region"() ({
      %run_scoped3A = tpu.sem_alloc : memref<!tpu.dma_semaphore, #tpu.memory_space<semaphore_mem>>
      tpu.enqueue_dma source(%arg2 : memref<10000xf32, #tpu.memory_space<hbm>>) target(%arg9 : memref<10000xf32, #tpu.memory_space<vmem>>) target_semaphore(%run_scoped3A : memref<!tpu.dma_semaphore, #tpu.memory_space<semaphore_mem>>)
      tpu.wait_dma2 semaphore(%run_scoped3A : memref<!tpu.dma_semaphore, #tpu.memory_space<semaphore_mem>>) src(%arg2 : memref<10000xf32, #tpu.memory_space<hbm>>) dst(%arg9 : memref<10000xf32, #tpu.memory_space<vmem>>)
      tpu.yield
    }) : () -> ()
    "tpu.region"() ({
      %run_scoped3A = tpu.sem_alloc : memref<!tpu.dma_semaphore, #tpu.memory_space<semaphore_mem>>
      tpu.enqueue_dma source(%arg3 : memref<10000xf32, #tpu.memory_space<hbm>>) target(%arg10 : memref<10000xf32, #tpu.memory_space<vmem>>) target_semaphore(%run_scoped3A : memref<!tpu.dma_semaphore, #tpu.memory_space<semaphore_mem>>)
      tpu.wait_dma2 semaphore(%run_scoped3A : memref<!tpu.dma_semaphore, #tpu.memory_space<semaphore_mem>>) src(%arg3 : memref<10000xf32, #tpu.memory_space<hbm>>) dst(%arg10 : memref<10000xf32, #tpu.memory_space<vmem>>)
      tpu.yield
    }) : () -> ()
    "tpu.region"() ({
      %run_scoped3A = tpu.sem_alloc : memref<!tpu.dma_semaphore, #tpu.memory_space<semaphore_mem>>
      tpu.enqueue_dma source(%arg4 : memref<10000xf32, #tpu.memory_space<hbm>>) target(%arg11 : memref<10000xf32, #tpu.memory_space<vmem>>) target_semaphore(%run_scoped3A : memref<!tpu.dma_semaphore, #tpu.memory_space<semaphore_mem>>)
      tpu.wait_dma2 semaphore(%run_scoped3A : memref<!tpu.dma_semaphore, #tpu.memory_space<semaphore_mem>>) src(%arg4 : memref<10000xf32, #tpu.memory_space<hbm>>) dst(%arg11 : memref<10000xf32, #tpu.memory_space<vmem>>)
      tpu.yield
    }) : () -> ()
    "tpu.region"() ({
      %run_scoped3A = tpu.sem_alloc : memref<!tpu.dma_semaphore, #tpu.memory_space<semaphore_mem>>
      tpu.enqueue_dma source(%arg5 : memref<10000xi32, #tpu.memory_space<hbm>>) target(%arg12 : memref<10000xi32, #tpu.memory_space<vmem>>) target_semaphore(%run_scoped3A : memref<!tpu.dma_semaphore, #tpu.memory_space<semaphore_mem>>)
      tpu.wait_dma2 semaphore(%run_scoped3A : memref<!tpu.dma_semaphore, #tpu.memory_space<semaphore_mem>>) src(%arg5 : memref<10000xi32, #tpu.memory_space<hbm>>) dst(%arg12 : memref<10000xi32, #tpu.memory_space<vmem>>)
      tpu.yield
    }) : () -> ()
    %broadcast_in_dim3A = arith.constant 0.000000e+00 : f32
    %broadcast_in_dim3A_3 = vector.broadcast %broadcast_in_dim3A : f32 to vector<16xf32>
    %iota3A = tpu.iota {dimensions = array<i32: 0>} : vector<16xi32>
    %scan3A = arith.constant 0 : i32
    %scan3A_4 = arith.constant 0 : i32
    %scan3A_5 = arith.constant 16 : i32
    %scan3A_6 = arith.addi %scan3A_4, %scan3A_5 : i32
    %scan3A_7 = arith.constant 1 : i32
    %scan3A_8 = scf.for %scan3A_816 = %scan3A_4 to %scan3A_6 step %scan3A_7 iter_args(%scan3A_817 = %scan3A) -> (i32)  : i32 {
      %swap3A = arith.index_cast %scan3A_816 : i32 to index
      %swap3A_818 = arith.constant 0 : index
      %swap3A_819 = tpu.vector_load %arg17[%swap3A, %swap3A_818] {strides = array<i32>} : memref<64x16xf32, #tpu.memory_space<vmem>>, vector<16xf32>,
      tpu.vector_store %arg17[%swap3A, %swap3A_818], %broadcast_in_dim3A_3 {strides = array<i32>} : memref<64x16xf32, #tpu.memory_space<vmem>>, vector<16xf32>,
      %scan3A_820 = arith.constant 0 : i32
      scf.yield %scan3A_820 : i32
    }
    %scan3A_9 = arith.constant 16 : i32
    %mul3A_10 = arith.constant 3136 : i32
    %mul3A_11 = arith.muli %arg1, %mul3A_10 : i32
    %scan3A_12 = arith.constant 0 : i32
    %scan3A_13 = arith.constant 0 : i32
    %scan3A_14 = arith.constant 196 : i32
    %scan3A_15 = arith.addi %scan3A_13, %scan3A_14 : i32
    %scan3A_16 = arith.constant 1 : i32
    %scan3A_17 = scf.for %scan3A_816 = %scan3A_13 to %scan3A_15 step %scan3A_16 iter_args(%scan3A_817 = %scan3A_12) -> (i32)  : i32 {
      %mul3A_818 = arith.constant 16 : i32
      %mul3A_819 = arith.muli %scan3A_816, %mul3A_818 : i32
      %add3A_820 = arith.addi %mul3A_11, %mul3A_819 : i32
      %add3A_821 = vector.broadcast %add3A_820 : i32 to vector<16xi32>
      %add3A_822 = arith.addi %add3A_821, %iota3A : vector<16xi32>
      "tpu.region"() ({
        %run_scoped3A = tpu.sem_alloc : memref<!tpu.dma_semaphore, #tpu.memory_space<semaphore_mem>>
        %dma_start3A = arith.constant 0 : i32
        %dma_start3A_824 = arith.constant 0 : i32
        %dma_start3A_825 = tpu.memref_slice %arg17[%dma_start3A, %dma_start3A_824] : memref<64x16xf32, #tpu.memory_space<vmem>> -> memref<16x16xf32, #tpu.memory_space<vmem>>
        %dma_start3A_826 = arith.constant 0 : i32
        %dma_start3A_827 = arith.constant 0 : i32
        %dma_start3A_828 = tpu.memref_slice %arg20[%dma_start3A_826, %dma_start3A_827] : memref<50176x16xf32, #tpu.memory_space<vmem_shared>> -> memref<50176x16xf32, #tpu.memory_space<vmem_shared>>
        tpu.enqueue_indirect_dma source(%dma_start3A_825 : memref<16x16xf32, #tpu.memory_space<vmem>>) target(%dma_start3A_828 : memref<50176x16xf32, #tpu.memory_space<vmem_shared>>) offsets(%add3A_822 : vector<16xi32>) semaphore(%run_scoped3A : memref<!tpu.dma_semaphore, #tpu.memory_space<semaphore_mem>>)
        %dma_wait3A = arith.constant 0 : i32
        %dma_wait3A_829 = arith.constant 0 : i32
        %dma_wait3A_830 = tpu.memref_slice %arg17[%dma_wait3A, %dma_wait3A_829] : memref<64x16xf32, #tpu.memory_space<vmem>> -> memref<16x16xf32, #tpu.memory_space<vmem>>
        %dma_wait3A_831 = arith.constant 0 : i32
        %dma_wait3A_832 = arith.constant 0 : i32
        %dma_wait3A_833 = tpu.memref_slice %arg20[%dma_wait3A_831, %dma_wait3A_832] : memref<50176x16xf32, #tpu.memory_space<vmem_shared>> -> memref<50176x16xf32, #tpu.memory_space<vmem_shared>>
        tpu.wait_indirect_dma semaphore(%run_scoped3A : memref<!tpu.dma_semaphore, #tpu.memory_space<semaphore_mem>>) src(%dma_wait3A_830 : memref<16x16xf32, #tpu.memory_space<vmem>>) dst(%dma_wait3A_833 : memref<50176x16xf32, #tpu.memory_space<vmem_shared>>)
        tpu.yield
      }) : () -> ()
      %scan3A_823 = arith.constant 0 : i32
      scf.yield %scan3A_823 : i32
    }
    %scan3A_18 = arith.constant 196 : i32
    %barrier3A = arith.constant 0 : index
    tpu.barrier barrier_id(%barrier3A)
    %scan3A_19 = arith.constant 0 : i32
    %scan3A_20 = arith.constant 0 : i32
    %scan3A_21 = arith.constant 5 : i32
    %scan3A_22 = arith.addi %scan3A_20, %scan3A_21 : i32
    %scan3A_23 = arith.constant 1 : i32
    %scan3A_24 = scf.for %scan3A_816 = %scan3A_20 to %scan3A_22 step %scan3A_23 iter_args(%scan3A_817 = %scan3A_19) -> (i32)  : i32 {
      %mul3A_818 = arith.constant 2000 : i32
      %mul3A_819 = arith.muli %scan3A_816, %mul3A_818 : i32
      %add3A_820 = arith.addi %mul3A_2, %mul3A_819 : i32
      "tpu.region"() ({
        %run_scoped3A = tpu.sem_alloc : memref<!tpu.dma_semaphore, #tpu.memory_space<semaphore_mem>>
        %dma_start3A = tpu.memref_slice %arg6[%add3A_820] : memref<320000xi32, #tpu.memory_space<hbm>> -> memref<2000xi32, #tpu.memory_space<hbm>>
        %dma_start3A_829 = tpu.memref_slice %arg6[%add3A_820] : memref<320000xi32, #tpu.memory_space<hbm>> -> memref<2000xi32, #tpu.memory_space<hbm>>
        tpu.enqueue_dma source(%dma_start3A_829 : memref<2000xi32, #tpu.memory_space<hbm>>) target(%arg13 : memref<2000xi32, #tpu.memory_space<vmem>>) target_semaphore(%run_scoped3A : memref<!tpu.dma_semaphore, #tpu.memory_space<semaphore_mem>>)
        %dma_wait3A = tpu.memref_slice %arg6[%add3A_820] : memref<320000xi32, #tpu.memory_space<hbm>> -> memref<2000xi32, #tpu.memory_space<hbm>>
        %dma_wait3A_830 = tpu.memref_slice %arg6[%add3A_820] : memref<320000xi32, #tpu.memory_space<hbm>> -> memref<2000xi32, #tpu.memory_space<hbm>>
        tpu.wait_dma2 semaphore(%run_scoped3A : memref<!tpu.dma_semaphore, #tpu.memory_space<semaphore_mem>>) src(%dma_wait3A_830 : memref<2000xi32, #tpu.memory_space<hbm>>) dst(%arg13 : memref<2000xi32, #tpu.memory_space<vmem>>)
        tpu.yield
      }) : () -> ()
      "tpu.region"() ({
        %run_scoped3A = tpu.sem_alloc : memref<!tpu.dma_semaphore, #tpu.memory_space<semaphore_mem>>
        %dma_start3A = tpu.memref_slice %arg7[%add3A_820] : memref<320000xi32, #tpu.memory_space<hbm>> -> memref<2000xi32, #tpu.memory_space<hbm>>
        %dma_start3A_829 = tpu.memref_slice %arg7[%add3A_820] : memref<320000xi32, #tpu.memory_space<hbm>> -> memref<2000xi32, #tpu.memory_space<hbm>>
        tpu.enqueue_dma source(%dma_start3A_829 : memref<2000xi32, #tpu.memory_space<hbm>>) target(%arg14 : memref<2000xi32, #tpu.memory_space<vmem>>) target_semaphore(%run_scoped3A : memref<!tpu.dma_semaphore, #tpu.memory_space<semaphore_mem>>)
        %dma_wait3A = tpu.memref_slice %arg7[%add3A_820] : memref<320000xi32, #tpu.memory_space<hbm>> -> memref<2000xi32, #tpu.memory_space<hbm>>
        %dma_wait3A_830 = tpu.memref_slice %arg7[%add3A_820] : memref<320000xi32, #tpu.memory_space<hbm>> -> memref<2000xi32, #tpu.memory_space<hbm>>
        tpu.wait_dma2 semaphore(%run_scoped3A : memref<!tpu.dma_semaphore, #tpu.memory_space<semaphore_mem>>) src(%dma_wait3A_830 : memref<2000xi32, #tpu.memory_space<hbm>>) dst(%arg14 : memref<2000xi32, #tpu.memory_space<vmem>>)
        tpu.yield
      }) : () -> ()
      %scan3A_821 = arith.constant 0 : i32
      %scan3A_822 = arith.constant 0 : i32
      %scan3A_823 = arith.constant 25 : i32
      %scan3A_824 = arith.addi %scan3A_822, %scan3A_823 : i32
      %scan3A_825 = arith.constant 1 : i32
      %scan3A_826 = scf.for %scan3A_829 = %scan3A_822 to %scan3A_824 step %scan3A_825 iter_args(%scan3A_830 = %scan3A_821) -> (i32)  : i32 {
        %mul3A_831 = arith.constant 80 : i32
        %mul3A_832 = arith.muli %scan3A_829, %mul3A_831 : i32
        %scan3A_833 = arith.constant 0 : i32
        %scan3A_834 = arith.constant 0 : i32
        %scan3A_835 = arith.constant 5 : i32
        %scan3A_836 = arith.addi %scan3A_834, %scan3A_835 : i32
        %scan3A_837 = arith.constant 1 : i32
        %scan3A_838 = scf.for %scan3A_841 = %scan3A_834 to %scan3A_836 step %scan3A_837 iter_args(%scan3A_842 = %scan3A_833) -> (i32)  : i32 {
          %mul3A_843 = arith.constant 16 : i32
          %mul3A_844 = arith.muli %scan3A_841, %mul3A_843 : i32
          %add3A_845 = arith.addi %mul3A_832, %mul3A_844 : i32
          %get3A = arith.index_cast %add3A_845 : i32 to index
          %get3A_846 = tpu.vector_load %arg13[%get3A] {strides = array<i32>} : memref<2000xi32, #tpu.memory_space<vmem>>, vector<16xi32>,
          %get3A_847 = arith.index_cast %add3A_845 : i32 to index
          %get3A_848 = tpu.vector_load %arg14[%get3A_847] {strides = array<i32>} : memref<2000xi32, #tpu.memory_space<vmem>>, vector<16xi32>,
          %gather3A = tpu.vector_load_idx %arg12[%get3A_846] : memref<10000xi32, #tpu.memory_space<vmem>>[vector<16xi32>], vector<16xi32>,
          %gather3A_849 = tpu.vector_load_idx %arg9[%get3A_846] : memref<10000xf32, #tpu.memory_space<vmem>>[vector<16xi32>], vector<16xf32>,
          %gather3A_850 = tpu.vector_load_idx %arg9[%get3A_848] : memref<10000xf32, #tpu.memory_space<vmem>>[vector<16xi32>], vector<16xf32>,
          %sub3A = arith.subf %gather3A_849, %gather3A_850 : vector<16xf32>
          %gather3A_851 = tpu.vector_load_idx %arg10[%get3A_846] : memref<10000xf32, #tpu.memory_space<vmem>>[vector<16xi32>], vector<16xf32>,
          %gather3A_852 = tpu.vector_load_idx %arg10[%get3A_848] : memref<10000xf32, #tpu.memory_space<vmem>>[vector<16xi32>], vector<16xf32>,
          %sub3A_853 = arith.subf %gather3A_851, %gather3A_852 : vector<16xf32>
          %gather3A_854 = tpu.vector_load_idx %arg11[%get3A_846] : memref<10000xf32, #tpu.memory_space<vmem>>[vector<16xi32>], vector<16xf32>,
          %gather3A_855 = tpu.vector_load_idx %arg11[%get3A_848] : memref<10000xf32, #tpu.memory_space<vmem>>[vector<16xi32>], vector<16xf32>,
          %sub3A_856 = arith.subf %gather3A_854, %gather3A_855 : vector<16xf32>
          %mul3A_857 = arith.mulf %sub3A, %sub3A : vector<16xf32>
          %mul3A_858 = arith.mulf %sub3A_853, %sub3A_853 : vector<16xf32>
          %add3A_859 = arith.addf %mul3A_857, %mul3A_858 : vector<16xf32>
          %mul3A_860 = arith.mulf %sub3A_856, %sub3A_856 : vector<16xf32>
          %add3A_861 = arith.addf %add3A_859, %mul3A_860 : vector<16xf32>
          %add3A_862 = arith.constant 9.99999971E-10 : f32
          %add3A_863 = vector.broadcast %add3A_862 : f32 to vector<16xf32>
          %add3A_864 = arith.addf %add3A_861, %add3A_863 : vector<16xf32>
          %bitcast3A = vector.bitcast %add3A_864 : vector<16xf32> to vector<16xi32>
          %shift_right_arithmetic3A = arith.constant 1 : i32
          %shift_right_arithmetic3A_865 = vector.broadcast %shift_right_arithmetic3A : i32 to vector<16xi32>
          %shift_right_arithmetic3A_866 = arith.shrsi %bitcast3A, %shift_right_arithmetic3A_865 : vector<16xi32>
          %sub3A_867 = arith.constant 1597463007 : i32
          %sub3A_868 = vector.broadcast %sub3A_867 : i32 to vector<16xi32>
          %sub3A_869 = arith.subi %sub3A_868, %shift_right_arithmetic3A_866 : vector<16xi32>
          %bitcast3A_870 = vector.bitcast %sub3A_869 : vector<16xi32> to vector<16xf32>
          %mul3A_871 = arith.constant 5.000000e-01 : f32
          %mul3A_872 = vector.broadcast %mul3A_871 : f32 to vector<16xf32>
          %mul3A_873 = arith.mulf %mul3A_872, %add3A_864 : vector<16xf32>
          %mul3A_874 = arith.mulf %mul3A_873, %bitcast3A_870 : vector<16xf32>
          %mul3A_875 = arith.mulf %mul3A_874, %bitcast3A_870 : vector<16xf32>
          %sub3A_876 = arith.constant 1.500000e+00 : f32
          %sub3A_877 = vector.broadcast %sub3A_876 : f32 to vector<16xf32>
          %sub3A_878 = arith.subf %sub3A_877, %mul3A_875 : vector<16xf32>
          %mul3A_879 = arith.mulf %bitcast3A_870, %sub3A_878 : vector<16xf32>
          %mul3A_880 = arith.mulf %mul3A_873, %mul3A_879 : vector<16xf32>
          %mul3A_881 = arith.mulf %mul3A_880, %mul3A_879 : vector<16xf32>
          %sub3A_882 = arith.constant 1.500000e+00 : f32
          %sub3A_883 = vector.broadcast %sub3A_882 : f32 to vector<16xf32>
          %sub3A_884 = arith.subf %sub3A_883, %mul3A_881 : vector<16xf32>
          %mul3A_885 = arith.mulf %mul3A_879, %sub3A_884 : vector<16xf32>
          %mul3A_886 = arith.mulf %mul3A_873, %mul3A_885 : vector<16xf32>
          %mul3A_887 = arith.mulf %mul3A_886, %mul3A_885 : vector<16xf32>
          %sub3A_888 = arith.constant 1.500000e+00 : f32
          %sub3A_889 = vector.broadcast %sub3A_888 : f32 to vector<16xf32>
          %sub3A_890 = arith.subf %sub3A_889, %mul3A_887 : vector<16xf32>
          %mul3A_891 = arith.mulf %mul3A_885, %sub3A_890 : vector<16xf32>
          %mul3A_892 = arith.mulf %add3A_864, %mul3A_891 : vector<16xf32>
          %mul3A_893 = arith.constant 5 : i32
          %mul3A_894 = vector.broadcast %mul3A_893 : i32 to vector<16xi32>
          %mul3A_895 = arith.muli %get3A_848, %mul3A_894 : vector<16xi32>
          %shift_right_arithmetic3A_896 = arith.constant 1 : i32
          %shift_right_arithmetic3A_897 = vector.broadcast %shift_right_arithmetic3A_896 : i32 to vector<16xi32>
          %shift_right_arithmetic3A_898 = arith.shrsi %gather3A, %shift_right_arithmetic3A_897 : vector<16xi32>
          %add3A_899 = arith.addi %mul3A_895, %shift_right_arithmetic3A_898 : vector<16xi32>
          %and3A = arith.constant 1 : i32
          %and3A_900 = vector.broadcast %and3A : i32 to vector<16xi32>
          %and3A_901 = arith.andi %gather3A, %and3A_900 : vector<16xi32>
          %mul3A_902 = arith.constant 8 : i32
          %mul3A_903 = vector.broadcast %mul3A_902 : i32 to vector<16xi32>
          %mul3A_904 = arith.muli %and3A_901, %mul3A_903 : vector<16xi32>
          %sub3A_905 = arith.constant 8 : i32
          %sub3A_906 = vector.broadcast %sub3A_905 : i32 to vector<16xi32>
          %sub3A_907 = arith.subi %sub3A_906, %mul3A_904 : vector<16xi32>
          %mul3A_908 = arith.constant 16 : i32
          %mul3A_909 = arith.muli %scan3A_841, %mul3A_908 : i32
          %add3A_910 = vector.broadcast %mul3A_909 : i32 to vector<16xi32>
          %add3A_911 = arith.addi %iota3A, %add3A_910 : vector<16xi32>
          %sub3A_912 = arith.constant 0.000000e+00 : f32
          %sub3A_913 = vector.broadcast %sub3A_912 : f32 to vector<16xf32>
          %sub3A_914 = arith.subf %mul3A_892, %sub3A_913 : vector<16xf32>
          %mul3A_915 = arith.mulf %sub3A_914, %sub3A_914 : vector<16xf32>
          %neg3A = arith.constant 0.000000e+00 : f32
          %neg3A_916 = vector.broadcast %neg3A : f32 to vector<16xf32>
          %neg3A_917 = arith.subf %neg3A_916, %mul3A_915 : vector<16xf32>
          %exp3A = math.exp %neg3A_917 : vector<16xf32>
          %add3A_918 = arith.constant 0 : i32
          %add3A_919 = vector.broadcast %add3A_918 : i32 to vector<16xi32>
          %add3A_920 = arith.addi %mul3A_904, %add3A_919 : vector<16xi32>
          tpu.vector_store_idx %arg15[%add3A_911, %add3A_920], %exp3A : memref<80x16xf32, #tpu.memory_space<vmem>>[vector<16xi32>, vector<16xi32>], vector<16xf32>,
          %add3A_921 = arith.constant 0 : i32
          %add3A_922 = vector.broadcast %add3A_921 : i32 to vector<16xi32>
          %add3A_923 = arith.addi %sub3A_907, %add3A_922 : vector<16xi32>
          tpu.vector_store_idx %arg15[%add3A_911, %add3A_923], %broadcast_in_dim3A_3 : memref<80x16xf32, #tpu.memory_space<vmem>>[vector<16xi32>, vector<16xi32>], vector<16xf32>,
          %sub3A_924 = arith.constant 0.857142865 : f32
          %sub3A_925 = vector.broadcast %sub3A_924 : f32 to vector<16xf32>
          %sub3A_926 = arith.subf %mul3A_892, %sub3A_925 : vector<16xf32>
          %mul3A_927 = arith.mulf %sub3A_926, %sub3A_926 : vector<16xf32>
          %neg3A_928 = arith.constant 0.000000e+00 : f32
          %neg3A_929 = vector.broadcast %neg3A_928 : f32 to vector<16xf32>
          %neg3A_930 = arith.subf %neg3A_929, %mul3A_927 : vector<16xf32>
          %exp3A_931 = math.exp %neg3A_930 : vector<16xf32>
          %add3A_932 = arith.constant 1 : i32
          %add3A_933 = vector.broadcast %add3A_932 : i32 to vector<16xi32>
          %add3A_934 = arith.addi %mul3A_904, %add3A_933 : vector<16xi32>
          tpu.vector_store_idx %arg15[%add3A_911, %add3A_934], %exp3A_931 : memref<80x16xf32, #tpu.memory_space<vmem>>[vector<16xi32>, vector<16xi32>], vector<16xf32>,
          %add3A_935 = arith.constant 1 : i32
          %add3A_936 = vector.broadcast %add3A_935 : i32 to vector<16xi32>
          %add3A_937 = arith.addi %sub3A_907, %add3A_936 : vector<16xi32>
          tpu.vector_store_idx %arg15[%add3A_911, %add3A_937], %broadcast_in_dim3A_3 : memref<80x16xf32, #tpu.memory_space<vmem>>[vector<16xi32>, vector<16xi32>], vector<16xf32>,
          %sub3A_938 = arith.constant 1.71428573 : f32
          %sub3A_939 = vector.broadcast %sub3A_938 : f32 to vector<16xf32>
          %sub3A_940 = arith.subf %mul3A_892, %sub3A_939 : vector<16xf32>
          %mul3A_941 = arith.mulf %sub3A_940, %sub3A_940 : vector<16xf32>
          %neg3A_942 = arith.constant 0.000000e+00 : f32
          %neg3A_943 = vector.broadcast %neg3A_942 : f32 to vector<16xf32>
          %neg3A_944 = arith.subf %neg3A_943, %mul3A_941 : vector<16xf32>
          %exp3A_945 = math.exp %neg3A_944 : vector<16xf32>
          %add3A_946 = arith.constant 2 : i32
          %add3A_947 = vector.broadcast %add3A_946 : i32 to vector<16xi32>
          %add3A_948 = arith.addi %mul3A_904, %add3A_947 : vector<16xi32>
          tpu.vector_store_idx %arg15[%add3A_911, %add3A_948], %exp3A_945 : memref<80x16xf32, #tpu.memory_space<vmem>>[vector<16xi32>, vector<16xi32>], vector<16xf32>,
          %add3A_949 = arith.constant 2 : i32
          %add3A_950 = vector.broadcast %add3A_949 : i32 to vector<16xi32>
          %add3A_951 = arith.addi %sub3A_907, %add3A_950 : vector<16xi32>
          tpu.vector_store_idx %arg15[%add3A_911, %add3A_951], %broadcast_in_dim3A_3 : memref<80x16xf32, #tpu.memory_space<vmem>>[vector<16xi32>, vector<16xi32>], vector<16xf32>,
          %sub3A_952 = arith.constant 2.57142854 : f32
          %sub3A_953 = vector.broadcast %sub3A_952 : f32 to vector<16xf32>
          %sub3A_954 = arith.subf %mul3A_892, %sub3A_953 : vector<16xf32>
          %mul3A_955 = arith.mulf %sub3A_954, %sub3A_954 : vector<16xf32>
          %neg3A_956 = arith.constant 0.000000e+00 : f32
          %neg3A_957 = vector.broadcast %neg3A_956 : f32 to vector<16xf32>
          %neg3A_958 = arith.subf %neg3A_957, %mul3A_955 : vector<16xf32>
          %exp3A_959 = math.exp %neg3A_958 : vector<16xf32>
          %add3A_960 = arith.constant 3 : i32
          %add3A_961 = vector.broadcast %add3A_960 : i32 to vector<16xi32>
          %add3A_962 = arith.addi %mul3A_904, %add3A_961 : vector<16xi32>
          tpu.vector_store_idx %arg15[%add3A_911, %add3A_962], %exp3A_959 : memref<80x16xf32, #tpu.memory_space<vmem>>[vector<16xi32>, vector<16xi32>], vector<16xf32>,
          %add3A_963 = arith.constant 3 : i32
          %add3A_964 = vector.broadcast %add3A_963 : i32 to vector<16xi32>
          %add3A_965 = arith.addi %sub3A_907, %add3A_964 : vector<16xi32>
          tpu.vector_store_idx %arg15[%add3A_911, %add3A_965], %broadcast_in_dim3A_3 : memref<80x16xf32, #tpu.memory_space<vmem>>[vector<16xi32>, vector<16xi32>], vector<16xf32>,
          %sub3A_966 = arith.constant 3.42857146 : f32
          %sub3A_967 = vector.broadcast %sub3A_966 : f32 to vector<16xf32>
          %sub3A_968 = arith.subf %mul3A_892, %sub3A_967 : vector<16xf32>
          %mul3A_969 = arith.mulf %sub3A_968, %sub3A_968 : vector<16xf32>
          %neg3A_970 = arith.constant 0.000000e+00 : f32
          %neg3A_971 = vector.broadcast %neg3A_970 : f32 to vector<16xf32>
          %neg3A_972 = arith.subf %neg3A_971, %mul3A_969 : vector<16xf32>
          %exp3A_973 = math.exp %neg3A_972 : vector<16xf32>
          %add3A_974 = arith.constant 4 : i32
          %add3A_975 = vector.broadcast %add3A_974 : i32 to vector<16xi32>
          %add3A_976 = arith.addi %mul3A_904, %add3A_975 : vector<16xi32>
          tpu.vector_store_idx %arg15[%add3A_911, %add3A_976], %exp3A_973 : memref<80x16xf32, #tpu.memory_space<vmem>>[vector<16xi32>, vector<16xi32>], vector<16xf32>,
          %add3A_977 = arith.constant 4 : i32
          %add3A_978 = vector.broadcast %add3A_977 : i32 to vector<16xi32>
          %add3A_979 = arith.addi %sub3A_907, %add3A_978 : vector<16xi32>
          tpu.vector_store_idx %arg15[%add3A_911, %add3A_979], %broadcast_in_dim3A_3 : memref<80x16xf32, #tpu.memory_space<vmem>>[vector<16xi32>, vector<16xi32>], vector<16xf32>,
          %sub3A_980 = arith.constant 4.28571415 : f32
          %sub3A_981 = vector.broadcast %sub3A_980 : f32 to vector<16xf32>
          %sub3A_982 = arith.subf %mul3A_892, %sub3A_981 : vector<16xf32>
          %mul3A_983 = arith.mulf %sub3A_982, %sub3A_982 : vector<16xf32>
          %neg3A_984 = arith.constant 0.000000e+00 : f32
          %neg3A_985 = vector.broadcast %neg3A_984 : f32 to vector<16xf32>
          %neg3A_986 = arith.subf %neg3A_985, %mul3A_983 : vector<16xf32>
          %exp3A_987 = math.exp %neg3A_986 : vector<16xf32>
          %add3A_988 = arith.constant 5 : i32
          %add3A_989 = vector.broadcast %add3A_988 : i32 to vector<16xi32>
          %add3A_990 = arith.addi %mul3A_904, %add3A_989 : vector<16xi32>
          tpu.vector_store_idx %arg15[%add3A_911, %add3A_990], %exp3A_987 : memref<80x16xf32, #tpu.memory_space<vmem>>[vector<16xi32>, vector<16xi32>], vector<16xf32>,
          %add3A_991 = arith.constant 5 : i32
          %add3A_992 = vector.broadcast %add3A_991 : i32 to vector<16xi32>
          %add3A_993 = arith.addi %sub3A_907, %add3A_992 : vector<16xi32>
          tpu.vector_store_idx %arg15[%add3A_911, %add3A_993], %broadcast_in_dim3A_3 : memref<80x16xf32, #tpu.memory_space<vmem>>[vector<16xi32>, vector<16xi32>], vector<16xf32>,
          %sub3A_994 = arith.constant 5.14285707 : f32
          %sub3A_995 = vector.broadcast %sub3A_994 : f32 to vector<16xf32>
          %sub3A_996 = arith.subf %mul3A_892, %sub3A_995 : vector<16xf32>
          %mul3A_997 = arith.mulf %sub3A_996, %sub3A_996 : vector<16xf32>
          %neg3A_998 = arith.constant 0.000000e+00 : f32
          %neg3A_999 = vector.broadcast %neg3A_998 : f32 to vector<16xf32>
          %neg3A_1000 = arith.subf %neg3A_999, %mul3A_997 : vector<16xf32>
          %exp3A_1001 = math.exp %neg3A_1000 : vector<16xf32>
          %add3A_1002 = arith.constant 6 : i32
          %add3A_1003 = vector.broadcast %add3A_1002 : i32 to vector<16xi32>
          %add3A_1004 = arith.addi %mul3A_904, %add3A_1003 : vector<16xi32>
          tpu.vector_store_idx %arg15[%add3A_911, %add3A_1004], %exp3A_1001 : memref<80x16xf32, #tpu.memory_space<vmem>>[vector<16xi32>, vector<16xi32>], vector<16xf32>,
          %add3A_1005 = arith.constant 6 : i32
          %add3A_1006 = vector.broadcast %add3A_1005 : i32 to vector<16xi32>
          %add3A_1007 = arith.addi %sub3A_907, %add3A_1006 : vector<16xi32>
          tpu.vector_store_idx %arg15[%add3A_911, %add3A_1007], %broadcast_in_dim3A_3 : memref<80x16xf32, #tpu.memory_space<vmem>>[vector<16xi32>, vector<16xi32>], vector<16xf32>,
          %sub3A_1008 = arith.constant 6.000000e+00 : f32
          %sub3A_1009 = vector.broadcast %sub3A_1008 : f32 to vector<16xf32>
          %sub3A_1010 = arith.subf %mul3A_892, %sub3A_1009 : vector<16xf32>
          %mul3A_1011 = arith.mulf %sub3A_1010, %sub3A_1010 : vector<16xf32>
          %neg3A_1012 = arith.constant 0.000000e+00 : f32
          %neg3A_1013 = vector.broadcast %neg3A_1012 : f32 to vector<16xf32>
          %neg3A_1014 = arith.subf %neg3A_1013, %mul3A_1011 : vector<16xf32>
          %exp3A_1015 = math.exp %neg3A_1014 : vector<16xf32>
          %add3A_1016 = arith.constant 7 : i32
          %add3A_1017 = vector.broadcast %add3A_1016 : i32 to vector<16xi32>
          %add3A_1018 = arith.addi %mul3A_904, %add3A_1017 : vector<16xi32>
          tpu.vector_store_idx %arg15[%add3A_911, %add3A_1018], %exp3A_1015 : memref<80x16xf32, #tpu.memory_space<vmem>>[vector<16xi32>, vector<16xi32>], vector<16xf32>,
          %add3A_1019 = arith.constant 7 : i32
          %add3A_1020 = vector.broadcast %add3A_1019 : i32 to vector<16xi32>
          %add3A_1021 = arith.addi %sub3A_907, %add3A_1020 : vector<16xi32>
          tpu.vector_store_idx %arg15[%add3A_911, %add3A_1021], %broadcast_in_dim3A_3 : memref<80x16xf32, #tpu.memory_space<vmem>>[vector<16xi32>, vector<16xi32>], vector<16xf32>,
          %mul3A_1022 = arith.constant 16 : i32
          %mul3A_1023 = arith.muli %scan3A_841, %mul3A_1022 : i32
          "tpu.region"() ({
            %run_scoped3A = tpu.sem_alloc : memref<!tpu.dma_semaphore, #tpu.memory_space<semaphore_mem>>
            %dma_start3A = arith.constant 0 : i32
            %dma_start3A_1025 = tpu.memref_slice %arg15[%mul3A_1023, %dma_start3A] : memref<80x16xf32, #tpu.memory_space<vmem>> -> memref<16x16xf32, #tpu.memory_space<vmem>>
            %dma_start3A_1026 = arith.constant 0 : i32
            %dma_start3A_1027 = arith.constant 0 : i32
            %dma_start3A_1028 = tpu.memref_slice %arg20[%dma_start3A_1026, %dma_start3A_1027] : memref<50176x16xf32, #tpu.memory_space<vmem_shared>> -> memref<50176x16xf32, #tpu.memory_space<vmem_shared>>
            tpu.enqueue_indirect_dma source(%dma_start3A_1025 : memref<16x16xf32, #tpu.memory_space<vmem>>) target(%dma_start3A_1028 : memref<50176x16xf32, #tpu.memory_space<vmem_shared>>) offsets(%add3A_899 : vector<16xi32>) semaphore(%run_scoped3A : memref<!tpu.dma_semaphore, #tpu.memory_space<semaphore_mem>>) {add = true}
            %dma_wait3A = arith.constant 0 : i32
            %dma_wait3A_1029 = tpu.memref_slice %arg15[%mul3A_1023, %dma_wait3A] : memref<80x16xf32, #tpu.memory_space<vmem>> -> memref<16x16xf32, #tpu.memory_space<vmem>>
            %dma_wait3A_1030 = arith.constant 0 : i32
            %dma_wait3A_1031 = arith.constant 0 : i32
            %dma_wait3A_1032 = tpu.memref_slice %arg20[%dma_wait3A_1030, %dma_wait3A_1031] : memref<50176x16xf32, #tpu.memory_space<vmem_shared>> -> memref<50176x16xf32, #tpu.memory_space<vmem_shared>>
            tpu.wait_indirect_dma semaphore(%run_scoped3A : memref<!tpu.dma_semaphore, #tpu.memory_space<semaphore_mem>>) src(%dma_wait3A_1029 : memref<16x16xf32, #tpu.memory_space<vmem>>) dst(%dma_wait3A_1032 : memref<50176x16xf32, #tpu.memory_space<vmem_shared>>)
            tpu.yield
          }) : () -> ()
          %scan3A_1024 = arith.constant 0 : i32
          scf.yield %scan3A_1024 : i32
        }
        %scan3A_839 = arith.constant 5 : i32
        %scan3A_840 = arith.constant 0 : i32
        scf.yield %scan3A_840 : i32
      }
      %scan3A_827 = arith.constant 25 : i32
      %scan3A_828 = arith.constant 0 : i32
      scf.yield %scan3A_828 : i32
    }
    %scan3A_25 = arith.constant 5 : i32
    %barrier3A_26 = arith.constant 0 : index
    tpu.barrier barrier_id(%barrier3A_26)
    %mul3A_27 = arith.constant 6272 : i32
    %mul3A_28 = arith.muli %arg0, %mul3A_27 : i32
    %mul3A_29 = arith.constant 392 : i32
    %mul3A_30 = arith.muli %arg1, %mul3A_29 : i32
    %add3A_31 = arith.addi %mul3A_28, %mul3A_30 : i32
    %scan3A_32 = arith.constant 0 : i32
    %scan3A_33 = arith.constant 0 : i32
    %scan3A_34 = arith.constant 4 : i32
    %scan3A_35 = arith.addi %scan3A_33, %scan3A_34 : i32
    %scan3A_36 = arith.constant 1 : i32
    %scan3A_37 = scf.for %scan3A_816 = %scan3A_33 to %scan3A_35 step %scan3A_36 iter_args(%scan3A_817 = %scan3A_32) -> (i32)  : i32 {
      %add3A_818 = arith.constant 0 : i32
      %add3A_819 = arith.addi %mul3A_11, %add3A_818 : i32
      %mul3A_820 = arith.constant 16 : i32
      %mul3A_821 = arith.muli %scan3A_816, %mul3A_820 : i32
      %add3A_822 = arith.addi %add3A_819, %mul3A_821 : i32
      %add3A_823 = vector.broadcast %add3A_822 : i32 to vector<16xi32>
      %add3A_824 = arith.addi %add3A_823, %iota3A : vector<16xi32>
      %mul3A_825 = arith.constant 16 : i32
      %mul3A_826 = arith.muli %scan3A_816, %mul3A_825 : i32
      "tpu.region"() ({
        %run_scoped3A = tpu.sem_alloc : memref<!tpu.dma_semaphore, #tpu.memory_space<semaphore_mem>>
        %dma_start3A = arith.constant 0 : i32
        %dma_start3A_828 = tpu.memref_slice %arg17[%mul3A_826, %dma_start3A] : memref<64x16xf32, #tpu.memory_space<vmem>> -> memref<16x16xf32, #tpu.memory_space<vmem>>
        %dma_start3A_829 = arith.constant 0 : i32
        %dma_start3A_830 = arith.constant 0 : i32
        %dma_start3A_831 = tpu.memref_slice %arg20[%dma_start3A_829, %dma_start3A_830] : memref<50176x16xf32, #tpu.memory_space<vmem_shared>> -> memref<50176x16xf32, #tpu.memory_space<vmem_shared>>
        tpu.enqueue_indirect_dma source(%dma_start3A_831 : memref<50176x16xf32, #tpu.memory_space<vmem_shared>>) target(%dma_start3A_828 : memref<16x16xf32, #tpu.memory_space<vmem>>) offsets(%add3A_824 : vector<16xi32>) semaphore(%run_scoped3A : memref<!tpu.dma_semaphore, #tpu.memory_space<semaphore_mem>>)
        %dma_wait3A = arith.constant 0 : i32
        %dma_wait3A_832 = tpu.memref_slice %arg17[%mul3A_826, %dma_wait3A] : memref<64x16xf32, #tpu.memory_space<vmem>> -> memref<16x16xf32, #tpu.memory_space<vmem>>
        %dma_wait3A_833 = arith.constant 0 : i32
        %dma_wait3A_834 = arith.constant 0 : i32
        %dma_wait3A_835 = tpu.memref_slice %arg20[%dma_wait3A_833, %dma_wait3A_834] : memref<50176x16xf32, #tpu.memory_space<vmem_shared>> -> memref<50176x16xf32, #tpu.memory_space<vmem_shared>>
        tpu.wait_indirect_dma semaphore(%run_scoped3A : memref<!tpu.dma_semaphore, #tpu.memory_space<semaphore_mem>>) src(%dma_wait3A_835 : memref<50176x16xf32, #tpu.memory_space<vmem_shared>>) dst(%dma_wait3A_832 : memref<16x16xf32, #tpu.memory_space<vmem>>)
        tpu.yield
      }) : () -> ()
      %scan3A_827 = arith.constant 0 : i32
      scf.yield %scan3A_827 : i32
    }
    %scan3A_38 = arith.constant 4 : i32
    %scan3A_39 = arith.constant 0 : i32
    %scan3A_40 = arith.constant 0 : i32
    %scan3A_41 = arith.constant 64 : i32
    %scan3A_42 = arith.addi %scan3A_40, %scan3A_41 : i32
    %scan3A_43 = arith.constant 1 : i32
    %scan3A_44 = scf.for %scan3A_816 = %scan3A_40 to %scan3A_42 step %scan3A_43 iter_args(%scan3A_817 = %scan3A_39) -> (i32)  : i32 {
      %get3A = arith.index_cast %scan3A_816 : i32 to index
      %get3A_818 = arith.constant 0 : index
      %get3A_819 = tpu.vector_load %arg17[%get3A, %get3A_818] {strides = array<i32>} : memref<64x16xf32, #tpu.memory_space<vmem>>, vector<16xf32>,
      %shift_right_arithmetic3A = arith.constant 3 : i32
      %shift_right_arithmetic3A_820 = arith.shrsi %scan3A_816, %shift_right_arithmetic3A : i32
      %and3A = arith.constant 7 : i32
      %and3A_821 = arith.andi %scan3A_816, %and3A : i32
      %mul3A_822 = arith.constant 16 : i32
      %mul3A_823 = arith.muli %and3A_821, %mul3A_822 : i32
      %swap3A = arith.index_cast %shift_right_arithmetic3A_820 : i32 to index
      %swap3A_824 = arith.index_cast %mul3A_823 : i32 to index
      %swap3A_825 = tpu.vector_load %arg18[%swap3A, %swap3A_824] {strides = array<i32>} : memref<8x128xf32, #tpu.memory_space<vmem>>, vector<16xf32>,
      tpu.vector_store %arg18[%swap3A, %swap3A_824], %get3A_819 {strides = array<i32>} : memref<8x128xf32, #tpu.memory_space<vmem>>, vector<16xf32>,
      %scan3A_826 = arith.constant 0 : i32
      scf.yield %scan3A_826 : i32
    }
    %scan3A_45 = arith.constant 64 : i32
    %add3A_46 = arith.constant 0 : i32
    %add3A_47 = arith.addi %add3A_31, %add3A_46 : i32
    "tpu.region"() ({
      %run_scoped3A = tpu.sem_alloc : memref<!tpu.dma_semaphore, #tpu.memory_space<semaphore_mem>>
      %dma_start3A = arith.constant 0 : i32
      %dma_start3A_816 = tpu.memref_slice %arg8[%add3A_47, %dma_start3A] : memref<12544x128xf32, #tpu.memory_space<hbm>> -> memref<8x128xf32, #tpu.memory_space<hbm>>
      %dma_start3A_817 = arith.constant 0 : i32
      %dma_start3A_818 = tpu.memref_slice %arg8[%add3A_47, %dma_start3A_817] : memref<12544x128xf32, #tpu.memory_space<hbm>> -> memref<8x128xf32, #tpu.memory_space<hbm>>
      tpu.enqueue_dma source(%arg18 : memref<8x128xf32, #tpu.memory_space<vmem>>) target(%dma_start3A_818 : memref<8x128xf32, #tpu.memory_space<hbm>>) target_semaphore(%run_scoped3A : memref<!tpu.dma_semaphore, #tpu.memory_space<semaphore_mem>>)
      %dma_wait3A = arith.constant 0 : i32
      %dma_wait3A_819 = tpu.memref_slice %arg8[%add3A_47, %dma_wait3A] : memref<12544x128xf32, #tpu.memory_space<hbm>> -> memref<8x128xf32, #tpu.memory_space<hbm>>
      %dma_wait3A_820 = arith.constant 0 : i32
      %dma_wait3A_821 = tpu.memref_slice %arg8[%add3A_47, %dma_wait3A_820] : memref<12544x128xf32, #tpu.memory_space<hbm>> -> memref<8x128xf32, #tpu.memory_space<hbm>>
      tpu.wait_dma2 semaphore(%run_scoped3A : memref<!tpu.dma_semaphore, #tpu.memory_space<semaphore_mem>>) src(%arg18 : memref<8x128xf32, #tpu.memory_space<vmem>>) dst(%dma_wait3A_821 : memref<8x128xf32, #tpu.memory_space<hbm>>)
      tpu.yield
    }) : () -> ()
    %scan3A_48 = arith.constant 0 : i32
    %scan3A_49 = arith.constant 0 : i32
    %scan3A_50 = arith.constant 4 : i32
    %scan3A_51 = arith.addi %scan3A_49, %scan3A_50 : i32
    %scan3A_52 = arith.constant 1 : i32
    %scan3A_53 = scf.for %scan3A_816 = %scan3A_49 to %scan3A_51 step %scan3A_52 iter_args(%scan3A_817 = %scan3A_48) -> (i32)  : i32 {
      %add3A_818 = arith.constant 64 : i32
      %add3A_819 = arith.addi %mul3A_11, %add3A_818 : i32
      %mul3A_820 = arith.constant 16 : i32
      %mul3A_821 = arith.muli %scan3A_816, %mul3A_820 : i32
      %add3A_822 = arith.addi %add3A_819, %mul3A_821 : i32
      %add3A_823 = vector.broadcast %add3A_822 : i32 to vector<16xi32>
      %add3A_824 = arith.addi %add3A_823, %iota3A : vector<16xi32>
      %mul3A_825 = arith.constant 16 : i32
      %mul3A_826 = arith.muli %scan3A_816, %mul3A_825 : i32
      "tpu.region"() ({
        %run_scoped3A = tpu.sem_alloc : memref<!tpu.dma_semaphore, #tpu.memory_space<semaphore_mem>>
        %dma_start3A = arith.constant 0 : i32
        %dma_start3A_828 = tpu.memref_slice %arg17[%mul3A_826, %dma_start3A] : memref<64x16xf32, #tpu.memory_space<vmem>> -> memref<16x16xf32, #tpu.memory_space<vmem>>
        %dma_start3A_829 = arith.constant 0 : i32
        %dma_start3A_830 = arith.constant 0 : i32
        %dma_start3A_831 = tpu.memref_slice %arg20[%dma_start3A_829, %dma_start3A_830] : memref<50176x16xf32, #tpu.memory_space<vmem_shared>> -> memref<50176x16xf32, #tpu.memory_space<vmem_shared>>
        tpu.enqueue_indirect_dma source(%dma_start3A_831 : memref<50176x16xf32, #tpu.memory_space<vmem_shared>>) target(%dma_start3A_828 : memref<16x16xf32, #tpu.memory_space<vmem>>) offsets(%add3A_824 : vector<16xi32>) semaphore(%run_scoped3A : memref<!tpu.dma_semaphore, #tpu.memory_space<semaphore_mem>>)
        %dma_wait3A = arith.constant 0 : i32
        %dma_wait3A_832 = tpu.memref_slice %arg17[%mul3A_826, %dma_wait3A] : memref<64x16xf32, #tpu.memory_space<vmem>> -> memref<16x16xf32, #tpu.memory_space<vmem>>
        %dma_wait3A_833 = arith.constant 0 : i32
        %dma_wait3A_834 = arith.constant 0 : i32
        %dma_wait3A_835 = tpu.memref_slice %arg20[%dma_wait3A_833, %dma_wait3A_834] : memref<50176x16xf32, #tpu.memory_space<vmem_shared>> -> memref<50176x16xf32, #tpu.memory_space<vmem_shared>>
        tpu.wait_indirect_dma semaphore(%run_scoped3A : memref<!tpu.dma_semaphore, #tpu.memory_space<semaphore_mem>>) src(%dma_wait3A_835 : memref<50176x16xf32, #tpu.memory_space<vmem_shared>>) dst(%dma_wait3A_832 : memref<16x16xf32, #tpu.memory_space<vmem>>)
        tpu.yield
      }) : () -> ()
      %scan3A_827 = arith.constant 0 : i32
      scf.yield %scan3A_827 : i32
    }
    %scan3A_54 = arith.constant 4 : i32
    %scan3A_55 = arith.constant 0 : i32
    %scan3A_56 = arith.constant 0 : i32
    %scan3A_57 = arith.constant 64 : i32
    %scan3A_58 = arith.addi %scan3A_56, %scan3A_57 : i32
    %scan3A_59 = arith.constant 1 : i32
    %scan3A_60 = scf.for %scan3A_816 = %scan3A_56 to %scan3A_58 step %scan3A_59 iter_args(%scan3A_817 = %scan3A_55) -> (i32)  : i32 {
      %get3A = arith.index_cast %scan3A_816 : i32 to index
      %get3A_818 = arith.constant 0 : index
      %get3A_819 = tpu.vector_load %arg17[%get3A, %get3A_818] {strides = array<i32>} : memref<64x16xf32, #tpu.memory_space<vmem>>, vector<16xf32>,
      %shift_right_arithmetic3A = arith.constant 3 : i32
      %shift_right_arithmetic3A_820 = arith.shrsi %scan3A_816, %shift_right_arithmetic3A : i32
      %and3A = arith.constant 7 : i32
      %and3A_821 = arith.andi %scan3A_816, %and3A : i32
      %mul3A_822 = arith.constant 16 : i32
      %mul3A_823 = arith.muli %and3A_821, %mul3A_822 : i32
      %swap3A = arith.index_cast %shift_right_arithmetic3A_820 : i32 to index
      %swap3A_824 = arith.index_cast %mul3A_823 : i32 to index
      %swap3A_825 = tpu.vector_load %arg18[%swap3A, %swap3A_824] {strides = array<i32>} : memref<8x128xf32, #tpu.memory_space<vmem>>, vector<16xf32>,
      tpu.vector_store %arg18[%swap3A, %swap3A_824], %get3A_819 {strides = array<i32>} : memref<8x128xf32, #tpu.memory_space<vmem>>, vector<16xf32>,
      %scan3A_826 = arith.constant 0 : i32
      scf.yield %scan3A_826 : i32
    }
    %scan3A_61 = arith.constant 64 : i32
    %add3A_62 = arith.constant 8 : i32
    %add3A_63 = arith.addi %add3A_31, %add3A_62 : i32
    "tpu.region"() ({
      %run_scoped3A = tpu.sem_alloc : memref<!tpu.dma_semaphore, #tpu.memory_space<semaphore_mem>>
      %dma_start3A = arith.constant 0 : i32
      %dma_start3A_816 = tpu.memref_slice %arg8[%add3A_63, %dma_start3A] : memref<12544x128xf32, #tpu.memory_space<hbm>> -> memref<8x128xf32, #tpu.memory_space<hbm>>
      %dma_start3A_817 = arith.constant 0 : i32
      %dma_start3A_818 = tpu.memref_slice %arg8[%add3A_63, %dma_start3A_817] : memref<12544x128xf32, #tpu.memory_space<hbm>> -> memref<8x128xf32, #tpu.memory_space<hbm>>
      tpu.enqueue_dma source(%arg18 : memref<8x128xf32, #tpu.memory_space<vmem>>) target(%dma_start3A_818 : memref<8x128xf32, #tpu.memory_space<hbm>>) target_semaphore(%run_scoped3A : memref<!tpu.dma_semaphore, #tpu.memory_space<semaphore_mem>>)
      %dma_wait3A = arith.constant 0 : i32
      %dma_wait3A_819 = tpu.memref_slice %arg8[%add3A_63, %dma_wait3A] : memref<12544x128xf32, #tpu.memory_space<hbm>> -> memref<8x128xf32, #tpu.memory_space<hbm>>
      %dma_wait3A_820 = arith.constant 0 : i32
      %dma_wait3A_821 = tpu.memref_slice %arg8[%add3A_63, %dma_wait3A_820] : memref<12544x128xf32, #tpu.memory_space<hbm>> -> memref<8x128xf32, #tpu.memory_space<hbm>>
      tpu.wait_dma2 semaphore(%run_scoped3A : memref<!tpu.dma_semaphore, #tpu.memory_space<semaphore_mem>>) src(%arg18 : memref<8x128xf32, #tpu.memory_space<vmem>>) dst(%dma_wait3A_821 : memref<8x128xf32, #tpu.memory_space<hbm>>)
      tpu.yield
    }) : () -> ()
    %scan3A_64 = arith.constant 0 : i32
    %scan3A_65 = arith.constant 0 : i32
    %scan3A_66 = arith.constant 4 : i32
    %scan3A_67 = arith.addi %scan3A_65, %scan3A_66 : i32
    %scan3A_68 = arith.constant 1 : i32
    %scan3A_69 = scf.for %scan3A_816 = %scan3A_65 to %scan3A_67 step %scan3A_68 iter_args(%scan3A_817 = %scan3A_64) -> (i32)  : i32 {
      %add3A_818 = arith.constant 128 : i32
      %add3A_819 = arith.addi %mul3A_11, %add3A_818 : i32
      %mul3A_820 = arith.constant 16 : i32
      %mul3A_821 = arith.muli %scan3A_816, %mul3A_820 : i32
      %add3A_822 = arith.addi %add3A_819, %mul3A_821 : i32
      %add3A_823 = vector.broadcast %add3A_822 : i32 to vector<16xi32>
      %add3A_824 = arith.addi %add3A_823, %iota3A : vector<16xi32>
      %mul3A_825 = arith.constant 16 : i32
      %mul3A_826 = arith.muli %scan3A_816, %mul3A_825 : i32
      "tpu.region"() ({
        %run_scoped3A = tpu.sem_alloc : memref<!tpu.dma_semaphore, #tpu.memory_space<semaphore_mem>>
        %dma_start3A = arith.constant 0 : i32
        %dma_start3A_828 = tpu.memref_slice %arg17[%mul3A_826, %dma_start3A] : memref<64x16xf32, #tpu.memory_space<vmem>> -> memref<16x16xf32, #tpu.memory_space<vmem>>
        %dma_start3A_829 = arith.constant 0 : i32
        %dma_start3A_830 = arith.constant 0 : i32
        %dma_start3A_831 = tpu.memref_slice %arg20[%dma_start3A_829, %dma_start3A_830] : memref<50176x16xf32, #tpu.memory_space<vmem_shared>> -> memref<50176x16xf32, #tpu.memory_space<vmem_shared>>
        tpu.enqueue_indirect_dma source(%dma_start3A_831 : memref<50176x16xf32, #tpu.memory_space<vmem_shared>>) target(%dma_start3A_828 : memref<16x16xf32, #tpu.memory_space<vmem>>) offsets(%add3A_824 : vector<16xi32>) semaphore(%run_scoped3A : memref<!tpu.dma_semaphore, #tpu.memory_space<semaphore_mem>>)
        %dma_wait3A = arith.constant 0 : i32
        %dma_wait3A_832 = tpu.memref_slice %arg17[%mul3A_826, %dma_wait3A] : memref<64x16xf32, #tpu.memory_space<vmem>> -> memref<16x16xf32, #tpu.memory_space<vmem>>
        %dma_wait3A_833 = arith.constant 0 : i32
        %dma_wait3A_834 = arith.constant 0 : i32
        %dma_wait3A_835 = tpu.memref_slice %arg20[%dma_wait3A_833, %dma_wait3A_834] : memref<50176x16xf32, #tpu.memory_space<vmem_shared>> -> memref<50176x16xf32, #tpu.memory_space<vmem_shared>>
        tpu.wait_indirect_dma semaphore(%run_scoped3A : memref<!tpu.dma_semaphore, #tpu.memory_space<semaphore_mem>>) src(%dma_wait3A_835 : memref<50176x16xf32, #tpu.memory_space<vmem_shared>>) dst(%dma_wait3A_832 : memref<16x16xf32, #tpu.memory_space<vmem>>)
        tpu.yield
      }) : () -> ()
      %scan3A_827 = arith.constant 0 : i32
      scf.yield %scan3A_827 : i32
    }
    %scan3A_70 = arith.constant 4 : i32
    %scan3A_71 = arith.constant 0 : i32
    %scan3A_72 = arith.constant 0 : i32
    %scan3A_73 = arith.constant 64 : i32
    %scan3A_74 = arith.addi %scan3A_72, %scan3A_73 : i32
    %scan3A_75 = arith.constant 1 : i32
    %scan3A_76 = scf.for %scan3A_816 = %scan3A_72 to %scan3A_74 step %scan3A_75 iter_args(%scan3A_817 = %scan3A_71) -> (i32)  : i32 {
      %get3A = arith.index_cast %scan3A_816 : i32 to index
      %get3A_818 = arith.constant 0 : index
      %get3A_819 = tpu.vector_load %arg17[%get3A, %get3A_818] {strides = array<i32>} : memref<64x16xf32, #tpu.memory_space<vmem>>, vector<16xf32>,
      %shift_right_arithmetic3A = arith.constant 3 : i32
      %shift_right_arithmetic3A_820 = arith.shrsi %scan3A_816, %shift_right_arithmetic3A : i32
      %and3A = arith.constant 7 : i32
      %and3A_821 = arith.andi %scan3A_816, %and3A : i32
      %mul3A_822 = arith.constant 16 : i32
      %mul3A_823 = arith.muli %and3A_821, %mul3A_822 : i32
      %swap3A = arith.index_cast %shift_right_arithmetic3A_820 : i32 to index
      %swap3A_824 = arith.index_cast %mul3A_823 : i32 to index
      %swap3A_825 = tpu.vector_load %arg18[%swap3A, %swap3A_824] {strides = array<i32>} : memref<8x128xf32, #tpu.memory_space<vmem>>, vector<16xf32>,
      tpu.vector_store %arg18[%swap3A, %swap3A_824], %get3A_819 {strides = array<i32>} : memref<8x128xf32, #tpu.memory_space<vmem>>, vector<16xf32>,
      %scan3A_826 = arith.constant 0 : i32
      scf.yield %scan3A_826 : i32
    }
    %scan3A_77 = arith.constant 64 : i32
    %add3A_78 = arith.constant 16 : i32
    %add3A_79 = arith.addi %add3A_31, %add3A_78 : i32
    "tpu.region"() ({
      %run_scoped3A = tpu.sem_alloc : memref<!tpu.dma_semaphore, #tpu.memory_space<semaphore_mem>>
      %dma_start3A = arith.constant 0 : i32
      %dma_start3A_816 = tpu.memref_slice %arg8[%add3A_79, %dma_start3A] : memref<12544x128xf32, #tpu.memory_space<hbm>> -> memref<8x128xf32, #tpu.memory_space<hbm>>
      %dma_start3A_817 = arith.constant 0 : i32
      %dma_start3A_818 = tpu.memref_slice %arg8[%add3A_79, %dma_start3A_817] : memref<12544x128xf32, #tpu.memory_space<hbm>> -> memref<8x128xf32, #tpu.memory_space<hbm>>
      tpu.enqueue_dma source(%arg18 : memref<8x128xf32, #tpu.memory_space<vmem>>) target(%dma_start3A_818 : memref<8x128xf32, #tpu.memory_space<hbm>>) target_semaphore(%run_scoped3A : memref<!tpu.dma_semaphore, #tpu.memory_space<semaphore_mem>>)
      %dma_wait3A = arith.constant 0 : i32
      %dma_wait3A_819 = tpu.memref_slice %arg8[%add3A_79, %dma_wait3A] : memref<12544x128xf32, #tpu.memory_space<hbm>> -> memref<8x128xf32, #tpu.memory_space<hbm>>
      %dma_wait3A_820 = arith.constant 0 : i32
      %dma_wait3A_821 = tpu.memref_slice %arg8[%add3A_79, %dma_wait3A_820] : memref<12544x128xf32, #tpu.memory_space<hbm>> -> memref<8x128xf32, #tpu.memory_space<hbm>>
      tpu.wait_dma2 semaphore(%run_scoped3A : memref<!tpu.dma_semaphore, #tpu.memory_space<semaphore_mem>>) src(%arg18 : memref<8x128xf32, #tpu.memory_space<vmem>>) dst(%dma_wait3A_821 : memref<8x128xf32, #tpu.memory_space<hbm>>)
      tpu.yield
    }) : () -> ()
    %scan3A_80 = arith.constant 0 : i32
    %scan3A_81 = arith.constant 0 : i32
    %scan3A_82 = arith.constant 4 : i32
    %scan3A_83 = arith.addi %scan3A_81, %scan3A_82 : i32
    %scan3A_84 = arith.constant 1 : i32
    %scan3A_85 = scf.for %scan3A_816 = %scan3A_81 to %scan3A_83 step %scan3A_84 iter_args(%scan3A_817 = %scan3A_80) -> (i32)  : i32 {
      %add3A_818 = arith.constant 192 : i32
      %add3A_819 = arith.addi %mul3A_11, %add3A_818 : i32
      %mul3A_820 = arith.constant 16 : i32
      %mul3A_821 = arith.muli %scan3A_816, %mul3A_820 : i32
      %add3A_822 = arith.addi %add3A_819, %mul3A_821 : i32
      %add3A_823 = vector.broadcast %add3A_822 : i32 to vector<16xi32>
      %add3A_824 = arith.addi %add3A_823, %iota3A : vector<16xi32>
      %mul3A_825 = arith.constant 16 : i32
      %mul3A_826 = arith.muli %scan3A_816, %mul3A_825 : i32
      "tpu.region"() ({
        %run_scoped3A = tpu.sem_alloc : memref<!tpu.dma_semaphore, #tpu.memory_space<semaphore_mem>>
        %dma_start3A = arith.constant 0 : i32
        %dma_start3A_828 = tpu.memref_slice %arg17[%mul3A_826, %dma_start3A] : memref<64x16xf32, #tpu.memory_space<vmem>> -> memref<16x16xf32, #tpu.memory_space<vmem>>
        %dma_start3A_829 = arith.constant 0 : i32
        %dma_start3A_830 = arith.constant 0 : i32
        %dma_start3A_831 = tpu.memref_slice %arg20[%dma_start3A_829, %dma_start3A_830] : memref<50176x16xf32, #tpu.memory_space<vmem_shared>> -> memref<50176x16xf32, #tpu.memory_space<vmem_shared>>
        tpu.enqueue_indirect_dma source(%dma_start3A_831 : memref<50176x16xf32, #tpu.memory_space<vmem_shared>>) target(%dma_start3A_828 : memref<16x16xf32, #tpu.memory_space<vmem>>) offsets(%add3A_824 : vector<16xi32>) semaphore(%run_scoped3A : memref<!tpu.dma_semaphore, #tpu.memory_space<semaphore_mem>>)
        %dma_wait3A = arith.constant 0 : i32
        %dma_wait3A_832 = tpu.memref_slice %arg17[%mul3A_826, %dma_wait3A] : memref<64x16xf32, #tpu.memory_space<vmem>> -> memref<16x16xf32, #tpu.memory_space<vmem>>
        %dma_wait3A_833 = arith.constant 0 : i32
        %dma_wait3A_834 = arith.constant 0 : i32
        %dma_wait3A_835 = tpu.memref_slice %arg20[%dma_wait3A_833, %dma_wait3A_834] : memref<50176x16xf32, #tpu.memory_space<vmem_shared>> -> memref<50176x16xf32, #tpu.memory_space<vmem_shared>>
        tpu.wait_indirect_dma semaphore(%run_scoped3A : memref<!tpu.dma_semaphore, #tpu.memory_space<semaphore_mem>>) src(%dma_wait3A_835 : memref<50176x16xf32, #tpu.memory_space<vmem_shared>>) dst(%dma_wait3A_832 : memref<16x16xf32, #tpu.memory_space<vmem>>)
        tpu.yield
      }) : () -> ()
      %scan3A_827 = arith.constant 0 : i32
      scf.yield %scan3A_827 : i32
    }
    %scan3A_86 = arith.constant 4 : i32
    %scan3A_87 = arith.constant 0 : i32
    %scan3A_88 = arith.constant 0 : i32
    %scan3A_89 = arith.constant 64 : i32
    %scan3A_90 = arith.addi %scan3A_88, %scan3A_89 : i32
    %scan3A_91 = arith.constant 1 : i32
    %scan3A_92 = scf.for %scan3A_816 = %scan3A_88 to %scan3A_90 step %scan3A_91 iter_args(%scan3A_817 = %scan3A_87) -> (i32)  : i32 {
      %get3A = arith.index_cast %scan3A_816 : i32 to index
      %get3A_818 = arith.constant 0 : index
      %get3A_819 = tpu.vector_load %arg17[%get3A, %get3A_818] {strides = array<i32>} : memref<64x16xf32, #tpu.memory_space<vmem>>, vector<16xf32>,
      %shift_right_arithmetic3A = arith.constant 3 : i32
      %shift_right_arithmetic3A_820 = arith.shrsi %scan3A_816, %shift_right_arithmetic3A : i32
      %and3A = arith.constant 7 : i32
      %and3A_821 = arith.andi %scan3A_816, %and3A : i32
      %mul3A_822 = arith.constant 16 : i32
      %mul3A_823 = arith.muli %and3A_821, %mul3A_822 : i32
      %swap3A = arith.index_cast %shift_right_arithmetic3A_820 : i32 to index
      %swap3A_824 = arith.index_cast %mul3A_823 : i32 to index
      %swap3A_825 = tpu.vector_load %arg18[%swap3A, %swap3A_824] {strides = array<i32>} : memref<8x128xf32, #tpu.memory_space<vmem>>, vector<16xf32>,
      tpu.vector_store %arg18[%swap3A, %swap3A_824], %get3A_819 {strides = array<i32>} : memref<8x128xf32, #tpu.memory_space<vmem>>, vector<16xf32>,
      %scan3A_826 = arith.constant 0 : i32
      scf.yield %scan3A_826 : i32
    }
    %scan3A_93 = arith.constant 64 : i32
    %add3A_94 = arith.constant 24 : i32
    %add3A_95 = arith.addi %add3A_31, %add3A_94 : i32
    "tpu.region"() ({
      %run_scoped3A = tpu.sem_alloc : memref<!tpu.dma_semaphore, #tpu.memory_space<semaphore_mem>>
      %dma_start3A = arith.constant 0 : i32
      %dma_start3A_816 = tpu.memref_slice %arg8[%add3A_95, %dma_start3A] : memref<12544x128xf32, #tpu.memory_space<hbm>> -> memref<8x128xf32, #tpu.memory_space<hbm>>
      %dma_start3A_817 = arith.constant 0 : i32
      %dma_start3A_818 = tpu.memref_slice %arg8[%add3A_95, %dma_start3A_817] : memref<12544x128xf32, #tpu.memory_space<hbm>> -> memref<8x128xf32, #tpu.memory_space<hbm>>
      tpu.enqueue_dma source(%arg18 : memref<8x128xf32, #tpu.memory_space<vmem>>) target(%dma_start3A_818 : memref<8x128xf32, #tpu.memory_space<hbm>>) target_semaphore(%run_scoped3A : memref<!tpu.dma_semaphore, #tpu.memory_space<semaphore_mem>>)
      %dma_wait3A = arith.constant 0 : i32
      %dma_wait3A_819 = tpu.memref_slice %arg8[%add3A_95, %dma_wait3A] : memref<12544x128xf32, #tpu.memory_space<hbm>> -> memref<8x128xf32, #tpu.memory_space<hbm>>
      %dma_wait3A_820 = arith.constant 0 : i32
      %dma_wait3A_821 = tpu.memref_slice %arg8[%add3A_95, %dma_wait3A_820] : memref<12544x128xf32, #tpu.memory_space<hbm>> -> memref<8x128xf32, #tpu.memory_space<hbm>>
      tpu.wait_dma2 semaphore(%run_scoped3A : memref<!tpu.dma_semaphore, #tpu.memory_space<semaphore_mem>>) src(%arg18 : memref<8x128xf32, #tpu.memory_space<vmem>>) dst(%dma_wait3A_821 : memref<8x128xf32, #tpu.memory_space<hbm>>)
      tpu.yield
    }) : () -> ()
    %scan3A_96 = arith.constant 0 : i32
    %scan3A_97 = arith.constant 0 : i32
    %scan3A_98 = arith.constant 4 : i32
    %scan3A_99 = arith.addi %scan3A_97, %scan3A_98 : i32
    %scan3A_100 = arith.constant 1 : i32
    %scan3A_101 = scf.for %scan3A_816 = %scan3A_97 to %scan3A_99 step %scan3A_100 iter_args(%scan3A_817 = %scan3A_96) -> (i32)  : i32 {
      %add3A_818 = arith.constant 256 : i32
      %add3A_819 = arith.addi %mul3A_11, %add3A_818 : i32
      %mul3A_820 = arith.constant 16 : i32
      %mul3A_821 = arith.muli %scan3A_816, %mul3A_820 : i32
      %add3A_822 = arith.addi %add3A_819, %mul3A_821 : i32
      %add3A_823 = vector.broadcast %add3A_822 : i32 to vector<16xi32>
      %add3A_824 = arith.addi %add3A_823, %iota3A : vector<16xi32>
      %mul3A_825 = arith.constant 16 : i32
      %mul3A_826 = arith.muli %scan3A_816, %mul3A_825 : i32
      "tpu.region"() ({
        %run_scoped3A = tpu.sem_alloc : memref<!tpu.dma_semaphore, #tpu.memory_space<semaphore_mem>>
        %dma_start3A = arith.constant 0 : i32
        %dma_start3A_828 = tpu.memref_slice %arg17[%mul3A_826, %dma_start3A] : memref<64x16xf32, #tpu.memory_space<vmem>> -> memref<16x16xf32, #tpu.memory_space<vmem>>
        %dma_start3A_829 = arith.constant 0 : i32
        %dma_start3A_830 = arith.constant 0 : i32
        %dma_start3A_831 = tpu.memref_slice %arg20[%dma_start3A_829, %dma_start3A_830] : memref<50176x16xf32, #tpu.memory_space<vmem_shared>> -> memref<50176x16xf32, #tpu.memory_space<vmem_shared>>
        tpu.enqueue_indirect_dma source(%dma_start3A_831 : memref<50176x16xf32, #tpu.memory_space<vmem_shared>>) target(%dma_start3A_828 : memref<16x16xf32, #tpu.memory_space<vmem>>) offsets(%add3A_824 : vector<16xi32>) semaphore(%run_scoped3A : memref<!tpu.dma_semaphore, #tpu.memory_space<semaphore_mem>>)
        %dma_wait3A = arith.constant 0 : i32
        %dma_wait3A_832 = tpu.memref_slice %arg17[%mul3A_826, %dma_wait3A] : memref<64x16xf32, #tpu.memory_space<vmem>> -> memref<16x16xf32, #tpu.memory_space<vmem>>
        %dma_wait3A_833 = arith.constant 0 : i32
        %dma_wait3A_834 = arith.constant 0 : i32
        %dma_wait3A_835 = tpu.memref_slice %arg20[%dma_wait3A_833, %dma_wait3A_834] : memref<50176x16xf32, #tpu.memory_space<vmem_shared>> -> memref<50176x16xf32, #tpu.memory_space<vmem_shared>>
        tpu.wait_indirect_dma semaphore(%run_scoped3A : memref<!tpu.dma_semaphore, #tpu.memory_space<semaphore_mem>>) src(%dma_wait3A_835 : memref<50176x16xf32, #tpu.memory_space<vmem_shared>>) dst(%dma_wait3A_832 : memref<16x16xf32, #tpu.memory_space<vmem>>)
        tpu.yield
      }) : () -> ()
      %scan3A_827 = arith.constant 0 : i32
      scf.yield %scan3A_827 : i32
    }
    %scan3A_102 = arith.constant 4 : i32
    %scan3A_103 = arith.constant 0 : i32
    %scan3A_104 = arith.constant 0 : i32
    %scan3A_105 = arith.constant 64 : i32
    %scan3A_106 = arith.addi %scan3A_104, %scan3A_105 : i32
    %scan3A_107 = arith.constant 1 : i32
    %scan3A_108 = scf.for %scan3A_816 = %scan3A_104 to %scan3A_106 step %scan3A_107 iter_args(%scan3A_817 = %scan3A_103) -> (i32)  : i32 {
      %get3A = arith.index_cast %scan3A_816 : i32 to index
      %get3A_818 = arith.constant 0 : index
      %get3A_819 = tpu.vector_load %arg17[%get3A, %get3A_818] {strides = array<i32>} : memref<64x16xf32, #tpu.memory_space<vmem>>, vector<16xf32>,
      %shift_right_arithmetic3A = arith.constant 3 : i32
      %shift_right_arithmetic3A_820 = arith.shrsi %scan3A_816, %shift_right_arithmetic3A : i32
      %and3A = arith.constant 7 : i32
      %and3A_821 = arith.andi %scan3A_816, %and3A : i32
      %mul3A_822 = arith.constant 16 : i32
      %mul3A_823 = arith.muli %and3A_821, %mul3A_822 : i32
      %swap3A = arith.index_cast %shift_right_arithmetic3A_820 : i32 to index
      %swap3A_824 = arith.index_cast %mul3A_823 : i32 to index
      %swap3A_825 = tpu.vector_load %arg18[%swap3A, %swap3A_824] {strides = array<i32>} : memref<8x128xf32, #tpu.memory_space<vmem>>, vector<16xf32>,
      tpu.vector_store %arg18[%swap3A, %swap3A_824], %get3A_819 {strides = array<i32>} : memref<8x128xf32, #tpu.memory_space<vmem>>, vector<16xf32>,
      %scan3A_826 = arith.constant 0 : i32
      scf.yield %scan3A_826 : i32
    }
    %scan3A_109 = arith.constant 64 : i32
    %add3A_110 = arith.constant 32 : i32
    %add3A_111 = arith.addi %add3A_31, %add3A_110 : i32
    "tpu.region"() ({
      %run_scoped3A = tpu.sem_alloc : memref<!tpu.dma_semaphore, #tpu.memory_space<semaphore_mem>>
      %dma_start3A = arith.constant 0 : i32
      %dma_start3A_816 = tpu.memref_slice %arg8[%add3A_111, %dma_start3A] : memref<12544x128xf32, #tpu.memory_space<hbm>> -> memref<8x128xf32, #tpu.memory_space<hbm>>
      %dma_start3A_817 = arith.constant 0 : i32
      %dma_start3A_818 = tpu.memref_slice %arg8[%add3A_111, %dma_start3A_817] : memref<12544x128xf32, #tpu.memory_space<hbm>> -> memref<8x128xf32, #tpu.memory_space<hbm>>
      tpu.enqueue_dma source(%arg18 : memref<8x128xf32, #tpu.memory_space<vmem>>) target(%dma_start3A_818 : memref<8x128xf32, #tpu.memory_space<hbm>>) target_semaphore(%run_scoped3A : memref<!tpu.dma_semaphore, #tpu.memory_space<semaphore_mem>>)
      %dma_wait3A = arith.constant 0 : i32
      %dma_wait3A_819 = tpu.memref_slice %arg8[%add3A_111, %dma_wait3A] : memref<12544x128xf32, #tpu.memory_space<hbm>> -> memref<8x128xf32, #tpu.memory_space<hbm>>
      %dma_wait3A_820 = arith.constant 0 : i32
      %dma_wait3A_821 = tpu.memref_slice %arg8[%add3A_111, %dma_wait3A_820] : memref<12544x128xf32, #tpu.memory_space<hbm>> -> memref<8x128xf32, #tpu.memory_space<hbm>>
      tpu.wait_dma2 semaphore(%run_scoped3A : memref<!tpu.dma_semaphore, #tpu.memory_space<semaphore_mem>>) src(%arg18 : memref<8x128xf32, #tpu.memory_space<vmem>>) dst(%dma_wait3A_821 : memref<8x128xf32, #tpu.memory_space<hbm>>)
      tpu.yield
    }) : () -> ()
    %scan3A_112 = arith.constant 0 : i32
    %scan3A_113 = arith.constant 0 : i32
    %scan3A_114 = arith.constant 4 : i32
    %scan3A_115 = arith.addi %scan3A_113, %scan3A_114 : i32
    %scan3A_116 = arith.constant 1 : i32
    %scan3A_117 = scf.for %scan3A_816 = %scan3A_113 to %scan3A_115 step %scan3A_116 iter_args(%scan3A_817 = %scan3A_112) -> (i32)  : i32 {
      %add3A_818 = arith.constant 320 : i32
      %add3A_819 = arith.addi %mul3A_11, %add3A_818 : i32
      %mul3A_820 = arith.constant 16 : i32
      %mul3A_821 = arith.muli %scan3A_816, %mul3A_820 : i32
      %add3A_822 = arith.addi %add3A_819, %mul3A_821 : i32
      %add3A_823 = vector.broadcast %add3A_822 : i32 to vector<16xi32>
      %add3A_824 = arith.addi %add3A_823, %iota3A : vector<16xi32>
      %mul3A_825 = arith.constant 16 : i32
      %mul3A_826 = arith.muli %scan3A_816, %mul3A_825 : i32
      "tpu.region"() ({
        %run_scoped3A = tpu.sem_alloc : memref<!tpu.dma_semaphore, #tpu.memory_space<semaphore_mem>>
        %dma_start3A = arith.constant 0 : i32
        %dma_start3A_828 = tpu.memref_slice %arg17[%mul3A_826, %dma_start3A] : memref<64x16xf32, #tpu.memory_space<vmem>> -> memref<16x16xf32, #tpu.memory_space<vmem>>
        %dma_start3A_829 = arith.constant 0 : i32
        %dma_start3A_830 = arith.constant 0 : i32
        %dma_start3A_831 = tpu.memref_slice %arg20[%dma_start3A_829, %dma_start3A_830] : memref<50176x16xf32, #tpu.memory_space<vmem_shared>> -> memref<50176x16xf32, #tpu.memory_space<vmem_shared>>
        tpu.enqueue_indirect_dma source(%dma_start3A_831 : memref<50176x16xf32, #tpu.memory_space<vmem_shared>>) target(%dma_start3A_828 : memref<16x16xf32, #tpu.memory_space<vmem>>) offsets(%add3A_824 : vector<16xi32>) semaphore(%run_scoped3A : memref<!tpu.dma_semaphore, #tpu.memory_space<semaphore_mem>>)
        %dma_wait3A = arith.constant 0 : i32
        %dma_wait3A_832 = tpu.memref_slice %arg17[%mul3A_826, %dma_wait3A] : memref<64x16xf32, #tpu.memory_space<vmem>> -> memref<16x16xf32, #tpu.memory_space<vmem>>
        %dma_wait3A_833 = arith.constant 0 : i32
        %dma_wait3A_834 = arith.constant 0 : i32
        %dma_wait3A_835 = tpu.memref_slice %arg20[%dma_wait3A_833, %dma_wait3A_834] : memref<50176x16xf32, #tpu.memory_space<vmem_shared>> -> memref<50176x16xf32, #tpu.memory_space<vmem_shared>>
        tpu.wait_indirect_dma semaphore(%run_scoped3A : memref<!tpu.dma_semaphore, #tpu.memory_space<semaphore_mem>>) src(%dma_wait3A_835 : memref<50176x16xf32, #tpu.memory_space<vmem_shared>>) dst(%dma_wait3A_832 : memref<16x16xf32, #tpu.memory_space<vmem>>)
        tpu.yield
      }) : () -> ()
      %scan3A_827 = arith.constant 0 : i32
      scf.yield %scan3A_827 : i32
    }
    %scan3A_118 = arith.constant 4 : i32
    %scan3A_119 = arith.constant 0 : i32
    %scan3A_120 = arith.constant 0 : i32
    %scan3A_121 = arith.constant 64 : i32
    %scan3A_122 = arith.addi %scan3A_120, %scan3A_121 : i32
    %scan3A_123 = arith.constant 1 : i32
    %scan3A_124 = scf.for %scan3A_816 = %scan3A_120 to %scan3A_122 step %scan3A_123 iter_args(%scan3A_817 = %scan3A_119) -> (i32)  : i32 {
      %get3A = arith.index_cast %scan3A_816 : i32 to index
      %get3A_818 = arith.constant 0 : index
      %get3A_819 = tpu.vector_load %arg17[%get3A, %get3A_818] {strides = array<i32>} : memref<64x16xf32, #tpu.memory_space<vmem>>, vector<16xf32>,
      %shift_right_arithmetic3A = arith.constant 3 : i32
      %shift_right_arithmetic3A_820 = arith.shrsi %scan3A_816, %shift_right_arithmetic3A : i32
      %and3A = arith.constant 7 : i32
      %and3A_821 = arith.andi %scan3A_816, %and3A : i32
      %mul3A_822 = arith.constant 16 : i32
      %mul3A_823 = arith.muli %and3A_821, %mul3A_822 : i32
      %swap3A = arith.index_cast %shift_right_arithmetic3A_820 : i32 to index
      %swap3A_824 = arith.index_cast %mul3A_823 : i32 to index
      %swap3A_825 = tpu.vector_load %arg18[%swap3A, %swap3A_824] {strides = array<i32>} : memref<8x128xf32, #tpu.memory_space<vmem>>, vector<16xf32>,
      tpu.vector_store %arg18[%swap3A, %swap3A_824], %get3A_819 {strides = array<i32>} : memref<8x128xf32, #tpu.memory_space<vmem>>, vector<16xf32>,
      %scan3A_826 = arith.constant 0 : i32
      scf.yield %scan3A_826 : i32
    }
    %scan3A_125 = arith.constant 64 : i32
    %add3A_126 = arith.constant 40 : i32
    %add3A_127 = arith.addi %add3A_31, %add3A_126 : i32
    "tpu.region"() ({
      %run_scoped3A = tpu.sem_alloc : memref<!tpu.dma_semaphore, #tpu.memory_space<semaphore_mem>>
      %dma_start3A = arith.constant 0 : i32
      %dma_start3A_816 = tpu.memref_slice %arg8[%add3A_127, %dma_start3A] : memref<12544x128xf32, #tpu.memory_space<hbm>> -> memref<8x128xf32, #tpu.memory_space<hbm>>
      %dma_start3A_817 = arith.constant 0 : i32
      %dma_start3A_818 = tpu.memref_slice %arg8[%add3A_127, %dma_start3A_817] : memref<12544x128xf32, #tpu.memory_space<hbm>> -> memref<8x128xf32, #tpu.memory_space<hbm>>
      tpu.enqueue_dma source(%arg18 : memref<8x128xf32, #tpu.memory_space<vmem>>) target(%dma_start3A_818 : memref<8x128xf32, #tpu.memory_space<hbm>>) target_semaphore(%run_scoped3A : memref<!tpu.dma_semaphore, #tpu.memory_space<semaphore_mem>>)
      %dma_wait3A = arith.constant 0 : i32
      %dma_wait3A_819 = tpu.memref_slice %arg8[%add3A_127, %dma_wait3A] : memref<12544x128xf32, #tpu.memory_space<hbm>> -> memref<8x128xf32, #tpu.memory_space<hbm>>
      %dma_wait3A_820 = arith.constant 0 : i32
      %dma_wait3A_821 = tpu.memref_slice %arg8[%add3A_127, %dma_wait3A_820] : memref<12544x128xf32, #tpu.memory_space<hbm>> -> memref<8x128xf32, #tpu.memory_space<hbm>>
      tpu.wait_dma2 semaphore(%run_scoped3A : memref<!tpu.dma_semaphore, #tpu.memory_space<semaphore_mem>>) src(%arg18 : memref<8x128xf32, #tpu.memory_space<vmem>>) dst(%dma_wait3A_821 : memref<8x128xf32, #tpu.memory_space<hbm>>)
      tpu.yield
    }) : () -> ()
    %scan3A_128 = arith.constant 0 : i32
    %scan3A_129 = arith.constant 0 : i32
    %scan3A_130 = arith.constant 4 : i32
    %scan3A_131 = arith.addi %scan3A_129, %scan3A_130 : i32
    %scan3A_132 = arith.constant 1 : i32
    %scan3A_133 = scf.for %scan3A_816 = %scan3A_129 to %scan3A_131 step %scan3A_132 iter_args(%scan3A_817 = %scan3A_128) -> (i32)  : i32 {
      %add3A_818 = arith.constant 384 : i32
      %add3A_819 = arith.addi %mul3A_11, %add3A_818 : i32
      %mul3A_820 = arith.constant 16 : i32
      %mul3A_821 = arith.muli %scan3A_816, %mul3A_820 : i32
      %add3A_822 = arith.addi %add3A_819, %mul3A_821 : i32
      %add3A_823 = vector.broadcast %add3A_822 : i32 to vector<16xi32>
      %add3A_824 = arith.addi %add3A_823, %iota3A : vector<16xi32>
      %mul3A_825 = arith.constant 16 : i32
      %mul3A_826 = arith.muli %scan3A_816, %mul3A_825 : i32
      "tpu.region"() ({
        %run_scoped3A = tpu.sem_alloc : memref<!tpu.dma_semaphore, #tpu.memory_space<semaphore_mem>>
        %dma_start3A = arith.constant 0 : i32
        %dma_start3A_828 = tpu.memref_slice %arg17[%mul3A_826, %dma_start3A] : memref<64x16xf32, #tpu.memory_space<vmem>> -> memref<16x16xf32, #tpu.memory_space<vmem>>
        %dma_start3A_829 = arith.constant 0 : i32
        %dma_start3A_830 = arith.constant 0 : i32
        %dma_start3A_831 = tpu.memref_slice %arg20[%dma_start3A_829, %dma_start3A_830] : memref<50176x16xf32, #tpu.memory_space<vmem_shared>> -> memref<50176x16xf32, #tpu.memory_space<vmem_shared>>
        tpu.enqueue_indirect_dma source(%dma_start3A_831 : memref<50176x16xf32, #tpu.memory_space<vmem_shared>>) target(%dma_start3A_828 : memref<16x16xf32, #tpu.memory_space<vmem>>) offsets(%add3A_824 : vector<16xi32>) semaphore(%run_scoped3A : memref<!tpu.dma_semaphore, #tpu.memory_space<semaphore_mem>>)
        %dma_wait3A = arith.constant 0 : i32
        %dma_wait3A_832 = tpu.memref_slice %arg17[%mul3A_826, %dma_wait3A] : memref<64x16xf32, #tpu.memory_space<vmem>> -> memref<16x16xf32, #tpu.memory_space<vmem>>
        %dma_wait3A_833 = arith.constant 0 : i32
        %dma_wait3A_834 = arith.constant 0 : i32
        %dma_wait3A_835 = tpu.memref_slice %arg20[%dma_wait3A_833, %dma_wait3A_834] : memref<50176x16xf32, #tpu.memory_space<vmem_shared>> -> memref<50176x16xf32, #tpu.memory_space<vmem_shared>>
        tpu.wait_indirect_dma semaphore(%run_scoped3A : memref<!tpu.dma_semaphore, #tpu.memory_space<semaphore_mem>>) src(%dma_wait3A_835 : memref<50176x16xf32, #tpu.memory_space<vmem_shared>>) dst(%dma_wait3A_832 : memref<16x16xf32, #tpu.memory_space<vmem>>)
        tpu.yield
      }) : () -> ()
      %scan3A_827 = arith.constant 0 : i32
      scf.yield %scan3A_827 : i32
    }
    %scan3A_134 = arith.constant 4 : i32
    %scan3A_135 = arith.constant 0 : i32
    %scan3A_136 = arith.constant 0 : i32
    %scan3A_137 = arith.constant 64 : i32
    %scan3A_138 = arith.addi %scan3A_136, %scan3A_137 : i32
    %scan3A_139 = arith.constant 1 : i32
    %scan3A_140 = scf.for %scan3A_816 = %scan3A_136 to %scan3A_138 step %scan3A_139 iter_args(%scan3A_817 = %scan3A_135) -> (i32)  : i32 {
      %get3A = arith.index_cast %scan3A_816 : i32 to index
      %get3A_818 = arith.constant 0 : index
      %get3A_819 = tpu.vector_load %arg17[%get3A, %get3A_818] {strides = array<i32>} : memref<64x16xf32, #tpu.memory_space<vmem>>, vector<16xf32>,
      %shift_right_arithmetic3A = arith.constant 3 : i32
      %shift_right_arithmetic3A_820 = arith.shrsi %scan3A_816, %shift_right_arithmetic3A : i32
      %and3A = arith.constant 7 : i32
      %and3A_821 = arith.andi %scan3A_816, %and3A : i32
      %mul3A_822 = arith.constant 16 : i32
      %mul3A_823 = arith.muli %and3A_821, %mul3A_822 : i32
      %swap3A = arith.index_cast %shift_right_arithmetic3A_820 : i32 to index
      %swap3A_824 = arith.index_cast %mul3A_823 : i32 to index
      %swap3A_825 = tpu.vector_load %arg18[%swap3A, %swap3A_824] {strides = array<i32>} : memref<8x128xf32, #tpu.memory_space<vmem>>, vector<16xf32>,
      tpu.vector_store %arg18[%swap3A, %swap3A_824], %get3A_819 {strides = array<i32>} : memref<8x128xf32, #tpu.memory_space<vmem>>, vector<16xf32>,
      %scan3A_826 = arith.constant 0 : i32
      scf.yield %scan3A_826 : i32
    }
    %scan3A_141 = arith.constant 64 : i32
    %add3A_142 = arith.constant 48 : i32
    %add3A_143 = arith.addi %add3A_31, %add3A_142 : i32
    "tpu.region"() ({
      %run_scoped3A = tpu.sem_alloc : memref<!tpu.dma_semaphore, #tpu.memory_space<semaphore_mem>>
      %dma_start3A = arith.constant 0 : i32
      %dma_start3A_816 = tpu.memref_slice %arg8[%add3A_143, %dma_start3A] : memref<12544x128xf32, #tpu.memory_space<hbm>> -> memref<8x128xf32, #tpu.memory_space<hbm>>
      %dma_start3A_817 = arith.constant 0 : i32
      %dma_start3A_818 = tpu.memref_slice %arg8[%add3A_143, %dma_start3A_817] : memref<12544x128xf32, #tpu.memory_space<hbm>> -> memref<8x128xf32, #tpu.memory_space<hbm>>
      tpu.enqueue_dma source(%arg18 : memref<8x128xf32, #tpu.memory_space<vmem>>) target(%dma_start3A_818 : memref<8x128xf32, #tpu.memory_space<hbm>>) target_semaphore(%run_scoped3A : memref<!tpu.dma_semaphore, #tpu.memory_space<semaphore_mem>>)
      %dma_wait3A = arith.constant 0 : i32
      %dma_wait3A_819 = tpu.memref_slice %arg8[%add3A_143, %dma_wait3A] : memref<12544x128xf32, #tpu.memory_space<hbm>> -> memref<8x128xf32, #tpu.memory_space<hbm>>
      %dma_wait3A_820 = arith.constant 0 : i32
      %dma_wait3A_821 = tpu.memref_slice %arg8[%add3A_143, %dma_wait3A_820] : memref<12544x128xf32, #tpu.memory_space<hbm>> -> memref<8x128xf32, #tpu.memory_space<hbm>>
      tpu.wait_dma2 semaphore(%run_scoped3A : memref<!tpu.dma_semaphore, #tpu.memory_space<semaphore_mem>>) src(%arg18 : memref<8x128xf32, #tpu.memory_space<vmem>>) dst(%dma_wait3A_821 : memref<8x128xf32, #tpu.memory_space<hbm>>)
      tpu.yield
    }) : () -> ()
    %scan3A_144 = arith.constant 0 : i32
    %scan3A_145 = arith.constant 0 : i32
    %scan3A_146 = arith.constant 4 : i32
    %scan3A_147 = arith.addi %scan3A_145, %scan3A_146 : i32
    %scan3A_148 = arith.constant 1 : i32
    %scan3A_149 = scf.for %scan3A_816 = %scan3A_145 to %scan3A_147 step %scan3A_148 iter_args(%scan3A_817 = %scan3A_144) -> (i32)  : i32 {
      %add3A_818 = arith.constant 448 : i32
      %add3A_819 = arith.addi %mul3A_11, %add3A_818 : i32
      %mul3A_820 = arith.constant 16 : i32
      %mul3A_821 = arith.muli %scan3A_816, %mul3A_820 : i32
      %add3A_822 = arith.addi %add3A_819, %mul3A_821 : i32
      %add3A_823 = vector.broadcast %add3A_822 : i32 to vector<16xi32>
      %add3A_824 = arith.addi %add3A_823, %iota3A : vector<16xi32>
      %mul3A_825 = arith.constant 16 : i32
      %mul3A_826 = arith.muli %scan3A_816, %mul3A_825 : i32
      "tpu.region"() ({
        %run_scoped3A = tpu.sem_alloc : memref<!tpu.dma_semaphore, #tpu.memory_space<semaphore_mem>>
        %dma_start3A = arith.constant 0 : i32
        %dma_start3A_828 = tpu.memref_slice %arg17[%mul3A_826, %dma_start3A] : memref<64x16xf32, #tpu.memory_space<vmem>> -> memref<16x16xf32, #tpu.memory_space<vmem>>
        %dma_start3A_829 = arith.constant 0 : i32
        %dma_start3A_830 = arith.constant 0 : i32
        %dma_start3A_831 = tpu.memref_slice %arg20[%dma_start3A_829, %dma_start3A_830] : memref<50176x16xf32, #tpu.memory_space<vmem_shared>> -> memref<50176x16xf32, #tpu.memory_space<vmem_shared>>
        tpu.enqueue_indirect_dma source(%dma_start3A_831 : memref<50176x16xf32, #tpu.memory_space<vmem_shared>>) target(%dma_start3A_828 : memref<16x16xf32, #tpu.memory_space<vmem>>) offsets(%add3A_824 : vector<16xi32>) semaphore(%run_scoped3A : memref<!tpu.dma_semaphore, #tpu.memory_space<semaphore_mem>>)
        %dma_wait3A = arith.constant 0 : i32
        %dma_wait3A_832 = tpu.memref_slice %arg17[%mul3A_826, %dma_wait3A] : memref<64x16xf32, #tpu.memory_space<vmem>> -> memref<16x16xf32, #tpu.memory_space<vmem>>
        %dma_wait3A_833 = arith.constant 0 : i32
        %dma_wait3A_834 = arith.constant 0 : i32
        %dma_wait3A_835 = tpu.memref_slice %arg20[%dma_wait3A_833, %dma_wait3A_834] : memref<50176x16xf32, #tpu.memory_space<vmem_shared>> -> memref<50176x16xf32, #tpu.memory_space<vmem_shared>>
        tpu.wait_indirect_dma semaphore(%run_scoped3A : memref<!tpu.dma_semaphore, #tpu.memory_space<semaphore_mem>>) src(%dma_wait3A_835 : memref<50176x16xf32, #tpu.memory_space<vmem_shared>>) dst(%dma_wait3A_832 : memref<16x16xf32, #tpu.memory_space<vmem>>)
        tpu.yield
      }) : () -> ()
      %scan3A_827 = arith.constant 0 : i32
      scf.yield %scan3A_827 : i32
    }
    %scan3A_150 = arith.constant 4 : i32
    %scan3A_151 = arith.constant 0 : i32
    %scan3A_152 = arith.constant 0 : i32
    %scan3A_153 = arith.constant 64 : i32
    %scan3A_154 = arith.addi %scan3A_152, %scan3A_153 : i32
    %scan3A_155 = arith.constant 1 : i32
    %scan3A_156 = scf.for %scan3A_816 = %scan3A_152 to %scan3A_154 step %scan3A_155 iter_args(%scan3A_817 = %scan3A_151) -> (i32)  : i32 {
      %get3A = arith.index_cast %scan3A_816 : i32 to index
      %get3A_818 = arith.constant 0 : index
      %get3A_819 = tpu.vector_load %arg17[%get3A, %get3A_818] {strides = array<i32>} : memref<64x16xf32, #tpu.memory_space<vmem>>, vector<16xf32>,
      %shift_right_arithmetic3A = arith.constant 3 : i32
      %shift_right_arithmetic3A_820 = arith.shrsi %scan3A_816, %shift_right_arithmetic3A : i32
      %and3A = arith.constant 7 : i32
      %and3A_821 = arith.andi %scan3A_816, %and3A : i32
      %mul3A_822 = arith.constant 16 : i32
      %mul3A_823 = arith.muli %and3A_821, %mul3A_822 : i32
      %swap3A = arith.index_cast %shift_right_arithmetic3A_820 : i32 to index
      %swap3A_824 = arith.index_cast %mul3A_823 : i32 to index
      %swap3A_825 = tpu.vector_load %arg18[%swap3A, %swap3A_824] {strides = array<i32>} : memref<8x128xf32, #tpu.memory_space<vmem>>, vector<16xf32>,
      tpu.vector_store %arg18[%swap3A, %swap3A_824], %get3A_819 {strides = array<i32>} : memref<8x128xf32, #tpu.memory_space<vmem>>, vector<16xf32>,
      %scan3A_826 = arith.constant 0 : i32
      scf.yield %scan3A_826 : i32
    }
    %scan3A_157 = arith.constant 64 : i32
    %add3A_158 = arith.constant 56 : i32
    %add3A_159 = arith.addi %add3A_31, %add3A_158 : i32
    "tpu.region"() ({
      %run_scoped3A = tpu.sem_alloc : memref<!tpu.dma_semaphore, #tpu.memory_space<semaphore_mem>>
      %dma_start3A = arith.constant 0 : i32
      %dma_start3A_816 = tpu.memref_slice %arg8[%add3A_159, %dma_start3A] : memref<12544x128xf32, #tpu.memory_space<hbm>> -> memref<8x128xf32, #tpu.memory_space<hbm>>
      %dma_start3A_817 = arith.constant 0 : i32
      %dma_start3A_818 = tpu.memref_slice %arg8[%add3A_159, %dma_start3A_817] : memref<12544x128xf32, #tpu.memory_space<hbm>> -> memref<8x128xf32, #tpu.memory_space<hbm>>
      tpu.enqueue_dma source(%arg18 : memref<8x128xf32, #tpu.memory_space<vmem>>) target(%dma_start3A_818 : memref<8x128xf32, #tpu.memory_space<hbm>>) target_semaphore(%run_scoped3A : memref<!tpu.dma_semaphore, #tpu.memory_space<semaphore_mem>>)
      %dma_wait3A = arith.constant 0 : i32
      %dma_wait3A_819 = tpu.memref_slice %arg8[%add3A_159, %dma_wait3A] : memref<12544x128xf32, #tpu.memory_space<hbm>> -> memref<8x128xf32, #tpu.memory_space<hbm>>
      %dma_wait3A_820 = arith.constant 0 : i32
      %dma_wait3A_821 = tpu.memref_slice %arg8[%add3A_159, %dma_wait3A_820] : memref<12544x128xf32, #tpu.memory_space<hbm>> -> memref<8x128xf32, #tpu.memory_space<hbm>>
      tpu.wait_dma2 semaphore(%run_scoped3A : memref<!tpu.dma_semaphore, #tpu.memory_space<semaphore_mem>>) src(%arg18 : memref<8x128xf32, #tpu.memory_space<vmem>>) dst(%dma_wait3A_821 : memref<8x128xf32, #tpu.memory_space<hbm>>)
      tpu.yield
    }) : () -> ()
    %scan3A_160 = arith.constant 0 : i32
    %scan3A_161 = arith.constant 0 : i32
    %scan3A_162 = arith.constant 4 : i32
    %scan3A_163 = arith.addi %scan3A_161, %scan3A_162 : i32
    %scan3A_164 = arith.constant 1 : i32
    %scan3A_165 = scf.for %scan3A_816 = %scan3A_161 to %scan3A_163 step %scan3A_164 iter_args(%scan3A_817 = %scan3A_160) -> (i32)  : i32 {
      %add3A_818 = arith.constant 512 : i32
      %add3A_819 = arith.addi %mul3A_11, %add3A_818 : i32
      %mul3A_820 = arith.constant 16 : i32
      %mul3A_821 = arith.muli %scan3A_816, %mul3A_820 : i32
      %add3A_822 = arith.addi %add3A_819, %mul3A_821 : i32
      %add3A_823 = vector.broadcast %add3A_822 : i32 to vector<16xi32>
      %add3A_824 = arith.addi %add3A_823, %iota3A : vector<16xi32>
      %mul3A_825 = arith.constant 16 : i32
      %mul3A_826 = arith.muli %scan3A_816, %mul3A_825 : i32
      "tpu.region"() ({
        %run_scoped3A = tpu.sem_alloc : memref<!tpu.dma_semaphore, #tpu.memory_space<semaphore_mem>>
        %dma_start3A = arith.constant 0 : i32
        %dma_start3A_828 = tpu.memref_slice %arg17[%mul3A_826, %dma_start3A] : memref<64x16xf32, #tpu.memory_space<vmem>> -> memref<16x16xf32, #tpu.memory_space<vmem>>
        %dma_start3A_829 = arith.constant 0 : i32
        %dma_start3A_830 = arith.constant 0 : i32
        %dma_start3A_831 = tpu.memref_slice %arg20[%dma_start3A_829, %dma_start3A_830] : memref<50176x16xf32, #tpu.memory_space<vmem_shared>> -> memref<50176x16xf32, #tpu.memory_space<vmem_shared>>
        tpu.enqueue_indirect_dma source(%dma_start3A_831 : memref<50176x16xf32, #tpu.memory_space<vmem_shared>>) target(%dma_start3A_828 : memref<16x16xf32, #tpu.memory_space<vmem>>) offsets(%add3A_824 : vector<16xi32>) semaphore(%run_scoped3A : memref<!tpu.dma_semaphore, #tpu.memory_space<semaphore_mem>>)
        %dma_wait3A = arith.constant 0 : i32
        %dma_wait3A_832 = tpu.memref_slice %arg17[%mul3A_826, %dma_wait3A] : memref<64x16xf32, #tpu.memory_space<vmem>> -> memref<16x16xf32, #tpu.memory_space<vmem>>
        %dma_wait3A_833 = arith.constant 0 : i32
        %dma_wait3A_834 = arith.constant 0 : i32
        %dma_wait3A_835 = tpu.memref_slice %arg20[%dma_wait3A_833, %dma_wait3A_834] : memref<50176x16xf32, #tpu.memory_space<vmem_shared>> -> memref<50176x16xf32, #tpu.memory_space<vmem_shared>>
        tpu.wait_indirect_dma semaphore(%run_scoped3A : memref<!tpu.dma_semaphore, #tpu.memory_space<semaphore_mem>>) src(%dma_wait3A_835 : memref<50176x16xf32, #tpu.memory_space<vmem_shared>>) dst(%dma_wait3A_832 : memref<16x16xf32, #tpu.memory_space<vmem>>)
        tpu.yield
      }) : () -> ()
      %scan3A_827 = arith.constant 0 : i32
      scf.yield %scan3A_827 : i32
    }
    %scan3A_166 = arith.constant 4 : i32
    %scan3A_167 = arith.constant 0 : i32
    %scan3A_168 = arith.constant 0 : i32
    %scan3A_169 = arith.constant 64 : i32
    %scan3A_170 = arith.addi %scan3A_168, %scan3A_169 : i32
    %scan3A_171 = arith.constant 1 : i32
    %scan3A_172 = scf.for %scan3A_816 = %scan3A_168 to %scan3A_170 step %scan3A_171 iter_args(%scan3A_817 = %scan3A_167) -> (i32)  : i32 {
      %get3A = arith.index_cast %scan3A_816 : i32 to index
      %get3A_818 = arith.constant 0 : index
      %get3A_819 = tpu.vector_load %arg17[%get3A, %get3A_818] {strides = array<i32>} : memref<64x16xf32, #tpu.memory_space<vmem>>, vector<16xf32>,
      %shift_right_arithmetic3A = arith.constant 3 : i32
      %shift_right_arithmetic3A_820 = arith.shrsi %scan3A_816, %shift_right_arithmetic3A : i32
      %and3A = arith.constant 7 : i32
      %and3A_821 = arith.andi %scan3A_816, %and3A : i32
      %mul3A_822 = arith.constant 16 : i32
      %mul3A_823 = arith.muli %and3A_821, %mul3A_822 : i32
      %swap3A = arith.index_cast %shift_right_arithmetic3A_820 : i32 to index
      %swap3A_824 = arith.index_cast %mul3A_823 : i32 to index
      %swap3A_825 = tpu.vector_load %arg18[%swap3A, %swap3A_824] {strides = array<i32>} : memref<8x128xf32, #tpu.memory_space<vmem>>, vector<16xf32>,
      tpu.vector_store %arg18[%swap3A, %swap3A_824], %get3A_819 {strides = array<i32>} : memref<8x128xf32, #tpu.memory_space<vmem>>, vector<16xf32>,
      %scan3A_826 = arith.constant 0 : i32
      scf.yield %scan3A_826 : i32
    }
    %scan3A_173 = arith.constant 64 : i32
    %add3A_174 = arith.constant 64 : i32
    %add3A_175 = arith.addi %add3A_31, %add3A_174 : i32
    "tpu.region"() ({
      %run_scoped3A = tpu.sem_alloc : memref<!tpu.dma_semaphore, #tpu.memory_space<semaphore_mem>>
      %dma_start3A = arith.constant 0 : i32
      %dma_start3A_816 = tpu.memref_slice %arg8[%add3A_175, %dma_start3A] : memref<12544x128xf32, #tpu.memory_space<hbm>> -> memref<8x128xf32, #tpu.memory_space<hbm>>
      %dma_start3A_817 = arith.constant 0 : i32
      %dma_start3A_818 = tpu.memref_slice %arg8[%add3A_175, %dma_start3A_817] : memref<12544x128xf32, #tpu.memory_space<hbm>> -> memref<8x128xf32, #tpu.memory_space<hbm>>
      tpu.enqueue_dma source(%arg18 : memref<8x128xf32, #tpu.memory_space<vmem>>) target(%dma_start3A_818 : memref<8x128xf32, #tpu.memory_space<hbm>>) target_semaphore(%run_scoped3A : memref<!tpu.dma_semaphore, #tpu.memory_space<semaphore_mem>>)
      %dma_wait3A = arith.constant 0 : i32
      %dma_wait3A_819 = tpu.memref_slice %arg8[%add3A_175, %dma_wait3A] : memref<12544x128xf32, #tpu.memory_space<hbm>> -> memref<8x128xf32, #tpu.memory_space<hbm>>
      %dma_wait3A_820 = arith.constant 0 : i32
      %dma_wait3A_821 = tpu.memref_slice %arg8[%add3A_175, %dma_wait3A_820] : memref<12544x128xf32, #tpu.memory_space<hbm>> -> memref<8x128xf32, #tpu.memory_space<hbm>>
      tpu.wait_dma2 semaphore(%run_scoped3A : memref<!tpu.dma_semaphore, #tpu.memory_space<semaphore_mem>>) src(%arg18 : memref<8x128xf32, #tpu.memory_space<vmem>>) dst(%dma_wait3A_821 : memref<8x128xf32, #tpu.memory_space<hbm>>)
      tpu.yield
    }) : () -> ()
    %scan3A_176 = arith.constant 0 : i32
    %scan3A_177 = arith.constant 0 : i32
    %scan3A_178 = arith.constant 4 : i32
    %scan3A_179 = arith.addi %scan3A_177, %scan3A_178 : i32
    %scan3A_180 = arith.constant 1 : i32
    %scan3A_181 = scf.for %scan3A_816 = %scan3A_177 to %scan3A_179 step %scan3A_180 iter_args(%scan3A_817 = %scan3A_176) -> (i32)  : i32 {
      %add3A_818 = arith.constant 576 : i32
      %add3A_819 = arith.addi %mul3A_11, %add3A_818 : i32
      %mul3A_820 = arith.constant 16 : i32
      %mul3A_821 = arith.muli %scan3A_816, %mul3A_820 : i32
      %add3A_822 = arith.addi %add3A_819, %mul3A_821 : i32
      %add3A_823 = vector.broadcast %add3A_822 : i32 to vector<16xi32>
      %add3A_824 = arith.addi %add3A_823, %iota3A : vector<16xi32>
      %mul3A_825 = arith.constant 16 : i32
      %mul3A_826 = arith.muli %scan3A_816, %mul3A_825 : i32
      "tpu.region"() ({
        %run_scoped3A = tpu.sem_alloc : memref<!tpu.dma_semaphore, #tpu.memory_space<semaphore_mem>>
        %dma_start3A = arith.constant 0 : i32
        %dma_start3A_828 = tpu.memref_slice %arg17[%mul3A_826, %dma_start3A] : memref<64x16xf32, #tpu.memory_space<vmem>> -> memref<16x16xf32, #tpu.memory_space<vmem>>
        %dma_start3A_829 = arith.constant 0 : i32
        %dma_start3A_830 = arith.constant 0 : i32
        %dma_start3A_831 = tpu.memref_slice %arg20[%dma_start3A_829, %dma_start3A_830] : memref<50176x16xf32, #tpu.memory_space<vmem_shared>> -> memref<50176x16xf32, #tpu.memory_space<vmem_shared>>
        tpu.enqueue_indirect_dma source(%dma_start3A_831 : memref<50176x16xf32, #tpu.memory_space<vmem_shared>>) target(%dma_start3A_828 : memref<16x16xf32, #tpu.memory_space<vmem>>) offsets(%add3A_824 : vector<16xi32>) semaphore(%run_scoped3A : memref<!tpu.dma_semaphore, #tpu.memory_space<semaphore_mem>>)
        %dma_wait3A = arith.constant 0 : i32
        %dma_wait3A_832 = tpu.memref_slice %arg17[%mul3A_826, %dma_wait3A] : memref<64x16xf32, #tpu.memory_space<vmem>> -> memref<16x16xf32, #tpu.memory_space<vmem>>
        %dma_wait3A_833 = arith.constant 0 : i32
        %dma_wait3A_834 = arith.constant 0 : i32
        %dma_wait3A_835 = tpu.memref_slice %arg20[%dma_wait3A_833, %dma_wait3A_834] : memref<50176x16xf32, #tpu.memory_space<vmem_shared>> -> memref<50176x16xf32, #tpu.memory_space<vmem_shared>>
        tpu.wait_indirect_dma semaphore(%run_scoped3A : memref<!tpu.dma_semaphore, #tpu.memory_space<semaphore_mem>>) src(%dma_wait3A_835 : memref<50176x16xf32, #tpu.memory_space<vmem_shared>>) dst(%dma_wait3A_832 : memref<16x16xf32, #tpu.memory_space<vmem>>)
        tpu.yield
      }) : () -> ()
      %scan3A_827 = arith.constant 0 : i32
      scf.yield %scan3A_827 : i32
    }
    %scan3A_182 = arith.constant 4 : i32
    %scan3A_183 = arith.constant 0 : i32
    %scan3A_184 = arith.constant 0 : i32
    %scan3A_185 = arith.constant 64 : i32
    %scan3A_186 = arith.addi %scan3A_184, %scan3A_185 : i32
    %scan3A_187 = arith.constant 1 : i32
    %scan3A_188 = scf.for %scan3A_816 = %scan3A_184 to %scan3A_186 step %scan3A_187 iter_args(%scan3A_817 = %scan3A_183) -> (i32)  : i32 {
      %get3A = arith.index_cast %scan3A_816 : i32 to index
      %get3A_818 = arith.constant 0 : index
      %get3A_819 = tpu.vector_load %arg17[%get3A, %get3A_818] {strides = array<i32>} : memref<64x16xf32, #tpu.memory_space<vmem>>, vector<16xf32>,
      %shift_right_arithmetic3A = arith.constant 3 : i32
      %shift_right_arithmetic3A_820 = arith.shrsi %scan3A_816, %shift_right_arithmetic3A : i32
      %and3A = arith.constant 7 : i32
      %and3A_821 = arith.andi %scan3A_816, %and3A : i32
      %mul3A_822 = arith.constant 16 : i32
      %mul3A_823 = arith.muli %and3A_821, %mul3A_822 : i32
      %swap3A = arith.index_cast %shift_right_arithmetic3A_820 : i32 to index
      %swap3A_824 = arith.index_cast %mul3A_823 : i32 to index
      %swap3A_825 = tpu.vector_load %arg18[%swap3A, %swap3A_824] {strides = array<i32>} : memref<8x128xf32, #tpu.memory_space<vmem>>, vector<16xf32>,
      tpu.vector_store %arg18[%swap3A, %swap3A_824], %get3A_819 {strides = array<i32>} : memref<8x128xf32, #tpu.memory_space<vmem>>, vector<16xf32>,
      %scan3A_826 = arith.constant 0 : i32
      scf.yield %scan3A_826 : i32
    }
    %scan3A_189 = arith.constant 64 : i32
    %add3A_190 = arith.constant 72 : i32
    %add3A_191 = arith.addi %add3A_31, %add3A_190 : i32
    "tpu.region"() ({
      %run_scoped3A = tpu.sem_alloc : memref<!tpu.dma_semaphore, #tpu.memory_space<semaphore_mem>>
      %dma_start3A = arith.constant 0 : i32
      %dma_start3A_816 = tpu.memref_slice %arg8[%add3A_191, %dma_start3A] : memref<12544x128xf32, #tpu.memory_space<hbm>> -> memref<8x128xf32, #tpu.memory_space<hbm>>
      %dma_start3A_817 = arith.constant 0 : i32
      %dma_start3A_818 = tpu.memref_slice %arg8[%add3A_191, %dma_start3A_817] : memref<12544x128xf32, #tpu.memory_space<hbm>> -> memref<8x128xf32, #tpu.memory_space<hbm>>
      tpu.enqueue_dma source(%arg18 : memref<8x128xf32, #tpu.memory_space<vmem>>) target(%dma_start3A_818 : memref<8x128xf32, #tpu.memory_space<hbm>>) target_semaphore(%run_scoped3A : memref<!tpu.dma_semaphore, #tpu.memory_space<semaphore_mem>>)
      %dma_wait3A = arith.constant 0 : i32
      %dma_wait3A_819 = tpu.memref_slice %arg8[%add3A_191, %dma_wait3A] : memref<12544x128xf32, #tpu.memory_space<hbm>> -> memref<8x128xf32, #tpu.memory_space<hbm>>
      %dma_wait3A_820 = arith.constant 0 : i32
      %dma_wait3A_821 = tpu.memref_slice %arg8[%add3A_191, %dma_wait3A_820] : memref<12544x128xf32, #tpu.memory_space<hbm>> -> memref<8x128xf32, #tpu.memory_space<hbm>>
      tpu.wait_dma2 semaphore(%run_scoped3A : memref<!tpu.dma_semaphore, #tpu.memory_space<semaphore_mem>>) src(%arg18 : memref<8x128xf32, #tpu.memory_space<vmem>>) dst(%dma_wait3A_821 : memref<8x128xf32, #tpu.memory_space<hbm>>)
      tpu.yield
    }) : () -> ()
    %scan3A_192 = arith.constant 0 : i32
    %scan3A_193 = arith.constant 0 : i32
    %scan3A_194 = arith.constant 4 : i32
    %scan3A_195 = arith.addi %scan3A_193, %scan3A_194 : i32
    %scan3A_196 = arith.constant 1 : i32
    %scan3A_197 = scf.for %scan3A_816 = %scan3A_193 to %scan3A_195 step %scan3A_196 iter_args(%scan3A_817 = %scan3A_192) -> (i32)  : i32 {
      %add3A_818 = arith.constant 640 : i32
      %add3A_819 = arith.addi %mul3A_11, %add3A_818 : i32
      %mul3A_820 = arith.constant 16 : i32
      %mul3A_821 = arith.muli %scan3A_816, %mul3A_820 : i32
      %add3A_822 = arith.addi %add3A_819, %mul3A_821 : i32
      %add3A_823 = vector.broadcast %add3A_822 : i32 to vector<16xi32>
      %add3A_824 = arith.addi %add3A_823, %iota3A : vector<16xi32>
      %mul3A_825 = arith.constant 16 : i32
      %mul3A_826 = arith.muli %scan3A_816, %mul3A_825 : i32
      "tpu.region"() ({
        %run_scoped3A = tpu.sem_alloc : memref<!tpu.dma_semaphore, #tpu.memory_space<semaphore_mem>>
        %dma_start3A = arith.constant 0 : i32
        %dma_start3A_828 = tpu.memref_slice %arg17[%mul3A_826, %dma_start3A] : memref<64x16xf32, #tpu.memory_space<vmem>> -> memref<16x16xf32, #tpu.memory_space<vmem>>
        %dma_start3A_829 = arith.constant 0 : i32
        %dma_start3A_830 = arith.constant 0 : i32
        %dma_start3A_831 = tpu.memref_slice %arg20[%dma_start3A_829, %dma_start3A_830] : memref<50176x16xf32, #tpu.memory_space<vmem_shared>> -> memref<50176x16xf32, #tpu.memory_space<vmem_shared>>
        tpu.enqueue_indirect_dma source(%dma_start3A_831 : memref<50176x16xf32, #tpu.memory_space<vmem_shared>>) target(%dma_start3A_828 : memref<16x16xf32, #tpu.memory_space<vmem>>) offsets(%add3A_824 : vector<16xi32>) semaphore(%run_scoped3A : memref<!tpu.dma_semaphore, #tpu.memory_space<semaphore_mem>>)
        %dma_wait3A = arith.constant 0 : i32
        %dma_wait3A_832 = tpu.memref_slice %arg17[%mul3A_826, %dma_wait3A] : memref<64x16xf32, #tpu.memory_space<vmem>> -> memref<16x16xf32, #tpu.memory_space<vmem>>
        %dma_wait3A_833 = arith.constant 0 : i32
        %dma_wait3A_834 = arith.constant 0 : i32
        %dma_wait3A_835 = tpu.memref_slice %arg20[%dma_wait3A_833, %dma_wait3A_834] : memref<50176x16xf32, #tpu.memory_space<vmem_shared>> -> memref<50176x16xf32, #tpu.memory_space<vmem_shared>>
        tpu.wait_indirect_dma semaphore(%run_scoped3A : memref<!tpu.dma_semaphore, #tpu.memory_space<semaphore_mem>>) src(%dma_wait3A_835 : memref<50176x16xf32, #tpu.memory_space<vmem_shared>>) dst(%dma_wait3A_832 : memref<16x16xf32, #tpu.memory_space<vmem>>)
        tpu.yield
      }) : () -> ()
      %scan3A_827 = arith.constant 0 : i32
      scf.yield %scan3A_827 : i32
    }
    %scan3A_198 = arith.constant 4 : i32
    %scan3A_199 = arith.constant 0 : i32
    %scan3A_200 = arith.constant 0 : i32
    %scan3A_201 = arith.constant 64 : i32
    %scan3A_202 = arith.addi %scan3A_200, %scan3A_201 : i32
    %scan3A_203 = arith.constant 1 : i32
    %scan3A_204 = scf.for %scan3A_816 = %scan3A_200 to %scan3A_202 step %scan3A_203 iter_args(%scan3A_817 = %scan3A_199) -> (i32)  : i32 {
      %get3A = arith.index_cast %scan3A_816 : i32 to index
      %get3A_818 = arith.constant 0 : index
      %get3A_819 = tpu.vector_load %arg17[%get3A, %get3A_818] {strides = array<i32>} : memref<64x16xf32, #tpu.memory_space<vmem>>, vector<16xf32>,
      %shift_right_arithmetic3A = arith.constant 3 : i32
      %shift_right_arithmetic3A_820 = arith.shrsi %scan3A_816, %shift_right_arithmetic3A : i32
      %and3A = arith.constant 7 : i32
      %and3A_821 = arith.andi %scan3A_816, %and3A : i32
      %mul3A_822 = arith.constant 16 : i32
      %mul3A_823 = arith.muli %and3A_821, %mul3A_822 : i32
      %swap3A = arith.index_cast %shift_right_arithmetic3A_820 : i32 to index
      %swap3A_824 = arith.index_cast %mul3A_823 : i32 to index
      %swap3A_825 = tpu.vector_load %arg18[%swap3A, %swap3A_824] {strides = array<i32>} : memref<8x128xf32, #tpu.memory_space<vmem>>, vector<16xf32>,
      tpu.vector_store %arg18[%swap3A, %swap3A_824], %get3A_819 {strides = array<i32>} : memref<8x128xf32, #tpu.memory_space<vmem>>, vector<16xf32>,
      %scan3A_826 = arith.constant 0 : i32
      scf.yield %scan3A_826 : i32
    }
    %scan3A_205 = arith.constant 64 : i32
    %add3A_206 = arith.constant 80 : i32
    %add3A_207 = arith.addi %add3A_31, %add3A_206 : i32
    "tpu.region"() ({
      %run_scoped3A = tpu.sem_alloc : memref<!tpu.dma_semaphore, #tpu.memory_space<semaphore_mem>>
      %dma_start3A = arith.constant 0 : i32
      %dma_start3A_816 = tpu.memref_slice %arg8[%add3A_207, %dma_start3A] : memref<12544x128xf32, #tpu.memory_space<hbm>> -> memref<8x128xf32, #tpu.memory_space<hbm>>
      %dma_start3A_817 = arith.constant 0 : i32
      %dma_start3A_818 = tpu.memref_slice %arg8[%add3A_207, %dma_start3A_817] : memref<12544x128xf32, #tpu.memory_space<hbm>> -> memref<8x128xf32, #tpu.memory_space<hbm>>
      tpu.enqueue_dma source(%arg18 : memref<8x128xf32, #tpu.memory_space<vmem>>) target(%dma_start3A_818 : memref<8x128xf32, #tpu.memory_space<hbm>>) target_semaphore(%run_scoped3A : memref<!tpu.dma_semaphore, #tpu.memory_space<semaphore_mem>>)
      %dma_wait3A = arith.constant 0 : i32
      %dma_wait3A_819 = tpu.memref_slice %arg8[%add3A_207, %dma_wait3A] : memref<12544x128xf32, #tpu.memory_space<hbm>> -> memref<8x128xf32, #tpu.memory_space<hbm>>
      %dma_wait3A_820 = arith.constant 0 : i32
      %dma_wait3A_821 = tpu.memref_slice %arg8[%add3A_207, %dma_wait3A_820] : memref<12544x128xf32, #tpu.memory_space<hbm>> -> memref<8x128xf32, #tpu.memory_space<hbm>>
      tpu.wait_dma2 semaphore(%run_scoped3A : memref<!tpu.dma_semaphore, #tpu.memory_space<semaphore_mem>>) src(%arg18 : memref<8x128xf32, #tpu.memory_space<vmem>>) dst(%dma_wait3A_821 : memref<8x128xf32, #tpu.memory_space<hbm>>)
      tpu.yield
    }) : () -> ()
    %scan3A_208 = arith.constant 0 : i32
    %scan3A_209 = arith.constant 0 : i32
    %scan3A_210 = arith.constant 4 : i32
    %scan3A_211 = arith.addi %scan3A_209, %scan3A_210 : i32
    %scan3A_212 = arith.constant 1 : i32
    %scan3A_213 = scf.for %scan3A_816 = %scan3A_209 to %scan3A_211 step %scan3A_212 iter_args(%scan3A_817 = %scan3A_208) -> (i32)  : i32 {
      %add3A_818 = arith.constant 704 : i32
      %add3A_819 = arith.addi %mul3A_11, %add3A_818 : i32
      %mul3A_820 = arith.constant 16 : i32
      %mul3A_821 = arith.muli %scan3A_816, %mul3A_820 : i32
      %add3A_822 = arith.addi %add3A_819, %mul3A_821 : i32
      %add3A_823 = vector.broadcast %add3A_822 : i32 to vector<16xi32>
      %add3A_824 = arith.addi %add3A_823, %iota3A : vector<16xi32>
      %mul3A_825 = arith.constant 16 : i32
      %mul3A_826 = arith.muli %scan3A_816, %mul3A_825 : i32
      "tpu.region"() ({
        %run_scoped3A = tpu.sem_alloc : memref<!tpu.dma_semaphore, #tpu.memory_space<semaphore_mem>>
        %dma_start3A = arith.constant 0 : i32
        %dma_start3A_828 = tpu.memref_slice %arg17[%mul3A_826, %dma_start3A] : memref<64x16xf32, #tpu.memory_space<vmem>> -> memref<16x16xf32, #tpu.memory_space<vmem>>
        %dma_start3A_829 = arith.constant 0 : i32
        %dma_start3A_830 = arith.constant 0 : i32
        %dma_start3A_831 = tpu.memref_slice %arg20[%dma_start3A_829, %dma_start3A_830] : memref<50176x16xf32, #tpu.memory_space<vmem_shared>> -> memref<50176x16xf32, #tpu.memory_space<vmem_shared>>
        tpu.enqueue_indirect_dma source(%dma_start3A_831 : memref<50176x16xf32, #tpu.memory_space<vmem_shared>>) target(%dma_start3A_828 : memref<16x16xf32, #tpu.memory_space<vmem>>) offsets(%add3A_824 : vector<16xi32>) semaphore(%run_scoped3A : memref<!tpu.dma_semaphore, #tpu.memory_space<semaphore_mem>>)
        %dma_wait3A = arith.constant 0 : i32
        %dma_wait3A_832 = tpu.memref_slice %arg17[%mul3A_826, %dma_wait3A] : memref<64x16xf32, #tpu.memory_space<vmem>> -> memref<16x16xf32, #tpu.memory_space<vmem>>
        %dma_wait3A_833 = arith.constant 0 : i32
        %dma_wait3A_834 = arith.constant 0 : i32
        %dma_wait3A_835 = tpu.memref_slice %arg20[%dma_wait3A_833, %dma_wait3A_834] : memref<50176x16xf32, #tpu.memory_space<vmem_shared>> -> memref<50176x16xf32, #tpu.memory_space<vmem_shared>>
        tpu.wait_indirect_dma semaphore(%run_scoped3A : memref<!tpu.dma_semaphore, #tpu.memory_space<semaphore_mem>>) src(%dma_wait3A_835 : memref<50176x16xf32, #tpu.memory_space<vmem_shared>>) dst(%dma_wait3A_832 : memref<16x16xf32, #tpu.memory_space<vmem>>)
        tpu.yield
      }) : () -> ()
      %scan3A_827 = arith.constant 0 : i32
      scf.yield %scan3A_827 : i32
    }
    %scan3A_214 = arith.constant 4 : i32
    %scan3A_215 = arith.constant 0 : i32
    %scan3A_216 = arith.constant 0 : i32
    %scan3A_217 = arith.constant 64 : i32
    %scan3A_218 = arith.addi %scan3A_216, %scan3A_217 : i32
    %scan3A_219 = arith.constant 1 : i32
    %scan3A_220 = scf.for %scan3A_816 = %scan3A_216 to %scan3A_218 step %scan3A_219 iter_args(%scan3A_817 = %scan3A_215) -> (i32)  : i32 {
      %get3A = arith.index_cast %scan3A_816 : i32 to index
      %get3A_818 = arith.constant 0 : index
      %get3A_819 = tpu.vector_load %arg17[%get3A, %get3A_818] {strides = array<i32>} : memref<64x16xf32, #tpu.memory_space<vmem>>, vector<16xf32>,
      %shift_right_arithmetic3A = arith.constant 3 : i32
      %shift_right_arithmetic3A_820 = arith.shrsi %scan3A_816, %shift_right_arithmetic3A : i32
      %and3A = arith.constant 7 : i32
      %and3A_821 = arith.andi %scan3A_816, %and3A : i32
      %mul3A_822 = arith.constant 16 : i32
      %mul3A_823 = arith.muli %and3A_821, %mul3A_822 : i32
      %swap3A = arith.index_cast %shift_right_arithmetic3A_820 : i32 to index
      %swap3A_824 = arith.index_cast %mul3A_823 : i32 to index
      %swap3A_825 = tpu.vector_load %arg18[%swap3A, %swap3A_824] {strides = array<i32>} : memref<8x128xf32, #tpu.memory_space<vmem>>, vector<16xf32>,
      tpu.vector_store %arg18[%swap3A, %swap3A_824], %get3A_819 {strides = array<i32>} : memref<8x128xf32, #tpu.memory_space<vmem>>, vector<16xf32>,
      %scan3A_826 = arith.constant 0 : i32
      scf.yield %scan3A_826 : i32
    }
    %scan3A_221 = arith.constant 64 : i32
    %add3A_222 = arith.constant 88 : i32
    %add3A_223 = arith.addi %add3A_31, %add3A_222 : i32
    "tpu.region"() ({
      %run_scoped3A = tpu.sem_alloc : memref<!tpu.dma_semaphore, #tpu.memory_space<semaphore_mem>>
      %dma_start3A = arith.constant 0 : i32
      %dma_start3A_816 = tpu.memref_slice %arg8[%add3A_223, %dma_start3A] : memref<12544x128xf32, #tpu.memory_space<hbm>> -> memref<8x128xf32, #tpu.memory_space<hbm>>
      %dma_start3A_817 = arith.constant 0 : i32
      %dma_start3A_818 = tpu.memref_slice %arg8[%add3A_223, %dma_start3A_817] : memref<12544x128xf32, #tpu.memory_space<hbm>> -> memref<8x128xf32, #tpu.memory_space<hbm>>
      tpu.enqueue_dma source(%arg18 : memref<8x128xf32, #tpu.memory_space<vmem>>) target(%dma_start3A_818 : memref<8x128xf32, #tpu.memory_space<hbm>>) target_semaphore(%run_scoped3A : memref<!tpu.dma_semaphore, #tpu.memory_space<semaphore_mem>>)
      %dma_wait3A = arith.constant 0 : i32
      %dma_wait3A_819 = tpu.memref_slice %arg8[%add3A_223, %dma_wait3A] : memref<12544x128xf32, #tpu.memory_space<hbm>> -> memref<8x128xf32, #tpu.memory_space<hbm>>
      %dma_wait3A_820 = arith.constant 0 : i32
      %dma_wait3A_821 = tpu.memref_slice %arg8[%add3A_223, %dma_wait3A_820] : memref<12544x128xf32, #tpu.memory_space<hbm>> -> memref<8x128xf32, #tpu.memory_space<hbm>>
      tpu.wait_dma2 semaphore(%run_scoped3A : memref<!tpu.dma_semaphore, #tpu.memory_space<semaphore_mem>>) src(%arg18 : memref<8x128xf32, #tpu.memory_space<vmem>>) dst(%dma_wait3A_821 : memref<8x128xf32, #tpu.memory_space<hbm>>)
      tpu.yield
    }) : () -> ()
    %scan3A_224 = arith.constant 0 : i32
    %scan3A_225 = arith.constant 0 : i32
    %scan3A_226 = arith.constant 4 : i32
    %scan3A_227 = arith.addi %scan3A_225, %scan3A_226 : i32
    %scan3A_228 = arith.constant 1 : i32
    %scan3A_229 = scf.for %scan3A_816 = %scan3A_225 to %scan3A_227 step %scan3A_228 iter_args(%scan3A_817 = %scan3A_224) -> (i32)  : i32 {
      %add3A_818 = arith.constant 768 : i32
      %add3A_819 = arith.addi %mul3A_11, %add3A_818 : i32
      %mul3A_820 = arith.constant 16 : i32
      %mul3A_821 = arith.muli %scan3A_816, %mul3A_820 : i32
      %add3A_822 = arith.addi %add3A_819, %mul3A_821 : i32
      %add3A_823 = vector.broadcast %add3A_822 : i32 to vector<16xi32>
      %add3A_824 = arith.addi %add3A_823, %iota3A : vector<16xi32>
      %mul3A_825 = arith.constant 16 : i32
      %mul3A_826 = arith.muli %scan3A_816, %mul3A_825 : i32
      "tpu.region"() ({
        %run_scoped3A = tpu.sem_alloc : memref<!tpu.dma_semaphore, #tpu.memory_space<semaphore_mem>>
        %dma_start3A = arith.constant 0 : i32
        %dma_start3A_828 = tpu.memref_slice %arg17[%mul3A_826, %dma_start3A] : memref<64x16xf32, #tpu.memory_space<vmem>> -> memref<16x16xf32, #tpu.memory_space<vmem>>
        %dma_start3A_829 = arith.constant 0 : i32
        %dma_start3A_830 = arith.constant 0 : i32
        %dma_start3A_831 = tpu.memref_slice %arg20[%dma_start3A_829, %dma_start3A_830] : memref<50176x16xf32, #tpu.memory_space<vmem_shared>> -> memref<50176x16xf32, #tpu.memory_space<vmem_shared>>
        tpu.enqueue_indirect_dma source(%dma_start3A_831 : memref<50176x16xf32, #tpu.memory_space<vmem_shared>>) target(%dma_start3A_828 : memref<16x16xf32, #tpu.memory_space<vmem>>) offsets(%add3A_824 : vector<16xi32>) semaphore(%run_scoped3A : memref<!tpu.dma_semaphore, #tpu.memory_space<semaphore_mem>>)
        %dma_wait3A = arith.constant 0 : i32
        %dma_wait3A_832 = tpu.memref_slice %arg17[%mul3A_826, %dma_wait3A] : memref<64x16xf32, #tpu.memory_space<vmem>> -> memref<16x16xf32, #tpu.memory_space<vmem>>
        %dma_wait3A_833 = arith.constant 0 : i32
        %dma_wait3A_834 = arith.constant 0 : i32
        %dma_wait3A_835 = tpu.memref_slice %arg20[%dma_wait3A_833, %dma_wait3A_834] : memref<50176x16xf32, #tpu.memory_space<vmem_shared>> -> memref<50176x16xf32, #tpu.memory_space<vmem_shared>>
        tpu.wait_indirect_dma semaphore(%run_scoped3A : memref<!tpu.dma_semaphore, #tpu.memory_space<semaphore_mem>>) src(%dma_wait3A_835 : memref<50176x16xf32, #tpu.memory_space<vmem_shared>>) dst(%dma_wait3A_832 : memref<16x16xf32, #tpu.memory_space<vmem>>)
        tpu.yield
      }) : () -> ()
      %scan3A_827 = arith.constant 0 : i32
      scf.yield %scan3A_827 : i32
    }
    %scan3A_230 = arith.constant 4 : i32
    %scan3A_231 = arith.constant 0 : i32
    %scan3A_232 = arith.constant 0 : i32
    %scan3A_233 = arith.constant 64 : i32
    %scan3A_234 = arith.addi %scan3A_232, %scan3A_233 : i32
    %scan3A_235 = arith.constant 1 : i32
    %scan3A_236 = scf.for %scan3A_816 = %scan3A_232 to %scan3A_234 step %scan3A_235 iter_args(%scan3A_817 = %scan3A_231) -> (i32)  : i32 {
      %get3A = arith.index_cast %scan3A_816 : i32 to index
      %get3A_818 = arith.constant 0 : index
      %get3A_819 = tpu.vector_load %arg17[%get3A, %get3A_818] {strides = array<i32>} : memref<64x16xf32, #tpu.memory_space<vmem>>, vector<16xf32>,
      %shift_right_arithmetic3A = arith.constant 3 : i32
      %shift_right_arithmetic3A_820 = arith.shrsi %scan3A_816, %shift_right_arithmetic3A : i32
      %and3A = arith.constant 7 : i32
      %and3A_821 = arith.andi %scan3A_816, %and3A : i32
      %mul3A_822 = arith.constant 16 : i32
      %mul3A_823 = arith.muli %and3A_821, %mul3A_822 : i32
      %swap3A = arith.index_cast %shift_right_arithmetic3A_820 : i32 to index
      %swap3A_824 = arith.index_cast %mul3A_823 : i32 to index
      %swap3A_825 = tpu.vector_load %arg18[%swap3A, %swap3A_824] {strides = array<i32>} : memref<8x128xf32, #tpu.memory_space<vmem>>, vector<16xf32>,
      tpu.vector_store %arg18[%swap3A, %swap3A_824], %get3A_819 {strides = array<i32>} : memref<8x128xf32, #tpu.memory_space<vmem>>, vector<16xf32>,
      %scan3A_826 = arith.constant 0 : i32
      scf.yield %scan3A_826 : i32
    }
    %scan3A_237 = arith.constant 64 : i32
    %add3A_238 = arith.constant 96 : i32
    %add3A_239 = arith.addi %add3A_31, %add3A_238 : i32
    "tpu.region"() ({
      %run_scoped3A = tpu.sem_alloc : memref<!tpu.dma_semaphore, #tpu.memory_space<semaphore_mem>>
      %dma_start3A = arith.constant 0 : i32
      %dma_start3A_816 = tpu.memref_slice %arg8[%add3A_239, %dma_start3A] : memref<12544x128xf32, #tpu.memory_space<hbm>> -> memref<8x128xf32, #tpu.memory_space<hbm>>
      %dma_start3A_817 = arith.constant 0 : i32
      %dma_start3A_818 = tpu.memref_slice %arg8[%add3A_239, %dma_start3A_817] : memref<12544x128xf32, #tpu.memory_space<hbm>> -> memref<8x128xf32, #tpu.memory_space<hbm>>
      tpu.enqueue_dma source(%arg18 : memref<8x128xf32, #tpu.memory_space<vmem>>) target(%dma_start3A_818 : memref<8x128xf32, #tpu.memory_space<hbm>>) target_semaphore(%run_scoped3A : memref<!tpu.dma_semaphore, #tpu.memory_space<semaphore_mem>>)
      %dma_wait3A = arith.constant 0 : i32
      %dma_wait3A_819 = tpu.memref_slice %arg8[%add3A_239, %dma_wait3A] : memref<12544x128xf32, #tpu.memory_space<hbm>> -> memref<8x128xf32, #tpu.memory_space<hbm>>
      %dma_wait3A_820 = arith.constant 0 : i32
      %dma_wait3A_821 = tpu.memref_slice %arg8[%add3A_239, %dma_wait3A_820] : memref<12544x128xf32, #tpu.memory_space<hbm>> -> memref<8x128xf32, #tpu.memory_space<hbm>>
      tpu.wait_dma2 semaphore(%run_scoped3A : memref<!tpu.dma_semaphore, #tpu.memory_space<semaphore_mem>>) src(%arg18 : memref<8x128xf32, #tpu.memory_space<vmem>>) dst(%dma_wait3A_821 : memref<8x128xf32, #tpu.memory_space<hbm>>)
      tpu.yield
    }) : () -> ()
    %scan3A_240 = arith.constant 0 : i32
    %scan3A_241 = arith.constant 0 : i32
    %scan3A_242 = arith.constant 4 : i32
    %scan3A_243 = arith.addi %scan3A_241, %scan3A_242 : i32
    %scan3A_244 = arith.constant 1 : i32
    %scan3A_245 = scf.for %scan3A_816 = %scan3A_241 to %scan3A_243 step %scan3A_244 iter_args(%scan3A_817 = %scan3A_240) -> (i32)  : i32 {
      %add3A_818 = arith.constant 832 : i32
      %add3A_819 = arith.addi %mul3A_11, %add3A_818 : i32
      %mul3A_820 = arith.constant 16 : i32
      %mul3A_821 = arith.muli %scan3A_816, %mul3A_820 : i32
      %add3A_822 = arith.addi %add3A_819, %mul3A_821 : i32
      %add3A_823 = vector.broadcast %add3A_822 : i32 to vector<16xi32>
      %add3A_824 = arith.addi %add3A_823, %iota3A : vector<16xi32>
      %mul3A_825 = arith.constant 16 : i32
      %mul3A_826 = arith.muli %scan3A_816, %mul3A_825 : i32
      "tpu.region"() ({
        %run_scoped3A = tpu.sem_alloc : memref<!tpu.dma_semaphore, #tpu.memory_space<semaphore_mem>>
        %dma_start3A = arith.constant 0 : i32
        %dma_start3A_828 = tpu.memref_slice %arg17[%mul3A_826, %dma_start3A] : memref<64x16xf32, #tpu.memory_space<vmem>> -> memref<16x16xf32, #tpu.memory_space<vmem>>
        %dma_start3A_829 = arith.constant 0 : i32
        %dma_start3A_830 = arith.constant 0 : i32
        %dma_start3A_831 = tpu.memref_slice %arg20[%dma_start3A_829, %dma_start3A_830] : memref<50176x16xf32, #tpu.memory_space<vmem_shared>> -> memref<50176x16xf32, #tpu.memory_space<vmem_shared>>
        tpu.enqueue_indirect_dma source(%dma_start3A_831 : memref<50176x16xf32, #tpu.memory_space<vmem_shared>>) target(%dma_start3A_828 : memref<16x16xf32, #tpu.memory_space<vmem>>) offsets(%add3A_824 : vector<16xi32>) semaphore(%run_scoped3A : memref<!tpu.dma_semaphore, #tpu.memory_space<semaphore_mem>>)
        %dma_wait3A = arith.constant 0 : i32
        %dma_wait3A_832 = tpu.memref_slice %arg17[%mul3A_826, %dma_wait3A] : memref<64x16xf32, #tpu.memory_space<vmem>> -> memref<16x16xf32, #tpu.memory_space<vmem>>
        %dma_wait3A_833 = arith.constant 0 : i32
        %dma_wait3A_834 = arith.constant 0 : i32
        %dma_wait3A_835 = tpu.memref_slice %arg20[%dma_wait3A_833, %dma_wait3A_834] : memref<50176x16xf32, #tpu.memory_space<vmem_shared>> -> memref<50176x16xf32, #tpu.memory_space<vmem_shared>>
        tpu.wait_indirect_dma semaphore(%run_scoped3A : memref<!tpu.dma_semaphore, #tpu.memory_space<semaphore_mem>>) src(%dma_wait3A_835 : memref<50176x16xf32, #tpu.memory_space<vmem_shared>>) dst(%dma_wait3A_832 : memref<16x16xf32, #tpu.memory_space<vmem>>)
        tpu.yield
      }) : () -> ()
      %scan3A_827 = arith.constant 0 : i32
      scf.yield %scan3A_827 : i32
    }
    %scan3A_246 = arith.constant 4 : i32
    %scan3A_247 = arith.constant 0 : i32
    %scan3A_248 = arith.constant 0 : i32
    %scan3A_249 = arith.constant 64 : i32
    %scan3A_250 = arith.addi %scan3A_248, %scan3A_249 : i32
    %scan3A_251 = arith.constant 1 : i32
    %scan3A_252 = scf.for %scan3A_816 = %scan3A_248 to %scan3A_250 step %scan3A_251 iter_args(%scan3A_817 = %scan3A_247) -> (i32)  : i32 {
      %get3A = arith.index_cast %scan3A_816 : i32 to index
      %get3A_818 = arith.constant 0 : index
      %get3A_819 = tpu.vector_load %arg17[%get3A, %get3A_818] {strides = array<i32>} : memref<64x16xf32, #tpu.memory_space<vmem>>, vector<16xf32>,
      %shift_right_arithmetic3A = arith.constant 3 : i32
      %shift_right_arithmetic3A_820 = arith.shrsi %scan3A_816, %shift_right_arithmetic3A : i32
      %and3A = arith.constant 7 : i32
      %and3A_821 = arith.andi %scan3A_816, %and3A : i32
      %mul3A_822 = arith.constant 16 : i32
      %mul3A_823 = arith.muli %and3A_821, %mul3A_822 : i32
      %swap3A = arith.index_cast %shift_right_arithmetic3A_820 : i32 to index
      %swap3A_824 = arith.index_cast %mul3A_823 : i32 to index
      %swap3A_825 = tpu.vector_load %arg18[%swap3A, %swap3A_824] {strides = array<i32>} : memref<8x128xf32, #tpu.memory_space<vmem>>, vector<16xf32>,
      tpu.vector_store %arg18[%swap3A, %swap3A_824], %get3A_819 {strides = array<i32>} : memref<8x128xf32, #tpu.memory_space<vmem>>, vector<16xf32>,
      %scan3A_826 = arith.constant 0 : i32
      scf.yield %scan3A_826 : i32
    }
    %scan3A_253 = arith.constant 64 : i32
    %add3A_254 = arith.constant 104 : i32
    %add3A_255 = arith.addi %add3A_31, %add3A_254 : i32
    "tpu.region"() ({
      %run_scoped3A = tpu.sem_alloc : memref<!tpu.dma_semaphore, #tpu.memory_space<semaphore_mem>>
      %dma_start3A = arith.constant 0 : i32
      %dma_start3A_816 = tpu.memref_slice %arg8[%add3A_255, %dma_start3A] : memref<12544x128xf32, #tpu.memory_space<hbm>> -> memref<8x128xf32, #tpu.memory_space<hbm>>
      %dma_start3A_817 = arith.constant 0 : i32
      %dma_start3A_818 = tpu.memref_slice %arg8[%add3A_255, %dma_start3A_817] : memref<12544x128xf32, #tpu.memory_space<hbm>> -> memref<8x128xf32, #tpu.memory_space<hbm>>
      tpu.enqueue_dma source(%arg18 : memref<8x128xf32, #tpu.memory_space<vmem>>) target(%dma_start3A_818 : memref<8x128xf32, #tpu.memory_space<hbm>>) target_semaphore(%run_scoped3A : memref<!tpu.dma_semaphore, #tpu.memory_space<semaphore_mem>>)
      %dma_wait3A = arith.constant 0 : i32
      %dma_wait3A_819 = tpu.memref_slice %arg8[%add3A_255, %dma_wait3A] : memref<12544x128xf32, #tpu.memory_space<hbm>> -> memref<8x128xf32, #tpu.memory_space<hbm>>
      %dma_wait3A_820 = arith.constant 0 : i32
      %dma_wait3A_821 = tpu.memref_slice %arg8[%add3A_255, %dma_wait3A_820] : memref<12544x128xf32, #tpu.memory_space<hbm>> -> memref<8x128xf32, #tpu.memory_space<hbm>>
      tpu.wait_dma2 semaphore(%run_scoped3A : memref<!tpu.dma_semaphore, #tpu.memory_space<semaphore_mem>>) src(%arg18 : memref<8x128xf32, #tpu.memory_space<vmem>>) dst(%dma_wait3A_821 : memref<8x128xf32, #tpu.memory_space<hbm>>)
      tpu.yield
    }) : () -> ()
    %scan3A_256 = arith.constant 0 : i32
    %scan3A_257 = arith.constant 0 : i32
    %scan3A_258 = arith.constant 4 : i32
    %scan3A_259 = arith.addi %scan3A_257, %scan3A_258 : i32
    %scan3A_260 = arith.constant 1 : i32
    %scan3A_261 = scf.for %scan3A_816 = %scan3A_257 to %scan3A_259 step %scan3A_260 iter_args(%scan3A_817 = %scan3A_256) -> (i32)  : i32 {
      %add3A_818 = arith.constant 896 : i32
      %add3A_819 = arith.addi %mul3A_11, %add3A_818 : i32
      %mul3A_820 = arith.constant 16 : i32
      %mul3A_821 = arith.muli %scan3A_816, %mul3A_820 : i32
      %add3A_822 = arith.addi %add3A_819, %mul3A_821 : i32
      %add3A_823 = vector.broadcast %add3A_822 : i32 to vector<16xi32>
      %add3A_824 = arith.addi %add3A_823, %iota3A : vector<16xi32>
      %mul3A_825 = arith.constant 16 : i32
      %mul3A_826 = arith.muli %scan3A_816, %mul3A_825 : i32
      "tpu.region"() ({
        %run_scoped3A = tpu.sem_alloc : memref<!tpu.dma_semaphore, #tpu.memory_space<semaphore_mem>>
        %dma_start3A = arith.constant 0 : i32
        %dma_start3A_828 = tpu.memref_slice %arg17[%mul3A_826, %dma_start3A] : memref<64x16xf32, #tpu.memory_space<vmem>> -> memref<16x16xf32, #tpu.memory_space<vmem>>
        %dma_start3A_829 = arith.constant 0 : i32
        %dma_start3A_830 = arith.constant 0 : i32
        %dma_start3A_831 = tpu.memref_slice %arg20[%dma_start3A_829, %dma_start3A_830] : memref<50176x16xf32, #tpu.memory_space<vmem_shared>> -> memref<50176x16xf32, #tpu.memory_space<vmem_shared>>
        tpu.enqueue_indirect_dma source(%dma_start3A_831 : memref<50176x16xf32, #tpu.memory_space<vmem_shared>>) target(%dma_start3A_828 : memref<16x16xf32, #tpu.memory_space<vmem>>) offsets(%add3A_824 : vector<16xi32>) semaphore(%run_scoped3A : memref<!tpu.dma_semaphore, #tpu.memory_space<semaphore_mem>>)
        %dma_wait3A = arith.constant 0 : i32
        %dma_wait3A_832 = tpu.memref_slice %arg17[%mul3A_826, %dma_wait3A] : memref<64x16xf32, #tpu.memory_space<vmem>> -> memref<16x16xf32, #tpu.memory_space<vmem>>
        %dma_wait3A_833 = arith.constant 0 : i32
        %dma_wait3A_834 = arith.constant 0 : i32
        %dma_wait3A_835 = tpu.memref_slice %arg20[%dma_wait3A_833, %dma_wait3A_834] : memref<50176x16xf32, #tpu.memory_space<vmem_shared>> -> memref<50176x16xf32, #tpu.memory_space<vmem_shared>>
        tpu.wait_indirect_dma semaphore(%run_scoped3A : memref<!tpu.dma_semaphore, #tpu.memory_space<semaphore_mem>>) src(%dma_wait3A_835 : memref<50176x16xf32, #tpu.memory_space<vmem_shared>>) dst(%dma_wait3A_832 : memref<16x16xf32, #tpu.memory_space<vmem>>)
        tpu.yield
      }) : () -> ()
      %scan3A_827 = arith.constant 0 : i32
      scf.yield %scan3A_827 : i32
    }
    %scan3A_262 = arith.constant 4 : i32
    %scan3A_263 = arith.constant 0 : i32
    %scan3A_264 = arith.constant 0 : i32
    %scan3A_265 = arith.constant 64 : i32
    %scan3A_266 = arith.addi %scan3A_264, %scan3A_265 : i32
    %scan3A_267 = arith.constant 1 : i32
    %scan3A_268 = scf.for %scan3A_816 = %scan3A_264 to %scan3A_266 step %scan3A_267 iter_args(%scan3A_817 = %scan3A_263) -> (i32)  : i32 {
      %get3A = arith.index_cast %scan3A_816 : i32 to index
      %get3A_818 = arith.constant 0 : index
      %get3A_819 = tpu.vector_load %arg17[%get3A, %get3A_818] {strides = array<i32>} : memref<64x16xf32, #tpu.memory_space<vmem>>, vector<16xf32>,
      %shift_right_arithmetic3A = arith.constant 3 : i32
      %shift_right_arithmetic3A_820 = arith.shrsi %scan3A_816, %shift_right_arithmetic3A : i32
      %and3A = arith.constant 7 : i32
      %and3A_821 = arith.andi %scan3A_816, %and3A : i32
      %mul3A_822 = arith.constant 16 : i32
      %mul3A_823 = arith.muli %and3A_821, %mul3A_822 : i32
      %swap3A = arith.index_cast %shift_right_arithmetic3A_820 : i32 to index
      %swap3A_824 = arith.index_cast %mul3A_823 : i32 to index
      %swap3A_825 = tpu.vector_load %arg18[%swap3A, %swap3A_824] {strides = array<i32>} : memref<8x128xf32, #tpu.memory_space<vmem>>, vector<16xf32>,
      tpu.vector_store %arg18[%swap3A, %swap3A_824], %get3A_819 {strides = array<i32>} : memref<8x128xf32, #tpu.memory_space<vmem>>, vector<16xf32>,
      %scan3A_826 = arith.constant 0 : i32
      scf.yield %scan3A_826 : i32
    }
    %scan3A_269 = arith.constant 64 : i32
    %add3A_270 = arith.constant 112 : i32
    %add3A_271 = arith.addi %add3A_31, %add3A_270 : i32
    "tpu.region"() ({
      %run_scoped3A = tpu.sem_alloc : memref<!tpu.dma_semaphore, #tpu.memory_space<semaphore_mem>>
      %dma_start3A = arith.constant 0 : i32
      %dma_start3A_816 = tpu.memref_slice %arg8[%add3A_271, %dma_start3A] : memref<12544x128xf32, #tpu.memory_space<hbm>> -> memref<8x128xf32, #tpu.memory_space<hbm>>
      %dma_start3A_817 = arith.constant 0 : i32
      %dma_start3A_818 = tpu.memref_slice %arg8[%add3A_271, %dma_start3A_817] : memref<12544x128xf32, #tpu.memory_space<hbm>> -> memref<8x128xf32, #tpu.memory_space<hbm>>
      tpu.enqueue_dma source(%arg18 : memref<8x128xf32, #tpu.memory_space<vmem>>) target(%dma_start3A_818 : memref<8x128xf32, #tpu.memory_space<hbm>>) target_semaphore(%run_scoped3A : memref<!tpu.dma_semaphore, #tpu.memory_space<semaphore_mem>>)
      %dma_wait3A = arith.constant 0 : i32
      %dma_wait3A_819 = tpu.memref_slice %arg8[%add3A_271, %dma_wait3A] : memref<12544x128xf32, #tpu.memory_space<hbm>> -> memref<8x128xf32, #tpu.memory_space<hbm>>
      %dma_wait3A_820 = arith.constant 0 : i32
      %dma_wait3A_821 = tpu.memref_slice %arg8[%add3A_271, %dma_wait3A_820] : memref<12544x128xf32, #tpu.memory_space<hbm>> -> memref<8x128xf32, #tpu.memory_space<hbm>>
      tpu.wait_dma2 semaphore(%run_scoped3A : memref<!tpu.dma_semaphore, #tpu.memory_space<semaphore_mem>>) src(%arg18 : memref<8x128xf32, #tpu.memory_space<vmem>>) dst(%dma_wait3A_821 : memref<8x128xf32, #tpu.memory_space<hbm>>)
      tpu.yield
    }) : () -> ()
    %scan3A_272 = arith.constant 0 : i32
    %scan3A_273 = arith.constant 0 : i32
    %scan3A_274 = arith.constant 4 : i32
    %scan3A_275 = arith.addi %scan3A_273, %scan3A_274 : i32
    %scan3A_276 = arith.constant 1 : i32
    %scan3A_277 = scf.for %scan3A_816 = %scan3A_273 to %scan3A_275 step %scan3A_276 iter_args(%scan3A_817 = %scan3A_272) -> (i32)  : i32 {
      %add3A_818 = arith.constant 960 : i32
      %add3A_819 = arith.addi %mul3A_11, %add3A_818 : i32
      %mul3A_820 = arith.constant 16 : i32
      %mul3A_821 = arith.muli %scan3A_816, %mul3A_820 : i32
      %add3A_822 = arith.addi %add3A_819, %mul3A_821 : i32
      %add3A_823 = vector.broadcast %add3A_822 : i32 to vector<16xi32>
      %add3A_824 = arith.addi %add3A_823, %iota3A : vector<16xi32>
      %mul3A_825 = arith.constant 16 : i32
      %mul3A_826 = arith.muli %scan3A_816, %mul3A_825 : i32
      "tpu.region"() ({
        %run_scoped3A = tpu.sem_alloc : memref<!tpu.dma_semaphore, #tpu.memory_space<semaphore_mem>>
        %dma_start3A = arith.constant 0 : i32
        %dma_start3A_828 = tpu.memref_slice %arg17[%mul3A_826, %dma_start3A] : memref<64x16xf32, #tpu.memory_space<vmem>> -> memref<16x16xf32, #tpu.memory_space<vmem>>
        %dma_start3A_829 = arith.constant 0 : i32
        %dma_start3A_830 = arith.constant 0 : i32
        %dma_start3A_831 = tpu.memref_slice %arg20[%dma_start3A_829, %dma_start3A_830] : memref<50176x16xf32, #tpu.memory_space<vmem_shared>> -> memref<50176x16xf32, #tpu.memory_space<vmem_shared>>
        tpu.enqueue_indirect_dma source(%dma_start3A_831 : memref<50176x16xf32, #tpu.memory_space<vmem_shared>>) target(%dma_start3A_828 : memref<16x16xf32, #tpu.memory_space<vmem>>) offsets(%add3A_824 : vector<16xi32>) semaphore(%run_scoped3A : memref<!tpu.dma_semaphore, #tpu.memory_space<semaphore_mem>>)
        %dma_wait3A = arith.constant 0 : i32
        %dma_wait3A_832 = tpu.memref_slice %arg17[%mul3A_826, %dma_wait3A] : memref<64x16xf32, #tpu.memory_space<vmem>> -> memref<16x16xf32, #tpu.memory_space<vmem>>
        %dma_wait3A_833 = arith.constant 0 : i32
        %dma_wait3A_834 = arith.constant 0 : i32
        %dma_wait3A_835 = tpu.memref_slice %arg20[%dma_wait3A_833, %dma_wait3A_834] : memref<50176x16xf32, #tpu.memory_space<vmem_shared>> -> memref<50176x16xf32, #tpu.memory_space<vmem_shared>>
        tpu.wait_indirect_dma semaphore(%run_scoped3A : memref<!tpu.dma_semaphore, #tpu.memory_space<semaphore_mem>>) src(%dma_wait3A_835 : memref<50176x16xf32, #tpu.memory_space<vmem_shared>>) dst(%dma_wait3A_832 : memref<16x16xf32, #tpu.memory_space<vmem>>)
        tpu.yield
      }) : () -> ()
      %scan3A_827 = arith.constant 0 : i32
      scf.yield %scan3A_827 : i32
    }
    %scan3A_278 = arith.constant 4 : i32
    %scan3A_279 = arith.constant 0 : i32
    %scan3A_280 = arith.constant 0 : i32
    %scan3A_281 = arith.constant 64 : i32
    %scan3A_282 = arith.addi %scan3A_280, %scan3A_281 : i32
    %scan3A_283 = arith.constant 1 : i32
    %scan3A_284 = scf.for %scan3A_816 = %scan3A_280 to %scan3A_282 step %scan3A_283 iter_args(%scan3A_817 = %scan3A_279) -> (i32)  : i32 {
      %get3A = arith.index_cast %scan3A_816 : i32 to index
      %get3A_818 = arith.constant 0 : index
      %get3A_819 = tpu.vector_load %arg17[%get3A, %get3A_818] {strides = array<i32>} : memref<64x16xf32, #tpu.memory_space<vmem>>, vector<16xf32>,
      %shift_right_arithmetic3A = arith.constant 3 : i32
      %shift_right_arithmetic3A_820 = arith.shrsi %scan3A_816, %shift_right_arithmetic3A : i32
      %and3A = arith.constant 7 : i32
      %and3A_821 = arith.andi %scan3A_816, %and3A : i32
      %mul3A_822 = arith.constant 16 : i32
      %mul3A_823 = arith.muli %and3A_821, %mul3A_822 : i32
      %swap3A = arith.index_cast %shift_right_arithmetic3A_820 : i32 to index
      %swap3A_824 = arith.index_cast %mul3A_823 : i32 to index
      %swap3A_825 = tpu.vector_load %arg18[%swap3A, %swap3A_824] {strides = array<i32>} : memref<8x128xf32, #tpu.memory_space<vmem>>, vector<16xf32>,
      tpu.vector_store %arg18[%swap3A, %swap3A_824], %get3A_819 {strides = array<i32>} : memref<8x128xf32, #tpu.memory_space<vmem>>, vector<16xf32>,
      %scan3A_826 = arith.constant 0 : i32
      scf.yield %scan3A_826 : i32
    }
    %scan3A_285 = arith.constant 64 : i32
    %add3A_286 = arith.constant 120 : i32
    %add3A_287 = arith.addi %add3A_31, %add3A_286 : i32
    "tpu.region"() ({
      %run_scoped3A = tpu.sem_alloc : memref<!tpu.dma_semaphore, #tpu.memory_space<semaphore_mem>>
      %dma_start3A = arith.constant 0 : i32
      %dma_start3A_816 = tpu.memref_slice %arg8[%add3A_287, %dma_start3A] : memref<12544x128xf32, #tpu.memory_space<hbm>> -> memref<8x128xf32, #tpu.memory_space<hbm>>
      %dma_start3A_817 = arith.constant 0 : i32
      %dma_start3A_818 = tpu.memref_slice %arg8[%add3A_287, %dma_start3A_817] : memref<12544x128xf32, #tpu.memory_space<hbm>> -> memref<8x128xf32, #tpu.memory_space<hbm>>
      tpu.enqueue_dma source(%arg18 : memref<8x128xf32, #tpu.memory_space<vmem>>) target(%dma_start3A_818 : memref<8x128xf32, #tpu.memory_space<hbm>>) target_semaphore(%run_scoped3A : memref<!tpu.dma_semaphore, #tpu.memory_space<semaphore_mem>>)
      %dma_wait3A = arith.constant 0 : i32
      %dma_wait3A_819 = tpu.memref_slice %arg8[%add3A_287, %dma_wait3A] : memref<12544x128xf32, #tpu.memory_space<hbm>> -> memref<8x128xf32, #tpu.memory_space<hbm>>
      %dma_wait3A_820 = arith.constant 0 : i32
      %dma_wait3A_821 = tpu.memref_slice %arg8[%add3A_287, %dma_wait3A_820] : memref<12544x128xf32, #tpu.memory_space<hbm>> -> memref<8x128xf32, #tpu.memory_space<hbm>>
      tpu.wait_dma2 semaphore(%run_scoped3A : memref<!tpu.dma_semaphore, #tpu.memory_space<semaphore_mem>>) src(%arg18 : memref<8x128xf32, #tpu.memory_space<vmem>>) dst(%dma_wait3A_821 : memref<8x128xf32, #tpu.memory_space<hbm>>)
      tpu.yield
    }) : () -> ()
    %scan3A_288 = arith.constant 0 : i32
    %scan3A_289 = arith.constant 0 : i32
    %scan3A_290 = arith.constant 4 : i32
    %scan3A_291 = arith.addi %scan3A_289, %scan3A_290 : i32
    %scan3A_292 = arith.constant 1 : i32
    %scan3A_293 = scf.for %scan3A_816 = %scan3A_289 to %scan3A_291 step %scan3A_292 iter_args(%scan3A_817 = %scan3A_288) -> (i32)  : i32 {
      %add3A_818 = arith.constant 1024 : i32
      %add3A_819 = arith.addi %mul3A_11, %add3A_818 : i32
      %mul3A_820 = arith.constant 16 : i32
      %mul3A_821 = arith.muli %scan3A_816, %mul3A_820 : i32
      %add3A_822 = arith.addi %add3A_819, %mul3A_821 : i32
      %add3A_823 = vector.broadcast %add3A_822 : i32 to vector<16xi32>
      %add3A_824 = arith.addi %add3A_823, %iota3A : vector<16xi32>
      %mul3A_825 = arith.constant 16 : i32
      %mul3A_826 = arith.muli %scan3A_816, %mul3A_825 : i32
      "tpu.region"() ({
        %run_scoped3A = tpu.sem_alloc : memref<!tpu.dma_semaphore, #tpu.memory_space<semaphore_mem>>
        %dma_start3A = arith.constant 0 : i32
        %dma_start3A_828 = tpu.memref_slice %arg17[%mul3A_826, %dma_start3A] : memref<64x16xf32, #tpu.memory_space<vmem>> -> memref<16x16xf32, #tpu.memory_space<vmem>>
        %dma_start3A_829 = arith.constant 0 : i32
        %dma_start3A_830 = arith.constant 0 : i32
        %dma_start3A_831 = tpu.memref_slice %arg20[%dma_start3A_829, %dma_start3A_830] : memref<50176x16xf32, #tpu.memory_space<vmem_shared>> -> memref<50176x16xf32, #tpu.memory_space<vmem_shared>>
        tpu.enqueue_indirect_dma source(%dma_start3A_831 : memref<50176x16xf32, #tpu.memory_space<vmem_shared>>) target(%dma_start3A_828 : memref<16x16xf32, #tpu.memory_space<vmem>>) offsets(%add3A_824 : vector<16xi32>) semaphore(%run_scoped3A : memref<!tpu.dma_semaphore, #tpu.memory_space<semaphore_mem>>)
        %dma_wait3A = arith.constant 0 : i32
        %dma_wait3A_832 = tpu.memref_slice %arg17[%mul3A_826, %dma_wait3A] : memref<64x16xf32, #tpu.memory_space<vmem>> -> memref<16x16xf32, #tpu.memory_space<vmem>>
        %dma_wait3A_833 = arith.constant 0 : i32
        %dma_wait3A_834 = arith.constant 0 : i32
        %dma_wait3A_835 = tpu.memref_slice %arg20[%dma_wait3A_833, %dma_wait3A_834] : memref<50176x16xf32, #tpu.memory_space<vmem_shared>> -> memref<50176x16xf32, #tpu.memory_space<vmem_shared>>
        tpu.wait_indirect_dma semaphore(%run_scoped3A : memref<!tpu.dma_semaphore, #tpu.memory_space<semaphore_mem>>) src(%dma_wait3A_835 : memref<50176x16xf32, #tpu.memory_space<vmem_shared>>) dst(%dma_wait3A_832 : memref<16x16xf32, #tpu.memory_space<vmem>>)
        tpu.yield
      }) : () -> ()
      %scan3A_827 = arith.constant 0 : i32
      scf.yield %scan3A_827 : i32
    }
    %scan3A_294 = arith.constant 4 : i32
    %scan3A_295 = arith.constant 0 : i32
    %scan3A_296 = arith.constant 0 : i32
    %scan3A_297 = arith.constant 64 : i32
    %scan3A_298 = arith.addi %scan3A_296, %scan3A_297 : i32
    %scan3A_299 = arith.constant 1 : i32
    %scan3A_300 = scf.for %scan3A_816 = %scan3A_296 to %scan3A_298 step %scan3A_299 iter_args(%scan3A_817 = %scan3A_295) -> (i32)  : i32 {
      %get3A = arith.index_cast %scan3A_816 : i32 to index
      %get3A_818 = arith.constant 0 : index
      %get3A_819 = tpu.vector_load %arg17[%get3A, %get3A_818] {strides = array<i32>} : memref<64x16xf32, #tpu.memory_space<vmem>>, vector<16xf32>,
      %shift_right_arithmetic3A = arith.constant 3 : i32
      %shift_right_arithmetic3A_820 = arith.shrsi %scan3A_816, %shift_right_arithmetic3A : i32
      %and3A = arith.constant 7 : i32
      %and3A_821 = arith.andi %scan3A_816, %and3A : i32
      %mul3A_822 = arith.constant 16 : i32
      %mul3A_823 = arith.muli %and3A_821, %mul3A_822 : i32
      %swap3A = arith.index_cast %shift_right_arithmetic3A_820 : i32 to index
      %swap3A_824 = arith.index_cast %mul3A_823 : i32 to index
      %swap3A_825 = tpu.vector_load %arg18[%swap3A, %swap3A_824] {strides = array<i32>} : memref<8x128xf32, #tpu.memory_space<vmem>>, vector<16xf32>,
      tpu.vector_store %arg18[%swap3A, %swap3A_824], %get3A_819 {strides = array<i32>} : memref<8x128xf32, #tpu.memory_space<vmem>>, vector<16xf32>,
      %scan3A_826 = arith.constant 0 : i32
      scf.yield %scan3A_826 : i32
    }
    %scan3A_301 = arith.constant 64 : i32
    %add3A_302 = arith.constant 128 : i32
    %add3A_303 = arith.addi %add3A_31, %add3A_302 : i32
    "tpu.region"() ({
      %run_scoped3A = tpu.sem_alloc : memref<!tpu.dma_semaphore, #tpu.memory_space<semaphore_mem>>
      %dma_start3A = arith.constant 0 : i32
      %dma_start3A_816 = tpu.memref_slice %arg8[%add3A_303, %dma_start3A] : memref<12544x128xf32, #tpu.memory_space<hbm>> -> memref<8x128xf32, #tpu.memory_space<hbm>>
      %dma_start3A_817 = arith.constant 0 : i32
      %dma_start3A_818 = tpu.memref_slice %arg8[%add3A_303, %dma_start3A_817] : memref<12544x128xf32, #tpu.memory_space<hbm>> -> memref<8x128xf32, #tpu.memory_space<hbm>>
      tpu.enqueue_dma source(%arg18 : memref<8x128xf32, #tpu.memory_space<vmem>>) target(%dma_start3A_818 : memref<8x128xf32, #tpu.memory_space<hbm>>) target_semaphore(%run_scoped3A : memref<!tpu.dma_semaphore, #tpu.memory_space<semaphore_mem>>)
      %dma_wait3A = arith.constant 0 : i32
      %dma_wait3A_819 = tpu.memref_slice %arg8[%add3A_303, %dma_wait3A] : memref<12544x128xf32, #tpu.memory_space<hbm>> -> memref<8x128xf32, #tpu.memory_space<hbm>>
      %dma_wait3A_820 = arith.constant 0 : i32
      %dma_wait3A_821 = tpu.memref_slice %arg8[%add3A_303, %dma_wait3A_820] : memref<12544x128xf32, #tpu.memory_space<hbm>> -> memref<8x128xf32, #tpu.memory_space<hbm>>
      tpu.wait_dma2 semaphore(%run_scoped3A : memref<!tpu.dma_semaphore, #tpu.memory_space<semaphore_mem>>) src(%arg18 : memref<8x128xf32, #tpu.memory_space<vmem>>) dst(%dma_wait3A_821 : memref<8x128xf32, #tpu.memory_space<hbm>>)
      tpu.yield
    }) : () -> ()
    %scan3A_304 = arith.constant 0 : i32
    %scan3A_305 = arith.constant 0 : i32
    %scan3A_306 = arith.constant 4 : i32
    %scan3A_307 = arith.addi %scan3A_305, %scan3A_306 : i32
    %scan3A_308 = arith.constant 1 : i32
    %scan3A_309 = scf.for %scan3A_816 = %scan3A_305 to %scan3A_307 step %scan3A_308 iter_args(%scan3A_817 = %scan3A_304) -> (i32)  : i32 {
      %add3A_818 = arith.constant 1088 : i32
      %add3A_819 = arith.addi %mul3A_11, %add3A_818 : i32
      %mul3A_820 = arith.constant 16 : i32
      %mul3A_821 = arith.muli %scan3A_816, %mul3A_820 : i32
      %add3A_822 = arith.addi %add3A_819, %mul3A_821 : i32
      %add3A_823 = vector.broadcast %add3A_822 : i32 to vector<16xi32>
      %add3A_824 = arith.addi %add3A_823, %iota3A : vector<16xi32>
      %mul3A_825 = arith.constant 16 : i32
      %mul3A_826 = arith.muli %scan3A_816, %mul3A_825 : i32
      "tpu.region"() ({
        %run_scoped3A = tpu.sem_alloc : memref<!tpu.dma_semaphore, #tpu.memory_space<semaphore_mem>>
        %dma_start3A = arith.constant 0 : i32
        %dma_start3A_828 = tpu.memref_slice %arg17[%mul3A_826, %dma_start3A] : memref<64x16xf32, #tpu.memory_space<vmem>> -> memref<16x16xf32, #tpu.memory_space<vmem>>
        %dma_start3A_829 = arith.constant 0 : i32
        %dma_start3A_830 = arith.constant 0 : i32
        %dma_start3A_831 = tpu.memref_slice %arg20[%dma_start3A_829, %dma_start3A_830] : memref<50176x16xf32, #tpu.memory_space<vmem_shared>> -> memref<50176x16xf32, #tpu.memory_space<vmem_shared>>
        tpu.enqueue_indirect_dma source(%dma_start3A_831 : memref<50176x16xf32, #tpu.memory_space<vmem_shared>>) target(%dma_start3A_828 : memref<16x16xf32, #tpu.memory_space<vmem>>) offsets(%add3A_824 : vector<16xi32>) semaphore(%run_scoped3A : memref<!tpu.dma_semaphore, #tpu.memory_space<semaphore_mem>>)
        %dma_wait3A = arith.constant 0 : i32
        %dma_wait3A_832 = tpu.memref_slice %arg17[%mul3A_826, %dma_wait3A] : memref<64x16xf32, #tpu.memory_space<vmem>> -> memref<16x16xf32, #tpu.memory_space<vmem>>
        %dma_wait3A_833 = arith.constant 0 : i32
        %dma_wait3A_834 = arith.constant 0 : i32
        %dma_wait3A_835 = tpu.memref_slice %arg20[%dma_wait3A_833, %dma_wait3A_834] : memref<50176x16xf32, #tpu.memory_space<vmem_shared>> -> memref<50176x16xf32, #tpu.memory_space<vmem_shared>>
        tpu.wait_indirect_dma semaphore(%run_scoped3A : memref<!tpu.dma_semaphore, #tpu.memory_space<semaphore_mem>>) src(%dma_wait3A_835 : memref<50176x16xf32, #tpu.memory_space<vmem_shared>>) dst(%dma_wait3A_832 : memref<16x16xf32, #tpu.memory_space<vmem>>)
        tpu.yield
      }) : () -> ()
      %scan3A_827 = arith.constant 0 : i32
      scf.yield %scan3A_827 : i32
    }
    %scan3A_310 = arith.constant 4 : i32
    %scan3A_311 = arith.constant 0 : i32
    %scan3A_312 = arith.constant 0 : i32
    %scan3A_313 = arith.constant 64 : i32
    %scan3A_314 = arith.addi %scan3A_312, %scan3A_313 : i32
    %scan3A_315 = arith.constant 1 : i32
    %scan3A_316 = scf.for %scan3A_816 = %scan3A_312 to %scan3A_314 step %scan3A_315 iter_args(%scan3A_817 = %scan3A_311) -> (i32)  : i32 {
      %get3A = arith.index_cast %scan3A_816 : i32 to index
      %get3A_818 = arith.constant 0 : index
      %get3A_819 = tpu.vector_load %arg17[%get3A, %get3A_818] {strides = array<i32>} : memref<64x16xf32, #tpu.memory_space<vmem>>, vector<16xf32>,
      %shift_right_arithmetic3A = arith.constant 3 : i32
      %shift_right_arithmetic3A_820 = arith.shrsi %scan3A_816, %shift_right_arithmetic3A : i32
      %and3A = arith.constant 7 : i32
      %and3A_821 = arith.andi %scan3A_816, %and3A : i32
      %mul3A_822 = arith.constant 16 : i32
      %mul3A_823 = arith.muli %and3A_821, %mul3A_822 : i32
      %swap3A = arith.index_cast %shift_right_arithmetic3A_820 : i32 to index
      %swap3A_824 = arith.index_cast %mul3A_823 : i32 to index
      %swap3A_825 = tpu.vector_load %arg18[%swap3A, %swap3A_824] {strides = array<i32>} : memref<8x128xf32, #tpu.memory_space<vmem>>, vector<16xf32>,
      tpu.vector_store %arg18[%swap3A, %swap3A_824], %get3A_819 {strides = array<i32>} : memref<8x128xf32, #tpu.memory_space<vmem>>, vector<16xf32>,
      %scan3A_826 = arith.constant 0 : i32
      scf.yield %scan3A_826 : i32
    }
    %scan3A_317 = arith.constant 64 : i32
    %add3A_318 = arith.constant 136 : i32
    %add3A_319 = arith.addi %add3A_31, %add3A_318 : i32
    "tpu.region"() ({
      %run_scoped3A = tpu.sem_alloc : memref<!tpu.dma_semaphore, #tpu.memory_space<semaphore_mem>>
      %dma_start3A = arith.constant 0 : i32
      %dma_start3A_816 = tpu.memref_slice %arg8[%add3A_319, %dma_start3A] : memref<12544x128xf32, #tpu.memory_space<hbm>> -> memref<8x128xf32, #tpu.memory_space<hbm>>
      %dma_start3A_817 = arith.constant 0 : i32
      %dma_start3A_818 = tpu.memref_slice %arg8[%add3A_319, %dma_start3A_817] : memref<12544x128xf32, #tpu.memory_space<hbm>> -> memref<8x128xf32, #tpu.memory_space<hbm>>
      tpu.enqueue_dma source(%arg18 : memref<8x128xf32, #tpu.memory_space<vmem>>) target(%dma_start3A_818 : memref<8x128xf32, #tpu.memory_space<hbm>>) target_semaphore(%run_scoped3A : memref<!tpu.dma_semaphore, #tpu.memory_space<semaphore_mem>>)
      %dma_wait3A = arith.constant 0 : i32
      %dma_wait3A_819 = tpu.memref_slice %arg8[%add3A_319, %dma_wait3A] : memref<12544x128xf32, #tpu.memory_space<hbm>> -> memref<8x128xf32, #tpu.memory_space<hbm>>
      %dma_wait3A_820 = arith.constant 0 : i32
      %dma_wait3A_821 = tpu.memref_slice %arg8[%add3A_319, %dma_wait3A_820] : memref<12544x128xf32, #tpu.memory_space<hbm>> -> memref<8x128xf32, #tpu.memory_space<hbm>>
      tpu.wait_dma2 semaphore(%run_scoped3A : memref<!tpu.dma_semaphore, #tpu.memory_space<semaphore_mem>>) src(%arg18 : memref<8x128xf32, #tpu.memory_space<vmem>>) dst(%dma_wait3A_821 : memref<8x128xf32, #tpu.memory_space<hbm>>)
      tpu.yield
    }) : () -> ()
    %scan3A_320 = arith.constant 0 : i32
    %scan3A_321 = arith.constant 0 : i32
    %scan3A_322 = arith.constant 4 : i32
    %scan3A_323 = arith.addi %scan3A_321, %scan3A_322 : i32
    %scan3A_324 = arith.constant 1 : i32
    %scan3A_325 = scf.for %scan3A_816 = %scan3A_321 to %scan3A_323 step %scan3A_324 iter_args(%scan3A_817 = %scan3A_320) -> (i32)  : i32 {
      %add3A_818 = arith.constant 1152 : i32
      %add3A_819 = arith.addi %mul3A_11, %add3A_818 : i32
      %mul3A_820 = arith.constant 16 : i32
      %mul3A_821 = arith.muli %scan3A_816, %mul3A_820 : i32
      %add3A_822 = arith.addi %add3A_819, %mul3A_821 : i32
      %add3A_823 = vector.broadcast %add3A_822 : i32 to vector<16xi32>
      %add3A_824 = arith.addi %add3A_823, %iota3A : vector<16xi32>
      %mul3A_825 = arith.constant 16 : i32
      %mul3A_826 = arith.muli %scan3A_816, %mul3A_825 : i32
      "tpu.region"() ({
        %run_scoped3A = tpu.sem_alloc : memref<!tpu.dma_semaphore, #tpu.memory_space<semaphore_mem>>
        %dma_start3A = arith.constant 0 : i32
        %dma_start3A_828 = tpu.memref_slice %arg17[%mul3A_826, %dma_start3A] : memref<64x16xf32, #tpu.memory_space<vmem>> -> memref<16x16xf32, #tpu.memory_space<vmem>>
        %dma_start3A_829 = arith.constant 0 : i32
        %dma_start3A_830 = arith.constant 0 : i32
        %dma_start3A_831 = tpu.memref_slice %arg20[%dma_start3A_829, %dma_start3A_830] : memref<50176x16xf32, #tpu.memory_space<vmem_shared>> -> memref<50176x16xf32, #tpu.memory_space<vmem_shared>>
        tpu.enqueue_indirect_dma source(%dma_start3A_831 : memref<50176x16xf32, #tpu.memory_space<vmem_shared>>) target(%dma_start3A_828 : memref<16x16xf32, #tpu.memory_space<vmem>>) offsets(%add3A_824 : vector<16xi32>) semaphore(%run_scoped3A : memref<!tpu.dma_semaphore, #tpu.memory_space<semaphore_mem>>)
        %dma_wait3A = arith.constant 0 : i32
        %dma_wait3A_832 = tpu.memref_slice %arg17[%mul3A_826, %dma_wait3A] : memref<64x16xf32, #tpu.memory_space<vmem>> -> memref<16x16xf32, #tpu.memory_space<vmem>>
        %dma_wait3A_833 = arith.constant 0 : i32
        %dma_wait3A_834 = arith.constant 0 : i32
        %dma_wait3A_835 = tpu.memref_slice %arg20[%dma_wait3A_833, %dma_wait3A_834] : memref<50176x16xf32, #tpu.memory_space<vmem_shared>> -> memref<50176x16xf32, #tpu.memory_space<vmem_shared>>
        tpu.wait_indirect_dma semaphore(%run_scoped3A : memref<!tpu.dma_semaphore, #tpu.memory_space<semaphore_mem>>) src(%dma_wait3A_835 : memref<50176x16xf32, #tpu.memory_space<vmem_shared>>) dst(%dma_wait3A_832 : memref<16x16xf32, #tpu.memory_space<vmem>>)
        tpu.yield
      }) : () -> ()
      %scan3A_827 = arith.constant 0 : i32
      scf.yield %scan3A_827 : i32
    }
    %scan3A_326 = arith.constant 4 : i32
    %scan3A_327 = arith.constant 0 : i32
    %scan3A_328 = arith.constant 0 : i32
    %scan3A_329 = arith.constant 64 : i32
    %scan3A_330 = arith.addi %scan3A_328, %scan3A_329 : i32
    %scan3A_331 = arith.constant 1 : i32
    %scan3A_332 = scf.for %scan3A_816 = %scan3A_328 to %scan3A_330 step %scan3A_331 iter_args(%scan3A_817 = %scan3A_327) -> (i32)  : i32 {
      %get3A = arith.index_cast %scan3A_816 : i32 to index
      %get3A_818 = arith.constant 0 : index
      %get3A_819 = tpu.vector_load %arg17[%get3A, %get3A_818] {strides = array<i32>} : memref<64x16xf32, #tpu.memory_space<vmem>>, vector<16xf32>,
      %shift_right_arithmetic3A = arith.constant 3 : i32
      %shift_right_arithmetic3A_820 = arith.shrsi %scan3A_816, %shift_right_arithmetic3A : i32
      %and3A = arith.constant 7 : i32
      %and3A_821 = arith.andi %scan3A_816, %and3A : i32
      %mul3A_822 = arith.constant 16 : i32
      %mul3A_823 = arith.muli %and3A_821, %mul3A_822 : i32
      %swap3A = arith.index_cast %shift_right_arithmetic3A_820 : i32 to index
      %swap3A_824 = arith.index_cast %mul3A_823 : i32 to index
      %swap3A_825 = tpu.vector_load %arg18[%swap3A, %swap3A_824] {strides = array<i32>} : memref<8x128xf32, #tpu.memory_space<vmem>>, vector<16xf32>,
      tpu.vector_store %arg18[%swap3A, %swap3A_824], %get3A_819 {strides = array<i32>} : memref<8x128xf32, #tpu.memory_space<vmem>>, vector<16xf32>,
      %scan3A_826 = arith.constant 0 : i32
      scf.yield %scan3A_826 : i32
    }
    %scan3A_333 = arith.constant 64 : i32
    %add3A_334 = arith.constant 144 : i32
    %add3A_335 = arith.addi %add3A_31, %add3A_334 : i32
    "tpu.region"() ({
      %run_scoped3A = tpu.sem_alloc : memref<!tpu.dma_semaphore, #tpu.memory_space<semaphore_mem>>
      %dma_start3A = arith.constant 0 : i32
      %dma_start3A_816 = tpu.memref_slice %arg8[%add3A_335, %dma_start3A] : memref<12544x128xf32, #tpu.memory_space<hbm>> -> memref<8x128xf32, #tpu.memory_space<hbm>>
      %dma_start3A_817 = arith.constant 0 : i32
      %dma_start3A_818 = tpu.memref_slice %arg8[%add3A_335, %dma_start3A_817] : memref<12544x128xf32, #tpu.memory_space<hbm>> -> memref<8x128xf32, #tpu.memory_space<hbm>>
      tpu.enqueue_dma source(%arg18 : memref<8x128xf32, #tpu.memory_space<vmem>>) target(%dma_start3A_818 : memref<8x128xf32, #tpu.memory_space<hbm>>) target_semaphore(%run_scoped3A : memref<!tpu.dma_semaphore, #tpu.memory_space<semaphore_mem>>)
      %dma_wait3A = arith.constant 0 : i32
      %dma_wait3A_819 = tpu.memref_slice %arg8[%add3A_335, %dma_wait3A] : memref<12544x128xf32, #tpu.memory_space<hbm>> -> memref<8x128xf32, #tpu.memory_space<hbm>>
      %dma_wait3A_820 = arith.constant 0 : i32
      %dma_wait3A_821 = tpu.memref_slice %arg8[%add3A_335, %dma_wait3A_820] : memref<12544x128xf32, #tpu.memory_space<hbm>> -> memref<8x128xf32, #tpu.memory_space<hbm>>
      tpu.wait_dma2 semaphore(%run_scoped3A : memref<!tpu.dma_semaphore, #tpu.memory_space<semaphore_mem>>) src(%arg18 : memref<8x128xf32, #tpu.memory_space<vmem>>) dst(%dma_wait3A_821 : memref<8x128xf32, #tpu.memory_space<hbm>>)
      tpu.yield
    }) : () -> ()
    %scan3A_336 = arith.constant 0 : i32
    %scan3A_337 = arith.constant 0 : i32
    %scan3A_338 = arith.constant 4 : i32
    %scan3A_339 = arith.addi %scan3A_337, %scan3A_338 : i32
    %scan3A_340 = arith.constant 1 : i32
    %scan3A_341 = scf.for %scan3A_816 = %scan3A_337 to %scan3A_339 step %scan3A_340 iter_args(%scan3A_817 = %scan3A_336) -> (i32)  : i32 {
      %add3A_818 = arith.constant 1216 : i32
      %add3A_819 = arith.addi %mul3A_11, %add3A_818 : i32
      %mul3A_820 = arith.constant 16 : i32
      %mul3A_821 = arith.muli %scan3A_816, %mul3A_820 : i32
      %add3A_822 = arith.addi %add3A_819, %mul3A_821 : i32
      %add3A_823 = vector.broadcast %add3A_822 : i32 to vector<16xi32>
      %add3A_824 = arith.addi %add3A_823, %iota3A : vector<16xi32>
      %mul3A_825 = arith.constant 16 : i32
      %mul3A_826 = arith.muli %scan3A_816, %mul3A_825 : i32
      "tpu.region"() ({
        %run_scoped3A = tpu.sem_alloc : memref<!tpu.dma_semaphore, #tpu.memory_space<semaphore_mem>>
        %dma_start3A = arith.constant 0 : i32
        %dma_start3A_828 = tpu.memref_slice %arg17[%mul3A_826, %dma_start3A] : memref<64x16xf32, #tpu.memory_space<vmem>> -> memref<16x16xf32, #tpu.memory_space<vmem>>
        %dma_start3A_829 = arith.constant 0 : i32
        %dma_start3A_830 = arith.constant 0 : i32
        %dma_start3A_831 = tpu.memref_slice %arg20[%dma_start3A_829, %dma_start3A_830] : memref<50176x16xf32, #tpu.memory_space<vmem_shared>> -> memref<50176x16xf32, #tpu.memory_space<vmem_shared>>
        tpu.enqueue_indirect_dma source(%dma_start3A_831 : memref<50176x16xf32, #tpu.memory_space<vmem_shared>>) target(%dma_start3A_828 : memref<16x16xf32, #tpu.memory_space<vmem>>) offsets(%add3A_824 : vector<16xi32>) semaphore(%run_scoped3A : memref<!tpu.dma_semaphore, #tpu.memory_space<semaphore_mem>>)
        %dma_wait3A = arith.constant 0 : i32
        %dma_wait3A_832 = tpu.memref_slice %arg17[%mul3A_826, %dma_wait3A] : memref<64x16xf32, #tpu.memory_space<vmem>> -> memref<16x16xf32, #tpu.memory_space<vmem>>
        %dma_wait3A_833 = arith.constant 0 : i32
        %dma_wait3A_834 = arith.constant 0 : i32
        %dma_wait3A_835 = tpu.memref_slice %arg20[%dma_wait3A_833, %dma_wait3A_834] : memref<50176x16xf32, #tpu.memory_space<vmem_shared>> -> memref<50176x16xf32, #tpu.memory_space<vmem_shared>>
        tpu.wait_indirect_dma semaphore(%run_scoped3A : memref<!tpu.dma_semaphore, #tpu.memory_space<semaphore_mem>>) src(%dma_wait3A_835 : memref<50176x16xf32, #tpu.memory_space<vmem_shared>>) dst(%dma_wait3A_832 : memref<16x16xf32, #tpu.memory_space<vmem>>)
        tpu.yield
      }) : () -> ()
      %scan3A_827 = arith.constant 0 : i32
      scf.yield %scan3A_827 : i32
    }
    %scan3A_342 = arith.constant 4 : i32
    %scan3A_343 = arith.constant 0 : i32
    %scan3A_344 = arith.constant 0 : i32
    %scan3A_345 = arith.constant 64 : i32
    %scan3A_346 = arith.addi %scan3A_344, %scan3A_345 : i32
    %scan3A_347 = arith.constant 1 : i32
    %scan3A_348 = scf.for %scan3A_816 = %scan3A_344 to %scan3A_346 step %scan3A_347 iter_args(%scan3A_817 = %scan3A_343) -> (i32)  : i32 {
      %get3A = arith.index_cast %scan3A_816 : i32 to index
      %get3A_818 = arith.constant 0 : index
      %get3A_819 = tpu.vector_load %arg17[%get3A, %get3A_818] {strides = array<i32>} : memref<64x16xf32, #tpu.memory_space<vmem>>, vector<16xf32>,
      %shift_right_arithmetic3A = arith.constant 3 : i32
      %shift_right_arithmetic3A_820 = arith.shrsi %scan3A_816, %shift_right_arithmetic3A : i32
      %and3A = arith.constant 7 : i32
      %and3A_821 = arith.andi %scan3A_816, %and3A : i32
      %mul3A_822 = arith.constant 16 : i32
      %mul3A_823 = arith.muli %and3A_821, %mul3A_822 : i32
      %swap3A = arith.index_cast %shift_right_arithmetic3A_820 : i32 to index
      %swap3A_824 = arith.index_cast %mul3A_823 : i32 to index
      %swap3A_825 = tpu.vector_load %arg18[%swap3A, %swap3A_824] {strides = array<i32>} : memref<8x128xf32, #tpu.memory_space<vmem>>, vector<16xf32>,
      tpu.vector_store %arg18[%swap3A, %swap3A_824], %get3A_819 {strides = array<i32>} : memref<8x128xf32, #tpu.memory_space<vmem>>, vector<16xf32>,
      %scan3A_826 = arith.constant 0 : i32
      scf.yield %scan3A_826 : i32
    }
    %scan3A_349 = arith.constant 64 : i32
    %add3A_350 = arith.constant 152 : i32
    %add3A_351 = arith.addi %add3A_31, %add3A_350 : i32
    "tpu.region"() ({
      %run_scoped3A = tpu.sem_alloc : memref<!tpu.dma_semaphore, #tpu.memory_space<semaphore_mem>>
      %dma_start3A = arith.constant 0 : i32
      %dma_start3A_816 = tpu.memref_slice %arg8[%add3A_351, %dma_start3A] : memref<12544x128xf32, #tpu.memory_space<hbm>> -> memref<8x128xf32, #tpu.memory_space<hbm>>
      %dma_start3A_817 = arith.constant 0 : i32
      %dma_start3A_818 = tpu.memref_slice %arg8[%add3A_351, %dma_start3A_817] : memref<12544x128xf32, #tpu.memory_space<hbm>> -> memref<8x128xf32, #tpu.memory_space<hbm>>
      tpu.enqueue_dma source(%arg18 : memref<8x128xf32, #tpu.memory_space<vmem>>) target(%dma_start3A_818 : memref<8x128xf32, #tpu.memory_space<hbm>>) target_semaphore(%run_scoped3A : memref<!tpu.dma_semaphore, #tpu.memory_space<semaphore_mem>>)
      %dma_wait3A = arith.constant 0 : i32
      %dma_wait3A_819 = tpu.memref_slice %arg8[%add3A_351, %dma_wait3A] : memref<12544x128xf32, #tpu.memory_space<hbm>> -> memref<8x128xf32, #tpu.memory_space<hbm>>
      %dma_wait3A_820 = arith.constant 0 : i32
      %dma_wait3A_821 = tpu.memref_slice %arg8[%add3A_351, %dma_wait3A_820] : memref<12544x128xf32, #tpu.memory_space<hbm>> -> memref<8x128xf32, #tpu.memory_space<hbm>>
      tpu.wait_dma2 semaphore(%run_scoped3A : memref<!tpu.dma_semaphore, #tpu.memory_space<semaphore_mem>>) src(%arg18 : memref<8x128xf32, #tpu.memory_space<vmem>>) dst(%dma_wait3A_821 : memref<8x128xf32, #tpu.memory_space<hbm>>)
      tpu.yield
    }) : () -> ()
    %scan3A_352 = arith.constant 0 : i32
    %scan3A_353 = arith.constant 0 : i32
    %scan3A_354 = arith.constant 4 : i32
    %scan3A_355 = arith.addi %scan3A_353, %scan3A_354 : i32
    %scan3A_356 = arith.constant 1 : i32
    %scan3A_357 = scf.for %scan3A_816 = %scan3A_353 to %scan3A_355 step %scan3A_356 iter_args(%scan3A_817 = %scan3A_352) -> (i32)  : i32 {
      %add3A_818 = arith.constant 1280 : i32
      %add3A_819 = arith.addi %mul3A_11, %add3A_818 : i32
      %mul3A_820 = arith.constant 16 : i32
      %mul3A_821 = arith.muli %scan3A_816, %mul3A_820 : i32
      %add3A_822 = arith.addi %add3A_819, %mul3A_821 : i32
      %add3A_823 = vector.broadcast %add3A_822 : i32 to vector<16xi32>
      %add3A_824 = arith.addi %add3A_823, %iota3A : vector<16xi32>
      %mul3A_825 = arith.constant 16 : i32
      %mul3A_826 = arith.muli %scan3A_816, %mul3A_825 : i32
      "tpu.region"() ({
        %run_scoped3A = tpu.sem_alloc : memref<!tpu.dma_semaphore, #tpu.memory_space<semaphore_mem>>
        %dma_start3A = arith.constant 0 : i32
        %dma_start3A_828 = tpu.memref_slice %arg17[%mul3A_826, %dma_start3A] : memref<64x16xf32, #tpu.memory_space<vmem>> -> memref<16x16xf32, #tpu.memory_space<vmem>>
        %dma_start3A_829 = arith.constant 0 : i32
        %dma_start3A_830 = arith.constant 0 : i32
        %dma_start3A_831 = tpu.memref_slice %arg20[%dma_start3A_829, %dma_start3A_830] : memref<50176x16xf32, #tpu.memory_space<vmem_shared>> -> memref<50176x16xf32, #tpu.memory_space<vmem_shared>>
        tpu.enqueue_indirect_dma source(%dma_start3A_831 : memref<50176x16xf32, #tpu.memory_space<vmem_shared>>) target(%dma_start3A_828 : memref<16x16xf32, #tpu.memory_space<vmem>>) offsets(%add3A_824 : vector<16xi32>) semaphore(%run_scoped3A : memref<!tpu.dma_semaphore, #tpu.memory_space<semaphore_mem>>)
        %dma_wait3A = arith.constant 0 : i32
        %dma_wait3A_832 = tpu.memref_slice %arg17[%mul3A_826, %dma_wait3A] : memref<64x16xf32, #tpu.memory_space<vmem>> -> memref<16x16xf32, #tpu.memory_space<vmem>>
        %dma_wait3A_833 = arith.constant 0 : i32
        %dma_wait3A_834 = arith.constant 0 : i32
        %dma_wait3A_835 = tpu.memref_slice %arg20[%dma_wait3A_833, %dma_wait3A_834] : memref<50176x16xf32, #tpu.memory_space<vmem_shared>> -> memref<50176x16xf32, #tpu.memory_space<vmem_shared>>
        tpu.wait_indirect_dma semaphore(%run_scoped3A : memref<!tpu.dma_semaphore, #tpu.memory_space<semaphore_mem>>) src(%dma_wait3A_835 : memref<50176x16xf32, #tpu.memory_space<vmem_shared>>) dst(%dma_wait3A_832 : memref<16x16xf32, #tpu.memory_space<vmem>>)
        tpu.yield
      }) : () -> ()
      %scan3A_827 = arith.constant 0 : i32
      scf.yield %scan3A_827 : i32
    }
    %scan3A_358 = arith.constant 4 : i32
    %scan3A_359 = arith.constant 0 : i32
    %scan3A_360 = arith.constant 0 : i32
    %scan3A_361 = arith.constant 64 : i32
    %scan3A_362 = arith.addi %scan3A_360, %scan3A_361 : i32
    %scan3A_363 = arith.constant 1 : i32
    %scan3A_364 = scf.for %scan3A_816 = %scan3A_360 to %scan3A_362 step %scan3A_363 iter_args(%scan3A_817 = %scan3A_359) -> (i32)  : i32 {
      %get3A = arith.index_cast %scan3A_816 : i32 to index
      %get3A_818 = arith.constant 0 : index
      %get3A_819 = tpu.vector_load %arg17[%get3A, %get3A_818] {strides = array<i32>} : memref<64x16xf32, #tpu.memory_space<vmem>>, vector<16xf32>,
      %shift_right_arithmetic3A = arith.constant 3 : i32
      %shift_right_arithmetic3A_820 = arith.shrsi %scan3A_816, %shift_right_arithmetic3A : i32
      %and3A = arith.constant 7 : i32
      %and3A_821 = arith.andi %scan3A_816, %and3A : i32
      %mul3A_822 = arith.constant 16 : i32
      %mul3A_823 = arith.muli %and3A_821, %mul3A_822 : i32
      %swap3A = arith.index_cast %shift_right_arithmetic3A_820 : i32 to index
      %swap3A_824 = arith.index_cast %mul3A_823 : i32 to index
      %swap3A_825 = tpu.vector_load %arg18[%swap3A, %swap3A_824] {strides = array<i32>} : memref<8x128xf32, #tpu.memory_space<vmem>>, vector<16xf32>,
      tpu.vector_store %arg18[%swap3A, %swap3A_824], %get3A_819 {strides = array<i32>} : memref<8x128xf32, #tpu.memory_space<vmem>>, vector<16xf32>,
      %scan3A_826 = arith.constant 0 : i32
      scf.yield %scan3A_826 : i32
    }
    %scan3A_365 = arith.constant 64 : i32
    %add3A_366 = arith.constant 160 : i32
    %add3A_367 = arith.addi %add3A_31, %add3A_366 : i32
    "tpu.region"() ({
      %run_scoped3A = tpu.sem_alloc : memref<!tpu.dma_semaphore, #tpu.memory_space<semaphore_mem>>
      %dma_start3A = arith.constant 0 : i32
      %dma_start3A_816 = tpu.memref_slice %arg8[%add3A_367, %dma_start3A] : memref<12544x128xf32, #tpu.memory_space<hbm>> -> memref<8x128xf32, #tpu.memory_space<hbm>>
      %dma_start3A_817 = arith.constant 0 : i32
      %dma_start3A_818 = tpu.memref_slice %arg8[%add3A_367, %dma_start3A_817] : memref<12544x128xf32, #tpu.memory_space<hbm>> -> memref<8x128xf32, #tpu.memory_space<hbm>>
      tpu.enqueue_dma source(%arg18 : memref<8x128xf32, #tpu.memory_space<vmem>>) target(%dma_start3A_818 : memref<8x128xf32, #tpu.memory_space<hbm>>) target_semaphore(%run_scoped3A : memref<!tpu.dma_semaphore, #tpu.memory_space<semaphore_mem>>)
      %dma_wait3A = arith.constant 0 : i32
      %dma_wait3A_819 = tpu.memref_slice %arg8[%add3A_367, %dma_wait3A] : memref<12544x128xf32, #tpu.memory_space<hbm>> -> memref<8x128xf32, #tpu.memory_space<hbm>>
      %dma_wait3A_820 = arith.constant 0 : i32
      %dma_wait3A_821 = tpu.memref_slice %arg8[%add3A_367, %dma_wait3A_820] : memref<12544x128xf32, #tpu.memory_space<hbm>> -> memref<8x128xf32, #tpu.memory_space<hbm>>
      tpu.wait_dma2 semaphore(%run_scoped3A : memref<!tpu.dma_semaphore, #tpu.memory_space<semaphore_mem>>) src(%arg18 : memref<8x128xf32, #tpu.memory_space<vmem>>) dst(%dma_wait3A_821 : memref<8x128xf32, #tpu.memory_space<hbm>>)
      tpu.yield
    }) : () -> ()
    %scan3A_368 = arith.constant 0 : i32
    %scan3A_369 = arith.constant 0 : i32
    %scan3A_370 = arith.constant 4 : i32
    %scan3A_371 = arith.addi %scan3A_369, %scan3A_370 : i32
    %scan3A_372 = arith.constant 1 : i32
    %scan3A_373 = scf.for %scan3A_816 = %scan3A_369 to %scan3A_371 step %scan3A_372 iter_args(%scan3A_817 = %scan3A_368) -> (i32)  : i32 {
      %add3A_818 = arith.constant 1344 : i32
      %add3A_819 = arith.addi %mul3A_11, %add3A_818 : i32
      %mul3A_820 = arith.constant 16 : i32
      %mul3A_821 = arith.muli %scan3A_816, %mul3A_820 : i32
      %add3A_822 = arith.addi %add3A_819, %mul3A_821 : i32
      %add3A_823 = vector.broadcast %add3A_822 : i32 to vector<16xi32>
      %add3A_824 = arith.addi %add3A_823, %iota3A : vector<16xi32>
      %mul3A_825 = arith.constant 16 : i32
      %mul3A_826 = arith.muli %scan3A_816, %mul3A_825 : i32
      "tpu.region"() ({
        %run_scoped3A = tpu.sem_alloc : memref<!tpu.dma_semaphore, #tpu.memory_space<semaphore_mem>>
        %dma_start3A = arith.constant 0 : i32
        %dma_start3A_828 = tpu.memref_slice %arg17[%mul3A_826, %dma_start3A] : memref<64x16xf32, #tpu.memory_space<vmem>> -> memref<16x16xf32, #tpu.memory_space<vmem>>
        %dma_start3A_829 = arith.constant 0 : i32
        %dma_start3A_830 = arith.constant 0 : i32
        %dma_start3A_831 = tpu.memref_slice %arg20[%dma_start3A_829, %dma_start3A_830] : memref<50176x16xf32, #tpu.memory_space<vmem_shared>> -> memref<50176x16xf32, #tpu.memory_space<vmem_shared>>
        tpu.enqueue_indirect_dma source(%dma_start3A_831 : memref<50176x16xf32, #tpu.memory_space<vmem_shared>>) target(%dma_start3A_828 : memref<16x16xf32, #tpu.memory_space<vmem>>) offsets(%add3A_824 : vector<16xi32>) semaphore(%run_scoped3A : memref<!tpu.dma_semaphore, #tpu.memory_space<semaphore_mem>>)
        %dma_wait3A = arith.constant 0 : i32
        %dma_wait3A_832 = tpu.memref_slice %arg17[%mul3A_826, %dma_wait3A] : memref<64x16xf32, #tpu.memory_space<vmem>> -> memref<16x16xf32, #tpu.memory_space<vmem>>
        %dma_wait3A_833 = arith.constant 0 : i32
        %dma_wait3A_834 = arith.constant 0 : i32
        %dma_wait3A_835 = tpu.memref_slice %arg20[%dma_wait3A_833, %dma_wait3A_834] : memref<50176x16xf32, #tpu.memory_space<vmem_shared>> -> memref<50176x16xf32, #tpu.memory_space<vmem_shared>>
        tpu.wait_indirect_dma semaphore(%run_scoped3A : memref<!tpu.dma_semaphore, #tpu.memory_space<semaphore_mem>>) src(%dma_wait3A_835 : memref<50176x16xf32, #tpu.memory_space<vmem_shared>>) dst(%dma_wait3A_832 : memref<16x16xf32, #tpu.memory_space<vmem>>)
        tpu.yield
      }) : () -> ()
      %scan3A_827 = arith.constant 0 : i32
      scf.yield %scan3A_827 : i32
    }
    %scan3A_374 = arith.constant 4 : i32
    %scan3A_375 = arith.constant 0 : i32
    %scan3A_376 = arith.constant 0 : i32
    %scan3A_377 = arith.constant 64 : i32
    %scan3A_378 = arith.addi %scan3A_376, %scan3A_377 : i32
    %scan3A_379 = arith.constant 1 : i32
    %scan3A_380 = scf.for %scan3A_816 = %scan3A_376 to %scan3A_378 step %scan3A_379 iter_args(%scan3A_817 = %scan3A_375) -> (i32)  : i32 {
      %get3A = arith.index_cast %scan3A_816 : i32 to index
      %get3A_818 = arith.constant 0 : index
      %get3A_819 = tpu.vector_load %arg17[%get3A, %get3A_818] {strides = array<i32>} : memref<64x16xf32, #tpu.memory_space<vmem>>, vector<16xf32>,
      %shift_right_arithmetic3A = arith.constant 3 : i32
      %shift_right_arithmetic3A_820 = arith.shrsi %scan3A_816, %shift_right_arithmetic3A : i32
      %and3A = arith.constant 7 : i32
      %and3A_821 = arith.andi %scan3A_816, %and3A : i32
      %mul3A_822 = arith.constant 16 : i32
      %mul3A_823 = arith.muli %and3A_821, %mul3A_822 : i32
      %swap3A = arith.index_cast %shift_right_arithmetic3A_820 : i32 to index
      %swap3A_824 = arith.index_cast %mul3A_823 : i32 to index
      %swap3A_825 = tpu.vector_load %arg18[%swap3A, %swap3A_824] {strides = array<i32>} : memref<8x128xf32, #tpu.memory_space<vmem>>, vector<16xf32>,
      tpu.vector_store %arg18[%swap3A, %swap3A_824], %get3A_819 {strides = array<i32>} : memref<8x128xf32, #tpu.memory_space<vmem>>, vector<16xf32>,
      %scan3A_826 = arith.constant 0 : i32
      scf.yield %scan3A_826 : i32
    }
    %scan3A_381 = arith.constant 64 : i32
    %add3A_382 = arith.constant 168 : i32
    %add3A_383 = arith.addi %add3A_31, %add3A_382 : i32
    "tpu.region"() ({
      %run_scoped3A = tpu.sem_alloc : memref<!tpu.dma_semaphore, #tpu.memory_space<semaphore_mem>>
      %dma_start3A = arith.constant 0 : i32
      %dma_start3A_816 = tpu.memref_slice %arg8[%add3A_383, %dma_start3A] : memref<12544x128xf32, #tpu.memory_space<hbm>> -> memref<8x128xf32, #tpu.memory_space<hbm>>
      %dma_start3A_817 = arith.constant 0 : i32
      %dma_start3A_818 = tpu.memref_slice %arg8[%add3A_383, %dma_start3A_817] : memref<12544x128xf32, #tpu.memory_space<hbm>> -> memref<8x128xf32, #tpu.memory_space<hbm>>
      tpu.enqueue_dma source(%arg18 : memref<8x128xf32, #tpu.memory_space<vmem>>) target(%dma_start3A_818 : memref<8x128xf32, #tpu.memory_space<hbm>>) target_semaphore(%run_scoped3A : memref<!tpu.dma_semaphore, #tpu.memory_space<semaphore_mem>>)
      %dma_wait3A = arith.constant 0 : i32
      %dma_wait3A_819 = tpu.memref_slice %arg8[%add3A_383, %dma_wait3A] : memref<12544x128xf32, #tpu.memory_space<hbm>> -> memref<8x128xf32, #tpu.memory_space<hbm>>
      %dma_wait3A_820 = arith.constant 0 : i32
      %dma_wait3A_821 = tpu.memref_slice %arg8[%add3A_383, %dma_wait3A_820] : memref<12544x128xf32, #tpu.memory_space<hbm>> -> memref<8x128xf32, #tpu.memory_space<hbm>>
      tpu.wait_dma2 semaphore(%run_scoped3A : memref<!tpu.dma_semaphore, #tpu.memory_space<semaphore_mem>>) src(%arg18 : memref<8x128xf32, #tpu.memory_space<vmem>>) dst(%dma_wait3A_821 : memref<8x128xf32, #tpu.memory_space<hbm>>)
      tpu.yield
    }) : () -> ()
    %scan3A_384 = arith.constant 0 : i32
    %scan3A_385 = arith.constant 0 : i32
    %scan3A_386 = arith.constant 4 : i32
    %scan3A_387 = arith.addi %scan3A_385, %scan3A_386 : i32
    %scan3A_388 = arith.constant 1 : i32
    %scan3A_389 = scf.for %scan3A_816 = %scan3A_385 to %scan3A_387 step %scan3A_388 iter_args(%scan3A_817 = %scan3A_384) -> (i32)  : i32 {
      %add3A_818 = arith.constant 1408 : i32
      %add3A_819 = arith.addi %mul3A_11, %add3A_818 : i32
      %mul3A_820 = arith.constant 16 : i32
      %mul3A_821 = arith.muli %scan3A_816, %mul3A_820 : i32
      %add3A_822 = arith.addi %add3A_819, %mul3A_821 : i32
      %add3A_823 = vector.broadcast %add3A_822 : i32 to vector<16xi32>
      %add3A_824 = arith.addi %add3A_823, %iota3A : vector<16xi32>
      %mul3A_825 = arith.constant 16 : i32
      %mul3A_826 = arith.muli %scan3A_816, %mul3A_825 : i32
      "tpu.region"() ({
        %run_scoped3A = tpu.sem_alloc : memref<!tpu.dma_semaphore, #tpu.memory_space<semaphore_mem>>
        %dma_start3A = arith.constant 0 : i32
        %dma_start3A_828 = tpu.memref_slice %arg17[%mul3A_826, %dma_start3A] : memref<64x16xf32, #tpu.memory_space<vmem>> -> memref<16x16xf32, #tpu.memory_space<vmem>>
        %dma_start3A_829 = arith.constant 0 : i32
        %dma_start3A_830 = arith.constant 0 : i32
        %dma_start3A_831 = tpu.memref_slice %arg20[%dma_start3A_829, %dma_start3A_830] : memref<50176x16xf32, #tpu.memory_space<vmem_shared>> -> memref<50176x16xf32, #tpu.memory_space<vmem_shared>>
        tpu.enqueue_indirect_dma source(%dma_start3A_831 : memref<50176x16xf32, #tpu.memory_space<vmem_shared>>) target(%dma_start3A_828 : memref<16x16xf32, #tpu.memory_space<vmem>>) offsets(%add3A_824 : vector<16xi32>) semaphore(%run_scoped3A : memref<!tpu.dma_semaphore, #tpu.memory_space<semaphore_mem>>)
        %dma_wait3A = arith.constant 0 : i32
        %dma_wait3A_832 = tpu.memref_slice %arg17[%mul3A_826, %dma_wait3A] : memref<64x16xf32, #tpu.memory_space<vmem>> -> memref<16x16xf32, #tpu.memory_space<vmem>>
        %dma_wait3A_833 = arith.constant 0 : i32
        %dma_wait3A_834 = arith.constant 0 : i32
        %dma_wait3A_835 = tpu.memref_slice %arg20[%dma_wait3A_833, %dma_wait3A_834] : memref<50176x16xf32, #tpu.memory_space<vmem_shared>> -> memref<50176x16xf32, #tpu.memory_space<vmem_shared>>
        tpu.wait_indirect_dma semaphore(%run_scoped3A : memref<!tpu.dma_semaphore, #tpu.memory_space<semaphore_mem>>) src(%dma_wait3A_835 : memref<50176x16xf32, #tpu.memory_space<vmem_shared>>) dst(%dma_wait3A_832 : memref<16x16xf32, #tpu.memory_space<vmem>>)
        tpu.yield
      }) : () -> ()
      %scan3A_827 = arith.constant 0 : i32
      scf.yield %scan3A_827 : i32
    }
    %scan3A_390 = arith.constant 4 : i32
    %scan3A_391 = arith.constant 0 : i32
    %scan3A_392 = arith.constant 0 : i32
    %scan3A_393 = arith.constant 64 : i32
    %scan3A_394 = arith.addi %scan3A_392, %scan3A_393 : i32
    %scan3A_395 = arith.constant 1 : i32
    %scan3A_396 = scf.for %scan3A_816 = %scan3A_392 to %scan3A_394 step %scan3A_395 iter_args(%scan3A_817 = %scan3A_391) -> (i32)  : i32 {
      %get3A = arith.index_cast %scan3A_816 : i32 to index
      %get3A_818 = arith.constant 0 : index
      %get3A_819 = tpu.vector_load %arg17[%get3A, %get3A_818] {strides = array<i32>} : memref<64x16xf32, #tpu.memory_space<vmem>>, vector<16xf32>,
      %shift_right_arithmetic3A = arith.constant 3 : i32
      %shift_right_arithmetic3A_820 = arith.shrsi %scan3A_816, %shift_right_arithmetic3A : i32
      %and3A = arith.constant 7 : i32
      %and3A_821 = arith.andi %scan3A_816, %and3A : i32
      %mul3A_822 = arith.constant 16 : i32
      %mul3A_823 = arith.muli %and3A_821, %mul3A_822 : i32
      %swap3A = arith.index_cast %shift_right_arithmetic3A_820 : i32 to index
      %swap3A_824 = arith.index_cast %mul3A_823 : i32 to index
      %swap3A_825 = tpu.vector_load %arg18[%swap3A, %swap3A_824] {strides = array<i32>} : memref<8x128xf32, #tpu.memory_space<vmem>>, vector<16xf32>,
      tpu.vector_store %arg18[%swap3A, %swap3A_824], %get3A_819 {strides = array<i32>} : memref<8x128xf32, #tpu.memory_space<vmem>>, vector<16xf32>,
      %scan3A_826 = arith.constant 0 : i32
      scf.yield %scan3A_826 : i32
    }
    %scan3A_397 = arith.constant 64 : i32
    %add3A_398 = arith.constant 176 : i32
    %add3A_399 = arith.addi %add3A_31, %add3A_398 : i32
    "tpu.region"() ({
      %run_scoped3A = tpu.sem_alloc : memref<!tpu.dma_semaphore, #tpu.memory_space<semaphore_mem>>
      %dma_start3A = arith.constant 0 : i32
      %dma_start3A_816 = tpu.memref_slice %arg8[%add3A_399, %dma_start3A] : memref<12544x128xf32, #tpu.memory_space<hbm>> -> memref<8x128xf32, #tpu.memory_space<hbm>>
      %dma_start3A_817 = arith.constant 0 : i32
      %dma_start3A_818 = tpu.memref_slice %arg8[%add3A_399, %dma_start3A_817] : memref<12544x128xf32, #tpu.memory_space<hbm>> -> memref<8x128xf32, #tpu.memory_space<hbm>>
      tpu.enqueue_dma source(%arg18 : memref<8x128xf32, #tpu.memory_space<vmem>>) target(%dma_start3A_818 : memref<8x128xf32, #tpu.memory_space<hbm>>) target_semaphore(%run_scoped3A : memref<!tpu.dma_semaphore, #tpu.memory_space<semaphore_mem>>)
      %dma_wait3A = arith.constant 0 : i32
      %dma_wait3A_819 = tpu.memref_slice %arg8[%add3A_399, %dma_wait3A] : memref<12544x128xf32, #tpu.memory_space<hbm>> -> memref<8x128xf32, #tpu.memory_space<hbm>>
      %dma_wait3A_820 = arith.constant 0 : i32
      %dma_wait3A_821 = tpu.memref_slice %arg8[%add3A_399, %dma_wait3A_820] : memref<12544x128xf32, #tpu.memory_space<hbm>> -> memref<8x128xf32, #tpu.memory_space<hbm>>
      tpu.wait_dma2 semaphore(%run_scoped3A : memref<!tpu.dma_semaphore, #tpu.memory_space<semaphore_mem>>) src(%arg18 : memref<8x128xf32, #tpu.memory_space<vmem>>) dst(%dma_wait3A_821 : memref<8x128xf32, #tpu.memory_space<hbm>>)
      tpu.yield
    }) : () -> ()
    %scan3A_400 = arith.constant 0 : i32
    %scan3A_401 = arith.constant 0 : i32
    %scan3A_402 = arith.constant 4 : i32
    %scan3A_403 = arith.addi %scan3A_401, %scan3A_402 : i32
    %scan3A_404 = arith.constant 1 : i32
    %scan3A_405 = scf.for %scan3A_816 = %scan3A_401 to %scan3A_403 step %scan3A_404 iter_args(%scan3A_817 = %scan3A_400) -> (i32)  : i32 {
      %add3A_818 = arith.constant 1472 : i32
      %add3A_819 = arith.addi %mul3A_11, %add3A_818 : i32
      %mul3A_820 = arith.constant 16 : i32
      %mul3A_821 = arith.muli %scan3A_816, %mul3A_820 : i32
      %add3A_822 = arith.addi %add3A_819, %mul3A_821 : i32
      %add3A_823 = vector.broadcast %add3A_822 : i32 to vector<16xi32>
      %add3A_824 = arith.addi %add3A_823, %iota3A : vector<16xi32>
      %mul3A_825 = arith.constant 16 : i32
      %mul3A_826 = arith.muli %scan3A_816, %mul3A_825 : i32
      "tpu.region"() ({
        %run_scoped3A = tpu.sem_alloc : memref<!tpu.dma_semaphore, #tpu.memory_space<semaphore_mem>>
        %dma_start3A = arith.constant 0 : i32
        %dma_start3A_828 = tpu.memref_slice %arg17[%mul3A_826, %dma_start3A] : memref<64x16xf32, #tpu.memory_space<vmem>> -> memref<16x16xf32, #tpu.memory_space<vmem>>
        %dma_start3A_829 = arith.constant 0 : i32
        %dma_start3A_830 = arith.constant 0 : i32
        %dma_start3A_831 = tpu.memref_slice %arg20[%dma_start3A_829, %dma_start3A_830] : memref<50176x16xf32, #tpu.memory_space<vmem_shared>> -> memref<50176x16xf32, #tpu.memory_space<vmem_shared>>
        tpu.enqueue_indirect_dma source(%dma_start3A_831 : memref<50176x16xf32, #tpu.memory_space<vmem_shared>>) target(%dma_start3A_828 : memref<16x16xf32, #tpu.memory_space<vmem>>) offsets(%add3A_824 : vector<16xi32>) semaphore(%run_scoped3A : memref<!tpu.dma_semaphore, #tpu.memory_space<semaphore_mem>>)
        %dma_wait3A = arith.constant 0 : i32
        %dma_wait3A_832 = tpu.memref_slice %arg17[%mul3A_826, %dma_wait3A] : memref<64x16xf32, #tpu.memory_space<vmem>> -> memref<16x16xf32, #tpu.memory_space<vmem>>
        %dma_wait3A_833 = arith.constant 0 : i32
        %dma_wait3A_834 = arith.constant 0 : i32
        %dma_wait3A_835 = tpu.memref_slice %arg20[%dma_wait3A_833, %dma_wait3A_834] : memref<50176x16xf32, #tpu.memory_space<vmem_shared>> -> memref<50176x16xf32, #tpu.memory_space<vmem_shared>>
        tpu.wait_indirect_dma semaphore(%run_scoped3A : memref<!tpu.dma_semaphore, #tpu.memory_space<semaphore_mem>>) src(%dma_wait3A_835 : memref<50176x16xf32, #tpu.memory_space<vmem_shared>>) dst(%dma_wait3A_832 : memref<16x16xf32, #tpu.memory_space<vmem>>)
        tpu.yield
      }) : () -> ()
      %scan3A_827 = arith.constant 0 : i32
      scf.yield %scan3A_827 : i32
    }
    %scan3A_406 = arith.constant 4 : i32
    %scan3A_407 = arith.constant 0 : i32
    %scan3A_408 = arith.constant 0 : i32
    %scan3A_409 = arith.constant 64 : i32
    %scan3A_410 = arith.addi %scan3A_408, %scan3A_409 : i32
    %scan3A_411 = arith.constant 1 : i32
    %scan3A_412 = scf.for %scan3A_816 = %scan3A_408 to %scan3A_410 step %scan3A_411 iter_args(%scan3A_817 = %scan3A_407) -> (i32)  : i32 {
      %get3A = arith.index_cast %scan3A_816 : i32 to index
      %get3A_818 = arith.constant 0 : index
      %get3A_819 = tpu.vector_load %arg17[%get3A, %get3A_818] {strides = array<i32>} : memref<64x16xf32, #tpu.memory_space<vmem>>, vector<16xf32>,
      %shift_right_arithmetic3A = arith.constant 3 : i32
      %shift_right_arithmetic3A_820 = arith.shrsi %scan3A_816, %shift_right_arithmetic3A : i32
      %and3A = arith.constant 7 : i32
      %and3A_821 = arith.andi %scan3A_816, %and3A : i32
      %mul3A_822 = arith.constant 16 : i32
      %mul3A_823 = arith.muli %and3A_821, %mul3A_822 : i32
      %swap3A = arith.index_cast %shift_right_arithmetic3A_820 : i32 to index
      %swap3A_824 = arith.index_cast %mul3A_823 : i32 to index
      %swap3A_825 = tpu.vector_load %arg18[%swap3A, %swap3A_824] {strides = array<i32>} : memref<8x128xf32, #tpu.memory_space<vmem>>, vector<16xf32>,
      tpu.vector_store %arg18[%swap3A, %swap3A_824], %get3A_819 {strides = array<i32>} : memref<8x128xf32, #tpu.memory_space<vmem>>, vector<16xf32>,
      %scan3A_826 = arith.constant 0 : i32
      scf.yield %scan3A_826 : i32
    }
    %scan3A_413 = arith.constant 64 : i32
    %add3A_414 = arith.constant 184 : i32
    %add3A_415 = arith.addi %add3A_31, %add3A_414 : i32
    "tpu.region"() ({
      %run_scoped3A = tpu.sem_alloc : memref<!tpu.dma_semaphore, #tpu.memory_space<semaphore_mem>>
      %dma_start3A = arith.constant 0 : i32
      %dma_start3A_816 = tpu.memref_slice %arg8[%add3A_415, %dma_start3A] : memref<12544x128xf32, #tpu.memory_space<hbm>> -> memref<8x128xf32, #tpu.memory_space<hbm>>
      %dma_start3A_817 = arith.constant 0 : i32
      %dma_start3A_818 = tpu.memref_slice %arg8[%add3A_415, %dma_start3A_817] : memref<12544x128xf32, #tpu.memory_space<hbm>> -> memref<8x128xf32, #tpu.memory_space<hbm>>
      tpu.enqueue_dma source(%arg18 : memref<8x128xf32, #tpu.memory_space<vmem>>) target(%dma_start3A_818 : memref<8x128xf32, #tpu.memory_space<hbm>>) target_semaphore(%run_scoped3A : memref<!tpu.dma_semaphore, #tpu.memory_space<semaphore_mem>>)
      %dma_wait3A = arith.constant 0 : i32
      %dma_wait3A_819 = tpu.memref_slice %arg8[%add3A_415, %dma_wait3A] : memref<12544x128xf32, #tpu.memory_space<hbm>> -> memref<8x128xf32, #tpu.memory_space<hbm>>
      %dma_wait3A_820 = arith.constant 0 : i32
      %dma_wait3A_821 = tpu.memref_slice %arg8[%add3A_415, %dma_wait3A_820] : memref<12544x128xf32, #tpu.memory_space<hbm>> -> memref<8x128xf32, #tpu.memory_space<hbm>>
      tpu.wait_dma2 semaphore(%run_scoped3A : memref<!tpu.dma_semaphore, #tpu.memory_space<semaphore_mem>>) src(%arg18 : memref<8x128xf32, #tpu.memory_space<vmem>>) dst(%dma_wait3A_821 : memref<8x128xf32, #tpu.memory_space<hbm>>)
      tpu.yield
    }) : () -> ()
    %scan3A_416 = arith.constant 0 : i32
    %scan3A_417 = arith.constant 0 : i32
    %scan3A_418 = arith.constant 4 : i32
    %scan3A_419 = arith.addi %scan3A_417, %scan3A_418 : i32
    %scan3A_420 = arith.constant 1 : i32
    %scan3A_421 = scf.for %scan3A_816 = %scan3A_417 to %scan3A_419 step %scan3A_420 iter_args(%scan3A_817 = %scan3A_416) -> (i32)  : i32 {
      %add3A_818 = arith.constant 1536 : i32
      %add3A_819 = arith.addi %mul3A_11, %add3A_818 : i32
      %mul3A_820 = arith.constant 16 : i32
      %mul3A_821 = arith.muli %scan3A_816, %mul3A_820 : i32
      %add3A_822 = arith.addi %add3A_819, %mul3A_821 : i32
      %add3A_823 = vector.broadcast %add3A_822 : i32 to vector<16xi32>
      %add3A_824 = arith.addi %add3A_823, %iota3A : vector<16xi32>
      %mul3A_825 = arith.constant 16 : i32
      %mul3A_826 = arith.muli %scan3A_816, %mul3A_825 : i32
      "tpu.region"() ({
        %run_scoped3A = tpu.sem_alloc : memref<!tpu.dma_semaphore, #tpu.memory_space<semaphore_mem>>
        %dma_start3A = arith.constant 0 : i32
        %dma_start3A_828 = tpu.memref_slice %arg17[%mul3A_826, %dma_start3A] : memref<64x16xf32, #tpu.memory_space<vmem>> -> memref<16x16xf32, #tpu.memory_space<vmem>>
        %dma_start3A_829 = arith.constant 0 : i32
        %dma_start3A_830 = arith.constant 0 : i32
        %dma_start3A_831 = tpu.memref_slice %arg20[%dma_start3A_829, %dma_start3A_830] : memref<50176x16xf32, #tpu.memory_space<vmem_shared>> -> memref<50176x16xf32, #tpu.memory_space<vmem_shared>>
        tpu.enqueue_indirect_dma source(%dma_start3A_831 : memref<50176x16xf32, #tpu.memory_space<vmem_shared>>) target(%dma_start3A_828 : memref<16x16xf32, #tpu.memory_space<vmem>>) offsets(%add3A_824 : vector<16xi32>) semaphore(%run_scoped3A : memref<!tpu.dma_semaphore, #tpu.memory_space<semaphore_mem>>)
        %dma_wait3A = arith.constant 0 : i32
        %dma_wait3A_832 = tpu.memref_slice %arg17[%mul3A_826, %dma_wait3A] : memref<64x16xf32, #tpu.memory_space<vmem>> -> memref<16x16xf32, #tpu.memory_space<vmem>>
        %dma_wait3A_833 = arith.constant 0 : i32
        %dma_wait3A_834 = arith.constant 0 : i32
        %dma_wait3A_835 = tpu.memref_slice %arg20[%dma_wait3A_833, %dma_wait3A_834] : memref<50176x16xf32, #tpu.memory_space<vmem_shared>> -> memref<50176x16xf32, #tpu.memory_space<vmem_shared>>
        tpu.wait_indirect_dma semaphore(%run_scoped3A : memref<!tpu.dma_semaphore, #tpu.memory_space<semaphore_mem>>) src(%dma_wait3A_835 : memref<50176x16xf32, #tpu.memory_space<vmem_shared>>) dst(%dma_wait3A_832 : memref<16x16xf32, #tpu.memory_space<vmem>>)
        tpu.yield
      }) : () -> ()
      %scan3A_827 = arith.constant 0 : i32
      scf.yield %scan3A_827 : i32
    }
    %scan3A_422 = arith.constant 4 : i32
    %scan3A_423 = arith.constant 0 : i32
    %scan3A_424 = arith.constant 0 : i32
    %scan3A_425 = arith.constant 64 : i32
    %scan3A_426 = arith.addi %scan3A_424, %scan3A_425 : i32
    %scan3A_427 = arith.constant 1 : i32
    %scan3A_428 = scf.for %scan3A_816 = %scan3A_424 to %scan3A_426 step %scan3A_427 iter_args(%scan3A_817 = %scan3A_423) -> (i32)  : i32 {
      %get3A = arith.index_cast %scan3A_816 : i32 to index
      %get3A_818 = arith.constant 0 : index
      %get3A_819 = tpu.vector_load %arg17[%get3A, %get3A_818] {strides = array<i32>} : memref<64x16xf32, #tpu.memory_space<vmem>>, vector<16xf32>,
      %shift_right_arithmetic3A = arith.constant 3 : i32
      %shift_right_arithmetic3A_820 = arith.shrsi %scan3A_816, %shift_right_arithmetic3A : i32
      %and3A = arith.constant 7 : i32
      %and3A_821 = arith.andi %scan3A_816, %and3A : i32
      %mul3A_822 = arith.constant 16 : i32
      %mul3A_823 = arith.muli %and3A_821, %mul3A_822 : i32
      %swap3A = arith.index_cast %shift_right_arithmetic3A_820 : i32 to index
      %swap3A_824 = arith.index_cast %mul3A_823 : i32 to index
      %swap3A_825 = tpu.vector_load %arg18[%swap3A, %swap3A_824] {strides = array<i32>} : memref<8x128xf32, #tpu.memory_space<vmem>>, vector<16xf32>,
      tpu.vector_store %arg18[%swap3A, %swap3A_824], %get3A_819 {strides = array<i32>} : memref<8x128xf32, #tpu.memory_space<vmem>>, vector<16xf32>,
      %scan3A_826 = arith.constant 0 : i32
      scf.yield %scan3A_826 : i32
    }
    %scan3A_429 = arith.constant 64 : i32
    %add3A_430 = arith.constant 192 : i32
    %add3A_431 = arith.addi %add3A_31, %add3A_430 : i32
    "tpu.region"() ({
      %run_scoped3A = tpu.sem_alloc : memref<!tpu.dma_semaphore, #tpu.memory_space<semaphore_mem>>
      %dma_start3A = arith.constant 0 : i32
      %dma_start3A_816 = tpu.memref_slice %arg8[%add3A_431, %dma_start3A] : memref<12544x128xf32, #tpu.memory_space<hbm>> -> memref<8x128xf32, #tpu.memory_space<hbm>>
      %dma_start3A_817 = arith.constant 0 : i32
      %dma_start3A_818 = tpu.memref_slice %arg8[%add3A_431, %dma_start3A_817] : memref<12544x128xf32, #tpu.memory_space<hbm>> -> memref<8x128xf32, #tpu.memory_space<hbm>>
      tpu.enqueue_dma source(%arg18 : memref<8x128xf32, #tpu.memory_space<vmem>>) target(%dma_start3A_818 : memref<8x128xf32, #tpu.memory_space<hbm>>) target_semaphore(%run_scoped3A : memref<!tpu.dma_semaphore, #tpu.memory_space<semaphore_mem>>)
      %dma_wait3A = arith.constant 0 : i32
      %dma_wait3A_819 = tpu.memref_slice %arg8[%add3A_431, %dma_wait3A] : memref<12544x128xf32, #tpu.memory_space<hbm>> -> memref<8x128xf32, #tpu.memory_space<hbm>>
      %dma_wait3A_820 = arith.constant 0 : i32
      %dma_wait3A_821 = tpu.memref_slice %arg8[%add3A_431, %dma_wait3A_820] : memref<12544x128xf32, #tpu.memory_space<hbm>> -> memref<8x128xf32, #tpu.memory_space<hbm>>
      tpu.wait_dma2 semaphore(%run_scoped3A : memref<!tpu.dma_semaphore, #tpu.memory_space<semaphore_mem>>) src(%arg18 : memref<8x128xf32, #tpu.memory_space<vmem>>) dst(%dma_wait3A_821 : memref<8x128xf32, #tpu.memory_space<hbm>>)
      tpu.yield
    }) : () -> ()
    %scan3A_432 = arith.constant 0 : i32
    %scan3A_433 = arith.constant 0 : i32
    %scan3A_434 = arith.constant 4 : i32
    %scan3A_435 = arith.addi %scan3A_433, %scan3A_434 : i32
    %scan3A_436 = arith.constant 1 : i32
    %scan3A_437 = scf.for %scan3A_816 = %scan3A_433 to %scan3A_435 step %scan3A_436 iter_args(%scan3A_817 = %scan3A_432) -> (i32)  : i32 {
      %add3A_818 = arith.constant 1600 : i32
      %add3A_819 = arith.addi %mul3A_11, %add3A_818 : i32
      %mul3A_820 = arith.constant 16 : i32
      %mul3A_821 = arith.muli %scan3A_816, %mul3A_820 : i32
      %add3A_822 = arith.addi %add3A_819, %mul3A_821 : i32
      %add3A_823 = vector.broadcast %add3A_822 : i32 to vector<16xi32>
      %add3A_824 = arith.addi %add3A_823, %iota3A : vector<16xi32>
      %mul3A_825 = arith.constant 16 : i32
      %mul3A_826 = arith.muli %scan3A_816, %mul3A_825 : i32
      "tpu.region"() ({
        %run_scoped3A = tpu.sem_alloc : memref<!tpu.dma_semaphore, #tpu.memory_space<semaphore_mem>>
        %dma_start3A = arith.constant 0 : i32
        %dma_start3A_828 = tpu.memref_slice %arg17[%mul3A_826, %dma_start3A] : memref<64x16xf32, #tpu.memory_space<vmem>> -> memref<16x16xf32, #tpu.memory_space<vmem>>
        %dma_start3A_829 = arith.constant 0 : i32
        %dma_start3A_830 = arith.constant 0 : i32
        %dma_start3A_831 = tpu.memref_slice %arg20[%dma_start3A_829, %dma_start3A_830] : memref<50176x16xf32, #tpu.memory_space<vmem_shared>> -> memref<50176x16xf32, #tpu.memory_space<vmem_shared>>
        tpu.enqueue_indirect_dma source(%dma_start3A_831 : memref<50176x16xf32, #tpu.memory_space<vmem_shared>>) target(%dma_start3A_828 : memref<16x16xf32, #tpu.memory_space<vmem>>) offsets(%add3A_824 : vector<16xi32>) semaphore(%run_scoped3A : memref<!tpu.dma_semaphore, #tpu.memory_space<semaphore_mem>>)
        %dma_wait3A = arith.constant 0 : i32
        %dma_wait3A_832 = tpu.memref_slice %arg17[%mul3A_826, %dma_wait3A] : memref<64x16xf32, #tpu.memory_space<vmem>> -> memref<16x16xf32, #tpu.memory_space<vmem>>
        %dma_wait3A_833 = arith.constant 0 : i32
        %dma_wait3A_834 = arith.constant 0 : i32
        %dma_wait3A_835 = tpu.memref_slice %arg20[%dma_wait3A_833, %dma_wait3A_834] : memref<50176x16xf32, #tpu.memory_space<vmem_shared>> -> memref<50176x16xf32, #tpu.memory_space<vmem_shared>>
        tpu.wait_indirect_dma semaphore(%run_scoped3A : memref<!tpu.dma_semaphore, #tpu.memory_space<semaphore_mem>>) src(%dma_wait3A_835 : memref<50176x16xf32, #tpu.memory_space<vmem_shared>>) dst(%dma_wait3A_832 : memref<16x16xf32, #tpu.memory_space<vmem>>)
        tpu.yield
      }) : () -> ()
      %scan3A_827 = arith.constant 0 : i32
      scf.yield %scan3A_827 : i32
    }
    %scan3A_438 = arith.constant 4 : i32
    %scan3A_439 = arith.constant 0 : i32
    %scan3A_440 = arith.constant 0 : i32
    %scan3A_441 = arith.constant 64 : i32
    %scan3A_442 = arith.addi %scan3A_440, %scan3A_441 : i32
    %scan3A_443 = arith.constant 1 : i32
    %scan3A_444 = scf.for %scan3A_816 = %scan3A_440 to %scan3A_442 step %scan3A_443 iter_args(%scan3A_817 = %scan3A_439) -> (i32)  : i32 {
      %get3A = arith.index_cast %scan3A_816 : i32 to index
      %get3A_818 = arith.constant 0 : index
      %get3A_819 = tpu.vector_load %arg17[%get3A, %get3A_818] {strides = array<i32>} : memref<64x16xf32, #tpu.memory_space<vmem>>, vector<16xf32>,
      %shift_right_arithmetic3A = arith.constant 3 : i32
      %shift_right_arithmetic3A_820 = arith.shrsi %scan3A_816, %shift_right_arithmetic3A : i32
      %and3A = arith.constant 7 : i32
      %and3A_821 = arith.andi %scan3A_816, %and3A : i32
      %mul3A_822 = arith.constant 16 : i32
      %mul3A_823 = arith.muli %and3A_821, %mul3A_822 : i32
      %swap3A = arith.index_cast %shift_right_arithmetic3A_820 : i32 to index
      %swap3A_824 = arith.index_cast %mul3A_823 : i32 to index
      %swap3A_825 = tpu.vector_load %arg18[%swap3A, %swap3A_824] {strides = array<i32>} : memref<8x128xf32, #tpu.memory_space<vmem>>, vector<16xf32>,
      tpu.vector_store %arg18[%swap3A, %swap3A_824], %get3A_819 {strides = array<i32>} : memref<8x128xf32, #tpu.memory_space<vmem>>, vector<16xf32>,
      %scan3A_826 = arith.constant 0 : i32
      scf.yield %scan3A_826 : i32
    }
    %scan3A_445 = arith.constant 64 : i32
    %add3A_446 = arith.constant 200 : i32
    %add3A_447 = arith.addi %add3A_31, %add3A_446 : i32
    "tpu.region"() ({
      %run_scoped3A = tpu.sem_alloc : memref<!tpu.dma_semaphore, #tpu.memory_space<semaphore_mem>>
      %dma_start3A = arith.constant 0 : i32
      %dma_start3A_816 = tpu.memref_slice %arg8[%add3A_447, %dma_start3A] : memref<12544x128xf32, #tpu.memory_space<hbm>> -> memref<8x128xf32, #tpu.memory_space<hbm>>
      %dma_start3A_817 = arith.constant 0 : i32
      %dma_start3A_818 = tpu.memref_slice %arg8[%add3A_447, %dma_start3A_817] : memref<12544x128xf32, #tpu.memory_space<hbm>> -> memref<8x128xf32, #tpu.memory_space<hbm>>
      tpu.enqueue_dma source(%arg18 : memref<8x128xf32, #tpu.memory_space<vmem>>) target(%dma_start3A_818 : memref<8x128xf32, #tpu.memory_space<hbm>>) target_semaphore(%run_scoped3A : memref<!tpu.dma_semaphore, #tpu.memory_space<semaphore_mem>>)
      %dma_wait3A = arith.constant 0 : i32
      %dma_wait3A_819 = tpu.memref_slice %arg8[%add3A_447, %dma_wait3A] : memref<12544x128xf32, #tpu.memory_space<hbm>> -> memref<8x128xf32, #tpu.memory_space<hbm>>
      %dma_wait3A_820 = arith.constant 0 : i32
      %dma_wait3A_821 = tpu.memref_slice %arg8[%add3A_447, %dma_wait3A_820] : memref<12544x128xf32, #tpu.memory_space<hbm>> -> memref<8x128xf32, #tpu.memory_space<hbm>>
      tpu.wait_dma2 semaphore(%run_scoped3A : memref<!tpu.dma_semaphore, #tpu.memory_space<semaphore_mem>>) src(%arg18 : memref<8x128xf32, #tpu.memory_space<vmem>>) dst(%dma_wait3A_821 : memref<8x128xf32, #tpu.memory_space<hbm>>)
      tpu.yield
    }) : () -> ()
    %scan3A_448 = arith.constant 0 : i32
    %scan3A_449 = arith.constant 0 : i32
    %scan3A_450 = arith.constant 4 : i32
    %scan3A_451 = arith.addi %scan3A_449, %scan3A_450 : i32
    %scan3A_452 = arith.constant 1 : i32
    %scan3A_453 = scf.for %scan3A_816 = %scan3A_449 to %scan3A_451 step %scan3A_452 iter_args(%scan3A_817 = %scan3A_448) -> (i32)  : i32 {
      %add3A_818 = arith.constant 1664 : i32
      %add3A_819 = arith.addi %mul3A_11, %add3A_818 : i32
      %mul3A_820 = arith.constant 16 : i32
      %mul3A_821 = arith.muli %scan3A_816, %mul3A_820 : i32
      %add3A_822 = arith.addi %add3A_819, %mul3A_821 : i32
      %add3A_823 = vector.broadcast %add3A_822 : i32 to vector<16xi32>
      %add3A_824 = arith.addi %add3A_823, %iota3A : vector<16xi32>
      %mul3A_825 = arith.constant 16 : i32
      %mul3A_826 = arith.muli %scan3A_816, %mul3A_825 : i32
      "tpu.region"() ({
        %run_scoped3A = tpu.sem_alloc : memref<!tpu.dma_semaphore, #tpu.memory_space<semaphore_mem>>
        %dma_start3A = arith.constant 0 : i32
        %dma_start3A_828 = tpu.memref_slice %arg17[%mul3A_826, %dma_start3A] : memref<64x16xf32, #tpu.memory_space<vmem>> -> memref<16x16xf32, #tpu.memory_space<vmem>>
        %dma_start3A_829 = arith.constant 0 : i32
        %dma_start3A_830 = arith.constant 0 : i32
        %dma_start3A_831 = tpu.memref_slice %arg20[%dma_start3A_829, %dma_start3A_830] : memref<50176x16xf32, #tpu.memory_space<vmem_shared>> -> memref<50176x16xf32, #tpu.memory_space<vmem_shared>>
        tpu.enqueue_indirect_dma source(%dma_start3A_831 : memref<50176x16xf32, #tpu.memory_space<vmem_shared>>) target(%dma_start3A_828 : memref<16x16xf32, #tpu.memory_space<vmem>>) offsets(%add3A_824 : vector<16xi32>) semaphore(%run_scoped3A : memref<!tpu.dma_semaphore, #tpu.memory_space<semaphore_mem>>)
        %dma_wait3A = arith.constant 0 : i32
        %dma_wait3A_832 = tpu.memref_slice %arg17[%mul3A_826, %dma_wait3A] : memref<64x16xf32, #tpu.memory_space<vmem>> -> memref<16x16xf32, #tpu.memory_space<vmem>>
        %dma_wait3A_833 = arith.constant 0 : i32
        %dma_wait3A_834 = arith.constant 0 : i32
        %dma_wait3A_835 = tpu.memref_slice %arg20[%dma_wait3A_833, %dma_wait3A_834] : memref<50176x16xf32, #tpu.memory_space<vmem_shared>> -> memref<50176x16xf32, #tpu.memory_space<vmem_shared>>
        tpu.wait_indirect_dma semaphore(%run_scoped3A : memref<!tpu.dma_semaphore, #tpu.memory_space<semaphore_mem>>) src(%dma_wait3A_835 : memref<50176x16xf32, #tpu.memory_space<vmem_shared>>) dst(%dma_wait3A_832 : memref<16x16xf32, #tpu.memory_space<vmem>>)
        tpu.yield
      }) : () -> ()
      %scan3A_827 = arith.constant 0 : i32
      scf.yield %scan3A_827 : i32
    }
    %scan3A_454 = arith.constant 4 : i32
    %scan3A_455 = arith.constant 0 : i32
    %scan3A_456 = arith.constant 0 : i32
    %scan3A_457 = arith.constant 64 : i32
    %scan3A_458 = arith.addi %scan3A_456, %scan3A_457 : i32
    %scan3A_459 = arith.constant 1 : i32
    %scan3A_460 = scf.for %scan3A_816 = %scan3A_456 to %scan3A_458 step %scan3A_459 iter_args(%scan3A_817 = %scan3A_455) -> (i32)  : i32 {
      %get3A = arith.index_cast %scan3A_816 : i32 to index
      %get3A_818 = arith.constant 0 : index
      %get3A_819 = tpu.vector_load %arg17[%get3A, %get3A_818] {strides = array<i32>} : memref<64x16xf32, #tpu.memory_space<vmem>>, vector<16xf32>,
      %shift_right_arithmetic3A = arith.constant 3 : i32
      %shift_right_arithmetic3A_820 = arith.shrsi %scan3A_816, %shift_right_arithmetic3A : i32
      %and3A = arith.constant 7 : i32
      %and3A_821 = arith.andi %scan3A_816, %and3A : i32
      %mul3A_822 = arith.constant 16 : i32
      %mul3A_823 = arith.muli %and3A_821, %mul3A_822 : i32
      %swap3A = arith.index_cast %shift_right_arithmetic3A_820 : i32 to index
      %swap3A_824 = arith.index_cast %mul3A_823 : i32 to index
      %swap3A_825 = tpu.vector_load %arg18[%swap3A, %swap3A_824] {strides = array<i32>} : memref<8x128xf32, #tpu.memory_space<vmem>>, vector<16xf32>,
      tpu.vector_store %arg18[%swap3A, %swap3A_824], %get3A_819 {strides = array<i32>} : memref<8x128xf32, #tpu.memory_space<vmem>>, vector<16xf32>,
      %scan3A_826 = arith.constant 0 : i32
      scf.yield %scan3A_826 : i32
    }
    %scan3A_461 = arith.constant 64 : i32
    %add3A_462 = arith.constant 208 : i32
    %add3A_463 = arith.addi %add3A_31, %add3A_462 : i32
    "tpu.region"() ({
      %run_scoped3A = tpu.sem_alloc : memref<!tpu.dma_semaphore, #tpu.memory_space<semaphore_mem>>
      %dma_start3A = arith.constant 0 : i32
      %dma_start3A_816 = tpu.memref_slice %arg8[%add3A_463, %dma_start3A] : memref<12544x128xf32, #tpu.memory_space<hbm>> -> memref<8x128xf32, #tpu.memory_space<hbm>>
      %dma_start3A_817 = arith.constant 0 : i32
      %dma_start3A_818 = tpu.memref_slice %arg8[%add3A_463, %dma_start3A_817] : memref<12544x128xf32, #tpu.memory_space<hbm>> -> memref<8x128xf32, #tpu.memory_space<hbm>>
      tpu.enqueue_dma source(%arg18 : memref<8x128xf32, #tpu.memory_space<vmem>>) target(%dma_start3A_818 : memref<8x128xf32, #tpu.memory_space<hbm>>) target_semaphore(%run_scoped3A : memref<!tpu.dma_semaphore, #tpu.memory_space<semaphore_mem>>)
      %dma_wait3A = arith.constant 0 : i32
      %dma_wait3A_819 = tpu.memref_slice %arg8[%add3A_463, %dma_wait3A] : memref<12544x128xf32, #tpu.memory_space<hbm>> -> memref<8x128xf32, #tpu.memory_space<hbm>>
      %dma_wait3A_820 = arith.constant 0 : i32
      %dma_wait3A_821 = tpu.memref_slice %arg8[%add3A_463, %dma_wait3A_820] : memref<12544x128xf32, #tpu.memory_space<hbm>> -> memref<8x128xf32, #tpu.memory_space<hbm>>
      tpu.wait_dma2 semaphore(%run_scoped3A : memref<!tpu.dma_semaphore, #tpu.memory_space<semaphore_mem>>) src(%arg18 : memref<8x128xf32, #tpu.memory_space<vmem>>) dst(%dma_wait3A_821 : memref<8x128xf32, #tpu.memory_space<hbm>>)
      tpu.yield
    }) : () -> ()
    %scan3A_464 = arith.constant 0 : i32
    %scan3A_465 = arith.constant 0 : i32
    %scan3A_466 = arith.constant 4 : i32
    %scan3A_467 = arith.addi %scan3A_465, %scan3A_466 : i32
    %scan3A_468 = arith.constant 1 : i32
    %scan3A_469 = scf.for %scan3A_816 = %scan3A_465 to %scan3A_467 step %scan3A_468 iter_args(%scan3A_817 = %scan3A_464) -> (i32)  : i32 {
      %add3A_818 = arith.constant 1728 : i32
      %add3A_819 = arith.addi %mul3A_11, %add3A_818 : i32
      %mul3A_820 = arith.constant 16 : i32
      %mul3A_821 = arith.muli %scan3A_816, %mul3A_820 : i32
      %add3A_822 = arith.addi %add3A_819, %mul3A_821 : i32
      %add3A_823 = vector.broadcast %add3A_822 : i32 to vector<16xi32>
      %add3A_824 = arith.addi %add3A_823, %iota3A : vector<16xi32>
      %mul3A_825 = arith.constant 16 : i32
      %mul3A_826 = arith.muli %scan3A_816, %mul3A_825 : i32
      "tpu.region"() ({
        %run_scoped3A = tpu.sem_alloc : memref<!tpu.dma_semaphore, #tpu.memory_space<semaphore_mem>>
        %dma_start3A = arith.constant 0 : i32
        %dma_start3A_828 = tpu.memref_slice %arg17[%mul3A_826, %dma_start3A] : memref<64x16xf32, #tpu.memory_space<vmem>> -> memref<16x16xf32, #tpu.memory_space<vmem>>
        %dma_start3A_829 = arith.constant 0 : i32
        %dma_start3A_830 = arith.constant 0 : i32
        %dma_start3A_831 = tpu.memref_slice %arg20[%dma_start3A_829, %dma_start3A_830] : memref<50176x16xf32, #tpu.memory_space<vmem_shared>> -> memref<50176x16xf32, #tpu.memory_space<vmem_shared>>
        tpu.enqueue_indirect_dma source(%dma_start3A_831 : memref<50176x16xf32, #tpu.memory_space<vmem_shared>>) target(%dma_start3A_828 : memref<16x16xf32, #tpu.memory_space<vmem>>) offsets(%add3A_824 : vector<16xi32>) semaphore(%run_scoped3A : memref<!tpu.dma_semaphore, #tpu.memory_space<semaphore_mem>>)
        %dma_wait3A = arith.constant 0 : i32
        %dma_wait3A_832 = tpu.memref_slice %arg17[%mul3A_826, %dma_wait3A] : memref<64x16xf32, #tpu.memory_space<vmem>> -> memref<16x16xf32, #tpu.memory_space<vmem>>
        %dma_wait3A_833 = arith.constant 0 : i32
        %dma_wait3A_834 = arith.constant 0 : i32
        %dma_wait3A_835 = tpu.memref_slice %arg20[%dma_wait3A_833, %dma_wait3A_834] : memref<50176x16xf32, #tpu.memory_space<vmem_shared>> -> memref<50176x16xf32, #tpu.memory_space<vmem_shared>>
        tpu.wait_indirect_dma semaphore(%run_scoped3A : memref<!tpu.dma_semaphore, #tpu.memory_space<semaphore_mem>>) src(%dma_wait3A_835 : memref<50176x16xf32, #tpu.memory_space<vmem_shared>>) dst(%dma_wait3A_832 : memref<16x16xf32, #tpu.memory_space<vmem>>)
        tpu.yield
      }) : () -> ()
      %scan3A_827 = arith.constant 0 : i32
      scf.yield %scan3A_827 : i32
    }
    %scan3A_470 = arith.constant 4 : i32
    %scan3A_471 = arith.constant 0 : i32
    %scan3A_472 = arith.constant 0 : i32
    %scan3A_473 = arith.constant 64 : i32
    %scan3A_474 = arith.addi %scan3A_472, %scan3A_473 : i32
    %scan3A_475 = arith.constant 1 : i32
    %scan3A_476 = scf.for %scan3A_816 = %scan3A_472 to %scan3A_474 step %scan3A_475 iter_args(%scan3A_817 = %scan3A_471) -> (i32)  : i32 {
      %get3A = arith.index_cast %scan3A_816 : i32 to index
      %get3A_818 = arith.constant 0 : index
      %get3A_819 = tpu.vector_load %arg17[%get3A, %get3A_818] {strides = array<i32>} : memref<64x16xf32, #tpu.memory_space<vmem>>, vector<16xf32>,
      %shift_right_arithmetic3A = arith.constant 3 : i32
      %shift_right_arithmetic3A_820 = arith.shrsi %scan3A_816, %shift_right_arithmetic3A : i32
      %and3A = arith.constant 7 : i32
      %and3A_821 = arith.andi %scan3A_816, %and3A : i32
      %mul3A_822 = arith.constant 16 : i32
      %mul3A_823 = arith.muli %and3A_821, %mul3A_822 : i32
      %swap3A = arith.index_cast %shift_right_arithmetic3A_820 : i32 to index
      %swap3A_824 = arith.index_cast %mul3A_823 : i32 to index
      %swap3A_825 = tpu.vector_load %arg18[%swap3A, %swap3A_824] {strides = array<i32>} : memref<8x128xf32, #tpu.memory_space<vmem>>, vector<16xf32>,
      tpu.vector_store %arg18[%swap3A, %swap3A_824], %get3A_819 {strides = array<i32>} : memref<8x128xf32, #tpu.memory_space<vmem>>, vector<16xf32>,
      %scan3A_826 = arith.constant 0 : i32
      scf.yield %scan3A_826 : i32
    }
    %scan3A_477 = arith.constant 64 : i32
    %add3A_478 = arith.constant 216 : i32
    %add3A_479 = arith.addi %add3A_31, %add3A_478 : i32
    "tpu.region"() ({
      %run_scoped3A = tpu.sem_alloc : memref<!tpu.dma_semaphore, #tpu.memory_space<semaphore_mem>>
      %dma_start3A = arith.constant 0 : i32
      %dma_start3A_816 = tpu.memref_slice %arg8[%add3A_479, %dma_start3A] : memref<12544x128xf32, #tpu.memory_space<hbm>> -> memref<8x128xf32, #tpu.memory_space<hbm>>
      %dma_start3A_817 = arith.constant 0 : i32
      %dma_start3A_818 = tpu.memref_slice %arg8[%add3A_479, %dma_start3A_817] : memref<12544x128xf32, #tpu.memory_space<hbm>> -> memref<8x128xf32, #tpu.memory_space<hbm>>
      tpu.enqueue_dma source(%arg18 : memref<8x128xf32, #tpu.memory_space<vmem>>) target(%dma_start3A_818 : memref<8x128xf32, #tpu.memory_space<hbm>>) target_semaphore(%run_scoped3A : memref<!tpu.dma_semaphore, #tpu.memory_space<semaphore_mem>>)
      %dma_wait3A = arith.constant 0 : i32
      %dma_wait3A_819 = tpu.memref_slice %arg8[%add3A_479, %dma_wait3A] : memref<12544x128xf32, #tpu.memory_space<hbm>> -> memref<8x128xf32, #tpu.memory_space<hbm>>
      %dma_wait3A_820 = arith.constant 0 : i32
      %dma_wait3A_821 = tpu.memref_slice %arg8[%add3A_479, %dma_wait3A_820] : memref<12544x128xf32, #tpu.memory_space<hbm>> -> memref<8x128xf32, #tpu.memory_space<hbm>>
      tpu.wait_dma2 semaphore(%run_scoped3A : memref<!tpu.dma_semaphore, #tpu.memory_space<semaphore_mem>>) src(%arg18 : memref<8x128xf32, #tpu.memory_space<vmem>>) dst(%dma_wait3A_821 : memref<8x128xf32, #tpu.memory_space<hbm>>)
      tpu.yield
    }) : () -> ()
    %scan3A_480 = arith.constant 0 : i32
    %scan3A_481 = arith.constant 0 : i32
    %scan3A_482 = arith.constant 4 : i32
    %scan3A_483 = arith.addi %scan3A_481, %scan3A_482 : i32
    %scan3A_484 = arith.constant 1 : i32
    %scan3A_485 = scf.for %scan3A_816 = %scan3A_481 to %scan3A_483 step %scan3A_484 iter_args(%scan3A_817 = %scan3A_480) -> (i32)  : i32 {
      %add3A_818 = arith.constant 1792 : i32
      %add3A_819 = arith.addi %mul3A_11, %add3A_818 : i32
      %mul3A_820 = arith.constant 16 : i32
      %mul3A_821 = arith.muli %scan3A_816, %mul3A_820 : i32
      %add3A_822 = arith.addi %add3A_819, %mul3A_821 : i32
      %add3A_823 = vector.broadcast %add3A_822 : i32 to vector<16xi32>
      %add3A_824 = arith.addi %add3A_823, %iota3A : vector<16xi32>
      %mul3A_825 = arith.constant 16 : i32
      %mul3A_826 = arith.muli %scan3A_816, %mul3A_825 : i32
      "tpu.region"() ({
        %run_scoped3A = tpu.sem_alloc : memref<!tpu.dma_semaphore, #tpu.memory_space<semaphore_mem>>
        %dma_start3A = arith.constant 0 : i32
        %dma_start3A_828 = tpu.memref_slice %arg17[%mul3A_826, %dma_start3A] : memref<64x16xf32, #tpu.memory_space<vmem>> -> memref<16x16xf32, #tpu.memory_space<vmem>>
        %dma_start3A_829 = arith.constant 0 : i32
        %dma_start3A_830 = arith.constant 0 : i32
        %dma_start3A_831 = tpu.memref_slice %arg20[%dma_start3A_829, %dma_start3A_830] : memref<50176x16xf32, #tpu.memory_space<vmem_shared>> -> memref<50176x16xf32, #tpu.memory_space<vmem_shared>>
        tpu.enqueue_indirect_dma source(%dma_start3A_831 : memref<50176x16xf32, #tpu.memory_space<vmem_shared>>) target(%dma_start3A_828 : memref<16x16xf32, #tpu.memory_space<vmem>>) offsets(%add3A_824 : vector<16xi32>) semaphore(%run_scoped3A : memref<!tpu.dma_semaphore, #tpu.memory_space<semaphore_mem>>)
        %dma_wait3A = arith.constant 0 : i32
        %dma_wait3A_832 = tpu.memref_slice %arg17[%mul3A_826, %dma_wait3A] : memref<64x16xf32, #tpu.memory_space<vmem>> -> memref<16x16xf32, #tpu.memory_space<vmem>>
        %dma_wait3A_833 = arith.constant 0 : i32
        %dma_wait3A_834 = arith.constant 0 : i32
        %dma_wait3A_835 = tpu.memref_slice %arg20[%dma_wait3A_833, %dma_wait3A_834] : memref<50176x16xf32, #tpu.memory_space<vmem_shared>> -> memref<50176x16xf32, #tpu.memory_space<vmem_shared>>
        tpu.wait_indirect_dma semaphore(%run_scoped3A : memref<!tpu.dma_semaphore, #tpu.memory_space<semaphore_mem>>) src(%dma_wait3A_835 : memref<50176x16xf32, #tpu.memory_space<vmem_shared>>) dst(%dma_wait3A_832 : memref<16x16xf32, #tpu.memory_space<vmem>>)
        tpu.yield
      }) : () -> ()
      %scan3A_827 = arith.constant 0 : i32
      scf.yield %scan3A_827 : i32
    }
    %scan3A_486 = arith.constant 4 : i32
    %scan3A_487 = arith.constant 0 : i32
    %scan3A_488 = arith.constant 0 : i32
    %scan3A_489 = arith.constant 64 : i32
    %scan3A_490 = arith.addi %scan3A_488, %scan3A_489 : i32
    %scan3A_491 = arith.constant 1 : i32
    %scan3A_492 = scf.for %scan3A_816 = %scan3A_488 to %scan3A_490 step %scan3A_491 iter_args(%scan3A_817 = %scan3A_487) -> (i32)  : i32 {
      %get3A = arith.index_cast %scan3A_816 : i32 to index
      %get3A_818 = arith.constant 0 : index
      %get3A_819 = tpu.vector_load %arg17[%get3A, %get3A_818] {strides = array<i32>} : memref<64x16xf32, #tpu.memory_space<vmem>>, vector<16xf32>,
      %shift_right_arithmetic3A = arith.constant 3 : i32
      %shift_right_arithmetic3A_820 = arith.shrsi %scan3A_816, %shift_right_arithmetic3A : i32
      %and3A = arith.constant 7 : i32
      %and3A_821 = arith.andi %scan3A_816, %and3A : i32
      %mul3A_822 = arith.constant 16 : i32
      %mul3A_823 = arith.muli %and3A_821, %mul3A_822 : i32
      %swap3A = arith.index_cast %shift_right_arithmetic3A_820 : i32 to index
      %swap3A_824 = arith.index_cast %mul3A_823 : i32 to index
      %swap3A_825 = tpu.vector_load %arg18[%swap3A, %swap3A_824] {strides = array<i32>} : memref<8x128xf32, #tpu.memory_space<vmem>>, vector<16xf32>,
      tpu.vector_store %arg18[%swap3A, %swap3A_824], %get3A_819 {strides = array<i32>} : memref<8x128xf32, #tpu.memory_space<vmem>>, vector<16xf32>,
      %scan3A_826 = arith.constant 0 : i32
      scf.yield %scan3A_826 : i32
    }
    %scan3A_493 = arith.constant 64 : i32
    %add3A_494 = arith.constant 224 : i32
    %add3A_495 = arith.addi %add3A_31, %add3A_494 : i32
    "tpu.region"() ({
      %run_scoped3A = tpu.sem_alloc : memref<!tpu.dma_semaphore, #tpu.memory_space<semaphore_mem>>
      %dma_start3A = arith.constant 0 : i32
      %dma_start3A_816 = tpu.memref_slice %arg8[%add3A_495, %dma_start3A] : memref<12544x128xf32, #tpu.memory_space<hbm>> -> memref<8x128xf32, #tpu.memory_space<hbm>>
      %dma_start3A_817 = arith.constant 0 : i32
      %dma_start3A_818 = tpu.memref_slice %arg8[%add3A_495, %dma_start3A_817] : memref<12544x128xf32, #tpu.memory_space<hbm>> -> memref<8x128xf32, #tpu.memory_space<hbm>>
      tpu.enqueue_dma source(%arg18 : memref<8x128xf32, #tpu.memory_space<vmem>>) target(%dma_start3A_818 : memref<8x128xf32, #tpu.memory_space<hbm>>) target_semaphore(%run_scoped3A : memref<!tpu.dma_semaphore, #tpu.memory_space<semaphore_mem>>)
      %dma_wait3A = arith.constant 0 : i32
      %dma_wait3A_819 = tpu.memref_slice %arg8[%add3A_495, %dma_wait3A] : memref<12544x128xf32, #tpu.memory_space<hbm>> -> memref<8x128xf32, #tpu.memory_space<hbm>>
      %dma_wait3A_820 = arith.constant 0 : i32
      %dma_wait3A_821 = tpu.memref_slice %arg8[%add3A_495, %dma_wait3A_820] : memref<12544x128xf32, #tpu.memory_space<hbm>> -> memref<8x128xf32, #tpu.memory_space<hbm>>
      tpu.wait_dma2 semaphore(%run_scoped3A : memref<!tpu.dma_semaphore, #tpu.memory_space<semaphore_mem>>) src(%arg18 : memref<8x128xf32, #tpu.memory_space<vmem>>) dst(%dma_wait3A_821 : memref<8x128xf32, #tpu.memory_space<hbm>>)
      tpu.yield
    }) : () -> ()
    %scan3A_496 = arith.constant 0 : i32
    %scan3A_497 = arith.constant 0 : i32
    %scan3A_498 = arith.constant 4 : i32
    %scan3A_499 = arith.addi %scan3A_497, %scan3A_498 : i32
    %scan3A_500 = arith.constant 1 : i32
    %scan3A_501 = scf.for %scan3A_816 = %scan3A_497 to %scan3A_499 step %scan3A_500 iter_args(%scan3A_817 = %scan3A_496) -> (i32)  : i32 {
      %add3A_818 = arith.constant 1856 : i32
      %add3A_819 = arith.addi %mul3A_11, %add3A_818 : i32
      %mul3A_820 = arith.constant 16 : i32
      %mul3A_821 = arith.muli %scan3A_816, %mul3A_820 : i32
      %add3A_822 = arith.addi %add3A_819, %mul3A_821 : i32
      %add3A_823 = vector.broadcast %add3A_822 : i32 to vector<16xi32>
      %add3A_824 = arith.addi %add3A_823, %iota3A : vector<16xi32>
      %mul3A_825 = arith.constant 16 : i32
      %mul3A_826 = arith.muli %scan3A_816, %mul3A_825 : i32
      "tpu.region"() ({
        %run_scoped3A = tpu.sem_alloc : memref<!tpu.dma_semaphore, #tpu.memory_space<semaphore_mem>>
        %dma_start3A = arith.constant 0 : i32
        %dma_start3A_828 = tpu.memref_slice %arg17[%mul3A_826, %dma_start3A] : memref<64x16xf32, #tpu.memory_space<vmem>> -> memref<16x16xf32, #tpu.memory_space<vmem>>
        %dma_start3A_829 = arith.constant 0 : i32
        %dma_start3A_830 = arith.constant 0 : i32
        %dma_start3A_831 = tpu.memref_slice %arg20[%dma_start3A_829, %dma_start3A_830] : memref<50176x16xf32, #tpu.memory_space<vmem_shared>> -> memref<50176x16xf32, #tpu.memory_space<vmem_shared>>
        tpu.enqueue_indirect_dma source(%dma_start3A_831 : memref<50176x16xf32, #tpu.memory_space<vmem_shared>>) target(%dma_start3A_828 : memref<16x16xf32, #tpu.memory_space<vmem>>) offsets(%add3A_824 : vector<16xi32>) semaphore(%run_scoped3A : memref<!tpu.dma_semaphore, #tpu.memory_space<semaphore_mem>>)
        %dma_wait3A = arith.constant 0 : i32
        %dma_wait3A_832 = tpu.memref_slice %arg17[%mul3A_826, %dma_wait3A] : memref<64x16xf32, #tpu.memory_space<vmem>> -> memref<16x16xf32, #tpu.memory_space<vmem>>
        %dma_wait3A_833 = arith.constant 0 : i32
        %dma_wait3A_834 = arith.constant 0 : i32
        %dma_wait3A_835 = tpu.memref_slice %arg20[%dma_wait3A_833, %dma_wait3A_834] : memref<50176x16xf32, #tpu.memory_space<vmem_shared>> -> memref<50176x16xf32, #tpu.memory_space<vmem_shared>>
        tpu.wait_indirect_dma semaphore(%run_scoped3A : memref<!tpu.dma_semaphore, #tpu.memory_space<semaphore_mem>>) src(%dma_wait3A_835 : memref<50176x16xf32, #tpu.memory_space<vmem_shared>>) dst(%dma_wait3A_832 : memref<16x16xf32, #tpu.memory_space<vmem>>)
        tpu.yield
      }) : () -> ()
      %scan3A_827 = arith.constant 0 : i32
      scf.yield %scan3A_827 : i32
    }
    %scan3A_502 = arith.constant 4 : i32
    %scan3A_503 = arith.constant 0 : i32
    %scan3A_504 = arith.constant 0 : i32
    %scan3A_505 = arith.constant 64 : i32
    %scan3A_506 = arith.addi %scan3A_504, %scan3A_505 : i32
    %scan3A_507 = arith.constant 1 : i32
    %scan3A_508 = scf.for %scan3A_816 = %scan3A_504 to %scan3A_506 step %scan3A_507 iter_args(%scan3A_817 = %scan3A_503) -> (i32)  : i32 {
      %get3A = arith.index_cast %scan3A_816 : i32 to index
      %get3A_818 = arith.constant 0 : index
      %get3A_819 = tpu.vector_load %arg17[%get3A, %get3A_818] {strides = array<i32>} : memref<64x16xf32, #tpu.memory_space<vmem>>, vector<16xf32>,
      %shift_right_arithmetic3A = arith.constant 3 : i32
      %shift_right_arithmetic3A_820 = arith.shrsi %scan3A_816, %shift_right_arithmetic3A : i32
      %and3A = arith.constant 7 : i32
      %and3A_821 = arith.andi %scan3A_816, %and3A : i32
      %mul3A_822 = arith.constant 16 : i32
      %mul3A_823 = arith.muli %and3A_821, %mul3A_822 : i32
      %swap3A = arith.index_cast %shift_right_arithmetic3A_820 : i32 to index
      %swap3A_824 = arith.index_cast %mul3A_823 : i32 to index
      %swap3A_825 = tpu.vector_load %arg18[%swap3A, %swap3A_824] {strides = array<i32>} : memref<8x128xf32, #tpu.memory_space<vmem>>, vector<16xf32>,
      tpu.vector_store %arg18[%swap3A, %swap3A_824], %get3A_819 {strides = array<i32>} : memref<8x128xf32, #tpu.memory_space<vmem>>, vector<16xf32>,
      %scan3A_826 = arith.constant 0 : i32
      scf.yield %scan3A_826 : i32
    }
    %scan3A_509 = arith.constant 64 : i32
    %add3A_510 = arith.constant 232 : i32
    %add3A_511 = arith.addi %add3A_31, %add3A_510 : i32
    "tpu.region"() ({
      %run_scoped3A = tpu.sem_alloc : memref<!tpu.dma_semaphore, #tpu.memory_space<semaphore_mem>>
      %dma_start3A = arith.constant 0 : i32
      %dma_start3A_816 = tpu.memref_slice %arg8[%add3A_511, %dma_start3A] : memref<12544x128xf32, #tpu.memory_space<hbm>> -> memref<8x128xf32, #tpu.memory_space<hbm>>
      %dma_start3A_817 = arith.constant 0 : i32
      %dma_start3A_818 = tpu.memref_slice %arg8[%add3A_511, %dma_start3A_817] : memref<12544x128xf32, #tpu.memory_space<hbm>> -> memref<8x128xf32, #tpu.memory_space<hbm>>
      tpu.enqueue_dma source(%arg18 : memref<8x128xf32, #tpu.memory_space<vmem>>) target(%dma_start3A_818 : memref<8x128xf32, #tpu.memory_space<hbm>>) target_semaphore(%run_scoped3A : memref<!tpu.dma_semaphore, #tpu.memory_space<semaphore_mem>>)
      %dma_wait3A = arith.constant 0 : i32
      %dma_wait3A_819 = tpu.memref_slice %arg8[%add3A_511, %dma_wait3A] : memref<12544x128xf32, #tpu.memory_space<hbm>> -> memref<8x128xf32, #tpu.memory_space<hbm>>
      %dma_wait3A_820 = arith.constant 0 : i32
      %dma_wait3A_821 = tpu.memref_slice %arg8[%add3A_511, %dma_wait3A_820] : memref<12544x128xf32, #tpu.memory_space<hbm>> -> memref<8x128xf32, #tpu.memory_space<hbm>>
      tpu.wait_dma2 semaphore(%run_scoped3A : memref<!tpu.dma_semaphore, #tpu.memory_space<semaphore_mem>>) src(%arg18 : memref<8x128xf32, #tpu.memory_space<vmem>>) dst(%dma_wait3A_821 : memref<8x128xf32, #tpu.memory_space<hbm>>)
      tpu.yield
    }) : () -> ()
    %scan3A_512 = arith.constant 0 : i32
    %scan3A_513 = arith.constant 0 : i32
    %scan3A_514 = arith.constant 4 : i32
    %scan3A_515 = arith.addi %scan3A_513, %scan3A_514 : i32
    %scan3A_516 = arith.constant 1 : i32
    %scan3A_517 = scf.for %scan3A_816 = %scan3A_513 to %scan3A_515 step %scan3A_516 iter_args(%scan3A_817 = %scan3A_512) -> (i32)  : i32 {
      %add3A_818 = arith.constant 1920 : i32
      %add3A_819 = arith.addi %mul3A_11, %add3A_818 : i32
      %mul3A_820 = arith.constant 16 : i32
      %mul3A_821 = arith.muli %scan3A_816, %mul3A_820 : i32
      %add3A_822 = arith.addi %add3A_819, %mul3A_821 : i32
      %add3A_823 = vector.broadcast %add3A_822 : i32 to vector<16xi32>
      %add3A_824 = arith.addi %add3A_823, %iota3A : vector<16xi32>
      %mul3A_825 = arith.constant 16 : i32
      %mul3A_826 = arith.muli %scan3A_816, %mul3A_825 : i32
      "tpu.region"() ({
        %run_scoped3A = tpu.sem_alloc : memref<!tpu.dma_semaphore, #tpu.memory_space<semaphore_mem>>
        %dma_start3A = arith.constant 0 : i32
        %dma_start3A_828 = tpu.memref_slice %arg17[%mul3A_826, %dma_start3A] : memref<64x16xf32, #tpu.memory_space<vmem>> -> memref<16x16xf32, #tpu.memory_space<vmem>>
        %dma_start3A_829 = arith.constant 0 : i32
        %dma_start3A_830 = arith.constant 0 : i32
        %dma_start3A_831 = tpu.memref_slice %arg20[%dma_start3A_829, %dma_start3A_830] : memref<50176x16xf32, #tpu.memory_space<vmem_shared>> -> memref<50176x16xf32, #tpu.memory_space<vmem_shared>>
        tpu.enqueue_indirect_dma source(%dma_start3A_831 : memref<50176x16xf32, #tpu.memory_space<vmem_shared>>) target(%dma_start3A_828 : memref<16x16xf32, #tpu.memory_space<vmem>>) offsets(%add3A_824 : vector<16xi32>) semaphore(%run_scoped3A : memref<!tpu.dma_semaphore, #tpu.memory_space<semaphore_mem>>)
        %dma_wait3A = arith.constant 0 : i32
        %dma_wait3A_832 = tpu.memref_slice %arg17[%mul3A_826, %dma_wait3A] : memref<64x16xf32, #tpu.memory_space<vmem>> -> memref<16x16xf32, #tpu.memory_space<vmem>>
        %dma_wait3A_833 = arith.constant 0 : i32
        %dma_wait3A_834 = arith.constant 0 : i32
        %dma_wait3A_835 = tpu.memref_slice %arg20[%dma_wait3A_833, %dma_wait3A_834] : memref<50176x16xf32, #tpu.memory_space<vmem_shared>> -> memref<50176x16xf32, #tpu.memory_space<vmem_shared>>
        tpu.wait_indirect_dma semaphore(%run_scoped3A : memref<!tpu.dma_semaphore, #tpu.memory_space<semaphore_mem>>) src(%dma_wait3A_835 : memref<50176x16xf32, #tpu.memory_space<vmem_shared>>) dst(%dma_wait3A_832 : memref<16x16xf32, #tpu.memory_space<vmem>>)
        tpu.yield
      }) : () -> ()
      %scan3A_827 = arith.constant 0 : i32
      scf.yield %scan3A_827 : i32
    }
    %scan3A_518 = arith.constant 4 : i32
    %scan3A_519 = arith.constant 0 : i32
    %scan3A_520 = arith.constant 0 : i32
    %scan3A_521 = arith.constant 64 : i32
    %scan3A_522 = arith.addi %scan3A_520, %scan3A_521 : i32
    %scan3A_523 = arith.constant 1 : i32
    %scan3A_524 = scf.for %scan3A_816 = %scan3A_520 to %scan3A_522 step %scan3A_523 iter_args(%scan3A_817 = %scan3A_519) -> (i32)  : i32 {
      %get3A = arith.index_cast %scan3A_816 : i32 to index
      %get3A_818 = arith.constant 0 : index
      %get3A_819 = tpu.vector_load %arg17[%get3A, %get3A_818] {strides = array<i32>} : memref<64x16xf32, #tpu.memory_space<vmem>>, vector<16xf32>,
      %shift_right_arithmetic3A = arith.constant 3 : i32
      %shift_right_arithmetic3A_820 = arith.shrsi %scan3A_816, %shift_right_arithmetic3A : i32
      %and3A = arith.constant 7 : i32
      %and3A_821 = arith.andi %scan3A_816, %and3A : i32
      %mul3A_822 = arith.constant 16 : i32
      %mul3A_823 = arith.muli %and3A_821, %mul3A_822 : i32
      %swap3A = arith.index_cast %shift_right_arithmetic3A_820 : i32 to index
      %swap3A_824 = arith.index_cast %mul3A_823 : i32 to index
      %swap3A_825 = tpu.vector_load %arg18[%swap3A, %swap3A_824] {strides = array<i32>} : memref<8x128xf32, #tpu.memory_space<vmem>>, vector<16xf32>,
      tpu.vector_store %arg18[%swap3A, %swap3A_824], %get3A_819 {strides = array<i32>} : memref<8x128xf32, #tpu.memory_space<vmem>>, vector<16xf32>,
      %scan3A_826 = arith.constant 0 : i32
      scf.yield %scan3A_826 : i32
    }
    %scan3A_525 = arith.constant 64 : i32
    %add3A_526 = arith.constant 240 : i32
    %add3A_527 = arith.addi %add3A_31, %add3A_526 : i32
    "tpu.region"() ({
      %run_scoped3A = tpu.sem_alloc : memref<!tpu.dma_semaphore, #tpu.memory_space<semaphore_mem>>
      %dma_start3A = arith.constant 0 : i32
      %dma_start3A_816 = tpu.memref_slice %arg8[%add3A_527, %dma_start3A] : memref<12544x128xf32, #tpu.memory_space<hbm>> -> memref<8x128xf32, #tpu.memory_space<hbm>>
      %dma_start3A_817 = arith.constant 0 : i32
      %dma_start3A_818 = tpu.memref_slice %arg8[%add3A_527, %dma_start3A_817] : memref<12544x128xf32, #tpu.memory_space<hbm>> -> memref<8x128xf32, #tpu.memory_space<hbm>>
      tpu.enqueue_dma source(%arg18 : memref<8x128xf32, #tpu.memory_space<vmem>>) target(%dma_start3A_818 : memref<8x128xf32, #tpu.memory_space<hbm>>) target_semaphore(%run_scoped3A : memref<!tpu.dma_semaphore, #tpu.memory_space<semaphore_mem>>)
      %dma_wait3A = arith.constant 0 : i32
      %dma_wait3A_819 = tpu.memref_slice %arg8[%add3A_527, %dma_wait3A] : memref<12544x128xf32, #tpu.memory_space<hbm>> -> memref<8x128xf32, #tpu.memory_space<hbm>>
      %dma_wait3A_820 = arith.constant 0 : i32
      %dma_wait3A_821 = tpu.memref_slice %arg8[%add3A_527, %dma_wait3A_820] : memref<12544x128xf32, #tpu.memory_space<hbm>> -> memref<8x128xf32, #tpu.memory_space<hbm>>
      tpu.wait_dma2 semaphore(%run_scoped3A : memref<!tpu.dma_semaphore, #tpu.memory_space<semaphore_mem>>) src(%arg18 : memref<8x128xf32, #tpu.memory_space<vmem>>) dst(%dma_wait3A_821 : memref<8x128xf32, #tpu.memory_space<hbm>>)
      tpu.yield
    }) : () -> ()
    %scan3A_528 = arith.constant 0 : i32
    %scan3A_529 = arith.constant 0 : i32
    %scan3A_530 = arith.constant 4 : i32
    %scan3A_531 = arith.addi %scan3A_529, %scan3A_530 : i32
    %scan3A_532 = arith.constant 1 : i32
    %scan3A_533 = scf.for %scan3A_816 = %scan3A_529 to %scan3A_531 step %scan3A_532 iter_args(%scan3A_817 = %scan3A_528) -> (i32)  : i32 {
      %add3A_818 = arith.constant 1984 : i32
      %add3A_819 = arith.addi %mul3A_11, %add3A_818 : i32
      %mul3A_820 = arith.constant 16 : i32
      %mul3A_821 = arith.muli %scan3A_816, %mul3A_820 : i32
      %add3A_822 = arith.addi %add3A_819, %mul3A_821 : i32
      %add3A_823 = vector.broadcast %add3A_822 : i32 to vector<16xi32>
      %add3A_824 = arith.addi %add3A_823, %iota3A : vector<16xi32>
      %mul3A_825 = arith.constant 16 : i32
      %mul3A_826 = arith.muli %scan3A_816, %mul3A_825 : i32
      "tpu.region"() ({
        %run_scoped3A = tpu.sem_alloc : memref<!tpu.dma_semaphore, #tpu.memory_space<semaphore_mem>>
        %dma_start3A = arith.constant 0 : i32
        %dma_start3A_828 = tpu.memref_slice %arg17[%mul3A_826, %dma_start3A] : memref<64x16xf32, #tpu.memory_space<vmem>> -> memref<16x16xf32, #tpu.memory_space<vmem>>
        %dma_start3A_829 = arith.constant 0 : i32
        %dma_start3A_830 = arith.constant 0 : i32
        %dma_start3A_831 = tpu.memref_slice %arg20[%dma_start3A_829, %dma_start3A_830] : memref<50176x16xf32, #tpu.memory_space<vmem_shared>> -> memref<50176x16xf32, #tpu.memory_space<vmem_shared>>
        tpu.enqueue_indirect_dma source(%dma_start3A_831 : memref<50176x16xf32, #tpu.memory_space<vmem_shared>>) target(%dma_start3A_828 : memref<16x16xf32, #tpu.memory_space<vmem>>) offsets(%add3A_824 : vector<16xi32>) semaphore(%run_scoped3A : memref<!tpu.dma_semaphore, #tpu.memory_space<semaphore_mem>>)
        %dma_wait3A = arith.constant 0 : i32
        %dma_wait3A_832 = tpu.memref_slice %arg17[%mul3A_826, %dma_wait3A] : memref<64x16xf32, #tpu.memory_space<vmem>> -> memref<16x16xf32, #tpu.memory_space<vmem>>
        %dma_wait3A_833 = arith.constant 0 : i32
        %dma_wait3A_834 = arith.constant 0 : i32
        %dma_wait3A_835 = tpu.memref_slice %arg20[%dma_wait3A_833, %dma_wait3A_834] : memref<50176x16xf32, #tpu.memory_space<vmem_shared>> -> memref<50176x16xf32, #tpu.memory_space<vmem_shared>>
        tpu.wait_indirect_dma semaphore(%run_scoped3A : memref<!tpu.dma_semaphore, #tpu.memory_space<semaphore_mem>>) src(%dma_wait3A_835 : memref<50176x16xf32, #tpu.memory_space<vmem_shared>>) dst(%dma_wait3A_832 : memref<16x16xf32, #tpu.memory_space<vmem>>)
        tpu.yield
      }) : () -> ()
      %scan3A_827 = arith.constant 0 : i32
      scf.yield %scan3A_827 : i32
    }
    %scan3A_534 = arith.constant 4 : i32
    %scan3A_535 = arith.constant 0 : i32
    %scan3A_536 = arith.constant 0 : i32
    %scan3A_537 = arith.constant 64 : i32
    %scan3A_538 = arith.addi %scan3A_536, %scan3A_537 : i32
    %scan3A_539 = arith.constant 1 : i32
    %scan3A_540 = scf.for %scan3A_816 = %scan3A_536 to %scan3A_538 step %scan3A_539 iter_args(%scan3A_817 = %scan3A_535) -> (i32)  : i32 {
      %get3A = arith.index_cast %scan3A_816 : i32 to index
      %get3A_818 = arith.constant 0 : index
      %get3A_819 = tpu.vector_load %arg17[%get3A, %get3A_818] {strides = array<i32>} : memref<64x16xf32, #tpu.memory_space<vmem>>, vector<16xf32>,
      %shift_right_arithmetic3A = arith.constant 3 : i32
      %shift_right_arithmetic3A_820 = arith.shrsi %scan3A_816, %shift_right_arithmetic3A : i32
      %and3A = arith.constant 7 : i32
      %and3A_821 = arith.andi %scan3A_816, %and3A : i32
      %mul3A_822 = arith.constant 16 : i32
      %mul3A_823 = arith.muli %and3A_821, %mul3A_822 : i32
      %swap3A = arith.index_cast %shift_right_arithmetic3A_820 : i32 to index
      %swap3A_824 = arith.index_cast %mul3A_823 : i32 to index
      %swap3A_825 = tpu.vector_load %arg18[%swap3A, %swap3A_824] {strides = array<i32>} : memref<8x128xf32, #tpu.memory_space<vmem>>, vector<16xf32>,
      tpu.vector_store %arg18[%swap3A, %swap3A_824], %get3A_819 {strides = array<i32>} : memref<8x128xf32, #tpu.memory_space<vmem>>, vector<16xf32>,
      %scan3A_826 = arith.constant 0 : i32
      scf.yield %scan3A_826 : i32
    }
    %scan3A_541 = arith.constant 64 : i32
    %add3A_542 = arith.constant 248 : i32
    %add3A_543 = arith.addi %add3A_31, %add3A_542 : i32
    "tpu.region"() ({
      %run_scoped3A = tpu.sem_alloc : memref<!tpu.dma_semaphore, #tpu.memory_space<semaphore_mem>>
      %dma_start3A = arith.constant 0 : i32
      %dma_start3A_816 = tpu.memref_slice %arg8[%add3A_543, %dma_start3A] : memref<12544x128xf32, #tpu.memory_space<hbm>> -> memref<8x128xf32, #tpu.memory_space<hbm>>
      %dma_start3A_817 = arith.constant 0 : i32
      %dma_start3A_818 = tpu.memref_slice %arg8[%add3A_543, %dma_start3A_817] : memref<12544x128xf32, #tpu.memory_space<hbm>> -> memref<8x128xf32, #tpu.memory_space<hbm>>
      tpu.enqueue_dma source(%arg18 : memref<8x128xf32, #tpu.memory_space<vmem>>) target(%dma_start3A_818 : memref<8x128xf32, #tpu.memory_space<hbm>>) target_semaphore(%run_scoped3A : memref<!tpu.dma_semaphore, #tpu.memory_space<semaphore_mem>>)
      %dma_wait3A = arith.constant 0 : i32
      %dma_wait3A_819 = tpu.memref_slice %arg8[%add3A_543, %dma_wait3A] : memref<12544x128xf32, #tpu.memory_space<hbm>> -> memref<8x128xf32, #tpu.memory_space<hbm>>
      %dma_wait3A_820 = arith.constant 0 : i32
      %dma_wait3A_821 = tpu.memref_slice %arg8[%add3A_543, %dma_wait3A_820] : memref<12544x128xf32, #tpu.memory_space<hbm>> -> memref<8x128xf32, #tpu.memory_space<hbm>>
      tpu.wait_dma2 semaphore(%run_scoped3A : memref<!tpu.dma_semaphore, #tpu.memory_space<semaphore_mem>>) src(%arg18 : memref<8x128xf32, #tpu.memory_space<vmem>>) dst(%dma_wait3A_821 : memref<8x128xf32, #tpu.memory_space<hbm>>)
      tpu.yield
    }) : () -> ()
    %scan3A_544 = arith.constant 0 : i32
    %scan3A_545 = arith.constant 0 : i32
    %scan3A_546 = arith.constant 4 : i32
    %scan3A_547 = arith.addi %scan3A_545, %scan3A_546 : i32
    %scan3A_548 = arith.constant 1 : i32
    %scan3A_549 = scf.for %scan3A_816 = %scan3A_545 to %scan3A_547 step %scan3A_548 iter_args(%scan3A_817 = %scan3A_544) -> (i32)  : i32 {
      %add3A_818 = arith.constant 2048 : i32
      %add3A_819 = arith.addi %mul3A_11, %add3A_818 : i32
      %mul3A_820 = arith.constant 16 : i32
      %mul3A_821 = arith.muli %scan3A_816, %mul3A_820 : i32
      %add3A_822 = arith.addi %add3A_819, %mul3A_821 : i32
      %add3A_823 = vector.broadcast %add3A_822 : i32 to vector<16xi32>
      %add3A_824 = arith.addi %add3A_823, %iota3A : vector<16xi32>
      %mul3A_825 = arith.constant 16 : i32
      %mul3A_826 = arith.muli %scan3A_816, %mul3A_825 : i32
      "tpu.region"() ({
        %run_scoped3A = tpu.sem_alloc : memref<!tpu.dma_semaphore, #tpu.memory_space<semaphore_mem>>
        %dma_start3A = arith.constant 0 : i32
        %dma_start3A_828 = tpu.memref_slice %arg17[%mul3A_826, %dma_start3A] : memref<64x16xf32, #tpu.memory_space<vmem>> -> memref<16x16xf32, #tpu.memory_space<vmem>>
        %dma_start3A_829 = arith.constant 0 : i32
        %dma_start3A_830 = arith.constant 0 : i32
        %dma_start3A_831 = tpu.memref_slice %arg20[%dma_start3A_829, %dma_start3A_830] : memref<50176x16xf32, #tpu.memory_space<vmem_shared>> -> memref<50176x16xf32, #tpu.memory_space<vmem_shared>>
        tpu.enqueue_indirect_dma source(%dma_start3A_831 : memref<50176x16xf32, #tpu.memory_space<vmem_shared>>) target(%dma_start3A_828 : memref<16x16xf32, #tpu.memory_space<vmem>>) offsets(%add3A_824 : vector<16xi32>) semaphore(%run_scoped3A : memref<!tpu.dma_semaphore, #tpu.memory_space<semaphore_mem>>)
        %dma_wait3A = arith.constant 0 : i32
        %dma_wait3A_832 = tpu.memref_slice %arg17[%mul3A_826, %dma_wait3A] : memref<64x16xf32, #tpu.memory_space<vmem>> -> memref<16x16xf32, #tpu.memory_space<vmem>>
        %dma_wait3A_833 = arith.constant 0 : i32
        %dma_wait3A_834 = arith.constant 0 : i32
        %dma_wait3A_835 = tpu.memref_slice %arg20[%dma_wait3A_833, %dma_wait3A_834] : memref<50176x16xf32, #tpu.memory_space<vmem_shared>> -> memref<50176x16xf32, #tpu.memory_space<vmem_shared>>
        tpu.wait_indirect_dma semaphore(%run_scoped3A : memref<!tpu.dma_semaphore, #tpu.memory_space<semaphore_mem>>) src(%dma_wait3A_835 : memref<50176x16xf32, #tpu.memory_space<vmem_shared>>) dst(%dma_wait3A_832 : memref<16x16xf32, #tpu.memory_space<vmem>>)
        tpu.yield
      }) : () -> ()
      %scan3A_827 = arith.constant 0 : i32
      scf.yield %scan3A_827 : i32
    }
    %scan3A_550 = arith.constant 4 : i32
    %scan3A_551 = arith.constant 0 : i32
    %scan3A_552 = arith.constant 0 : i32
    %scan3A_553 = arith.constant 64 : i32
    %scan3A_554 = arith.addi %scan3A_552, %scan3A_553 : i32
    %scan3A_555 = arith.constant 1 : i32
    %scan3A_556 = scf.for %scan3A_816 = %scan3A_552 to %scan3A_554 step %scan3A_555 iter_args(%scan3A_817 = %scan3A_551) -> (i32)  : i32 {
      %get3A = arith.index_cast %scan3A_816 : i32 to index
      %get3A_818 = arith.constant 0 : index
      %get3A_819 = tpu.vector_load %arg17[%get3A, %get3A_818] {strides = array<i32>} : memref<64x16xf32, #tpu.memory_space<vmem>>, vector<16xf32>,
      %shift_right_arithmetic3A = arith.constant 3 : i32
      %shift_right_arithmetic3A_820 = arith.shrsi %scan3A_816, %shift_right_arithmetic3A : i32
      %and3A = arith.constant 7 : i32
      %and3A_821 = arith.andi %scan3A_816, %and3A : i32
      %mul3A_822 = arith.constant 16 : i32
      %mul3A_823 = arith.muli %and3A_821, %mul3A_822 : i32
      %swap3A = arith.index_cast %shift_right_arithmetic3A_820 : i32 to index
      %swap3A_824 = arith.index_cast %mul3A_823 : i32 to index
      %swap3A_825 = tpu.vector_load %arg18[%swap3A, %swap3A_824] {strides = array<i32>} : memref<8x128xf32, #tpu.memory_space<vmem>>, vector<16xf32>,
      tpu.vector_store %arg18[%swap3A, %swap3A_824], %get3A_819 {strides = array<i32>} : memref<8x128xf32, #tpu.memory_space<vmem>>, vector<16xf32>,
      %scan3A_826 = arith.constant 0 : i32
      scf.yield %scan3A_826 : i32
    }
    %scan3A_557 = arith.constant 64 : i32
    %add3A_558 = arith.constant 256 : i32
    %add3A_559 = arith.addi %add3A_31, %add3A_558 : i32
    "tpu.region"() ({
      %run_scoped3A = tpu.sem_alloc : memref<!tpu.dma_semaphore, #tpu.memory_space<semaphore_mem>>
      %dma_start3A = arith.constant 0 : i32
      %dma_start3A_816 = tpu.memref_slice %arg8[%add3A_559, %dma_start3A] : memref<12544x128xf32, #tpu.memory_space<hbm>> -> memref<8x128xf32, #tpu.memory_space<hbm>>
      %dma_start3A_817 = arith.constant 0 : i32
      %dma_start3A_818 = tpu.memref_slice %arg8[%add3A_559, %dma_start3A_817] : memref<12544x128xf32, #tpu.memory_space<hbm>> -> memref<8x128xf32, #tpu.memory_space<hbm>>
      tpu.enqueue_dma source(%arg18 : memref<8x128xf32, #tpu.memory_space<vmem>>) target(%dma_start3A_818 : memref<8x128xf32, #tpu.memory_space<hbm>>) target_semaphore(%run_scoped3A : memref<!tpu.dma_semaphore, #tpu.memory_space<semaphore_mem>>)
      %dma_wait3A = arith.constant 0 : i32
      %dma_wait3A_819 = tpu.memref_slice %arg8[%add3A_559, %dma_wait3A] : memref<12544x128xf32, #tpu.memory_space<hbm>> -> memref<8x128xf32, #tpu.memory_space<hbm>>
      %dma_wait3A_820 = arith.constant 0 : i32
      %dma_wait3A_821 = tpu.memref_slice %arg8[%add3A_559, %dma_wait3A_820] : memref<12544x128xf32, #tpu.memory_space<hbm>> -> memref<8x128xf32, #tpu.memory_space<hbm>>
      tpu.wait_dma2 semaphore(%run_scoped3A : memref<!tpu.dma_semaphore, #tpu.memory_space<semaphore_mem>>) src(%arg18 : memref<8x128xf32, #tpu.memory_space<vmem>>) dst(%dma_wait3A_821 : memref<8x128xf32, #tpu.memory_space<hbm>>)
      tpu.yield
    }) : () -> ()
    %scan3A_560 = arith.constant 0 : i32
    %scan3A_561 = arith.constant 0 : i32
    %scan3A_562 = arith.constant 4 : i32
    %scan3A_563 = arith.addi %scan3A_561, %scan3A_562 : i32
    %scan3A_564 = arith.constant 1 : i32
    %scan3A_565 = scf.for %scan3A_816 = %scan3A_561 to %scan3A_563 step %scan3A_564 iter_args(%scan3A_817 = %scan3A_560) -> (i32)  : i32 {
      %add3A_818 = arith.constant 2112 : i32
      %add3A_819 = arith.addi %mul3A_11, %add3A_818 : i32
      %mul3A_820 = arith.constant 16 : i32
      %mul3A_821 = arith.muli %scan3A_816, %mul3A_820 : i32
      %add3A_822 = arith.addi %add3A_819, %mul3A_821 : i32
      %add3A_823 = vector.broadcast %add3A_822 : i32 to vector<16xi32>
      %add3A_824 = arith.addi %add3A_823, %iota3A : vector<16xi32>
      %mul3A_825 = arith.constant 16 : i32
      %mul3A_826 = arith.muli %scan3A_816, %mul3A_825 : i32
      "tpu.region"() ({
        %run_scoped3A = tpu.sem_alloc : memref<!tpu.dma_semaphore, #tpu.memory_space<semaphore_mem>>
        %dma_start3A = arith.constant 0 : i32
        %dma_start3A_828 = tpu.memref_slice %arg17[%mul3A_826, %dma_start3A] : memref<64x16xf32, #tpu.memory_space<vmem>> -> memref<16x16xf32, #tpu.memory_space<vmem>>
        %dma_start3A_829 = arith.constant 0 : i32
        %dma_start3A_830 = arith.constant 0 : i32
        %dma_start3A_831 = tpu.memref_slice %arg20[%dma_start3A_829, %dma_start3A_830] : memref<50176x16xf32, #tpu.memory_space<vmem_shared>> -> memref<50176x16xf32, #tpu.memory_space<vmem_shared>>
        tpu.enqueue_indirect_dma source(%dma_start3A_831 : memref<50176x16xf32, #tpu.memory_space<vmem_shared>>) target(%dma_start3A_828 : memref<16x16xf32, #tpu.memory_space<vmem>>) offsets(%add3A_824 : vector<16xi32>) semaphore(%run_scoped3A : memref<!tpu.dma_semaphore, #tpu.memory_space<semaphore_mem>>)
        %dma_wait3A = arith.constant 0 : i32
        %dma_wait3A_832 = tpu.memref_slice %arg17[%mul3A_826, %dma_wait3A] : memref<64x16xf32, #tpu.memory_space<vmem>> -> memref<16x16xf32, #tpu.memory_space<vmem>>
        %dma_wait3A_833 = arith.constant 0 : i32
        %dma_wait3A_834 = arith.constant 0 : i32
        %dma_wait3A_835 = tpu.memref_slice %arg20[%dma_wait3A_833, %dma_wait3A_834] : memref<50176x16xf32, #tpu.memory_space<vmem_shared>> -> memref<50176x16xf32, #tpu.memory_space<vmem_shared>>
        tpu.wait_indirect_dma semaphore(%run_scoped3A : memref<!tpu.dma_semaphore, #tpu.memory_space<semaphore_mem>>) src(%dma_wait3A_835 : memref<50176x16xf32, #tpu.memory_space<vmem_shared>>) dst(%dma_wait3A_832 : memref<16x16xf32, #tpu.memory_space<vmem>>)
        tpu.yield
      }) : () -> ()
      %scan3A_827 = arith.constant 0 : i32
      scf.yield %scan3A_827 : i32
    }
    %scan3A_566 = arith.constant 4 : i32
    %scan3A_567 = arith.constant 0 : i32
    %scan3A_568 = arith.constant 0 : i32
    %scan3A_569 = arith.constant 64 : i32
    %scan3A_570 = arith.addi %scan3A_568, %scan3A_569 : i32
    %scan3A_571 = arith.constant 1 : i32
    %scan3A_572 = scf.for %scan3A_816 = %scan3A_568 to %scan3A_570 step %scan3A_571 iter_args(%scan3A_817 = %scan3A_567) -> (i32)  : i32 {
      %get3A = arith.index_cast %scan3A_816 : i32 to index
      %get3A_818 = arith.constant 0 : index
      %get3A_819 = tpu.vector_load %arg17[%get3A, %get3A_818] {strides = array<i32>} : memref<64x16xf32, #tpu.memory_space<vmem>>, vector<16xf32>,
      %shift_right_arithmetic3A = arith.constant 3 : i32
      %shift_right_arithmetic3A_820 = arith.shrsi %scan3A_816, %shift_right_arithmetic3A : i32
      %and3A = arith.constant 7 : i32
      %and3A_821 = arith.andi %scan3A_816, %and3A : i32
      %mul3A_822 = arith.constant 16 : i32
      %mul3A_823 = arith.muli %and3A_821, %mul3A_822 : i32
      %swap3A = arith.index_cast %shift_right_arithmetic3A_820 : i32 to index
      %swap3A_824 = arith.index_cast %mul3A_823 : i32 to index
      %swap3A_825 = tpu.vector_load %arg18[%swap3A, %swap3A_824] {strides = array<i32>} : memref<8x128xf32, #tpu.memory_space<vmem>>, vector<16xf32>,
      tpu.vector_store %arg18[%swap3A, %swap3A_824], %get3A_819 {strides = array<i32>} : memref<8x128xf32, #tpu.memory_space<vmem>>, vector<16xf32>,
      %scan3A_826 = arith.constant 0 : i32
      scf.yield %scan3A_826 : i32
    }
    %scan3A_573 = arith.constant 64 : i32
    %add3A_574 = arith.constant 264 : i32
    %add3A_575 = arith.addi %add3A_31, %add3A_574 : i32
    "tpu.region"() ({
      %run_scoped3A = tpu.sem_alloc : memref<!tpu.dma_semaphore, #tpu.memory_space<semaphore_mem>>
      %dma_start3A = arith.constant 0 : i32
      %dma_start3A_816 = tpu.memref_slice %arg8[%add3A_575, %dma_start3A] : memref<12544x128xf32, #tpu.memory_space<hbm>> -> memref<8x128xf32, #tpu.memory_space<hbm>>
      %dma_start3A_817 = arith.constant 0 : i32
      %dma_start3A_818 = tpu.memref_slice %arg8[%add3A_575, %dma_start3A_817] : memref<12544x128xf32, #tpu.memory_space<hbm>> -> memref<8x128xf32, #tpu.memory_space<hbm>>
      tpu.enqueue_dma source(%arg18 : memref<8x128xf32, #tpu.memory_space<vmem>>) target(%dma_start3A_818 : memref<8x128xf32, #tpu.memory_space<hbm>>) target_semaphore(%run_scoped3A : memref<!tpu.dma_semaphore, #tpu.memory_space<semaphore_mem>>)
      %dma_wait3A = arith.constant 0 : i32
      %dma_wait3A_819 = tpu.memref_slice %arg8[%add3A_575, %dma_wait3A] : memref<12544x128xf32, #tpu.memory_space<hbm>> -> memref<8x128xf32, #tpu.memory_space<hbm>>
      %dma_wait3A_820 = arith.constant 0 : i32
      %dma_wait3A_821 = tpu.memref_slice %arg8[%add3A_575, %dma_wait3A_820] : memref<12544x128xf32, #tpu.memory_space<hbm>> -> memref<8x128xf32, #tpu.memory_space<hbm>>
      tpu.wait_dma2 semaphore(%run_scoped3A : memref<!tpu.dma_semaphore, #tpu.memory_space<semaphore_mem>>) src(%arg18 : memref<8x128xf32, #tpu.memory_space<vmem>>) dst(%dma_wait3A_821 : memref<8x128xf32, #tpu.memory_space<hbm>>)
      tpu.yield
    }) : () -> ()
    %scan3A_576 = arith.constant 0 : i32
    %scan3A_577 = arith.constant 0 : i32
    %scan3A_578 = arith.constant 4 : i32
    %scan3A_579 = arith.addi %scan3A_577, %scan3A_578 : i32
    %scan3A_580 = arith.constant 1 : i32
    %scan3A_581 = scf.for %scan3A_816 = %scan3A_577 to %scan3A_579 step %scan3A_580 iter_args(%scan3A_817 = %scan3A_576) -> (i32)  : i32 {
      %add3A_818 = arith.constant 2176 : i32
      %add3A_819 = arith.addi %mul3A_11, %add3A_818 : i32
      %mul3A_820 = arith.constant 16 : i32
      %mul3A_821 = arith.muli %scan3A_816, %mul3A_820 : i32
      %add3A_822 = arith.addi %add3A_819, %mul3A_821 : i32
      %add3A_823 = vector.broadcast %add3A_822 : i32 to vector<16xi32>
      %add3A_824 = arith.addi %add3A_823, %iota3A : vector<16xi32>
      %mul3A_825 = arith.constant 16 : i32
      %mul3A_826 = arith.muli %scan3A_816, %mul3A_825 : i32
      "tpu.region"() ({
        %run_scoped3A = tpu.sem_alloc : memref<!tpu.dma_semaphore, #tpu.memory_space<semaphore_mem>>
        %dma_start3A = arith.constant 0 : i32
        %dma_start3A_828 = tpu.memref_slice %arg17[%mul3A_826, %dma_start3A] : memref<64x16xf32, #tpu.memory_space<vmem>> -> memref<16x16xf32, #tpu.memory_space<vmem>>
        %dma_start3A_829 = arith.constant 0 : i32
        %dma_start3A_830 = arith.constant 0 : i32
        %dma_start3A_831 = tpu.memref_slice %arg20[%dma_start3A_829, %dma_start3A_830] : memref<50176x16xf32, #tpu.memory_space<vmem_shared>> -> memref<50176x16xf32, #tpu.memory_space<vmem_shared>>
        tpu.enqueue_indirect_dma source(%dma_start3A_831 : memref<50176x16xf32, #tpu.memory_space<vmem_shared>>) target(%dma_start3A_828 : memref<16x16xf32, #tpu.memory_space<vmem>>) offsets(%add3A_824 : vector<16xi32>) semaphore(%run_scoped3A : memref<!tpu.dma_semaphore, #tpu.memory_space<semaphore_mem>>)
        %dma_wait3A = arith.constant 0 : i32
        %dma_wait3A_832 = tpu.memref_slice %arg17[%mul3A_826, %dma_wait3A] : memref<64x16xf32, #tpu.memory_space<vmem>> -> memref<16x16xf32, #tpu.memory_space<vmem>>
        %dma_wait3A_833 = arith.constant 0 : i32
        %dma_wait3A_834 = arith.constant 0 : i32
        %dma_wait3A_835 = tpu.memref_slice %arg20[%dma_wait3A_833, %dma_wait3A_834] : memref<50176x16xf32, #tpu.memory_space<vmem_shared>> -> memref<50176x16xf32, #tpu.memory_space<vmem_shared>>
        tpu.wait_indirect_dma semaphore(%run_scoped3A : memref<!tpu.dma_semaphore, #tpu.memory_space<semaphore_mem>>) src(%dma_wait3A_835 : memref<50176x16xf32, #tpu.memory_space<vmem_shared>>) dst(%dma_wait3A_832 : memref<16x16xf32, #tpu.memory_space<vmem>>)
        tpu.yield
      }) : () -> ()
      %scan3A_827 = arith.constant 0 : i32
      scf.yield %scan3A_827 : i32
    }
    %scan3A_582 = arith.constant 4 : i32
    %scan3A_583 = arith.constant 0 : i32
    %scan3A_584 = arith.constant 0 : i32
    %scan3A_585 = arith.constant 64 : i32
    %scan3A_586 = arith.addi %scan3A_584, %scan3A_585 : i32
    %scan3A_587 = arith.constant 1 : i32
    %scan3A_588 = scf.for %scan3A_816 = %scan3A_584 to %scan3A_586 step %scan3A_587 iter_args(%scan3A_817 = %scan3A_583) -> (i32)  : i32 {
      %get3A = arith.index_cast %scan3A_816 : i32 to index
      %get3A_818 = arith.constant 0 : index
      %get3A_819 = tpu.vector_load %arg17[%get3A, %get3A_818] {strides = array<i32>} : memref<64x16xf32, #tpu.memory_space<vmem>>, vector<16xf32>,
      %shift_right_arithmetic3A = arith.constant 3 : i32
      %shift_right_arithmetic3A_820 = arith.shrsi %scan3A_816, %shift_right_arithmetic3A : i32
      %and3A = arith.constant 7 : i32
      %and3A_821 = arith.andi %scan3A_816, %and3A : i32
      %mul3A_822 = arith.constant 16 : i32
      %mul3A_823 = arith.muli %and3A_821, %mul3A_822 : i32
      %swap3A = arith.index_cast %shift_right_arithmetic3A_820 : i32 to index
      %swap3A_824 = arith.index_cast %mul3A_823 : i32 to index
      %swap3A_825 = tpu.vector_load %arg18[%swap3A, %swap3A_824] {strides = array<i32>} : memref<8x128xf32, #tpu.memory_space<vmem>>, vector<16xf32>,
      tpu.vector_store %arg18[%swap3A, %swap3A_824], %get3A_819 {strides = array<i32>} : memref<8x128xf32, #tpu.memory_space<vmem>>, vector<16xf32>,
      %scan3A_826 = arith.constant 0 : i32
      scf.yield %scan3A_826 : i32
    }
    %scan3A_589 = arith.constant 64 : i32
    %add3A_590 = arith.constant 272 : i32
    %add3A_591 = arith.addi %add3A_31, %add3A_590 : i32
    "tpu.region"() ({
      %run_scoped3A = tpu.sem_alloc : memref<!tpu.dma_semaphore, #tpu.memory_space<semaphore_mem>>
      %dma_start3A = arith.constant 0 : i32
      %dma_start3A_816 = tpu.memref_slice %arg8[%add3A_591, %dma_start3A] : memref<12544x128xf32, #tpu.memory_space<hbm>> -> memref<8x128xf32, #tpu.memory_space<hbm>>
      %dma_start3A_817 = arith.constant 0 : i32
      %dma_start3A_818 = tpu.memref_slice %arg8[%add3A_591, %dma_start3A_817] : memref<12544x128xf32, #tpu.memory_space<hbm>> -> memref<8x128xf32, #tpu.memory_space<hbm>>
      tpu.enqueue_dma source(%arg18 : memref<8x128xf32, #tpu.memory_space<vmem>>) target(%dma_start3A_818 : memref<8x128xf32, #tpu.memory_space<hbm>>) target_semaphore(%run_scoped3A : memref<!tpu.dma_semaphore, #tpu.memory_space<semaphore_mem>>)
      %dma_wait3A = arith.constant 0 : i32
      %dma_wait3A_819 = tpu.memref_slice %arg8[%add3A_591, %dma_wait3A] : memref<12544x128xf32, #tpu.memory_space<hbm>> -> memref<8x128xf32, #tpu.memory_space<hbm>>
      %dma_wait3A_820 = arith.constant 0 : i32
      %dma_wait3A_821 = tpu.memref_slice %arg8[%add3A_591, %dma_wait3A_820] : memref<12544x128xf32, #tpu.memory_space<hbm>> -> memref<8x128xf32, #tpu.memory_space<hbm>>
      tpu.wait_dma2 semaphore(%run_scoped3A : memref<!tpu.dma_semaphore, #tpu.memory_space<semaphore_mem>>) src(%arg18 : memref<8x128xf32, #tpu.memory_space<vmem>>) dst(%dma_wait3A_821 : memref<8x128xf32, #tpu.memory_space<hbm>>)
      tpu.yield
    }) : () -> ()
    %scan3A_592 = arith.constant 0 : i32
    %scan3A_593 = arith.constant 0 : i32
    %scan3A_594 = arith.constant 4 : i32
    %scan3A_595 = arith.addi %scan3A_593, %scan3A_594 : i32
    %scan3A_596 = arith.constant 1 : i32
    %scan3A_597 = scf.for %scan3A_816 = %scan3A_593 to %scan3A_595 step %scan3A_596 iter_args(%scan3A_817 = %scan3A_592) -> (i32)  : i32 {
      %add3A_818 = arith.constant 2240 : i32
      %add3A_819 = arith.addi %mul3A_11, %add3A_818 : i32
      %mul3A_820 = arith.constant 16 : i32
      %mul3A_821 = arith.muli %scan3A_816, %mul3A_820 : i32
      %add3A_822 = arith.addi %add3A_819, %mul3A_821 : i32
      %add3A_823 = vector.broadcast %add3A_822 : i32 to vector<16xi32>
      %add3A_824 = arith.addi %add3A_823, %iota3A : vector<16xi32>
      %mul3A_825 = arith.constant 16 : i32
      %mul3A_826 = arith.muli %scan3A_816, %mul3A_825 : i32
      "tpu.region"() ({
        %run_scoped3A = tpu.sem_alloc : memref<!tpu.dma_semaphore, #tpu.memory_space<semaphore_mem>>
        %dma_start3A = arith.constant 0 : i32
        %dma_start3A_828 = tpu.memref_slice %arg17[%mul3A_826, %dma_start3A] : memref<64x16xf32, #tpu.memory_space<vmem>> -> memref<16x16xf32, #tpu.memory_space<vmem>>
        %dma_start3A_829 = arith.constant 0 : i32
        %dma_start3A_830 = arith.constant 0 : i32
        %dma_start3A_831 = tpu.memref_slice %arg20[%dma_start3A_829, %dma_start3A_830] : memref<50176x16xf32, #tpu.memory_space<vmem_shared>> -> memref<50176x16xf32, #tpu.memory_space<vmem_shared>>
        tpu.enqueue_indirect_dma source(%dma_start3A_831 : memref<50176x16xf32, #tpu.memory_space<vmem_shared>>) target(%dma_start3A_828 : memref<16x16xf32, #tpu.memory_space<vmem>>) offsets(%add3A_824 : vector<16xi32>) semaphore(%run_scoped3A : memref<!tpu.dma_semaphore, #tpu.memory_space<semaphore_mem>>)
        %dma_wait3A = arith.constant 0 : i32
        %dma_wait3A_832 = tpu.memref_slice %arg17[%mul3A_826, %dma_wait3A] : memref<64x16xf32, #tpu.memory_space<vmem>> -> memref<16x16xf32, #tpu.memory_space<vmem>>
        %dma_wait3A_833 = arith.constant 0 : i32
        %dma_wait3A_834 = arith.constant 0 : i32
        %dma_wait3A_835 = tpu.memref_slice %arg20[%dma_wait3A_833, %dma_wait3A_834] : memref<50176x16xf32, #tpu.memory_space<vmem_shared>> -> memref<50176x16xf32, #tpu.memory_space<vmem_shared>>
        tpu.wait_indirect_dma semaphore(%run_scoped3A : memref<!tpu.dma_semaphore, #tpu.memory_space<semaphore_mem>>) src(%dma_wait3A_835 : memref<50176x16xf32, #tpu.memory_space<vmem_shared>>) dst(%dma_wait3A_832 : memref<16x16xf32, #tpu.memory_space<vmem>>)
        tpu.yield
      }) : () -> ()
      %scan3A_827 = arith.constant 0 : i32
      scf.yield %scan3A_827 : i32
    }
    %scan3A_598 = arith.constant 4 : i32
    %scan3A_599 = arith.constant 0 : i32
    %scan3A_600 = arith.constant 0 : i32
    %scan3A_601 = arith.constant 64 : i32
    %scan3A_602 = arith.addi %scan3A_600, %scan3A_601 : i32
    %scan3A_603 = arith.constant 1 : i32
    %scan3A_604 = scf.for %scan3A_816 = %scan3A_600 to %scan3A_602 step %scan3A_603 iter_args(%scan3A_817 = %scan3A_599) -> (i32)  : i32 {
      %get3A = arith.index_cast %scan3A_816 : i32 to index
      %get3A_818 = arith.constant 0 : index
      %get3A_819 = tpu.vector_load %arg17[%get3A, %get3A_818] {strides = array<i32>} : memref<64x16xf32, #tpu.memory_space<vmem>>, vector<16xf32>,
      %shift_right_arithmetic3A = arith.constant 3 : i32
      %shift_right_arithmetic3A_820 = arith.shrsi %scan3A_816, %shift_right_arithmetic3A : i32
      %and3A = arith.constant 7 : i32
      %and3A_821 = arith.andi %scan3A_816, %and3A : i32
      %mul3A_822 = arith.constant 16 : i32
      %mul3A_823 = arith.muli %and3A_821, %mul3A_822 : i32
      %swap3A = arith.index_cast %shift_right_arithmetic3A_820 : i32 to index
      %swap3A_824 = arith.index_cast %mul3A_823 : i32 to index
      %swap3A_825 = tpu.vector_load %arg18[%swap3A, %swap3A_824] {strides = array<i32>} : memref<8x128xf32, #tpu.memory_space<vmem>>, vector<16xf32>,
      tpu.vector_store %arg18[%swap3A, %swap3A_824], %get3A_819 {strides = array<i32>} : memref<8x128xf32, #tpu.memory_space<vmem>>, vector<16xf32>,
      %scan3A_826 = arith.constant 0 : i32
      scf.yield %scan3A_826 : i32
    }
    %scan3A_605 = arith.constant 64 : i32
    %add3A_606 = arith.constant 280 : i32
    %add3A_607 = arith.addi %add3A_31, %add3A_606 : i32
    "tpu.region"() ({
      %run_scoped3A = tpu.sem_alloc : memref<!tpu.dma_semaphore, #tpu.memory_space<semaphore_mem>>
      %dma_start3A = arith.constant 0 : i32
      %dma_start3A_816 = tpu.memref_slice %arg8[%add3A_607, %dma_start3A] : memref<12544x128xf32, #tpu.memory_space<hbm>> -> memref<8x128xf32, #tpu.memory_space<hbm>>
      %dma_start3A_817 = arith.constant 0 : i32
      %dma_start3A_818 = tpu.memref_slice %arg8[%add3A_607, %dma_start3A_817] : memref<12544x128xf32, #tpu.memory_space<hbm>> -> memref<8x128xf32, #tpu.memory_space<hbm>>
      tpu.enqueue_dma source(%arg18 : memref<8x128xf32, #tpu.memory_space<vmem>>) target(%dma_start3A_818 : memref<8x128xf32, #tpu.memory_space<hbm>>) target_semaphore(%run_scoped3A : memref<!tpu.dma_semaphore, #tpu.memory_space<semaphore_mem>>)
      %dma_wait3A = arith.constant 0 : i32
      %dma_wait3A_819 = tpu.memref_slice %arg8[%add3A_607, %dma_wait3A] : memref<12544x128xf32, #tpu.memory_space<hbm>> -> memref<8x128xf32, #tpu.memory_space<hbm>>
      %dma_wait3A_820 = arith.constant 0 : i32
      %dma_wait3A_821 = tpu.memref_slice %arg8[%add3A_607, %dma_wait3A_820] : memref<12544x128xf32, #tpu.memory_space<hbm>> -> memref<8x128xf32, #tpu.memory_space<hbm>>
      tpu.wait_dma2 semaphore(%run_scoped3A : memref<!tpu.dma_semaphore, #tpu.memory_space<semaphore_mem>>) src(%arg18 : memref<8x128xf32, #tpu.memory_space<vmem>>) dst(%dma_wait3A_821 : memref<8x128xf32, #tpu.memory_space<hbm>>)
      tpu.yield
    }) : () -> ()
    %scan3A_608 = arith.constant 0 : i32
    %scan3A_609 = arith.constant 0 : i32
    %scan3A_610 = arith.constant 4 : i32
    %scan3A_611 = arith.addi %scan3A_609, %scan3A_610 : i32
    %scan3A_612 = arith.constant 1 : i32
    %scan3A_613 = scf.for %scan3A_816 = %scan3A_609 to %scan3A_611 step %scan3A_612 iter_args(%scan3A_817 = %scan3A_608) -> (i32)  : i32 {
      %add3A_818 = arith.constant 2304 : i32
      %add3A_819 = arith.addi %mul3A_11, %add3A_818 : i32
      %mul3A_820 = arith.constant 16 : i32
      %mul3A_821 = arith.muli %scan3A_816, %mul3A_820 : i32
      %add3A_822 = arith.addi %add3A_819, %mul3A_821 : i32
      %add3A_823 = vector.broadcast %add3A_822 : i32 to vector<16xi32>
      %add3A_824 = arith.addi %add3A_823, %iota3A : vector<16xi32>
      %mul3A_825 = arith.constant 16 : i32
      %mul3A_826 = arith.muli %scan3A_816, %mul3A_825 : i32
      "tpu.region"() ({
        %run_scoped3A = tpu.sem_alloc : memref<!tpu.dma_semaphore, #tpu.memory_space<semaphore_mem>>
        %dma_start3A = arith.constant 0 : i32
        %dma_start3A_828 = tpu.memref_slice %arg17[%mul3A_826, %dma_start3A] : memref<64x16xf32, #tpu.memory_space<vmem>> -> memref<16x16xf32, #tpu.memory_space<vmem>>
        %dma_start3A_829 = arith.constant 0 : i32
        %dma_start3A_830 = arith.constant 0 : i32
        %dma_start3A_831 = tpu.memref_slice %arg20[%dma_start3A_829, %dma_start3A_830] : memref<50176x16xf32, #tpu.memory_space<vmem_shared>> -> memref<50176x16xf32, #tpu.memory_space<vmem_shared>>
        tpu.enqueue_indirect_dma source(%dma_start3A_831 : memref<50176x16xf32, #tpu.memory_space<vmem_shared>>) target(%dma_start3A_828 : memref<16x16xf32, #tpu.memory_space<vmem>>) offsets(%add3A_824 : vector<16xi32>) semaphore(%run_scoped3A : memref<!tpu.dma_semaphore, #tpu.memory_space<semaphore_mem>>)
        %dma_wait3A = arith.constant 0 : i32
        %dma_wait3A_832 = tpu.memref_slice %arg17[%mul3A_826, %dma_wait3A] : memref<64x16xf32, #tpu.memory_space<vmem>> -> memref<16x16xf32, #tpu.memory_space<vmem>>
        %dma_wait3A_833 = arith.constant 0 : i32
        %dma_wait3A_834 = arith.constant 0 : i32
        %dma_wait3A_835 = tpu.memref_slice %arg20[%dma_wait3A_833, %dma_wait3A_834] : memref<50176x16xf32, #tpu.memory_space<vmem_shared>> -> memref<50176x16xf32, #tpu.memory_space<vmem_shared>>
        tpu.wait_indirect_dma semaphore(%run_scoped3A : memref<!tpu.dma_semaphore, #tpu.memory_space<semaphore_mem>>) src(%dma_wait3A_835 : memref<50176x16xf32, #tpu.memory_space<vmem_shared>>) dst(%dma_wait3A_832 : memref<16x16xf32, #tpu.memory_space<vmem>>)
        tpu.yield
      }) : () -> ()
      %scan3A_827 = arith.constant 0 : i32
      scf.yield %scan3A_827 : i32
    }
    %scan3A_614 = arith.constant 4 : i32
    %scan3A_615 = arith.constant 0 : i32
    %scan3A_616 = arith.constant 0 : i32
    %scan3A_617 = arith.constant 64 : i32
    %scan3A_618 = arith.addi %scan3A_616, %scan3A_617 : i32
    %scan3A_619 = arith.constant 1 : i32
    %scan3A_620 = scf.for %scan3A_816 = %scan3A_616 to %scan3A_618 step %scan3A_619 iter_args(%scan3A_817 = %scan3A_615) -> (i32)  : i32 {
      %get3A = arith.index_cast %scan3A_816 : i32 to index
      %get3A_818 = arith.constant 0 : index
      %get3A_819 = tpu.vector_load %arg17[%get3A, %get3A_818] {strides = array<i32>} : memref<64x16xf32, #tpu.memory_space<vmem>>, vector<16xf32>,
      %shift_right_arithmetic3A = arith.constant 3 : i32
      %shift_right_arithmetic3A_820 = arith.shrsi %scan3A_816, %shift_right_arithmetic3A : i32
      %and3A = arith.constant 7 : i32
      %and3A_821 = arith.andi %scan3A_816, %and3A : i32
      %mul3A_822 = arith.constant 16 : i32
      %mul3A_823 = arith.muli %and3A_821, %mul3A_822 : i32
      %swap3A = arith.index_cast %shift_right_arithmetic3A_820 : i32 to index
      %swap3A_824 = arith.index_cast %mul3A_823 : i32 to index
      %swap3A_825 = tpu.vector_load %arg18[%swap3A, %swap3A_824] {strides = array<i32>} : memref<8x128xf32, #tpu.memory_space<vmem>>, vector<16xf32>,
      tpu.vector_store %arg18[%swap3A, %swap3A_824], %get3A_819 {strides = array<i32>} : memref<8x128xf32, #tpu.memory_space<vmem>>, vector<16xf32>,
      %scan3A_826 = arith.constant 0 : i32
      scf.yield %scan3A_826 : i32
    }
    %scan3A_621 = arith.constant 64 : i32
    %add3A_622 = arith.constant 288 : i32
    %add3A_623 = arith.addi %add3A_31, %add3A_622 : i32
    "tpu.region"() ({
      %run_scoped3A = tpu.sem_alloc : memref<!tpu.dma_semaphore, #tpu.memory_space<semaphore_mem>>
      %dma_start3A = arith.constant 0 : i32
      %dma_start3A_816 = tpu.memref_slice %arg8[%add3A_623, %dma_start3A] : memref<12544x128xf32, #tpu.memory_space<hbm>> -> memref<8x128xf32, #tpu.memory_space<hbm>>
      %dma_start3A_817 = arith.constant 0 : i32
      %dma_start3A_818 = tpu.memref_slice %arg8[%add3A_623, %dma_start3A_817] : memref<12544x128xf32, #tpu.memory_space<hbm>> -> memref<8x128xf32, #tpu.memory_space<hbm>>
      tpu.enqueue_dma source(%arg18 : memref<8x128xf32, #tpu.memory_space<vmem>>) target(%dma_start3A_818 : memref<8x128xf32, #tpu.memory_space<hbm>>) target_semaphore(%run_scoped3A : memref<!tpu.dma_semaphore, #tpu.memory_space<semaphore_mem>>)
      %dma_wait3A = arith.constant 0 : i32
      %dma_wait3A_819 = tpu.memref_slice %arg8[%add3A_623, %dma_wait3A] : memref<12544x128xf32, #tpu.memory_space<hbm>> -> memref<8x128xf32, #tpu.memory_space<hbm>>
      %dma_wait3A_820 = arith.constant 0 : i32
      %dma_wait3A_821 = tpu.memref_slice %arg8[%add3A_623, %dma_wait3A_820] : memref<12544x128xf32, #tpu.memory_space<hbm>> -> memref<8x128xf32, #tpu.memory_space<hbm>>
      tpu.wait_dma2 semaphore(%run_scoped3A : memref<!tpu.dma_semaphore, #tpu.memory_space<semaphore_mem>>) src(%arg18 : memref<8x128xf32, #tpu.memory_space<vmem>>) dst(%dma_wait3A_821 : memref<8x128xf32, #tpu.memory_space<hbm>>)
      tpu.yield
    }) : () -> ()
    %scan3A_624 = arith.constant 0 : i32
    %scan3A_625 = arith.constant 0 : i32
    %scan3A_626 = arith.constant 4 : i32
    %scan3A_627 = arith.addi %scan3A_625, %scan3A_626 : i32
    %scan3A_628 = arith.constant 1 : i32
    %scan3A_629 = scf.for %scan3A_816 = %scan3A_625 to %scan3A_627 step %scan3A_628 iter_args(%scan3A_817 = %scan3A_624) -> (i32)  : i32 {
      %add3A_818 = arith.constant 2368 : i32
      %add3A_819 = arith.addi %mul3A_11, %add3A_818 : i32
      %mul3A_820 = arith.constant 16 : i32
      %mul3A_821 = arith.muli %scan3A_816, %mul3A_820 : i32
      %add3A_822 = arith.addi %add3A_819, %mul3A_821 : i32
      %add3A_823 = vector.broadcast %add3A_822 : i32 to vector<16xi32>
      %add3A_824 = arith.addi %add3A_823, %iota3A : vector<16xi32>
      %mul3A_825 = arith.constant 16 : i32
      %mul3A_826 = arith.muli %scan3A_816, %mul3A_825 : i32
      "tpu.region"() ({
        %run_scoped3A = tpu.sem_alloc : memref<!tpu.dma_semaphore, #tpu.memory_space<semaphore_mem>>
        %dma_start3A = arith.constant 0 : i32
        %dma_start3A_828 = tpu.memref_slice %arg17[%mul3A_826, %dma_start3A] : memref<64x16xf32, #tpu.memory_space<vmem>> -> memref<16x16xf32, #tpu.memory_space<vmem>>
        %dma_start3A_829 = arith.constant 0 : i32
        %dma_start3A_830 = arith.constant 0 : i32
        %dma_start3A_831 = tpu.memref_slice %arg20[%dma_start3A_829, %dma_start3A_830] : memref<50176x16xf32, #tpu.memory_space<vmem_shared>> -> memref<50176x16xf32, #tpu.memory_space<vmem_shared>>
        tpu.enqueue_indirect_dma source(%dma_start3A_831 : memref<50176x16xf32, #tpu.memory_space<vmem_shared>>) target(%dma_start3A_828 : memref<16x16xf32, #tpu.memory_space<vmem>>) offsets(%add3A_824 : vector<16xi32>) semaphore(%run_scoped3A : memref<!tpu.dma_semaphore, #tpu.memory_space<semaphore_mem>>)
        %dma_wait3A = arith.constant 0 : i32
        %dma_wait3A_832 = tpu.memref_slice %arg17[%mul3A_826, %dma_wait3A] : memref<64x16xf32, #tpu.memory_space<vmem>> -> memref<16x16xf32, #tpu.memory_space<vmem>>
        %dma_wait3A_833 = arith.constant 0 : i32
        %dma_wait3A_834 = arith.constant 0 : i32
        %dma_wait3A_835 = tpu.memref_slice %arg20[%dma_wait3A_833, %dma_wait3A_834] : memref<50176x16xf32, #tpu.memory_space<vmem_shared>> -> memref<50176x16xf32, #tpu.memory_space<vmem_shared>>
        tpu.wait_indirect_dma semaphore(%run_scoped3A : memref<!tpu.dma_semaphore, #tpu.memory_space<semaphore_mem>>) src(%dma_wait3A_835 : memref<50176x16xf32, #tpu.memory_space<vmem_shared>>) dst(%dma_wait3A_832 : memref<16x16xf32, #tpu.memory_space<vmem>>)
        tpu.yield
      }) : () -> ()
      %scan3A_827 = arith.constant 0 : i32
      scf.yield %scan3A_827 : i32
    }
    %scan3A_630 = arith.constant 4 : i32
    %scan3A_631 = arith.constant 0 : i32
    %scan3A_632 = arith.constant 0 : i32
    %scan3A_633 = arith.constant 64 : i32
    %scan3A_634 = arith.addi %scan3A_632, %scan3A_633 : i32
    %scan3A_635 = arith.constant 1 : i32
    %scan3A_636 = scf.for %scan3A_816 = %scan3A_632 to %scan3A_634 step %scan3A_635 iter_args(%scan3A_817 = %scan3A_631) -> (i32)  : i32 {
      %get3A = arith.index_cast %scan3A_816 : i32 to index
      %get3A_818 = arith.constant 0 : index
      %get3A_819 = tpu.vector_load %arg17[%get3A, %get3A_818] {strides = array<i32>} : memref<64x16xf32, #tpu.memory_space<vmem>>, vector<16xf32>,
      %shift_right_arithmetic3A = arith.constant 3 : i32
      %shift_right_arithmetic3A_820 = arith.shrsi %scan3A_816, %shift_right_arithmetic3A : i32
      %and3A = arith.constant 7 : i32
      %and3A_821 = arith.andi %scan3A_816, %and3A : i32
      %mul3A_822 = arith.constant 16 : i32
      %mul3A_823 = arith.muli %and3A_821, %mul3A_822 : i32
      %swap3A = arith.index_cast %shift_right_arithmetic3A_820 : i32 to index
      %swap3A_824 = arith.index_cast %mul3A_823 : i32 to index
      %swap3A_825 = tpu.vector_load %arg18[%swap3A, %swap3A_824] {strides = array<i32>} : memref<8x128xf32, #tpu.memory_space<vmem>>, vector<16xf32>,
      tpu.vector_store %arg18[%swap3A, %swap3A_824], %get3A_819 {strides = array<i32>} : memref<8x128xf32, #tpu.memory_space<vmem>>, vector<16xf32>,
      %scan3A_826 = arith.constant 0 : i32
      scf.yield %scan3A_826 : i32
    }
    %scan3A_637 = arith.constant 64 : i32
    %add3A_638 = arith.constant 296 : i32
    %add3A_639 = arith.addi %add3A_31, %add3A_638 : i32
    "tpu.region"() ({
      %run_scoped3A = tpu.sem_alloc : memref<!tpu.dma_semaphore, #tpu.memory_space<semaphore_mem>>
      %dma_start3A = arith.constant 0 : i32
      %dma_start3A_816 = tpu.memref_slice %arg8[%add3A_639, %dma_start3A] : memref<12544x128xf32, #tpu.memory_space<hbm>> -> memref<8x128xf32, #tpu.memory_space<hbm>>
      %dma_start3A_817 = arith.constant 0 : i32
      %dma_start3A_818 = tpu.memref_slice %arg8[%add3A_639, %dma_start3A_817] : memref<12544x128xf32, #tpu.memory_space<hbm>> -> memref<8x128xf32, #tpu.memory_space<hbm>>
      tpu.enqueue_dma source(%arg18 : memref<8x128xf32, #tpu.memory_space<vmem>>) target(%dma_start3A_818 : memref<8x128xf32, #tpu.memory_space<hbm>>) target_semaphore(%run_scoped3A : memref<!tpu.dma_semaphore, #tpu.memory_space<semaphore_mem>>)
      %dma_wait3A = arith.constant 0 : i32
      %dma_wait3A_819 = tpu.memref_slice %arg8[%add3A_639, %dma_wait3A] : memref<12544x128xf32, #tpu.memory_space<hbm>> -> memref<8x128xf32, #tpu.memory_space<hbm>>
      %dma_wait3A_820 = arith.constant 0 : i32
      %dma_wait3A_821 = tpu.memref_slice %arg8[%add3A_639, %dma_wait3A_820] : memref<12544x128xf32, #tpu.memory_space<hbm>> -> memref<8x128xf32, #tpu.memory_space<hbm>>
      tpu.wait_dma2 semaphore(%run_scoped3A : memref<!tpu.dma_semaphore, #tpu.memory_space<semaphore_mem>>) src(%arg18 : memref<8x128xf32, #tpu.memory_space<vmem>>) dst(%dma_wait3A_821 : memref<8x128xf32, #tpu.memory_space<hbm>>)
      tpu.yield
    }) : () -> ()
    %scan3A_640 = arith.constant 0 : i32
    %scan3A_641 = arith.constant 0 : i32
    %scan3A_642 = arith.constant 4 : i32
    %scan3A_643 = arith.addi %scan3A_641, %scan3A_642 : i32
    %scan3A_644 = arith.constant 1 : i32
    %scan3A_645 = scf.for %scan3A_816 = %scan3A_641 to %scan3A_643 step %scan3A_644 iter_args(%scan3A_817 = %scan3A_640) -> (i32)  : i32 {
      %add3A_818 = arith.constant 2432 : i32
      %add3A_819 = arith.addi %mul3A_11, %add3A_818 : i32
      %mul3A_820 = arith.constant 16 : i32
      %mul3A_821 = arith.muli %scan3A_816, %mul3A_820 : i32
      %add3A_822 = arith.addi %add3A_819, %mul3A_821 : i32
      %add3A_823 = vector.broadcast %add3A_822 : i32 to vector<16xi32>
      %add3A_824 = arith.addi %add3A_823, %iota3A : vector<16xi32>
      %mul3A_825 = arith.constant 16 : i32
      %mul3A_826 = arith.muli %scan3A_816, %mul3A_825 : i32
      "tpu.region"() ({
        %run_scoped3A = tpu.sem_alloc : memref<!tpu.dma_semaphore, #tpu.memory_space<semaphore_mem>>
        %dma_start3A = arith.constant 0 : i32
        %dma_start3A_828 = tpu.memref_slice %arg17[%mul3A_826, %dma_start3A] : memref<64x16xf32, #tpu.memory_space<vmem>> -> memref<16x16xf32, #tpu.memory_space<vmem>>
        %dma_start3A_829 = arith.constant 0 : i32
        %dma_start3A_830 = arith.constant 0 : i32
        %dma_start3A_831 = tpu.memref_slice %arg20[%dma_start3A_829, %dma_start3A_830] : memref<50176x16xf32, #tpu.memory_space<vmem_shared>> -> memref<50176x16xf32, #tpu.memory_space<vmem_shared>>
        tpu.enqueue_indirect_dma source(%dma_start3A_831 : memref<50176x16xf32, #tpu.memory_space<vmem_shared>>) target(%dma_start3A_828 : memref<16x16xf32, #tpu.memory_space<vmem>>) offsets(%add3A_824 : vector<16xi32>) semaphore(%run_scoped3A : memref<!tpu.dma_semaphore, #tpu.memory_space<semaphore_mem>>)
        %dma_wait3A = arith.constant 0 : i32
        %dma_wait3A_832 = tpu.memref_slice %arg17[%mul3A_826, %dma_wait3A] : memref<64x16xf32, #tpu.memory_space<vmem>> -> memref<16x16xf32, #tpu.memory_space<vmem>>
        %dma_wait3A_833 = arith.constant 0 : i32
        %dma_wait3A_834 = arith.constant 0 : i32
        %dma_wait3A_835 = tpu.memref_slice %arg20[%dma_wait3A_833, %dma_wait3A_834] : memref<50176x16xf32, #tpu.memory_space<vmem_shared>> -> memref<50176x16xf32, #tpu.memory_space<vmem_shared>>
        tpu.wait_indirect_dma semaphore(%run_scoped3A : memref<!tpu.dma_semaphore, #tpu.memory_space<semaphore_mem>>) src(%dma_wait3A_835 : memref<50176x16xf32, #tpu.memory_space<vmem_shared>>) dst(%dma_wait3A_832 : memref<16x16xf32, #tpu.memory_space<vmem>>)
        tpu.yield
      }) : () -> ()
      %scan3A_827 = arith.constant 0 : i32
      scf.yield %scan3A_827 : i32
    }
    %scan3A_646 = arith.constant 4 : i32
    %scan3A_647 = arith.constant 0 : i32
    %scan3A_648 = arith.constant 0 : i32
    %scan3A_649 = arith.constant 64 : i32
    %scan3A_650 = arith.addi %scan3A_648, %scan3A_649 : i32
    %scan3A_651 = arith.constant 1 : i32
    %scan3A_652 = scf.for %scan3A_816 = %scan3A_648 to %scan3A_650 step %scan3A_651 iter_args(%scan3A_817 = %scan3A_647) -> (i32)  : i32 {
      %get3A = arith.index_cast %scan3A_816 : i32 to index
      %get3A_818 = arith.constant 0 : index
      %get3A_819 = tpu.vector_load %arg17[%get3A, %get3A_818] {strides = array<i32>} : memref<64x16xf32, #tpu.memory_space<vmem>>, vector<16xf32>,
      %shift_right_arithmetic3A = arith.constant 3 : i32
      %shift_right_arithmetic3A_820 = arith.shrsi %scan3A_816, %shift_right_arithmetic3A : i32
      %and3A = arith.constant 7 : i32
      %and3A_821 = arith.andi %scan3A_816, %and3A : i32
      %mul3A_822 = arith.constant 16 : i32
      %mul3A_823 = arith.muli %and3A_821, %mul3A_822 : i32
      %swap3A = arith.index_cast %shift_right_arithmetic3A_820 : i32 to index
      %swap3A_824 = arith.index_cast %mul3A_823 : i32 to index
      %swap3A_825 = tpu.vector_load %arg18[%swap3A, %swap3A_824] {strides = array<i32>} : memref<8x128xf32, #tpu.memory_space<vmem>>, vector<16xf32>,
      tpu.vector_store %arg18[%swap3A, %swap3A_824], %get3A_819 {strides = array<i32>} : memref<8x128xf32, #tpu.memory_space<vmem>>, vector<16xf32>,
      %scan3A_826 = arith.constant 0 : i32
      scf.yield %scan3A_826 : i32
    }
    %scan3A_653 = arith.constant 64 : i32
    %add3A_654 = arith.constant 304 : i32
    %add3A_655 = arith.addi %add3A_31, %add3A_654 : i32
    "tpu.region"() ({
      %run_scoped3A = tpu.sem_alloc : memref<!tpu.dma_semaphore, #tpu.memory_space<semaphore_mem>>
      %dma_start3A = arith.constant 0 : i32
      %dma_start3A_816 = tpu.memref_slice %arg8[%add3A_655, %dma_start3A] : memref<12544x128xf32, #tpu.memory_space<hbm>> -> memref<8x128xf32, #tpu.memory_space<hbm>>
      %dma_start3A_817 = arith.constant 0 : i32
      %dma_start3A_818 = tpu.memref_slice %arg8[%add3A_655, %dma_start3A_817] : memref<12544x128xf32, #tpu.memory_space<hbm>> -> memref<8x128xf32, #tpu.memory_space<hbm>>
      tpu.enqueue_dma source(%arg18 : memref<8x128xf32, #tpu.memory_space<vmem>>) target(%dma_start3A_818 : memref<8x128xf32, #tpu.memory_space<hbm>>) target_semaphore(%run_scoped3A : memref<!tpu.dma_semaphore, #tpu.memory_space<semaphore_mem>>)
      %dma_wait3A = arith.constant 0 : i32
      %dma_wait3A_819 = tpu.memref_slice %arg8[%add3A_655, %dma_wait3A] : memref<12544x128xf32, #tpu.memory_space<hbm>> -> memref<8x128xf32, #tpu.memory_space<hbm>>
      %dma_wait3A_820 = arith.constant 0 : i32
      %dma_wait3A_821 = tpu.memref_slice %arg8[%add3A_655, %dma_wait3A_820] : memref<12544x128xf32, #tpu.memory_space<hbm>> -> memref<8x128xf32, #tpu.memory_space<hbm>>
      tpu.wait_dma2 semaphore(%run_scoped3A : memref<!tpu.dma_semaphore, #tpu.memory_space<semaphore_mem>>) src(%arg18 : memref<8x128xf32, #tpu.memory_space<vmem>>) dst(%dma_wait3A_821 : memref<8x128xf32, #tpu.memory_space<hbm>>)
      tpu.yield
    }) : () -> ()
    %scan3A_656 = arith.constant 0 : i32
    %scan3A_657 = arith.constant 0 : i32
    %scan3A_658 = arith.constant 4 : i32
    %scan3A_659 = arith.addi %scan3A_657, %scan3A_658 : i32
    %scan3A_660 = arith.constant 1 : i32
    %scan3A_661 = scf.for %scan3A_816 = %scan3A_657 to %scan3A_659 step %scan3A_660 iter_args(%scan3A_817 = %scan3A_656) -> (i32)  : i32 {
      %add3A_818 = arith.constant 2496 : i32
      %add3A_819 = arith.addi %mul3A_11, %add3A_818 : i32
      %mul3A_820 = arith.constant 16 : i32
      %mul3A_821 = arith.muli %scan3A_816, %mul3A_820 : i32
      %add3A_822 = arith.addi %add3A_819, %mul3A_821 : i32
      %add3A_823 = vector.broadcast %add3A_822 : i32 to vector<16xi32>
      %add3A_824 = arith.addi %add3A_823, %iota3A : vector<16xi32>
      %mul3A_825 = arith.constant 16 : i32
      %mul3A_826 = arith.muli %scan3A_816, %mul3A_825 : i32
      "tpu.region"() ({
        %run_scoped3A = tpu.sem_alloc : memref<!tpu.dma_semaphore, #tpu.memory_space<semaphore_mem>>
        %dma_start3A = arith.constant 0 : i32
        %dma_start3A_828 = tpu.memref_slice %arg17[%mul3A_826, %dma_start3A] : memref<64x16xf32, #tpu.memory_space<vmem>> -> memref<16x16xf32, #tpu.memory_space<vmem>>
        %dma_start3A_829 = arith.constant 0 : i32
        %dma_start3A_830 = arith.constant 0 : i32
        %dma_start3A_831 = tpu.memref_slice %arg20[%dma_start3A_829, %dma_start3A_830] : memref<50176x16xf32, #tpu.memory_space<vmem_shared>> -> memref<50176x16xf32, #tpu.memory_space<vmem_shared>>
        tpu.enqueue_indirect_dma source(%dma_start3A_831 : memref<50176x16xf32, #tpu.memory_space<vmem_shared>>) target(%dma_start3A_828 : memref<16x16xf32, #tpu.memory_space<vmem>>) offsets(%add3A_824 : vector<16xi32>) semaphore(%run_scoped3A : memref<!tpu.dma_semaphore, #tpu.memory_space<semaphore_mem>>)
        %dma_wait3A = arith.constant 0 : i32
        %dma_wait3A_832 = tpu.memref_slice %arg17[%mul3A_826, %dma_wait3A] : memref<64x16xf32, #tpu.memory_space<vmem>> -> memref<16x16xf32, #tpu.memory_space<vmem>>
        %dma_wait3A_833 = arith.constant 0 : i32
        %dma_wait3A_834 = arith.constant 0 : i32
        %dma_wait3A_835 = tpu.memref_slice %arg20[%dma_wait3A_833, %dma_wait3A_834] : memref<50176x16xf32, #tpu.memory_space<vmem_shared>> -> memref<50176x16xf32, #tpu.memory_space<vmem_shared>>
        tpu.wait_indirect_dma semaphore(%run_scoped3A : memref<!tpu.dma_semaphore, #tpu.memory_space<semaphore_mem>>) src(%dma_wait3A_835 : memref<50176x16xf32, #tpu.memory_space<vmem_shared>>) dst(%dma_wait3A_832 : memref<16x16xf32, #tpu.memory_space<vmem>>)
        tpu.yield
      }) : () -> ()
      %scan3A_827 = arith.constant 0 : i32
      scf.yield %scan3A_827 : i32
    }
    %scan3A_662 = arith.constant 4 : i32
    %scan3A_663 = arith.constant 0 : i32
    %scan3A_664 = arith.constant 0 : i32
    %scan3A_665 = arith.constant 64 : i32
    %scan3A_666 = arith.addi %scan3A_664, %scan3A_665 : i32
    %scan3A_667 = arith.constant 1 : i32
    %scan3A_668 = scf.for %scan3A_816 = %scan3A_664 to %scan3A_666 step %scan3A_667 iter_args(%scan3A_817 = %scan3A_663) -> (i32)  : i32 {
      %get3A = arith.index_cast %scan3A_816 : i32 to index
      %get3A_818 = arith.constant 0 : index
      %get3A_819 = tpu.vector_load %arg17[%get3A, %get3A_818] {strides = array<i32>} : memref<64x16xf32, #tpu.memory_space<vmem>>, vector<16xf32>,
      %shift_right_arithmetic3A = arith.constant 3 : i32
      %shift_right_arithmetic3A_820 = arith.shrsi %scan3A_816, %shift_right_arithmetic3A : i32
      %and3A = arith.constant 7 : i32
      %and3A_821 = arith.andi %scan3A_816, %and3A : i32
      %mul3A_822 = arith.constant 16 : i32
      %mul3A_823 = arith.muli %and3A_821, %mul3A_822 : i32
      %swap3A = arith.index_cast %shift_right_arithmetic3A_820 : i32 to index
      %swap3A_824 = arith.index_cast %mul3A_823 : i32 to index
      %swap3A_825 = tpu.vector_load %arg18[%swap3A, %swap3A_824] {strides = array<i32>} : memref<8x128xf32, #tpu.memory_space<vmem>>, vector<16xf32>,
      tpu.vector_store %arg18[%swap3A, %swap3A_824], %get3A_819 {strides = array<i32>} : memref<8x128xf32, #tpu.memory_space<vmem>>, vector<16xf32>,
      %scan3A_826 = arith.constant 0 : i32
      scf.yield %scan3A_826 : i32
    }
    %scan3A_669 = arith.constant 64 : i32
    %add3A_670 = arith.constant 312 : i32
    %add3A_671 = arith.addi %add3A_31, %add3A_670 : i32
    "tpu.region"() ({
      %run_scoped3A = tpu.sem_alloc : memref<!tpu.dma_semaphore, #tpu.memory_space<semaphore_mem>>
      %dma_start3A = arith.constant 0 : i32
      %dma_start3A_816 = tpu.memref_slice %arg8[%add3A_671, %dma_start3A] : memref<12544x128xf32, #tpu.memory_space<hbm>> -> memref<8x128xf32, #tpu.memory_space<hbm>>
      %dma_start3A_817 = arith.constant 0 : i32
      %dma_start3A_818 = tpu.memref_slice %arg8[%add3A_671, %dma_start3A_817] : memref<12544x128xf32, #tpu.memory_space<hbm>> -> memref<8x128xf32, #tpu.memory_space<hbm>>
      tpu.enqueue_dma source(%arg18 : memref<8x128xf32, #tpu.memory_space<vmem>>) target(%dma_start3A_818 : memref<8x128xf32, #tpu.memory_space<hbm>>) target_semaphore(%run_scoped3A : memref<!tpu.dma_semaphore, #tpu.memory_space<semaphore_mem>>)
      %dma_wait3A = arith.constant 0 : i32
      %dma_wait3A_819 = tpu.memref_slice %arg8[%add3A_671, %dma_wait3A] : memref<12544x128xf32, #tpu.memory_space<hbm>> -> memref<8x128xf32, #tpu.memory_space<hbm>>
      %dma_wait3A_820 = arith.constant 0 : i32
      %dma_wait3A_821 = tpu.memref_slice %arg8[%add3A_671, %dma_wait3A_820] : memref<12544x128xf32, #tpu.memory_space<hbm>> -> memref<8x128xf32, #tpu.memory_space<hbm>>
      tpu.wait_dma2 semaphore(%run_scoped3A : memref<!tpu.dma_semaphore, #tpu.memory_space<semaphore_mem>>) src(%arg18 : memref<8x128xf32, #tpu.memory_space<vmem>>) dst(%dma_wait3A_821 : memref<8x128xf32, #tpu.memory_space<hbm>>)
      tpu.yield
    }) : () -> ()
    %scan3A_672 = arith.constant 0 : i32
    %scan3A_673 = arith.constant 0 : i32
    %scan3A_674 = arith.constant 4 : i32
    %scan3A_675 = arith.addi %scan3A_673, %scan3A_674 : i32
    %scan3A_676 = arith.constant 1 : i32
    %scan3A_677 = scf.for %scan3A_816 = %scan3A_673 to %scan3A_675 step %scan3A_676 iter_args(%scan3A_817 = %scan3A_672) -> (i32)  : i32 {
      %add3A_818 = arith.constant 2560 : i32
      %add3A_819 = arith.addi %mul3A_11, %add3A_818 : i32
      %mul3A_820 = arith.constant 16 : i32
      %mul3A_821 = arith.muli %scan3A_816, %mul3A_820 : i32
      %add3A_822 = arith.addi %add3A_819, %mul3A_821 : i32
      %add3A_823 = vector.broadcast %add3A_822 : i32 to vector<16xi32>
      %add3A_824 = arith.addi %add3A_823, %iota3A : vector<16xi32>
      %mul3A_825 = arith.constant 16 : i32
      %mul3A_826 = arith.muli %scan3A_816, %mul3A_825 : i32
      "tpu.region"() ({
        %run_scoped3A = tpu.sem_alloc : memref<!tpu.dma_semaphore, #tpu.memory_space<semaphore_mem>>
        %dma_start3A = arith.constant 0 : i32
        %dma_start3A_828 = tpu.memref_slice %arg17[%mul3A_826, %dma_start3A] : memref<64x16xf32, #tpu.memory_space<vmem>> -> memref<16x16xf32, #tpu.memory_space<vmem>>
        %dma_start3A_829 = arith.constant 0 : i32
        %dma_start3A_830 = arith.constant 0 : i32
        %dma_start3A_831 = tpu.memref_slice %arg20[%dma_start3A_829, %dma_start3A_830] : memref<50176x16xf32, #tpu.memory_space<vmem_shared>> -> memref<50176x16xf32, #tpu.memory_space<vmem_shared>>
        tpu.enqueue_indirect_dma source(%dma_start3A_831 : memref<50176x16xf32, #tpu.memory_space<vmem_shared>>) target(%dma_start3A_828 : memref<16x16xf32, #tpu.memory_space<vmem>>) offsets(%add3A_824 : vector<16xi32>) semaphore(%run_scoped3A : memref<!tpu.dma_semaphore, #tpu.memory_space<semaphore_mem>>)
        %dma_wait3A = arith.constant 0 : i32
        %dma_wait3A_832 = tpu.memref_slice %arg17[%mul3A_826, %dma_wait3A] : memref<64x16xf32, #tpu.memory_space<vmem>> -> memref<16x16xf32, #tpu.memory_space<vmem>>
        %dma_wait3A_833 = arith.constant 0 : i32
        %dma_wait3A_834 = arith.constant 0 : i32
        %dma_wait3A_835 = tpu.memref_slice %arg20[%dma_wait3A_833, %dma_wait3A_834] : memref<50176x16xf32, #tpu.memory_space<vmem_shared>> -> memref<50176x16xf32, #tpu.memory_space<vmem_shared>>
        tpu.wait_indirect_dma semaphore(%run_scoped3A : memref<!tpu.dma_semaphore, #tpu.memory_space<semaphore_mem>>) src(%dma_wait3A_835 : memref<50176x16xf32, #tpu.memory_space<vmem_shared>>) dst(%dma_wait3A_832 : memref<16x16xf32, #tpu.memory_space<vmem>>)
        tpu.yield
      }) : () -> ()
      %scan3A_827 = arith.constant 0 : i32
      scf.yield %scan3A_827 : i32
    }
    %scan3A_678 = arith.constant 4 : i32
    %scan3A_679 = arith.constant 0 : i32
    %scan3A_680 = arith.constant 0 : i32
    %scan3A_681 = arith.constant 64 : i32
    %scan3A_682 = arith.addi %scan3A_680, %scan3A_681 : i32
    %scan3A_683 = arith.constant 1 : i32
    %scan3A_684 = scf.for %scan3A_816 = %scan3A_680 to %scan3A_682 step %scan3A_683 iter_args(%scan3A_817 = %scan3A_679) -> (i32)  : i32 {
      %get3A = arith.index_cast %scan3A_816 : i32 to index
      %get3A_818 = arith.constant 0 : index
      %get3A_819 = tpu.vector_load %arg17[%get3A, %get3A_818] {strides = array<i32>} : memref<64x16xf32, #tpu.memory_space<vmem>>, vector<16xf32>,
      %shift_right_arithmetic3A = arith.constant 3 : i32
      %shift_right_arithmetic3A_820 = arith.shrsi %scan3A_816, %shift_right_arithmetic3A : i32
      %and3A = arith.constant 7 : i32
      %and3A_821 = arith.andi %scan3A_816, %and3A : i32
      %mul3A_822 = arith.constant 16 : i32
      %mul3A_823 = arith.muli %and3A_821, %mul3A_822 : i32
      %swap3A = arith.index_cast %shift_right_arithmetic3A_820 : i32 to index
      %swap3A_824 = arith.index_cast %mul3A_823 : i32 to index
      %swap3A_825 = tpu.vector_load %arg18[%swap3A, %swap3A_824] {strides = array<i32>} : memref<8x128xf32, #tpu.memory_space<vmem>>, vector<16xf32>,
      tpu.vector_store %arg18[%swap3A, %swap3A_824], %get3A_819 {strides = array<i32>} : memref<8x128xf32, #tpu.memory_space<vmem>>, vector<16xf32>,
      %scan3A_826 = arith.constant 0 : i32
      scf.yield %scan3A_826 : i32
    }
    %scan3A_685 = arith.constant 64 : i32
    %add3A_686 = arith.constant 320 : i32
    %add3A_687 = arith.addi %add3A_31, %add3A_686 : i32
    "tpu.region"() ({
      %run_scoped3A = tpu.sem_alloc : memref<!tpu.dma_semaphore, #tpu.memory_space<semaphore_mem>>
      %dma_start3A = arith.constant 0 : i32
      %dma_start3A_816 = tpu.memref_slice %arg8[%add3A_687, %dma_start3A] : memref<12544x128xf32, #tpu.memory_space<hbm>> -> memref<8x128xf32, #tpu.memory_space<hbm>>
      %dma_start3A_817 = arith.constant 0 : i32
      %dma_start3A_818 = tpu.memref_slice %arg8[%add3A_687, %dma_start3A_817] : memref<12544x128xf32, #tpu.memory_space<hbm>> -> memref<8x128xf32, #tpu.memory_space<hbm>>
      tpu.enqueue_dma source(%arg18 : memref<8x128xf32, #tpu.memory_space<vmem>>) target(%dma_start3A_818 : memref<8x128xf32, #tpu.memory_space<hbm>>) target_semaphore(%run_scoped3A : memref<!tpu.dma_semaphore, #tpu.memory_space<semaphore_mem>>)
      %dma_wait3A = arith.constant 0 : i32
      %dma_wait3A_819 = tpu.memref_slice %arg8[%add3A_687, %dma_wait3A] : memref<12544x128xf32, #tpu.memory_space<hbm>> -> memref<8x128xf32, #tpu.memory_space<hbm>>
      %dma_wait3A_820 = arith.constant 0 : i32
      %dma_wait3A_821 = tpu.memref_slice %arg8[%add3A_687, %dma_wait3A_820] : memref<12544x128xf32, #tpu.memory_space<hbm>> -> memref<8x128xf32, #tpu.memory_space<hbm>>
      tpu.wait_dma2 semaphore(%run_scoped3A : memref<!tpu.dma_semaphore, #tpu.memory_space<semaphore_mem>>) src(%arg18 : memref<8x128xf32, #tpu.memory_space<vmem>>) dst(%dma_wait3A_821 : memref<8x128xf32, #tpu.memory_space<hbm>>)
      tpu.yield
    }) : () -> ()
    %scan3A_688 = arith.constant 0 : i32
    %scan3A_689 = arith.constant 0 : i32
    %scan3A_690 = arith.constant 4 : i32
    %scan3A_691 = arith.addi %scan3A_689, %scan3A_690 : i32
    %scan3A_692 = arith.constant 1 : i32
    %scan3A_693 = scf.for %scan3A_816 = %scan3A_689 to %scan3A_691 step %scan3A_692 iter_args(%scan3A_817 = %scan3A_688) -> (i32)  : i32 {
      %add3A_818 = arith.constant 2624 : i32
      %add3A_819 = arith.addi %mul3A_11, %add3A_818 : i32
      %mul3A_820 = arith.constant 16 : i32
      %mul3A_821 = arith.muli %scan3A_816, %mul3A_820 : i32
      %add3A_822 = arith.addi %add3A_819, %mul3A_821 : i32
      %add3A_823 = vector.broadcast %add3A_822 : i32 to vector<16xi32>
      %add3A_824 = arith.addi %add3A_823, %iota3A : vector<16xi32>
      %mul3A_825 = arith.constant 16 : i32
      %mul3A_826 = arith.muli %scan3A_816, %mul3A_825 : i32
      "tpu.region"() ({
        %run_scoped3A = tpu.sem_alloc : memref<!tpu.dma_semaphore, #tpu.memory_space<semaphore_mem>>
        %dma_start3A = arith.constant 0 : i32
        %dma_start3A_828 = tpu.memref_slice %arg17[%mul3A_826, %dma_start3A] : memref<64x16xf32, #tpu.memory_space<vmem>> -> memref<16x16xf32, #tpu.memory_space<vmem>>
        %dma_start3A_829 = arith.constant 0 : i32
        %dma_start3A_830 = arith.constant 0 : i32
        %dma_start3A_831 = tpu.memref_slice %arg20[%dma_start3A_829, %dma_start3A_830] : memref<50176x16xf32, #tpu.memory_space<vmem_shared>> -> memref<50176x16xf32, #tpu.memory_space<vmem_shared>>
        tpu.enqueue_indirect_dma source(%dma_start3A_831 : memref<50176x16xf32, #tpu.memory_space<vmem_shared>>) target(%dma_start3A_828 : memref<16x16xf32, #tpu.memory_space<vmem>>) offsets(%add3A_824 : vector<16xi32>) semaphore(%run_scoped3A : memref<!tpu.dma_semaphore, #tpu.memory_space<semaphore_mem>>)
        %dma_wait3A = arith.constant 0 : i32
        %dma_wait3A_832 = tpu.memref_slice %arg17[%mul3A_826, %dma_wait3A] : memref<64x16xf32, #tpu.memory_space<vmem>> -> memref<16x16xf32, #tpu.memory_space<vmem>>
        %dma_wait3A_833 = arith.constant 0 : i32
        %dma_wait3A_834 = arith.constant 0 : i32
        %dma_wait3A_835 = tpu.memref_slice %arg20[%dma_wait3A_833, %dma_wait3A_834] : memref<50176x16xf32, #tpu.memory_space<vmem_shared>> -> memref<50176x16xf32, #tpu.memory_space<vmem_shared>>
        tpu.wait_indirect_dma semaphore(%run_scoped3A : memref<!tpu.dma_semaphore, #tpu.memory_space<semaphore_mem>>) src(%dma_wait3A_835 : memref<50176x16xf32, #tpu.memory_space<vmem_shared>>) dst(%dma_wait3A_832 : memref<16x16xf32, #tpu.memory_space<vmem>>)
        tpu.yield
      }) : () -> ()
      %scan3A_827 = arith.constant 0 : i32
      scf.yield %scan3A_827 : i32
    }
    %scan3A_694 = arith.constant 4 : i32
    %scan3A_695 = arith.constant 0 : i32
    %scan3A_696 = arith.constant 0 : i32
    %scan3A_697 = arith.constant 64 : i32
    %scan3A_698 = arith.addi %scan3A_696, %scan3A_697 : i32
    %scan3A_699 = arith.constant 1 : i32
    %scan3A_700 = scf.for %scan3A_816 = %scan3A_696 to %scan3A_698 step %scan3A_699 iter_args(%scan3A_817 = %scan3A_695) -> (i32)  : i32 {
      %get3A = arith.index_cast %scan3A_816 : i32 to index
      %get3A_818 = arith.constant 0 : index
      %get3A_819 = tpu.vector_load %arg17[%get3A, %get3A_818] {strides = array<i32>} : memref<64x16xf32, #tpu.memory_space<vmem>>, vector<16xf32>,
      %shift_right_arithmetic3A = arith.constant 3 : i32
      %shift_right_arithmetic3A_820 = arith.shrsi %scan3A_816, %shift_right_arithmetic3A : i32
      %and3A = arith.constant 7 : i32
      %and3A_821 = arith.andi %scan3A_816, %and3A : i32
      %mul3A_822 = arith.constant 16 : i32
      %mul3A_823 = arith.muli %and3A_821, %mul3A_822 : i32
      %swap3A = arith.index_cast %shift_right_arithmetic3A_820 : i32 to index
      %swap3A_824 = arith.index_cast %mul3A_823 : i32 to index
      %swap3A_825 = tpu.vector_load %arg18[%swap3A, %swap3A_824] {strides = array<i32>} : memref<8x128xf32, #tpu.memory_space<vmem>>, vector<16xf32>,
      tpu.vector_store %arg18[%swap3A, %swap3A_824], %get3A_819 {strides = array<i32>} : memref<8x128xf32, #tpu.memory_space<vmem>>, vector<16xf32>,
      %scan3A_826 = arith.constant 0 : i32
      scf.yield %scan3A_826 : i32
    }
    %scan3A_701 = arith.constant 64 : i32
    %add3A_702 = arith.constant 328 : i32
    %add3A_703 = arith.addi %add3A_31, %add3A_702 : i32
    "tpu.region"() ({
      %run_scoped3A = tpu.sem_alloc : memref<!tpu.dma_semaphore, #tpu.memory_space<semaphore_mem>>
      %dma_start3A = arith.constant 0 : i32
      %dma_start3A_816 = tpu.memref_slice %arg8[%add3A_703, %dma_start3A] : memref<12544x128xf32, #tpu.memory_space<hbm>> -> memref<8x128xf32, #tpu.memory_space<hbm>>
      %dma_start3A_817 = arith.constant 0 : i32
      %dma_start3A_818 = tpu.memref_slice %arg8[%add3A_703, %dma_start3A_817] : memref<12544x128xf32, #tpu.memory_space<hbm>> -> memref<8x128xf32, #tpu.memory_space<hbm>>
      tpu.enqueue_dma source(%arg18 : memref<8x128xf32, #tpu.memory_space<vmem>>) target(%dma_start3A_818 : memref<8x128xf32, #tpu.memory_space<hbm>>) target_semaphore(%run_scoped3A : memref<!tpu.dma_semaphore, #tpu.memory_space<semaphore_mem>>)
      %dma_wait3A = arith.constant 0 : i32
      %dma_wait3A_819 = tpu.memref_slice %arg8[%add3A_703, %dma_wait3A] : memref<12544x128xf32, #tpu.memory_space<hbm>> -> memref<8x128xf32, #tpu.memory_space<hbm>>
      %dma_wait3A_820 = arith.constant 0 : i32
      %dma_wait3A_821 = tpu.memref_slice %arg8[%add3A_703, %dma_wait3A_820] : memref<12544x128xf32, #tpu.memory_space<hbm>> -> memref<8x128xf32, #tpu.memory_space<hbm>>
      tpu.wait_dma2 semaphore(%run_scoped3A : memref<!tpu.dma_semaphore, #tpu.memory_space<semaphore_mem>>) src(%arg18 : memref<8x128xf32, #tpu.memory_space<vmem>>) dst(%dma_wait3A_821 : memref<8x128xf32, #tpu.memory_space<hbm>>)
      tpu.yield
    }) : () -> ()
    %scan3A_704 = arith.constant 0 : i32
    %scan3A_705 = arith.constant 0 : i32
    %scan3A_706 = arith.constant 4 : i32
    %scan3A_707 = arith.addi %scan3A_705, %scan3A_706 : i32
    %scan3A_708 = arith.constant 1 : i32
    %scan3A_709 = scf.for %scan3A_816 = %scan3A_705 to %scan3A_707 step %scan3A_708 iter_args(%scan3A_817 = %scan3A_704) -> (i32)  : i32 {
      %add3A_818 = arith.constant 2688 : i32
      %add3A_819 = arith.addi %mul3A_11, %add3A_818 : i32
      %mul3A_820 = arith.constant 16 : i32
      %mul3A_821 = arith.muli %scan3A_816, %mul3A_820 : i32
      %add3A_822 = arith.addi %add3A_819, %mul3A_821 : i32
      %add3A_823 = vector.broadcast %add3A_822 : i32 to vector<16xi32>
      %add3A_824 = arith.addi %add3A_823, %iota3A : vector<16xi32>
      %mul3A_825 = arith.constant 16 : i32
      %mul3A_826 = arith.muli %scan3A_816, %mul3A_825 : i32
      "tpu.region"() ({
        %run_scoped3A = tpu.sem_alloc : memref<!tpu.dma_semaphore, #tpu.memory_space<semaphore_mem>>
        %dma_start3A = arith.constant 0 : i32
        %dma_start3A_828 = tpu.memref_slice %arg17[%mul3A_826, %dma_start3A] : memref<64x16xf32, #tpu.memory_space<vmem>> -> memref<16x16xf32, #tpu.memory_space<vmem>>
        %dma_start3A_829 = arith.constant 0 : i32
        %dma_start3A_830 = arith.constant 0 : i32
        %dma_start3A_831 = tpu.memref_slice %arg20[%dma_start3A_829, %dma_start3A_830] : memref<50176x16xf32, #tpu.memory_space<vmem_shared>> -> memref<50176x16xf32, #tpu.memory_space<vmem_shared>>
        tpu.enqueue_indirect_dma source(%dma_start3A_831 : memref<50176x16xf32, #tpu.memory_space<vmem_shared>>) target(%dma_start3A_828 : memref<16x16xf32, #tpu.memory_space<vmem>>) offsets(%add3A_824 : vector<16xi32>) semaphore(%run_scoped3A : memref<!tpu.dma_semaphore, #tpu.memory_space<semaphore_mem>>)
        %dma_wait3A = arith.constant 0 : i32
        %dma_wait3A_832 = tpu.memref_slice %arg17[%mul3A_826, %dma_wait3A] : memref<64x16xf32, #tpu.memory_space<vmem>> -> memref<16x16xf32, #tpu.memory_space<vmem>>
        %dma_wait3A_833 = arith.constant 0 : i32
        %dma_wait3A_834 = arith.constant 0 : i32
        %dma_wait3A_835 = tpu.memref_slice %arg20[%dma_wait3A_833, %dma_wait3A_834] : memref<50176x16xf32, #tpu.memory_space<vmem_shared>> -> memref<50176x16xf32, #tpu.memory_space<vmem_shared>>
        tpu.wait_indirect_dma semaphore(%run_scoped3A : memref<!tpu.dma_semaphore, #tpu.memory_space<semaphore_mem>>) src(%dma_wait3A_835 : memref<50176x16xf32, #tpu.memory_space<vmem_shared>>) dst(%dma_wait3A_832 : memref<16x16xf32, #tpu.memory_space<vmem>>)
        tpu.yield
      }) : () -> ()
      %scan3A_827 = arith.constant 0 : i32
      scf.yield %scan3A_827 : i32
    }
    %scan3A_710 = arith.constant 4 : i32
    %scan3A_711 = arith.constant 0 : i32
    %scan3A_712 = arith.constant 0 : i32
    %scan3A_713 = arith.constant 64 : i32
    %scan3A_714 = arith.addi %scan3A_712, %scan3A_713 : i32
    %scan3A_715 = arith.constant 1 : i32
    %scan3A_716 = scf.for %scan3A_816 = %scan3A_712 to %scan3A_714 step %scan3A_715 iter_args(%scan3A_817 = %scan3A_711) -> (i32)  : i32 {
      %get3A = arith.index_cast %scan3A_816 : i32 to index
      %get3A_818 = arith.constant 0 : index
      %get3A_819 = tpu.vector_load %arg17[%get3A, %get3A_818] {strides = array<i32>} : memref<64x16xf32, #tpu.memory_space<vmem>>, vector<16xf32>,
      %shift_right_arithmetic3A = arith.constant 3 : i32
      %shift_right_arithmetic3A_820 = arith.shrsi %scan3A_816, %shift_right_arithmetic3A : i32
      %and3A = arith.constant 7 : i32
      %and3A_821 = arith.andi %scan3A_816, %and3A : i32
      %mul3A_822 = arith.constant 16 : i32
      %mul3A_823 = arith.muli %and3A_821, %mul3A_822 : i32
      %swap3A = arith.index_cast %shift_right_arithmetic3A_820 : i32 to index
      %swap3A_824 = arith.index_cast %mul3A_823 : i32 to index
      %swap3A_825 = tpu.vector_load %arg18[%swap3A, %swap3A_824] {strides = array<i32>} : memref<8x128xf32, #tpu.memory_space<vmem>>, vector<16xf32>,
      tpu.vector_store %arg18[%swap3A, %swap3A_824], %get3A_819 {strides = array<i32>} : memref<8x128xf32, #tpu.memory_space<vmem>>, vector<16xf32>,
      %scan3A_826 = arith.constant 0 : i32
      scf.yield %scan3A_826 : i32
    }
    %scan3A_717 = arith.constant 64 : i32
    %add3A_718 = arith.constant 336 : i32
    %add3A_719 = arith.addi %add3A_31, %add3A_718 : i32
    "tpu.region"() ({
      %run_scoped3A = tpu.sem_alloc : memref<!tpu.dma_semaphore, #tpu.memory_space<semaphore_mem>>
      %dma_start3A = arith.constant 0 : i32
      %dma_start3A_816 = tpu.memref_slice %arg8[%add3A_719, %dma_start3A] : memref<12544x128xf32, #tpu.memory_space<hbm>> -> memref<8x128xf32, #tpu.memory_space<hbm>>
      %dma_start3A_817 = arith.constant 0 : i32
      %dma_start3A_818 = tpu.memref_slice %arg8[%add3A_719, %dma_start3A_817] : memref<12544x128xf32, #tpu.memory_space<hbm>> -> memref<8x128xf32, #tpu.memory_space<hbm>>
      tpu.enqueue_dma source(%arg18 : memref<8x128xf32, #tpu.memory_space<vmem>>) target(%dma_start3A_818 : memref<8x128xf32, #tpu.memory_space<hbm>>) target_semaphore(%run_scoped3A : memref<!tpu.dma_semaphore, #tpu.memory_space<semaphore_mem>>)
      %dma_wait3A = arith.constant 0 : i32
      %dma_wait3A_819 = tpu.memref_slice %arg8[%add3A_719, %dma_wait3A] : memref<12544x128xf32, #tpu.memory_space<hbm>> -> memref<8x128xf32, #tpu.memory_space<hbm>>
      %dma_wait3A_820 = arith.constant 0 : i32
      %dma_wait3A_821 = tpu.memref_slice %arg8[%add3A_719, %dma_wait3A_820] : memref<12544x128xf32, #tpu.memory_space<hbm>> -> memref<8x128xf32, #tpu.memory_space<hbm>>
      tpu.wait_dma2 semaphore(%run_scoped3A : memref<!tpu.dma_semaphore, #tpu.memory_space<semaphore_mem>>) src(%arg18 : memref<8x128xf32, #tpu.memory_space<vmem>>) dst(%dma_wait3A_821 : memref<8x128xf32, #tpu.memory_space<hbm>>)
      tpu.yield
    }) : () -> ()
    %scan3A_720 = arith.constant 0 : i32
    %scan3A_721 = arith.constant 0 : i32
    %scan3A_722 = arith.constant 4 : i32
    %scan3A_723 = arith.addi %scan3A_721, %scan3A_722 : i32
    %scan3A_724 = arith.constant 1 : i32
    %scan3A_725 = scf.for %scan3A_816 = %scan3A_721 to %scan3A_723 step %scan3A_724 iter_args(%scan3A_817 = %scan3A_720) -> (i32)  : i32 {
      %add3A_818 = arith.constant 2752 : i32
      %add3A_819 = arith.addi %mul3A_11, %add3A_818 : i32
      %mul3A_820 = arith.constant 16 : i32
      %mul3A_821 = arith.muli %scan3A_816, %mul3A_820 : i32
      %add3A_822 = arith.addi %add3A_819, %mul3A_821 : i32
      %add3A_823 = vector.broadcast %add3A_822 : i32 to vector<16xi32>
      %add3A_824 = arith.addi %add3A_823, %iota3A : vector<16xi32>
      %mul3A_825 = arith.constant 16 : i32
      %mul3A_826 = arith.muli %scan3A_816, %mul3A_825 : i32
      "tpu.region"() ({
        %run_scoped3A = tpu.sem_alloc : memref<!tpu.dma_semaphore, #tpu.memory_space<semaphore_mem>>
        %dma_start3A = arith.constant 0 : i32
        %dma_start3A_828 = tpu.memref_slice %arg17[%mul3A_826, %dma_start3A] : memref<64x16xf32, #tpu.memory_space<vmem>> -> memref<16x16xf32, #tpu.memory_space<vmem>>
        %dma_start3A_829 = arith.constant 0 : i32
        %dma_start3A_830 = arith.constant 0 : i32
        %dma_start3A_831 = tpu.memref_slice %arg20[%dma_start3A_829, %dma_start3A_830] : memref<50176x16xf32, #tpu.memory_space<vmem_shared>> -> memref<50176x16xf32, #tpu.memory_space<vmem_shared>>
        tpu.enqueue_indirect_dma source(%dma_start3A_831 : memref<50176x16xf32, #tpu.memory_space<vmem_shared>>) target(%dma_start3A_828 : memref<16x16xf32, #tpu.memory_space<vmem>>) offsets(%add3A_824 : vector<16xi32>) semaphore(%run_scoped3A : memref<!tpu.dma_semaphore, #tpu.memory_space<semaphore_mem>>)
        %dma_wait3A = arith.constant 0 : i32
        %dma_wait3A_832 = tpu.memref_slice %arg17[%mul3A_826, %dma_wait3A] : memref<64x16xf32, #tpu.memory_space<vmem>> -> memref<16x16xf32, #tpu.memory_space<vmem>>
        %dma_wait3A_833 = arith.constant 0 : i32
        %dma_wait3A_834 = arith.constant 0 : i32
        %dma_wait3A_835 = tpu.memref_slice %arg20[%dma_wait3A_833, %dma_wait3A_834] : memref<50176x16xf32, #tpu.memory_space<vmem_shared>> -> memref<50176x16xf32, #tpu.memory_space<vmem_shared>>
        tpu.wait_indirect_dma semaphore(%run_scoped3A : memref<!tpu.dma_semaphore, #tpu.memory_space<semaphore_mem>>) src(%dma_wait3A_835 : memref<50176x16xf32, #tpu.memory_space<vmem_shared>>) dst(%dma_wait3A_832 : memref<16x16xf32, #tpu.memory_space<vmem>>)
        tpu.yield
      }) : () -> ()
      %scan3A_827 = arith.constant 0 : i32
      scf.yield %scan3A_827 : i32
    }
    %scan3A_726 = arith.constant 4 : i32
    %scan3A_727 = arith.constant 0 : i32
    %scan3A_728 = arith.constant 0 : i32
    %scan3A_729 = arith.constant 64 : i32
    %scan3A_730 = arith.addi %scan3A_728, %scan3A_729 : i32
    %scan3A_731 = arith.constant 1 : i32
    %scan3A_732 = scf.for %scan3A_816 = %scan3A_728 to %scan3A_730 step %scan3A_731 iter_args(%scan3A_817 = %scan3A_727) -> (i32)  : i32 {
      %get3A = arith.index_cast %scan3A_816 : i32 to index
      %get3A_818 = arith.constant 0 : index
      %get3A_819 = tpu.vector_load %arg17[%get3A, %get3A_818] {strides = array<i32>} : memref<64x16xf32, #tpu.memory_space<vmem>>, vector<16xf32>,
      %shift_right_arithmetic3A = arith.constant 3 : i32
      %shift_right_arithmetic3A_820 = arith.shrsi %scan3A_816, %shift_right_arithmetic3A : i32
      %and3A = arith.constant 7 : i32
      %and3A_821 = arith.andi %scan3A_816, %and3A : i32
      %mul3A_822 = arith.constant 16 : i32
      %mul3A_823 = arith.muli %and3A_821, %mul3A_822 : i32
      %swap3A = arith.index_cast %shift_right_arithmetic3A_820 : i32 to index
      %swap3A_824 = arith.index_cast %mul3A_823 : i32 to index
      %swap3A_825 = tpu.vector_load %arg18[%swap3A, %swap3A_824] {strides = array<i32>} : memref<8x128xf32, #tpu.memory_space<vmem>>, vector<16xf32>,
      tpu.vector_store %arg18[%swap3A, %swap3A_824], %get3A_819 {strides = array<i32>} : memref<8x128xf32, #tpu.memory_space<vmem>>, vector<16xf32>,
      %scan3A_826 = arith.constant 0 : i32
      scf.yield %scan3A_826 : i32
    }
    %scan3A_733 = arith.constant 64 : i32
    %add3A_734 = arith.constant 344 : i32
    %add3A_735 = arith.addi %add3A_31, %add3A_734 : i32
    "tpu.region"() ({
      %run_scoped3A = tpu.sem_alloc : memref<!tpu.dma_semaphore, #tpu.memory_space<semaphore_mem>>
      %dma_start3A = arith.constant 0 : i32
      %dma_start3A_816 = tpu.memref_slice %arg8[%add3A_735, %dma_start3A] : memref<12544x128xf32, #tpu.memory_space<hbm>> -> memref<8x128xf32, #tpu.memory_space<hbm>>
      %dma_start3A_817 = arith.constant 0 : i32
      %dma_start3A_818 = tpu.memref_slice %arg8[%add3A_735, %dma_start3A_817] : memref<12544x128xf32, #tpu.memory_space<hbm>> -> memref<8x128xf32, #tpu.memory_space<hbm>>
      tpu.enqueue_dma source(%arg18 : memref<8x128xf32, #tpu.memory_space<vmem>>) target(%dma_start3A_818 : memref<8x128xf32, #tpu.memory_space<hbm>>) target_semaphore(%run_scoped3A : memref<!tpu.dma_semaphore, #tpu.memory_space<semaphore_mem>>)
      %dma_wait3A = arith.constant 0 : i32
      %dma_wait3A_819 = tpu.memref_slice %arg8[%add3A_735, %dma_wait3A] : memref<12544x128xf32, #tpu.memory_space<hbm>> -> memref<8x128xf32, #tpu.memory_space<hbm>>
      %dma_wait3A_820 = arith.constant 0 : i32
      %dma_wait3A_821 = tpu.memref_slice %arg8[%add3A_735, %dma_wait3A_820] : memref<12544x128xf32, #tpu.memory_space<hbm>> -> memref<8x128xf32, #tpu.memory_space<hbm>>
      tpu.wait_dma2 semaphore(%run_scoped3A : memref<!tpu.dma_semaphore, #tpu.memory_space<semaphore_mem>>) src(%arg18 : memref<8x128xf32, #tpu.memory_space<vmem>>) dst(%dma_wait3A_821 : memref<8x128xf32, #tpu.memory_space<hbm>>)
      tpu.yield
    }) : () -> ()
    %scan3A_736 = arith.constant 0 : i32
    %scan3A_737 = arith.constant 0 : i32
    %scan3A_738 = arith.constant 4 : i32
    %scan3A_739 = arith.addi %scan3A_737, %scan3A_738 : i32
    %scan3A_740 = arith.constant 1 : i32
    %scan3A_741 = scf.for %scan3A_816 = %scan3A_737 to %scan3A_739 step %scan3A_740 iter_args(%scan3A_817 = %scan3A_736) -> (i32)  : i32 {
      %add3A_818 = arith.constant 2816 : i32
      %add3A_819 = arith.addi %mul3A_11, %add3A_818 : i32
      %mul3A_820 = arith.constant 16 : i32
      %mul3A_821 = arith.muli %scan3A_816, %mul3A_820 : i32
      %add3A_822 = arith.addi %add3A_819, %mul3A_821 : i32
      %add3A_823 = vector.broadcast %add3A_822 : i32 to vector<16xi32>
      %add3A_824 = arith.addi %add3A_823, %iota3A : vector<16xi32>
      %mul3A_825 = arith.constant 16 : i32
      %mul3A_826 = arith.muli %scan3A_816, %mul3A_825 : i32
      "tpu.region"() ({
        %run_scoped3A = tpu.sem_alloc : memref<!tpu.dma_semaphore, #tpu.memory_space<semaphore_mem>>
        %dma_start3A = arith.constant 0 : i32
        %dma_start3A_828 = tpu.memref_slice %arg17[%mul3A_826, %dma_start3A] : memref<64x16xf32, #tpu.memory_space<vmem>> -> memref<16x16xf32, #tpu.memory_space<vmem>>
        %dma_start3A_829 = arith.constant 0 : i32
        %dma_start3A_830 = arith.constant 0 : i32
        %dma_start3A_831 = tpu.memref_slice %arg20[%dma_start3A_829, %dma_start3A_830] : memref<50176x16xf32, #tpu.memory_space<vmem_shared>> -> memref<50176x16xf32, #tpu.memory_space<vmem_shared>>
        tpu.enqueue_indirect_dma source(%dma_start3A_831 : memref<50176x16xf32, #tpu.memory_space<vmem_shared>>) target(%dma_start3A_828 : memref<16x16xf32, #tpu.memory_space<vmem>>) offsets(%add3A_824 : vector<16xi32>) semaphore(%run_scoped3A : memref<!tpu.dma_semaphore, #tpu.memory_space<semaphore_mem>>)
        %dma_wait3A = arith.constant 0 : i32
        %dma_wait3A_832 = tpu.memref_slice %arg17[%mul3A_826, %dma_wait3A] : memref<64x16xf32, #tpu.memory_space<vmem>> -> memref<16x16xf32, #tpu.memory_space<vmem>>
        %dma_wait3A_833 = arith.constant 0 : i32
        %dma_wait3A_834 = arith.constant 0 : i32
        %dma_wait3A_835 = tpu.memref_slice %arg20[%dma_wait3A_833, %dma_wait3A_834] : memref<50176x16xf32, #tpu.memory_space<vmem_shared>> -> memref<50176x16xf32, #tpu.memory_space<vmem_shared>>
        tpu.wait_indirect_dma semaphore(%run_scoped3A : memref<!tpu.dma_semaphore, #tpu.memory_space<semaphore_mem>>) src(%dma_wait3A_835 : memref<50176x16xf32, #tpu.memory_space<vmem_shared>>) dst(%dma_wait3A_832 : memref<16x16xf32, #tpu.memory_space<vmem>>)
        tpu.yield
      }) : () -> ()
      %scan3A_827 = arith.constant 0 : i32
      scf.yield %scan3A_827 : i32
    }
    %scan3A_742 = arith.constant 4 : i32
    %scan3A_743 = arith.constant 0 : i32
    %scan3A_744 = arith.constant 0 : i32
    %scan3A_745 = arith.constant 64 : i32
    %scan3A_746 = arith.addi %scan3A_744, %scan3A_745 : i32
    %scan3A_747 = arith.constant 1 : i32
    %scan3A_748 = scf.for %scan3A_816 = %scan3A_744 to %scan3A_746 step %scan3A_747 iter_args(%scan3A_817 = %scan3A_743) -> (i32)  : i32 {
      %get3A = arith.index_cast %scan3A_816 : i32 to index
      %get3A_818 = arith.constant 0 : index
      %get3A_819 = tpu.vector_load %arg17[%get3A, %get3A_818] {strides = array<i32>} : memref<64x16xf32, #tpu.memory_space<vmem>>, vector<16xf32>,
      %shift_right_arithmetic3A = arith.constant 3 : i32
      %shift_right_arithmetic3A_820 = arith.shrsi %scan3A_816, %shift_right_arithmetic3A : i32
      %and3A = arith.constant 7 : i32
      %and3A_821 = arith.andi %scan3A_816, %and3A : i32
      %mul3A_822 = arith.constant 16 : i32
      %mul3A_823 = arith.muli %and3A_821, %mul3A_822 : i32
      %swap3A = arith.index_cast %shift_right_arithmetic3A_820 : i32 to index
      %swap3A_824 = arith.index_cast %mul3A_823 : i32 to index
      %swap3A_825 = tpu.vector_load %arg18[%swap3A, %swap3A_824] {strides = array<i32>} : memref<8x128xf32, #tpu.memory_space<vmem>>, vector<16xf32>,
      tpu.vector_store %arg18[%swap3A, %swap3A_824], %get3A_819 {strides = array<i32>} : memref<8x128xf32, #tpu.memory_space<vmem>>, vector<16xf32>,
      %scan3A_826 = arith.constant 0 : i32
      scf.yield %scan3A_826 : i32
    }
    %scan3A_749 = arith.constant 64 : i32
    %add3A_750 = arith.constant 352 : i32
    %add3A_751 = arith.addi %add3A_31, %add3A_750 : i32
    "tpu.region"() ({
      %run_scoped3A = tpu.sem_alloc : memref<!tpu.dma_semaphore, #tpu.memory_space<semaphore_mem>>
      %dma_start3A = arith.constant 0 : i32
      %dma_start3A_816 = tpu.memref_slice %arg8[%add3A_751, %dma_start3A] : memref<12544x128xf32, #tpu.memory_space<hbm>> -> memref<8x128xf32, #tpu.memory_space<hbm>>
      %dma_start3A_817 = arith.constant 0 : i32
      %dma_start3A_818 = tpu.memref_slice %arg8[%add3A_751, %dma_start3A_817] : memref<12544x128xf32, #tpu.memory_space<hbm>> -> memref<8x128xf32, #tpu.memory_space<hbm>>
      tpu.enqueue_dma source(%arg18 : memref<8x128xf32, #tpu.memory_space<vmem>>) target(%dma_start3A_818 : memref<8x128xf32, #tpu.memory_space<hbm>>) target_semaphore(%run_scoped3A : memref<!tpu.dma_semaphore, #tpu.memory_space<semaphore_mem>>)
      %dma_wait3A = arith.constant 0 : i32
      %dma_wait3A_819 = tpu.memref_slice %arg8[%add3A_751, %dma_wait3A] : memref<12544x128xf32, #tpu.memory_space<hbm>> -> memref<8x128xf32, #tpu.memory_space<hbm>>
      %dma_wait3A_820 = arith.constant 0 : i32
      %dma_wait3A_821 = tpu.memref_slice %arg8[%add3A_751, %dma_wait3A_820] : memref<12544x128xf32, #tpu.memory_space<hbm>> -> memref<8x128xf32, #tpu.memory_space<hbm>>
      tpu.wait_dma2 semaphore(%run_scoped3A : memref<!tpu.dma_semaphore, #tpu.memory_space<semaphore_mem>>) src(%arg18 : memref<8x128xf32, #tpu.memory_space<vmem>>) dst(%dma_wait3A_821 : memref<8x128xf32, #tpu.memory_space<hbm>>)
      tpu.yield
    }) : () -> ()
    %scan3A_752 = arith.constant 0 : i32
    %scan3A_753 = arith.constant 0 : i32
    %scan3A_754 = arith.constant 4 : i32
    %scan3A_755 = arith.addi %scan3A_753, %scan3A_754 : i32
    %scan3A_756 = arith.constant 1 : i32
    %scan3A_757 = scf.for %scan3A_816 = %scan3A_753 to %scan3A_755 step %scan3A_756 iter_args(%scan3A_817 = %scan3A_752) -> (i32)  : i32 {
      %add3A_818 = arith.constant 2880 : i32
      %add3A_819 = arith.addi %mul3A_11, %add3A_818 : i32
      %mul3A_820 = arith.constant 16 : i32
      %mul3A_821 = arith.muli %scan3A_816, %mul3A_820 : i32
      %add3A_822 = arith.addi %add3A_819, %mul3A_821 : i32
      %add3A_823 = vector.broadcast %add3A_822 : i32 to vector<16xi32>
      %add3A_824 = arith.addi %add3A_823, %iota3A : vector<16xi32>
      %mul3A_825 = arith.constant 16 : i32
      %mul3A_826 = arith.muli %scan3A_816, %mul3A_825 : i32
      "tpu.region"() ({
        %run_scoped3A = tpu.sem_alloc : memref<!tpu.dma_semaphore, #tpu.memory_space<semaphore_mem>>
        %dma_start3A = arith.constant 0 : i32
        %dma_start3A_828 = tpu.memref_slice %arg17[%mul3A_826, %dma_start3A] : memref<64x16xf32, #tpu.memory_space<vmem>> -> memref<16x16xf32, #tpu.memory_space<vmem>>
        %dma_start3A_829 = arith.constant 0 : i32
        %dma_start3A_830 = arith.constant 0 : i32
        %dma_start3A_831 = tpu.memref_slice %arg20[%dma_start3A_829, %dma_start3A_830] : memref<50176x16xf32, #tpu.memory_space<vmem_shared>> -> memref<50176x16xf32, #tpu.memory_space<vmem_shared>>
        tpu.enqueue_indirect_dma source(%dma_start3A_831 : memref<50176x16xf32, #tpu.memory_space<vmem_shared>>) target(%dma_start3A_828 : memref<16x16xf32, #tpu.memory_space<vmem>>) offsets(%add3A_824 : vector<16xi32>) semaphore(%run_scoped3A : memref<!tpu.dma_semaphore, #tpu.memory_space<semaphore_mem>>)
        %dma_wait3A = arith.constant 0 : i32
        %dma_wait3A_832 = tpu.memref_slice %arg17[%mul3A_826, %dma_wait3A] : memref<64x16xf32, #tpu.memory_space<vmem>> -> memref<16x16xf32, #tpu.memory_space<vmem>>
        %dma_wait3A_833 = arith.constant 0 : i32
        %dma_wait3A_834 = arith.constant 0 : i32
        %dma_wait3A_835 = tpu.memref_slice %arg20[%dma_wait3A_833, %dma_wait3A_834] : memref<50176x16xf32, #tpu.memory_space<vmem_shared>> -> memref<50176x16xf32, #tpu.memory_space<vmem_shared>>
        tpu.wait_indirect_dma semaphore(%run_scoped3A : memref<!tpu.dma_semaphore, #tpu.memory_space<semaphore_mem>>) src(%dma_wait3A_835 : memref<50176x16xf32, #tpu.memory_space<vmem_shared>>) dst(%dma_wait3A_832 : memref<16x16xf32, #tpu.memory_space<vmem>>)
        tpu.yield
      }) : () -> ()
      %scan3A_827 = arith.constant 0 : i32
      scf.yield %scan3A_827 : i32
    }
    %scan3A_758 = arith.constant 4 : i32
    %scan3A_759 = arith.constant 0 : i32
    %scan3A_760 = arith.constant 0 : i32
    %scan3A_761 = arith.constant 64 : i32
    %scan3A_762 = arith.addi %scan3A_760, %scan3A_761 : i32
    %scan3A_763 = arith.constant 1 : i32
    %scan3A_764 = scf.for %scan3A_816 = %scan3A_760 to %scan3A_762 step %scan3A_763 iter_args(%scan3A_817 = %scan3A_759) -> (i32)  : i32 {
      %get3A = arith.index_cast %scan3A_816 : i32 to index
      %get3A_818 = arith.constant 0 : index
      %get3A_819 = tpu.vector_load %arg17[%get3A, %get3A_818] {strides = array<i32>} : memref<64x16xf32, #tpu.memory_space<vmem>>, vector<16xf32>,
      %shift_right_arithmetic3A = arith.constant 3 : i32
      %shift_right_arithmetic3A_820 = arith.shrsi %scan3A_816, %shift_right_arithmetic3A : i32
      %and3A = arith.constant 7 : i32
      %and3A_821 = arith.andi %scan3A_816, %and3A : i32
      %mul3A_822 = arith.constant 16 : i32
      %mul3A_823 = arith.muli %and3A_821, %mul3A_822 : i32
      %swap3A = arith.index_cast %shift_right_arithmetic3A_820 : i32 to index
      %swap3A_824 = arith.index_cast %mul3A_823 : i32 to index
      %swap3A_825 = tpu.vector_load %arg18[%swap3A, %swap3A_824] {strides = array<i32>} : memref<8x128xf32, #tpu.memory_space<vmem>>, vector<16xf32>,
      tpu.vector_store %arg18[%swap3A, %swap3A_824], %get3A_819 {strides = array<i32>} : memref<8x128xf32, #tpu.memory_space<vmem>>, vector<16xf32>,
      %scan3A_826 = arith.constant 0 : i32
      scf.yield %scan3A_826 : i32
    }
    %scan3A_765 = arith.constant 64 : i32
    %add3A_766 = arith.constant 360 : i32
    %add3A_767 = arith.addi %add3A_31, %add3A_766 : i32
    "tpu.region"() ({
      %run_scoped3A = tpu.sem_alloc : memref<!tpu.dma_semaphore, #tpu.memory_space<semaphore_mem>>
      %dma_start3A = arith.constant 0 : i32
      %dma_start3A_816 = tpu.memref_slice %arg8[%add3A_767, %dma_start3A] : memref<12544x128xf32, #tpu.memory_space<hbm>> -> memref<8x128xf32, #tpu.memory_space<hbm>>
      %dma_start3A_817 = arith.constant 0 : i32
      %dma_start3A_818 = tpu.memref_slice %arg8[%add3A_767, %dma_start3A_817] : memref<12544x128xf32, #tpu.memory_space<hbm>> -> memref<8x128xf32, #tpu.memory_space<hbm>>
      tpu.enqueue_dma source(%arg18 : memref<8x128xf32, #tpu.memory_space<vmem>>) target(%dma_start3A_818 : memref<8x128xf32, #tpu.memory_space<hbm>>) target_semaphore(%run_scoped3A : memref<!tpu.dma_semaphore, #tpu.memory_space<semaphore_mem>>)
      %dma_wait3A = arith.constant 0 : i32
      %dma_wait3A_819 = tpu.memref_slice %arg8[%add3A_767, %dma_wait3A] : memref<12544x128xf32, #tpu.memory_space<hbm>> -> memref<8x128xf32, #tpu.memory_space<hbm>>
      %dma_wait3A_820 = arith.constant 0 : i32
      %dma_wait3A_821 = tpu.memref_slice %arg8[%add3A_767, %dma_wait3A_820] : memref<12544x128xf32, #tpu.memory_space<hbm>> -> memref<8x128xf32, #tpu.memory_space<hbm>>
      tpu.wait_dma2 semaphore(%run_scoped3A : memref<!tpu.dma_semaphore, #tpu.memory_space<semaphore_mem>>) src(%arg18 : memref<8x128xf32, #tpu.memory_space<vmem>>) dst(%dma_wait3A_821 : memref<8x128xf32, #tpu.memory_space<hbm>>)
      tpu.yield
    }) : () -> ()
    %scan3A_768 = arith.constant 0 : i32
    %scan3A_769 = arith.constant 0 : i32
    %scan3A_770 = arith.constant 4 : i32
    %scan3A_771 = arith.addi %scan3A_769, %scan3A_770 : i32
    %scan3A_772 = arith.constant 1 : i32
    %scan3A_773 = scf.for %scan3A_816 = %scan3A_769 to %scan3A_771 step %scan3A_772 iter_args(%scan3A_817 = %scan3A_768) -> (i32)  : i32 {
      %add3A_818 = arith.constant 2944 : i32
      %add3A_819 = arith.addi %mul3A_11, %add3A_818 : i32
      %mul3A_820 = arith.constant 16 : i32
      %mul3A_821 = arith.muli %scan3A_816, %mul3A_820 : i32
      %add3A_822 = arith.addi %add3A_819, %mul3A_821 : i32
      %add3A_823 = vector.broadcast %add3A_822 : i32 to vector<16xi32>
      %add3A_824 = arith.addi %add3A_823, %iota3A : vector<16xi32>
      %mul3A_825 = arith.constant 16 : i32
      %mul3A_826 = arith.muli %scan3A_816, %mul3A_825 : i32
      "tpu.region"() ({
        %run_scoped3A = tpu.sem_alloc : memref<!tpu.dma_semaphore, #tpu.memory_space<semaphore_mem>>
        %dma_start3A = arith.constant 0 : i32
        %dma_start3A_828 = tpu.memref_slice %arg17[%mul3A_826, %dma_start3A] : memref<64x16xf32, #tpu.memory_space<vmem>> -> memref<16x16xf32, #tpu.memory_space<vmem>>
        %dma_start3A_829 = arith.constant 0 : i32
        %dma_start3A_830 = arith.constant 0 : i32
        %dma_start3A_831 = tpu.memref_slice %arg20[%dma_start3A_829, %dma_start3A_830] : memref<50176x16xf32, #tpu.memory_space<vmem_shared>> -> memref<50176x16xf32, #tpu.memory_space<vmem_shared>>
        tpu.enqueue_indirect_dma source(%dma_start3A_831 : memref<50176x16xf32, #tpu.memory_space<vmem_shared>>) target(%dma_start3A_828 : memref<16x16xf32, #tpu.memory_space<vmem>>) offsets(%add3A_824 : vector<16xi32>) semaphore(%run_scoped3A : memref<!tpu.dma_semaphore, #tpu.memory_space<semaphore_mem>>)
        %dma_wait3A = arith.constant 0 : i32
        %dma_wait3A_832 = tpu.memref_slice %arg17[%mul3A_826, %dma_wait3A] : memref<64x16xf32, #tpu.memory_space<vmem>> -> memref<16x16xf32, #tpu.memory_space<vmem>>
        %dma_wait3A_833 = arith.constant 0 : i32
        %dma_wait3A_834 = arith.constant 0 : i32
        %dma_wait3A_835 = tpu.memref_slice %arg20[%dma_wait3A_833, %dma_wait3A_834] : memref<50176x16xf32, #tpu.memory_space<vmem_shared>> -> memref<50176x16xf32, #tpu.memory_space<vmem_shared>>
        tpu.wait_indirect_dma semaphore(%run_scoped3A : memref<!tpu.dma_semaphore, #tpu.memory_space<semaphore_mem>>) src(%dma_wait3A_835 : memref<50176x16xf32, #tpu.memory_space<vmem_shared>>) dst(%dma_wait3A_832 : memref<16x16xf32, #tpu.memory_space<vmem>>)
        tpu.yield
      }) : () -> ()
      %scan3A_827 = arith.constant 0 : i32
      scf.yield %scan3A_827 : i32
    }
    %scan3A_774 = arith.constant 4 : i32
    %scan3A_775 = arith.constant 0 : i32
    %scan3A_776 = arith.constant 0 : i32
    %scan3A_777 = arith.constant 64 : i32
    %scan3A_778 = arith.addi %scan3A_776, %scan3A_777 : i32
    %scan3A_779 = arith.constant 1 : i32
    %scan3A_780 = scf.for %scan3A_816 = %scan3A_776 to %scan3A_778 step %scan3A_779 iter_args(%scan3A_817 = %scan3A_775) -> (i32)  : i32 {
      %get3A = arith.index_cast %scan3A_816 : i32 to index
      %get3A_818 = arith.constant 0 : index
      %get3A_819 = tpu.vector_load %arg17[%get3A, %get3A_818] {strides = array<i32>} : memref<64x16xf32, #tpu.memory_space<vmem>>, vector<16xf32>,
      %shift_right_arithmetic3A = arith.constant 3 : i32
      %shift_right_arithmetic3A_820 = arith.shrsi %scan3A_816, %shift_right_arithmetic3A : i32
      %and3A = arith.constant 7 : i32
      %and3A_821 = arith.andi %scan3A_816, %and3A : i32
      %mul3A_822 = arith.constant 16 : i32
      %mul3A_823 = arith.muli %and3A_821, %mul3A_822 : i32
      %swap3A = arith.index_cast %shift_right_arithmetic3A_820 : i32 to index
      %swap3A_824 = arith.index_cast %mul3A_823 : i32 to index
      %swap3A_825 = tpu.vector_load %arg18[%swap3A, %swap3A_824] {strides = array<i32>} : memref<8x128xf32, #tpu.memory_space<vmem>>, vector<16xf32>,
      tpu.vector_store %arg18[%swap3A, %swap3A_824], %get3A_819 {strides = array<i32>} : memref<8x128xf32, #tpu.memory_space<vmem>>, vector<16xf32>,
      %scan3A_826 = arith.constant 0 : i32
      scf.yield %scan3A_826 : i32
    }
    %scan3A_781 = arith.constant 64 : i32
    %add3A_782 = arith.constant 368 : i32
    %add3A_783 = arith.addi %add3A_31, %add3A_782 : i32
    "tpu.region"() ({
      %run_scoped3A = tpu.sem_alloc : memref<!tpu.dma_semaphore, #tpu.memory_space<semaphore_mem>>
      %dma_start3A = arith.constant 0 : i32
      %dma_start3A_816 = tpu.memref_slice %arg8[%add3A_783, %dma_start3A] : memref<12544x128xf32, #tpu.memory_space<hbm>> -> memref<8x128xf32, #tpu.memory_space<hbm>>
      %dma_start3A_817 = arith.constant 0 : i32
      %dma_start3A_818 = tpu.memref_slice %arg8[%add3A_783, %dma_start3A_817] : memref<12544x128xf32, #tpu.memory_space<hbm>> -> memref<8x128xf32, #tpu.memory_space<hbm>>
      tpu.enqueue_dma source(%arg18 : memref<8x128xf32, #tpu.memory_space<vmem>>) target(%dma_start3A_818 : memref<8x128xf32, #tpu.memory_space<hbm>>) target_semaphore(%run_scoped3A : memref<!tpu.dma_semaphore, #tpu.memory_space<semaphore_mem>>)
      %dma_wait3A = arith.constant 0 : i32
      %dma_wait3A_819 = tpu.memref_slice %arg8[%add3A_783, %dma_wait3A] : memref<12544x128xf32, #tpu.memory_space<hbm>> -> memref<8x128xf32, #tpu.memory_space<hbm>>
      %dma_wait3A_820 = arith.constant 0 : i32
      %dma_wait3A_821 = tpu.memref_slice %arg8[%add3A_783, %dma_wait3A_820] : memref<12544x128xf32, #tpu.memory_space<hbm>> -> memref<8x128xf32, #tpu.memory_space<hbm>>
      tpu.wait_dma2 semaphore(%run_scoped3A : memref<!tpu.dma_semaphore, #tpu.memory_space<semaphore_mem>>) src(%arg18 : memref<8x128xf32, #tpu.memory_space<vmem>>) dst(%dma_wait3A_821 : memref<8x128xf32, #tpu.memory_space<hbm>>)
      tpu.yield
    }) : () -> ()
    %scan3A_784 = arith.constant 0 : i32
    %scan3A_785 = arith.constant 0 : i32
    %scan3A_786 = arith.constant 4 : i32
    %scan3A_787 = arith.addi %scan3A_785, %scan3A_786 : i32
    %scan3A_788 = arith.constant 1 : i32
    %scan3A_789 = scf.for %scan3A_816 = %scan3A_785 to %scan3A_787 step %scan3A_788 iter_args(%scan3A_817 = %scan3A_784) -> (i32)  : i32 {
      %add3A_818 = arith.constant 3008 : i32
      %add3A_819 = arith.addi %mul3A_11, %add3A_818 : i32
      %mul3A_820 = arith.constant 16 : i32
      %mul3A_821 = arith.muli %scan3A_816, %mul3A_820 : i32
      %add3A_822 = arith.addi %add3A_819, %mul3A_821 : i32
      %add3A_823 = vector.broadcast %add3A_822 : i32 to vector<16xi32>
      %add3A_824 = arith.addi %add3A_823, %iota3A : vector<16xi32>
      %mul3A_825 = arith.constant 16 : i32
      %mul3A_826 = arith.muli %scan3A_816, %mul3A_825 : i32
      "tpu.region"() ({
        %run_scoped3A = tpu.sem_alloc : memref<!tpu.dma_semaphore, #tpu.memory_space<semaphore_mem>>
        %dma_start3A = arith.constant 0 : i32
        %dma_start3A_828 = tpu.memref_slice %arg17[%mul3A_826, %dma_start3A] : memref<64x16xf32, #tpu.memory_space<vmem>> -> memref<16x16xf32, #tpu.memory_space<vmem>>
        %dma_start3A_829 = arith.constant 0 : i32
        %dma_start3A_830 = arith.constant 0 : i32
        %dma_start3A_831 = tpu.memref_slice %arg20[%dma_start3A_829, %dma_start3A_830] : memref<50176x16xf32, #tpu.memory_space<vmem_shared>> -> memref<50176x16xf32, #tpu.memory_space<vmem_shared>>
        tpu.enqueue_indirect_dma source(%dma_start3A_831 : memref<50176x16xf32, #tpu.memory_space<vmem_shared>>) target(%dma_start3A_828 : memref<16x16xf32, #tpu.memory_space<vmem>>) offsets(%add3A_824 : vector<16xi32>) semaphore(%run_scoped3A : memref<!tpu.dma_semaphore, #tpu.memory_space<semaphore_mem>>)
        %dma_wait3A = arith.constant 0 : i32
        %dma_wait3A_832 = tpu.memref_slice %arg17[%mul3A_826, %dma_wait3A] : memref<64x16xf32, #tpu.memory_space<vmem>> -> memref<16x16xf32, #tpu.memory_space<vmem>>
        %dma_wait3A_833 = arith.constant 0 : i32
        %dma_wait3A_834 = arith.constant 0 : i32
        %dma_wait3A_835 = tpu.memref_slice %arg20[%dma_wait3A_833, %dma_wait3A_834] : memref<50176x16xf32, #tpu.memory_space<vmem_shared>> -> memref<50176x16xf32, #tpu.memory_space<vmem_shared>>
        tpu.wait_indirect_dma semaphore(%run_scoped3A : memref<!tpu.dma_semaphore, #tpu.memory_space<semaphore_mem>>) src(%dma_wait3A_835 : memref<50176x16xf32, #tpu.memory_space<vmem_shared>>) dst(%dma_wait3A_832 : memref<16x16xf32, #tpu.memory_space<vmem>>)
        tpu.yield
      }) : () -> ()
      %scan3A_827 = arith.constant 0 : i32
      scf.yield %scan3A_827 : i32
    }
    %scan3A_790 = arith.constant 4 : i32
    %scan3A_791 = arith.constant 0 : i32
    %scan3A_792 = arith.constant 0 : i32
    %scan3A_793 = arith.constant 64 : i32
    %scan3A_794 = arith.addi %scan3A_792, %scan3A_793 : i32
    %scan3A_795 = arith.constant 1 : i32
    %scan3A_796 = scf.for %scan3A_816 = %scan3A_792 to %scan3A_794 step %scan3A_795 iter_args(%scan3A_817 = %scan3A_791) -> (i32)  : i32 {
      %get3A = arith.index_cast %scan3A_816 : i32 to index
      %get3A_818 = arith.constant 0 : index
      %get3A_819 = tpu.vector_load %arg17[%get3A, %get3A_818] {strides = array<i32>} : memref<64x16xf32, #tpu.memory_space<vmem>>, vector<16xf32>,
      %shift_right_arithmetic3A = arith.constant 3 : i32
      %shift_right_arithmetic3A_820 = arith.shrsi %scan3A_816, %shift_right_arithmetic3A : i32
      %and3A = arith.constant 7 : i32
      %and3A_821 = arith.andi %scan3A_816, %and3A : i32
      %mul3A_822 = arith.constant 16 : i32
      %mul3A_823 = arith.muli %and3A_821, %mul3A_822 : i32
      %swap3A = arith.index_cast %shift_right_arithmetic3A_820 : i32 to index
      %swap3A_824 = arith.index_cast %mul3A_823 : i32 to index
      %swap3A_825 = tpu.vector_load %arg18[%swap3A, %swap3A_824] {strides = array<i32>} : memref<8x128xf32, #tpu.memory_space<vmem>>, vector<16xf32>,
      tpu.vector_store %arg18[%swap3A, %swap3A_824], %get3A_819 {strides = array<i32>} : memref<8x128xf32, #tpu.memory_space<vmem>>, vector<16xf32>,
      %scan3A_826 = arith.constant 0 : i32
      scf.yield %scan3A_826 : i32
    }
    %scan3A_797 = arith.constant 64 : i32
    %add3A_798 = arith.constant 376 : i32
    %add3A_799 = arith.addi %add3A_31, %add3A_798 : i32
    "tpu.region"() ({
      %run_scoped3A = tpu.sem_alloc : memref<!tpu.dma_semaphore, #tpu.memory_space<semaphore_mem>>
      %dma_start3A = arith.constant 0 : i32
      %dma_start3A_816 = tpu.memref_slice %arg8[%add3A_799, %dma_start3A] : memref<12544x128xf32, #tpu.memory_space<hbm>> -> memref<8x128xf32, #tpu.memory_space<hbm>>
      %dma_start3A_817 = arith.constant 0 : i32
      %dma_start3A_818 = tpu.memref_slice %arg8[%add3A_799, %dma_start3A_817] : memref<12544x128xf32, #tpu.memory_space<hbm>> -> memref<8x128xf32, #tpu.memory_space<hbm>>
      tpu.enqueue_dma source(%arg18 : memref<8x128xf32, #tpu.memory_space<vmem>>) target(%dma_start3A_818 : memref<8x128xf32, #tpu.memory_space<hbm>>) target_semaphore(%run_scoped3A : memref<!tpu.dma_semaphore, #tpu.memory_space<semaphore_mem>>)
      %dma_wait3A = arith.constant 0 : i32
      %dma_wait3A_819 = tpu.memref_slice %arg8[%add3A_799, %dma_wait3A] : memref<12544x128xf32, #tpu.memory_space<hbm>> -> memref<8x128xf32, #tpu.memory_space<hbm>>
      %dma_wait3A_820 = arith.constant 0 : i32
      %dma_wait3A_821 = tpu.memref_slice %arg8[%add3A_799, %dma_wait3A_820] : memref<12544x128xf32, #tpu.memory_space<hbm>> -> memref<8x128xf32, #tpu.memory_space<hbm>>
      tpu.wait_dma2 semaphore(%run_scoped3A : memref<!tpu.dma_semaphore, #tpu.memory_space<semaphore_mem>>) src(%arg18 : memref<8x128xf32, #tpu.memory_space<vmem>>) dst(%dma_wait3A_821 : memref<8x128xf32, #tpu.memory_space<hbm>>)
      tpu.yield
    }) : () -> ()
    %scan3A_800 = arith.constant 0 : i32
    %scan3A_801 = arith.constant 0 : i32
    %scan3A_802 = arith.constant 4 : i32
    %scan3A_803 = arith.addi %scan3A_801, %scan3A_802 : i32
    %scan3A_804 = arith.constant 1 : i32
    %scan3A_805 = scf.for %scan3A_816 = %scan3A_801 to %scan3A_803 step %scan3A_804 iter_args(%scan3A_817 = %scan3A_800) -> (i32)  : i32 {
      %add3A_818 = arith.constant 3072 : i32
      %add3A_819 = arith.addi %mul3A_11, %add3A_818 : i32
      %mul3A_820 = arith.constant 16 : i32
      %mul3A_821 = arith.muli %scan3A_816, %mul3A_820 : i32
      %add3A_822 = arith.addi %add3A_819, %mul3A_821 : i32
      %add3A_823 = vector.broadcast %add3A_822 : i32 to vector<16xi32>
      %add3A_824 = arith.addi %add3A_823, %iota3A : vector<16xi32>
      %mul3A_825 = arith.constant 16 : i32
      %mul3A_826 = arith.muli %scan3A_816, %mul3A_825 : i32
      "tpu.region"() ({
        %run_scoped3A = tpu.sem_alloc : memref<!tpu.dma_semaphore, #tpu.memory_space<semaphore_mem>>
        %dma_start3A = arith.constant 0 : i32
        %dma_start3A_828 = tpu.memref_slice %arg17[%mul3A_826, %dma_start3A] : memref<64x16xf32, #tpu.memory_space<vmem>> -> memref<16x16xf32, #tpu.memory_space<vmem>>
        %dma_start3A_829 = arith.constant 0 : i32
        %dma_start3A_830 = arith.constant 0 : i32
        %dma_start3A_831 = tpu.memref_slice %arg20[%dma_start3A_829, %dma_start3A_830] : memref<50176x16xf32, #tpu.memory_space<vmem_shared>> -> memref<50176x16xf32, #tpu.memory_space<vmem_shared>>
        tpu.enqueue_indirect_dma source(%dma_start3A_831 : memref<50176x16xf32, #tpu.memory_space<vmem_shared>>) target(%dma_start3A_828 : memref<16x16xf32, #tpu.memory_space<vmem>>) offsets(%add3A_824 : vector<16xi32>) semaphore(%run_scoped3A : memref<!tpu.dma_semaphore, #tpu.memory_space<semaphore_mem>>)
        %dma_wait3A = arith.constant 0 : i32
        %dma_wait3A_832 = tpu.memref_slice %arg17[%mul3A_826, %dma_wait3A] : memref<64x16xf32, #tpu.memory_space<vmem>> -> memref<16x16xf32, #tpu.memory_space<vmem>>
        %dma_wait3A_833 = arith.constant 0 : i32
        %dma_wait3A_834 = arith.constant 0 : i32
        %dma_wait3A_835 = tpu.memref_slice %arg20[%dma_wait3A_833, %dma_wait3A_834] : memref<50176x16xf32, #tpu.memory_space<vmem_shared>> -> memref<50176x16xf32, #tpu.memory_space<vmem_shared>>
        tpu.wait_indirect_dma semaphore(%run_scoped3A : memref<!tpu.dma_semaphore, #tpu.memory_space<semaphore_mem>>) src(%dma_wait3A_835 : memref<50176x16xf32, #tpu.memory_space<vmem_shared>>) dst(%dma_wait3A_832 : memref<16x16xf32, #tpu.memory_space<vmem>>)
        tpu.yield
      }) : () -> ()
      %scan3A_827 = arith.constant 0 : i32
      scf.yield %scan3A_827 : i32
    }
    %scan3A_806 = arith.constant 4 : i32
    %scan3A_807 = arith.constant 0 : i32
    %scan3A_808 = arith.constant 0 : i32
    %scan3A_809 = arith.constant 64 : i32
    %scan3A_810 = arith.addi %scan3A_808, %scan3A_809 : i32
    %scan3A_811 = arith.constant 1 : i32
    %scan3A_812 = scf.for %scan3A_816 = %scan3A_808 to %scan3A_810 step %scan3A_811 iter_args(%scan3A_817 = %scan3A_807) -> (i32)  : i32 {
      %get3A = arith.index_cast %scan3A_816 : i32 to index
      %get3A_818 = arith.constant 0 : index
      %get3A_819 = tpu.vector_load %arg17[%get3A, %get3A_818] {strides = array<i32>} : memref<64x16xf32, #tpu.memory_space<vmem>>, vector<16xf32>,
      %shift_right_arithmetic3A = arith.constant 3 : i32
      %shift_right_arithmetic3A_820 = arith.shrsi %scan3A_816, %shift_right_arithmetic3A : i32
      %and3A = arith.constant 7 : i32
      %and3A_821 = arith.andi %scan3A_816, %and3A : i32
      %mul3A_822 = arith.constant 16 : i32
      %mul3A_823 = arith.muli %and3A_821, %mul3A_822 : i32
      %swap3A = arith.index_cast %shift_right_arithmetic3A_820 : i32 to index
      %swap3A_824 = arith.index_cast %mul3A_823 : i32 to index
      %swap3A_825 = tpu.vector_load %arg18[%swap3A, %swap3A_824] {strides = array<i32>} : memref<8x128xf32, #tpu.memory_space<vmem>>, vector<16xf32>,
      tpu.vector_store %arg18[%swap3A, %swap3A_824], %get3A_819 {strides = array<i32>} : memref<8x128xf32, #tpu.memory_space<vmem>>, vector<16xf32>,
      %scan3A_826 = arith.constant 0 : i32
      scf.yield %scan3A_826 : i32
    }
    %scan3A_813 = arith.constant 64 : i32
    %add3A_814 = arith.constant 384 : i32
    %add3A_815 = arith.addi %add3A_31, %add3A_814 : i32
    "tpu.region"() ({
      %run_scoped3A = tpu.sem_alloc : memref<!tpu.dma_semaphore, #tpu.memory_space<semaphore_mem>>
      %dma_start3A = arith.constant 0 : i32
      %dma_start3A_816 = tpu.memref_slice %arg8[%add3A_815, %dma_start3A] : memref<12544x128xf32, #tpu.memory_space<hbm>> -> memref<8x128xf32, #tpu.memory_space<hbm>>
      %dma_start3A_817 = arith.constant 0 : i32
      %dma_start3A_818 = tpu.memref_slice %arg8[%add3A_815, %dma_start3A_817] : memref<12544x128xf32, #tpu.memory_space<hbm>> -> memref<8x128xf32, #tpu.memory_space<hbm>>
      tpu.enqueue_dma source(%arg18 : memref<8x128xf32, #tpu.memory_space<vmem>>) target(%dma_start3A_818 : memref<8x128xf32, #tpu.memory_space<hbm>>) target_semaphore(%run_scoped3A : memref<!tpu.dma_semaphore, #tpu.memory_space<semaphore_mem>>)
      %dma_wait3A = arith.constant 0 : i32
      %dma_wait3A_819 = tpu.memref_slice %arg8[%add3A_815, %dma_wait3A] : memref<12544x128xf32, #tpu.memory_space<hbm>> -> memref<8x128xf32, #tpu.memory_space<hbm>>
      %dma_wait3A_820 = arith.constant 0 : i32
      %dma_wait3A_821 = tpu.memref_slice %arg8[%add3A_815, %dma_wait3A_820] : memref<12544x128xf32, #tpu.memory_space<hbm>> -> memref<8x128xf32, #tpu.memory_space<hbm>>
      tpu.wait_dma2 semaphore(%run_scoped3A : memref<!tpu.dma_semaphore, #tpu.memory_space<semaphore_mem>>) src(%arg18 : memref<8x128xf32, #tpu.memory_space<vmem>>) dst(%dma_wait3A_821 : memref<8x128xf32, #tpu.memory_space<hbm>>)
      tpu.yield
    }) : () -> ()
    return
  }
}

module attributes {stable_mosaic.version = 14 : i64} {
  func.func @_tc_body(%arg0: i32, %arg1: memref<2x1000x80xf32, #tpu.memory_space<vmem>>, %arg2: memref<1000x1xi32, #tpu.memory_space<vmem>>, %arg3: memref<1000x1xi32, #tpu.memory_space<vmem>>, %arg4: memref<16x128xf32, #tpu.memory_space<vmem>>, %arg5: memref<8x128xf32, #tpu.memory_space<vmem>>, %arg6: memref<128x128xf32, #tpu.memory_space<vmem>>, %arg7: memref<128x128xf32, #tpu.memory_space<vmem>>, %arg8: memref<128x1xf32, #tpu.memory_space<vmem>>, %arg9: memref<8x16xf32, #tpu.memory_space<vmem>>) attributes {dimension_semantics = [#tpu.dimension_semantics<arbitrary>], iteration_bounds = array<i64: 10>, scalar_prefetch = 0 : i64, scratch_operands = 0 : i64, tpu.core_type = #tpu.core_type<tc>, window_params = [{transform_indices = @transform_0, window_bounds = array<i64: 2, 1000, 80>}, {transform_indices = @transform_1, window_bounds = array<i64: 1000, 1>}, {transform_indices = @transform_2, window_bounds = array<i64: 1000, 1>}, {pipeline_mode = #tpu.pipeline_mode<synchronous>, transform_indices = @transform_3, window_bounds = array<i64: 16, 128>}, {pipeline_mode = #tpu.pipeline_mode<synchronous>, transform_indices = @transform_4, window_bounds = array<i64: 8, 128>}, {pipeline_mode = #tpu.pipeline_mode<synchronous>, transform_indices = @transform_5, window_bounds = array<i64: 128, 128>}, {pipeline_mode = #tpu.pipeline_mode<synchronous>, transform_indices = @transform_6, window_bounds = array<i64: 128, 128>}, {pipeline_mode = #tpu.pipeline_mode<synchronous>, transform_indices = @transform_7, window_bounds = array<i64: 128, 1>}, {pipeline_mode = #tpu.pipeline_mode<synchronous>, transform_indices = @transform_8, window_bounds = array<i64: 8, 16>}]} {
    %get3A = arith.constant 0 : index
    %get3A_0 = arith.constant 0 : index
    %get3A_1 = arith.constant 0 : index
    %get3A_2 = vector.load %arg1[%get3A, %get3A_0, %get3A_1] : memref<2x1000x80xf32, #tpu.memory_space<vmem>>, vector<1x1000x80xf32>
    %get3A_3 = vector.shape_cast %get3A_2 : vector<1x1000x80xf32> to vector<1000x80xf32>
    %get3A_4 = arith.constant 1 : index
    %get3A_5 = arith.constant 0 : index
    %get3A_6 = arith.constant 0 : index
    %get3A_7 = vector.load %arg1[%get3A_4, %get3A_5, %get3A_6] : memref<2x1000x80xf32, #tpu.memory_space<vmem>>, vector<1x1000x80xf32>
    %get3A_8 = vector.shape_cast %get3A_7 : vector<1x1000x80xf32> to vector<1000x80xf32>
    %add3A = arith.addf %get3A_3, %get3A_8 : vector<1000x80xf32>
    %get3A_9 = arith.constant 0 : index
    %get3A_10 = arith.constant 0 : index
    %get3A_11 = vector.load %arg4[%get3A_9, %get3A_10] : memref<16x128xf32, #tpu.memory_space<vmem>>, vector<16x128xf32>
    %get3A_12 = arith.constant 0 : index
    %get3A_13 = arith.constant 0 : index
    %get3A_14 = vector.load %arg5[%get3A_12, %get3A_13] : memref<8x128xf32, #tpu.memory_space<vmem>>, vector<8x128xf32>
    %slice3A = vector.extract_strided_slice %get3A_11 {offsets = [0, 0], sizes = [10, 128], strides = [1, 1]} : vector<16x128xf32> to vector<10x128xf32>
    %broadcast_in_dim3A = vector.shape_cast %slice3A : vector<10x128xf32> to vector<10x1x128xf32>
    %broadcast_in_dim3A_15 = vector.shape_cast %get3A_14 : vector<8x128xf32> to vector<1x8x128xf32>
    %mul3A = vector.broadcast %broadcast_in_dim3A : vector<10x1x128xf32> to vector<10x8x128xf32>
    %mul3A_16 = vector.broadcast %broadcast_in_dim3A_15 : vector<1x8x128xf32> to vector<10x8x128xf32>
    %mul3A_17 = arith.mulf %mul3A, %mul3A_16 : vector<10x8x128xf32>
    %reshape3A = vector.shape_cast %mul3A_17 : vector<10x8x128xf32> to vector<80x128xf32>
    %get3A_18 = arith.constant 0 : index
    %get3A_19 = arith.constant 0 : index
    %get3A_20 = vector.load %arg6[%get3A_18, %get3A_19] : memref<128x128xf32, #tpu.memory_space<vmem>>, vector<128x128xf32>
    %dot_general3A = arith.constant dense<0.000000e+00> : vector<80x128xf32>
    %dot_general3A_21 = tpu.matmul %reshape3A, %get3A_20, %dot_general3A {dimension_numbers = #tpu.dot_dimension_numbers<[1], [0], [0], [1], [0, 0, 1, 1], [], []>, transpose_lhs_hint = false} : vector<80x128xf32>, vector<128x128xf32>, vector<80x128xf32> -> vector<80x128xf32>
    %get3A_22 = arith.constant 0 : index
    %get3A_23 = arith.constant 0 : index
    %get3A_24 = vector.load %arg7[%get3A_22, %get3A_23] : memref<128x128xf32, #tpu.memory_space<vmem>>, vector<128x128xf32>
    %dot_general3A_25 = arith.constant dense<0.000000e+00> : vector<16x128xf32>
    %dot_general3A_26 = tpu.matmul %get3A_11, %get3A_24, %dot_general3A_25 {dimension_numbers = #tpu.dot_dimension_numbers<[1], [0], [0], [1], [0, 0, 1, 1], [], []>, transpose_lhs_hint = false} : vector<16x128xf32>, vector<128x128xf32>, vector<16x128xf32> -> vector<16x128xf32>
    %iota3A = tpu.iota {dimensions = array<i32: 1>} : vector<1000x16xi32>
    %get3A_27 = arith.constant 0 : index
    %get3A_28 = arith.constant 0 : index
    %get3A_29 = vector.load %arg2[%get3A_27, %get3A_28] : memref<1000x1xi32, #tpu.memory_space<vmem>>, vector<1000x1xi32>
    %eq3A = vector.broadcast %get3A_29 : vector<1000x1xi32> to vector<1000x16xi32>
    %eq3A_30 = arith.cmpi eq, %eq3A, %iota3A : vector<1000x16xi32>
    %convert_element_type3A = arith.extui %eq3A_30 : vector<1000x16xi1> to vector<1000x16xi32>
    %convert_element_type3A_31 = arith.sitofp %convert_element_type3A : vector<1000x16xi32> to vector<1000x16xf32>
    %dot_general3A_32 = arith.constant dense<0.000000e+00> : vector<1000x128xf32>
    %dot_general3A_33 = tpu.matmul %add3A, %dot_general3A_21, %dot_general3A_32 {dimension_numbers = #tpu.dot_dimension_numbers<[1], [0], [0], [1], [0, 0, 1, 1], [], []>, transpose_lhs_hint = false} : vector<1000x80xf32>, vector<80x128xf32>, vector<1000x128xf32> -> vector<1000x128xf32>
    %dot_general3A_34 = arith.constant dense<0.000000e+00> : vector<1000x128xf32>
    %dot_general3A_35 = tpu.matmul %convert_element_type3A_31, %dot_general3A_26, %dot_general3A_34 {dimension_numbers = #tpu.dot_dimension_numbers<[1], [0], [0], [1], [0, 0, 1, 1], [], []>, transpose_lhs_hint = false} : vector<1000x16xf32>, vector<16x128xf32>, vector<1000x128xf32> -> vector<1000x128xf32>
    %add3A_36 = arith.addf %dot_general3A_33, %dot_general3A_35 : vector<1000x128xf32>
    %neg3A = arith.constant 0.000000e+00 : f32
    %neg3A_37 = vector.broadcast %neg3A : f32 to vector<1000x128xf32>
    %neg3A_38 = arith.subf %neg3A_37, %add3A_36 : vector<1000x128xf32>
    %exp3A = math.exp %neg3A_38 : vector<1000x128xf32>
    %add3A_39 = arith.constant 1.000000e+00 : f32
    %add3A_40 = vector.broadcast %add3A_39 : f32 to vector<1000x128xf32>
    %add3A_41 = arith.addf %add3A_40, %exp3A : vector<1000x128xf32>
    %div3A = arith.constant 1.000000e+00 : f32
    %div3A_42 = vector.broadcast %div3A : f32 to vector<1000x128xf32>
    %div3A_43 = arith.divf %div3A_42, %add3A_41 : vector<1000x128xf32>
    %mul3A_44 = arith.mulf %add3A_36, %div3A_43 : vector<1000x128xf32>
    %get3A_45 = arith.constant 0 : index
    %get3A_46 = arith.constant 0 : index
    %get3A_47 = vector.load %arg8[%get3A_45, %get3A_46] : memref<128x1xf32, #tpu.memory_space<vmem>>, vector<128x1xf32>
    %dot_general3A_48 = arith.constant dense<0.000000e+00> : vector<1000x1xf32>
    %dot_general3A_49 = tpu.matmul %mul3A_44, %get3A_47, %dot_general3A_48 {dimension_numbers = #tpu.dot_dimension_numbers<[1], [0], [0], [1], [0, 0, 1, 1], [], []>, transpose_lhs_hint = false} : vector<1000x128xf32>, vector<128x1xf32>, vector<1000x1xf32> -> vector<1000x1xf32>
    %get3A_50 = arith.constant 0 : index
    %get3A_51 = arith.constant 0 : index
    %get3A_52 = vector.load %arg3[%get3A_50, %get3A_51] : memref<1000x1xi32, #tpu.memory_space<vmem>>, vector<1000x1xi32>
    %eq3A_53 = vector.broadcast %get3A_52 : vector<1000x1xi32> to vector<1000x16xi32>
    %eq3A_54 = arith.cmpi eq, %eq3A_53, %iota3A : vector<1000x16xi32>
    %convert_element_type3A_55 = arith.extui %eq3A_54 : vector<1000x16xi1> to vector<1000x16xi32>
    %convert_element_type3A_56 = arith.sitofp %convert_element_type3A_55 : vector<1000x16xi32> to vector<1000x16xf32>
    %mul3A_57 = vector.broadcast %dot_general3A_49 : vector<1000x1xf32> to vector<1000x16xf32>
    %mul3A_58 = arith.mulf %convert_element_type3A_56, %mul3A_57 : vector<1000x16xf32>
    %reduce_sum3A = arith.constant dense<0.000000e+00> : vector<16xf32>
    %reduce_sum3A_59 = vector.multi_reduction <add>, %mul3A_58, %reduce_sum3A [0] : vector<1000x16xf32> to vector<16xf32>
    %iota3A_60 = tpu.iota {dimensions = array<i32: 0>} : vector<8x16xi32>
    %eq3A_61 = arith.constant 0 : i32
    %eq3A_62 = vector.broadcast %eq3A_61 : i32 to vector<8x16xi32>
    %eq3A_63 = arith.cmpi eq, %iota3A_60, %eq3A_62 : vector<8x16xi32>
    %broadcast_in_dim3A_64 = vector.shape_cast %reduce_sum3A_59 : vector<16xf32> to vector<1x16xf32>
    %jit3A = arith.constant 0.000000e+00 : f32
    %broadcast_in_dim3A_65 = vector.shape_cast %broadcast_in_dim3A_64 : vector<1x16xf32> to vector<1x16xf32>
    %broadcast_in_dim3A_66 = vector.broadcast %broadcast_in_dim3A_65 : vector<1x16xf32> to vector<8x16xf32>
    %broadcast_in_dim3A_67 = vector.broadcast %jit3A : f32 to vector<8x16xf32>
    %select_n3A = arith.select %eq3A_63, %broadcast_in_dim3A_66, %broadcast_in_dim3A_67 : vector<8x16xi1>, vector<8x16xf32>
    %eq3A_68 = arith.constant 0 : i32
    %eq3A_69 = arith.cmpi eq, %arg0, %eq3A_68 : i32
    %convert_element_type3A_70 = arith.extui %eq3A_69 : i1 to i32
    %cond3A = arith.constant 0 : i32
    %cond3A_71 = arith.cmpi ne, %convert_element_type3A_70, %cond3A : i32
    scf.if %cond3A_71 {
      %swap3A = arith.constant 0 : index
      %swap3A_76 = arith.constant 0 : index
      %swap3A_77 = vector.load %arg9[%swap3A, %swap3A_76] : memref<8x16xf32, #tpu.memory_space<vmem>>, vector<8x16xf32>
      tpu.vector_store %arg9[%swap3A, %swap3A_76], %select_n3A {strides = array<i32>} : memref<8x16xf32, #tpu.memory_space<vmem>>, vector<8x16xf32>,
    } else {
    }
    %gt3A = arith.constant 0 : i32
    %gt3A_72 = arith.cmpi sgt, %arg0, %gt3A : i32
    %convert_element_type3A_73 = arith.extui %gt3A_72 : i1 to i32
    %cond3A_74 = arith.constant 0 : i32
    %cond3A_75 = arith.cmpi ne, %convert_element_type3A_73, %cond3A_74 : i32
    scf.if %cond3A_75 {
      %get3A_76 = arith.constant 0 : index
      %get3A_77 = arith.constant 0 : index
      %get3A_78 = vector.load %arg9[%get3A_76, %get3A_77] : memref<8x16xf32, #tpu.memory_space<vmem>>, vector<8x16xf32>
      %add3A_79 = arith.addf %get3A_78, %select_n3A : vector<8x16xf32>
      %swap3A = arith.constant 0 : index
      %swap3A_80 = arith.constant 0 : index
      %swap3A_81 = vector.load %arg9[%swap3A, %swap3A_80] : memref<8x16xf32, #tpu.memory_space<vmem>>, vector<8x16xf32>
      tpu.vector_store %arg9[%swap3A, %swap3A_80], %add3A_79 {strides = array<i32>} : memref<8x16xf32, #tpu.memory_space<vmem>>, vector<8x16xf32>,
    } else {
    }
    return
  }
  func.func @transform_0(%arg0: i32) -> (i32, i32, i32) {
    %c0_i32 = arith.constant 0 : i32
    %c0_i32_0 = arith.constant 0 : i32
    %c0_i32_1 = arith.constant 0 : i32
    return %c0_i32, %arg0, %c0_i32_0 : i32, i32, i32
  }
  func.func @transform_1(%arg0: i32) -> (i32, i32) {
    %c0_i32 = arith.constant 0 : i32
    %c0_i32_0 = arith.constant 0 : i32
    return %arg0, %c0_i32 : i32, i32
  }
  func.func @transform_2(%arg0: i32) -> (i32, i32) {
    %c0_i32 = arith.constant 0 : i32
    %c0_i32_0 = arith.constant 0 : i32
    return %arg0, %c0_i32 : i32, i32
  }
  func.func @transform_3(%arg0: i32) -> (i32, i32) {
    %c0_i32 = arith.constant 0 : i32
    %c0_i32_0 = arith.constant 0 : i32
    %c0_i32_1 = arith.constant 0 : i32
    return %c0_i32, %c0_i32_0 : i32, i32
  }
  func.func @transform_4(%arg0: i32) -> (i32, i32) {
    %c0_i32 = arith.constant 0 : i32
    %c0_i32_0 = arith.constant 0 : i32
    %c0_i32_1 = arith.constant 0 : i32
    return %c0_i32, %c0_i32_0 : i32, i32
  }
  func.func @transform_5(%arg0: i32) -> (i32, i32) {
    %c0_i32 = arith.constant 0 : i32
    %c0_i32_0 = arith.constant 0 : i32
    %c0_i32_1 = arith.constant 0 : i32
    return %c0_i32, %c0_i32_0 : i32, i32
  }
  func.func @transform_6(%arg0: i32) -> (i32, i32) {
    %c0_i32 = arith.constant 0 : i32
    %c0_i32_0 = arith.constant 0 : i32
    %c0_i32_1 = arith.constant 0 : i32
    return %c0_i32, %c0_i32_0 : i32, i32
  }
  func.func @transform_7(%arg0: i32) -> (i32, i32) {
    %c0_i32 = arith.constant 0 : i32
    %c0_i32_0 = arith.constant 0 : i32
    %c0_i32_1 = arith.constant 0 : i32
    return %c0_i32, %c0_i32_0 : i32, i32
  }
  func.func @transform_8(%arg0: i32) -> (i32, i32) {
    %c0_i32 = arith.constant 0 : i32
    %c0_i32_0 = arith.constant 0 : i32
    %c0_i32_1 = arith.constant 0 : i32
    return %c0_i32, %c0_i32_0 : i32, i32
  }
}

</mosaic_0001>

<sc_bundles>
// kernel: kernel.4.cloned.1.call-start
scs
__scs_entry_jumppad:
0x0: {  	(pc) =	sbr.rel $0x88, $3  }
0x1: {  	(tag) =	ssettag $0x0;
	lr =	simm.s32 $0x1  }
0x2: {  	[smem:$0x3F98] =	sst lr;
	_ =	strace $0xD0000000  }
0x3: {  	_ = 	snop  }
0x4: {  	_ = 	snop  }
0x5: {  	_ = 	snop  }
0x6: {  	_ = 	snop  }
0x7: {  	_ = 	snop  }
__scs_overlays_trampoline_lowered:
0x8: {  	[smem:$0x3FA7] =	sst s0  }
0x9: {  	[smem:$0x3FA8] =	sst s1  }
0xa: {  	[smem:$0x3FA9] =	sst s2  }
0xb: {  	[smem:$0x3FAA] =	sst s3  }
0xc: {  	[smem:$0x3FAB] =	sst s4  }
0xd: {  	[smem:$0x3FAC] =	sst s5  }
0xe: {  	[smem:$0x3FAD] =	sst s6  }
0xf: {  	[smem:$0x3FAE] =	sst s7  }
0x10: {  	[smem:$0x3FAF] =	sst s8  }
0x11: {  	[smem:$0x3FB0] =	sst s9;
	s0 =	simm.s32 @!p0 $0x0  }
0x12: {  	s1 =	sld [smem:$0x3F96];
	s0 =	simm.s32 @p0 $0x1  }
0x13: {  	[smem:$0x3FB1] =	sst s0;
	s0 =	simm.s32 @!p1 $0x0  }
0x14: {  	s2 =	sld [smem:$0x3F95];
	s0 =	simm.s32 @p1 $0x1  }
0x15: {  	[smem:$0x3FB2] =	sst s0;
	s0 =	simm.s32 @!p2 $0x0  }
0x16: {  	s3 =	sld [smem:$0x3FDB];
	s0 =	simm.s32 @p2 $0x1  }
0x17: {  	s4 =	simm.s32 $0x1BF5;
	[smem:$0x3FB4] =	sst s0  }
0x18: {  	s0 =	sld [smem:$0x3F97];
	_ =	swait.ge [sflag:s4], $0x0  }
0x19: {  	s7 =	sld [smem:$0x3F98]  }
0x1a: {  	s8 =	sadd.s32 $0xFFFFE003, lr  }
0x1b: {  	s9 =	sadd.s32 $0xFFFFFEF7, lr;
	s5 =	simm.s32 $0xFFFFFFFF;
	p2 =	slt.u32 s8, $0xFFFFF086  }
0x1c: {  	p1 =	slt.u32 s9, $0xF7A;
	s5 =	simm.s32 @!p2 $0x0  }
0x1d: {  	s5 =	simm.s32 @p1 $0x1;
	p0 =	seq.s32 s7, s2  }
0x1e: {  	s7 =	smul.u32 @!p0 $0xF7A, s2;
	p2 =	seq.s32 @!p0 s5, $0x0  }
0x1f: {  	s9 =	smul.u32 $0xF7A, s1;
	s8 =	simm.s32 @!p0 $0x1BF5;
	p2 =	por !p2, p0  }
0x20: {  	[sflag:s8] =	ssyncset.s32 @!p0 $0xFFFFF086;
	s6 =	sadd.s32 @!p0 s3, s7;
	s7 =	simm.s32 @!p0 $0x108  }
0x21: {  	s3 =	sadd.s32 s3, s9;
	s6 =	sadd.s32 @!p0 $0x88, s6;
	s7 =	simm.s32 @p2 $0x1082  }
0x22: {  	[simem:s7], [sflag:s8] =	dma.local @!p0 [hbm:s6], $0xF7A  }
0x23: {  	s9 =	sor.u32 $0xD0000000, s2;
	s6 =	simm.s32 $0x108;
	_ =	swait.ge @!p0 [sflag:s8], $0x0  }
0x24: {  	s3 =	sadd.s32 $0x88, s3;
	s6 =	simm.s32 @!p1 $0x1082;
	[sflag:s4] =	ssyncset.s32 $0xFFFFF086  }
0x25: {  	[simem:s6], [sflag:s4] =	dma.local [hbm:s3], $0xF7A  }
0x26: {  	[smem:$0x3F98] =	sst s1;
	(tag) =	ssettag s2;
	_ =	strace s9  }
0x27: {  	s1 =	sld [smem:$0x3FA8]  }
0x28: {  	s2 =	sld [smem:$0x3FA9]  }
0x29: {  	s4 =	sld [smem:$0x3FAB]  }
0x2a: {  	p0 =	seq.s32 s5, $0x0;
	s5 =	sld [smem:$0x3FAC]  }
0x2b: {  	s6 =	sld [smem:$0x3FAD]  }
0x2c: {  	s7 =	sld [smem:$0x3FAE]  }
0x2d: {  	s3 =	simm.s32 $0x108;
	s8 =	sld [smem:$0x3FAF]  }
0x2e: {  	s3 =	simm.s32 @!p0 $0x1082;
	s9 =	sld [smem:$0x3FB0]  }
0x2f: {  	lr =	sadd.s32 s0, s3;
	s0 =	sld [smem:$0x3FA7]  }
0x30: {  	s3 =	sld [smem:$0x3FAA]  }
0x31: {  	[smem:$0x3FB3] =	sst s10  }
0x32: {  	s10 =	sld [smem:$0x3FB1];
	_ =	sdelay $0x3  }
0x33: {  	p0 =	seq.s32 s10, $0x1;
	s10 =	sld [smem:$0x3FB3];
	_ =	sdelay $0x3  }
0x34: {  	[smem:$0x3FB3] =	sst s10  }
0x35: {  	s10 =	sld [smem:$0x3FB2];
	_ =	sdelay $0x3  }
0x36: {  	p1 =	seq.s32 s10, $0x1;
	s10 =	sld [smem:$0x3FB3];
	_ =	sdelay $0x3  }
0x37: {  	[smem:$0x3FB3] =	sst s10  }
0x38: {  	s10 =	sld [smem:$0x3FB4]  }
0x39: {  	_ = 	snop;
	(pc) =	sbr.ind lr, $3  }
0x3a: {  	_ = 	snop  }
0x3b: {  	_ = 	snop  }
0x3c: {  	p2 =	seq.s32 s10, $0x1;
	s10 =	sld [smem:$0x3FB3]  }
0x3d: {  	_ =	shalt  }
0x3e: {  	_ =	shalt  }
0x3f: {  	_ =	shalt  }
0x40: {  	_ =	shalt  }
0x41: {  	_ =	shalt  }
0x42: {  	_ =	shalt  }
0x43: {  	_ =	shalt  }
0x44: {  	_ =	shalt  }
0x45: {  	_ =	shalt  }
0x46: {  	_ =	shalt  }
0x47: {  	_ =	shalt  }
0x48: {  	_ =	shalt  }
0x49: {  	_ =	shalt  }
0x4a: {  	_ =	shalt  }
0x4b: {  	_ =	shalt  }
0x4c: {  	_ =	shalt  }
0x4d: {  	_ =	shalt  }
0x4e: {  	_ =	shalt  }
0x4f: {  	_ =	shalt  }
0x50: {  	_ =	shalt  }
0x51: {  	_ =	shalt  }
0x52: {  	_ =	shalt  }
0x53: {  	_ =	shalt  }
0x54: {  	_ =	shalt  }
0x55: {  	_ =	shalt  }
0x56: {  	_ =	shalt  }
0x57: {  	_ =	shalt  }
0x58: {  	_ =	shalt  }
0x59: {  	_ =	shalt  }
0x5a: {  	_ =	shalt  }
0x5b: {  	_ =	shalt  }
0x5c: {  	_ =	shalt  }
0x5d: {  	_ =	shalt  }
0x5e: {  	_ =	shalt  }
0x5f: {  	_ =	shalt  }
0x60: {  	_ =	shalt  }
0x61: {  	_ =	shalt  }
0x62: {  	_ =	shalt  }
0x63: {  	_ =	shalt  }
0x64: {  	_ =	shalt  }
0x65: {  	_ =	shalt  }
0x66: {  	_ =	shalt  }
0x67: {  	_ =	shalt  }
0x68: {  	_ =	shalt  }
0x69: {  	_ =	shalt  }
0x6a: {  	_ =	shalt  }
0x6b: {  	_ =	shalt  }
0x6c: {  	_ =	shalt  }
0x6d: {  	_ =	shalt  }
0x6e: {  	_ =	shalt  }
0x6f: {  	_ =	shalt  }
0x70: {  	_ =	shalt  }
0x71: {  	_ =	shalt  }
0x72: {  	_ =	shalt  }
0x73: {  	_ =	shalt  }
0x74: {  	_ =	shalt  }
0x75: {  	_ =	shalt  }
0x76: {  	_ =	shalt  }
0x77: {  	_ =	shalt  }
0x78: {  	_ =	shalt  }
0x79: {  	_ =	shalt  }
0x7a: {  	_ =	shalt  }
0x7b: {  	_ =	shalt  }
0x7c: {  	_ =	shalt  }
0x7d: {  	_ =	shalt  }
0x7e: {  	_ =	shalt  }
0x7f: {  	_ =	shalt  }
0x80: {  	_ =	shalt  }
0x81: {  	_ =	shalt  }
0x82: {  	_ =	shalt  }
0x83: {  	_ =	shalt  }
0x84: {  	_ =	shalt  }
0x85: {  	_ =	shalt  }
0x86: {  	_ =	shalt  }
0x87: {  	_ =	shalt  }
.Lfunc_end0:
.L_simem_size_0:
called_computation_lowered:
.L_overlay_start_0:
0x88: {  	s2 =	sld [smem:$0x3FD9]  }
0x89: {  	s3 =	sld [smem:$0x3FFE];
	_ =	sdelay $0x1  }
0x8a: {  	s1 =	srdreg.scid  }
0x8b: {  	s0 =	sand.u32 $0x1, s1  }
0x8c: {  	s17 =	sshll.u32 s0, $0xA;
	s2 =	sadd.s32 s3, s2  }
0x8d: {  	s2 =	sadd.s32 s2, s17  }
0x8e: {  	[smem:$0x3FBF] =	sst s2  }
0x8f: {  	_ = 	snop  }
0x90: {  	s2 =	sld [smem:$0x3FC3];
	(tm) =	ssettm $0x1  }
0x91: {  	s18 =	sld [smem:$0x3FFB];
	_ =	sdelay $0x3  }
0x92: {  	_ =	strace s18  }
0x93: {  	s3 =	sld [smem:$0x3FFC];
	_ =	sdelay $0x3  }
0x94: {  	_ =	strace s3  }
0x95: {  	s3 =	sld [smem:$0x3FFD];
	_ =	sdelay $0x3  }
0x96: {  	_ =	strace s3  }
0x97: {  	_ =	strace $0x8FFFFFFF  }
0x98: {  	s19 =	sld [smem:$0x3FDB];
	_ =	sdelay $0x1  }
0x99: {  	s4 =	simm.s32 $_scs_section_size  }
0x9a: {  	s5 =	simm.s32 $_size__tile_overlayer_lowered;
	s6 =	simm.s32 $_tile_overlayer_lowered  }
0x9b: {  	s22 =	simm.s32 $0x1BFF;
	s21 =	sshll.u32 s6, $0x1;
	s3 =	sadd.s32 s4, s19  }
0x9c: {  	s7 =	simm.s32 $0x0;
	s20 =	sshll.u32 s5, $0x1;
	s5 =	sadd.s32 s21, s3  }
0x9d: {  	[timem:s7], [sflag:s22] =	dma.local [hbm:s5], s20  }
0x9e: {  	_ =	swait.ge [sflag:s22], s20  }
0x9f: {  	s4 =	ssub.s32 $0x0, s20;
	[sflag:s22] =	ssyncset.done $0x0  }
0xa0: {  	[sflag:s22] =	ssyncadd.s32 s4;
	_ =	sdelay $0x1  }
0xa1: {  	s23 =	simm.s32 $0x1B8B  }
0xa2: {  	_ =	swait.ge [sflag:s23], $0x1  }
0xa3: {  	[sflag:s23] =	ssyncset.done $0x0  }
0xa4: {  	s25 =	simm.s32 $0x1B8E;
	s24 =	sld [smem:$0x3FFE];
	[sflag:s23] =	ssyncadd.s32 $0xFFFFFFFF  }
0xa5: {  	s26 =	simm.s32 $execute0_lowered;
	[smem:$0x3FD2] =	sst s25  }
0xa6: {  	s5 =	sshll.u32 s26, $0x1;
	_ =	strace $0x80000046;
	[dreg:$0x1] =	wrdreg $0xFFFFFFFF  }
0xa7: {  	s28 =	simm.s32 $_size_execute0_lowered;
	s3 =	sadd.s32 s3, s5;
	[dreg:$0x0] =	wrdreg $0x0  }
0xa8: {  	s5 =	sshll.u32 s28, $0x1;
	[dreg:$0x2] =	wrdreg s3  }
0xa9: {  	[dreg:$0x3] =	wrdreg s5  }
0xaa: {  	[dreg:$0x4] =	wrdreg $0xC0  }
0xab: {  	_ =	task [dreg:s7], $0x5FFFF  }
0xac: {  	[dreg:$0x1] =	wrdreg $0xFFFFFFFF  }
0xad: {  	[dreg:$0x0] =	wrdreg $0x60  }
0xae: {  	[dreg:$0x2] =	wrdreg s24  }
0xaf: {  	[dreg:$0x3] =	wrdreg s2  }
0xb0: {  	[dreg:$0x4] =	wrdreg $0xFA000  }
0xb1: {  	[dreg:$0x5] =	wrdreg $0x9  }
0xb2: {  	_ =	task.clear_ibuf [dreg:s7], $0x6FFFF;
	_ =	strace $0x90000046  }
0xb3: {  	s29 =	simm.s32 $0x9;
	_ =	strace $0x80000048  }
0xb4: {  	_ =	swait.ge [sflag:s29], $0x1  }
0xb5: {  	[sflag:s29] =	ssyncadd.s32 $0xFFFFFFFF  }
0xb6: {  	_ =	strace $0x90000048  }
0xb7: {  	_ =	sfence  }
0xb8: {  	s30 =	sld [smem:$0x0];
	_ =	sdelay $0x2  }
0xb9: {  	s31 =	sshll.u32 s1, $0xD;
	s1 =	sshrl.u32 s1, $0x2  }
0xba: {  	s3 =	sand.u32 $0x4000, s31;
	s1 =	sadd.s32 s1, s30  }
0xbb: {  	s0 =	sor.u32 s3, s0;
	s1 =	sshll.u32 s1, $0x11  }
0xbc: {  	s0 =	sor.u32 s1, s0  }
0xbd: {  	s0 =	sadd.s32 $0x8F2B, s0  }
0xbe: {  	[sflag:s0] =	ssyncadd.remote.s32 $0x1  }
0xbf: {  	_ =	sfence.sel $0xFFFF  }
0xc0: {  	[dreg:$0x0] =	wrdreg $0xFFFFFFFF;
	(pc) =	sbr.abs _section_cstart, $3  }
0xc1: {  	[dreg:$0x1] =	wrdreg $0xFFFFFFFF  }
0xc2: {  	_ =	task.clear_ibuf [dreg:s7], $0x2FFFF;
	_ =	strace $0x9FFFFFFF  }
0xc3: {  	(tm) =	ssettm $0x7FFFFFFF  }
tec
execute0_lowered:
.L_overlay_start_1:
0x0: {  	(tag) =	ssettag $0x1  }
0x1: {  	s0 =	srdreg.scid;
	s8 =	stileid.u32  }
0x2: {  	s0 =	sand.u32 $0x1, s0;
	s2 =	smul.u32 $0x188, s8  }
0x3: {  	s1 =	smul.u32 $0x1880, s0;
	_ =	sdelay $0x1  }
0x4: {  	s1 =	sadd.s32 s2, s1  }
0x5: {  	s7 =	rddreg [dreg:$0x0];
	s1 =	sshll.u32 s1, $0x4  }
0x6: {  	s3 =	rddreg [dreg:$0x2];
	s5 =	simm.s32 $0x0;
	s1 =	sadd.s32 s1, s7  }
0x7: {  	[smem:$0x7FF] =	sst s5;
	s12 =	sadd.s32 $0x14E80, s1  }
0x8: {  	_ =	strace $0x80000047;
	s13 =	sadd.s32 $0x14F00, s1;
	[dreg:$0x5] =	wrdreg s12  }
0x9: {  	s14 =	sadd.s32 $0x14F80, s1;
	[dreg:$0x6] =	wrdreg s13  }
0xa: {  	s15 =	sadd.s32 $0x15000, s1;
	[dreg:$0x7] =	wrdreg s14  }
0xb: {  	s16 =	sadd.s32 $0x15080, s1;
	[dreg:$0x8] =	wrdreg s15  }
0xc: {  	s17 =	sadd.s32 $0x15100, s1;
	[dreg:$0x9] =	wrdreg s16  }
0xd: {  	s18 =	sadd.s32 $0x15180, s1;
	[dreg:$0xa] =	wrdreg s17  }
0xe: {  	s19 =	sadd.s32 $0x15200, s1;
	[dreg:$0xb] =	wrdreg s18  }
0xf: {  	s20 =	sadd.s32 $0x15280, s1;
	[dreg:$0xc] =	wrdreg s19  }
0x10: {  	s21 =	sadd.s32 $0x15300, s1;
	[dreg:$0xd] =	wrdreg s20  }
0x11: {  	s22 =	sadd.s32 $0x15380, s1;
	[dreg:$0xe] =	wrdreg s21  }
0x12: {  	s23 =	sadd.s32 $0x15400, s1;
	[dreg:$0xf] =	wrdreg s22  }
0x13: {  	s24 =	sadd.s32 $0x15480, s1;
	[dreg:$0x10] =	wrdreg s23  }
0x14: {  	s25 =	sadd.s32 $0x15500, s1;
	[dreg:$0x11] =	wrdreg s24  }
0x15: {  	s26 =	sadd.s32 $0x15580, s1;
	[dreg:$0x12] =	wrdreg s25  }
0x16: {  	s28 =	sadd.s32 $0x15600, s1;
	[dreg:$0x13] =	wrdreg s26  }
0x17: {  	s9 =	sadd.s32 $0x15700, s1;
	[dreg:$0x14] =	wrdreg s28  }
0x18: {  	[dreg:$0x16] =	wrdreg s9;
	s12 =	sadd.s32 $0x15880, s1  }
0x19: {  	s13 =	sadd.s32 $0x15900, s1;
	[dreg:$0x19] =	wrdreg s12  }
0x1a: {  	s14 =	sadd.s32 $0x15980, s1;
	[dreg:$0x1a] =	wrdreg s13  }
0x1b: {  	s4 =	sshll.u32 s8, $0x1;
	s15 =	sadd.s32 $0x15A00, s1;
	[dreg:$0x1b] =	wrdreg s14  }
0x1c: {  	s30 =	smul.u32 $0xC40, s8;
	s16 =	sadd.s32 $0x15A80, s1;
	[dreg:$0x1c] =	wrdreg s15  }
0x1d: {  	s10 =	ssub.s32 $0x2, s0;
	s17 =	sadd.s32 $0x15B00, s1;
	[dreg:$0x1d] =	wrdreg s16  }
0x1e: {  	s6 =	sshrl.u32 s10, $0x1;
	s18 =	sadd.s32 $0x15B80, s1;
	[dreg:$0x1e] =	wrdreg s17  }
0x1f: {  	s8 =	sadd.s32 $0xC0, s30;
	[dreg:$0x1f] =	wrdreg s18;
	s12 =	sadd.s32 $0x16280, s1  }
0x20: {  	v0 =	vlaneseq.u32;
	s13 =	sadd.s32 $0x16300, s1;
	[smem:$0x7F6] =	sst s12;
	s12 =	sor.u32 $0x10, s30  }
0x21: {  	s22 =	sadd.s32 $0x15D80, s1;
	[smem:$0x7F7] =	sst s13;
	s13 =	sor.u32 $0x20, s30;
	v1 =	vor.u32 s12, v0  }
0x22: {  	s20 =	sadd.s32 $0x15C80, s1;
	[smem:$0x7EC] =	sst s22;
	s22 =	sor.u32 $0x30, s30;
	[tilespmem:$0x1F6D0] =	vst v1;
	v1 =	vor.u32 s13, v0  }
0x23: {  	[smem:$0x7EA] =	sst s20;
	s14 =	sadd.s32 $0x16380, s1;
	s20 =	sadd.s32 $0x40, s30;
	[tilespmem:$0x1F6E0] =	vst v1;
	v1 =	vor.u32 s22, v0  }
0x24: {  	s23 =	sadd.s32 $0x15E00, s1;
	[smem:$0x7F8] =	sst s14;
	s14 =	sadd.s32 $0x50, s30;
	[tilespmem:$0x1F6F0] =	vst v1;
	v1 =	vor.u32 s20, v0  }
0x25: {  	s24 =	sadd.s32 $0x15E80, s1;
	[smem:$0x7ED] =	sst s23;
	s23 =	sadd.s32 $0x60, s30;
	[tilespmem:$0x1F700] =	vst v1;
	v1 =	vor.u32 s14, v0  }
0x26: {  	s21 =	sadd.s32 $0x15D00, s1;
	[smem:$0x7EE] =	sst s24;
	s24 =	sadd.s32 $0x70, s30;
	[tilespmem:$0x1F710] =	vst v1;
	v1 =	vor.u32 s23, v0  }
0x27: {  	s25 =	sadd.s32 $0x15F00, s1;
	[smem:$0x7EB] =	sst s21;
	s21 =	sadd.s32 $0x80, s30;
	[tilespmem:$0x1F720] =	vst v1;
	v1 =	vor.u32 s24, v0  }
0x28: {  	s26 =	sadd.s32 $0x15F80, s1;
	[smem:$0x7EF] =	sst s25;
	s25 =	sadd.s32 $0x90, s30;
	[tilespmem:$0x1F730] =	vst v1;
	v1 =	vor.u32 s21, v0  }
0x29: {  	s28 =	sadd.s32 $0x16000, s1;
	[smem:$0x7F0] =	sst s26;
	s26 =	sadd.s32 $0xA0, s30;
	[tilespmem:$0x1F740] =	vst v1;
	v1 =	vor.u32 s25, v0  }
0x2a: {  	s19 =	sadd.s32 $0x15C00, s1;
	[smem:$0x7F1] =	sst s28;
	s28 =	sadd.s32 $0xB0, s30;
	[tilespmem:$0x1F750] =	vst v1;
	v1 =	vor.u32 s26, v0  }
0x2b: {  	s2 =	ssub.s32 s10, s6;
	[smem:$0x7E9] =	sst s19;
	s15 =	sadd.s32 $0x16400, s1;
	[tilespmem:$0x1F760] =	vst v1;
	v1 =	vor.u32 s28, v0  }
0x2c: {  	s16 =	sadd.s32 $0x16480, s1;
	[smem:$0x7F9] =	sst s15;
	s15 =	sadd.s32 $0xD0, s30;
	[tilespmem:$0x1F770] =	vst v1;
	v1 =	vor.u32 s8, v0  }
0x2d: {  	s17 =	sadd.s32 $0x16500, s1;
	[smem:$0x7FA] =	sst s16;
	s16 =	sadd.s32 $0xE0, s30;
	[tilespmem:$0x1F780] =	vst v1;
	v1 =	vor.u32 s15, v0  }
0x2e: {  	s9 =	sadd.s32 $0x16100, s1;
	[smem:$0x7FB] =	sst s17;
	s17 =	sadd.s32 $0xF0, s30;
	[tilespmem:$0x1F790] =	vst v1;
	v1 =	vor.u32 s16, v0  }
0x2f: {  	[smem:$0x7F3] =	sst s9;
	s18 =	sadd.s32 $0x16580, s1;
	s9 =	sadd.s32 $0x100, s30;
	[tilespmem:$0x1F7A0] =	vst v1;
	v1 =	vor.u32 s17, v0  }
0x30: {  	s19 =	sadd.s32 $0x16600, s1;
	[smem:$0x7FC] =	sst s18;
	s18 =	sadd.s32 $0x110, s30;
	[tilespmem:$0x1F7B0] =	vst v1;
	v1 =	vor.u32 s9, v0  }
0x31: {  	s10 =	sadd.s32 $0x15780, s1;
	[smem:$0x7FD] =	sst s19;
	s19 =	sadd.s32 $0x120, s30;
	[tilespmem:$0x1F7C0] =	vst v1;
	v1 =	vor.u32 s18, v0  }
0x32: {  	[dreg:$0x17] =	wrdreg s10;
	s10 =	sadd.s32 $0x16180, s1;
	s20 =	sadd.s32 $0x130, s30;
	[tilespmem:$0x1F7D0] =	vst v1;
	v1 =	vor.u32 s19, v0  }
0x33: {  	[smem:$0x7F4] =	sst s10;
	s10 =	sadd.s32 $0x140, s30;
	[tilespmem:$0x1F7E0] =	vst v1;
	v1 =	vor.u32 s20, v0  }
0x34: {  	s11 =	sadd.s32 $0x14E00, s1;
	s21 =	sadd.s32 $0x150, s30;
	[tilespmem:$0x1F7F0] =	vst v1;
	v1 =	vor.u32 s10, v0  }
0x35: {  	[dreg:$0x4] =	wrdreg s11;
	s11 =	sadd.s32 $0x15800, s1;
	s22 =	sadd.s32 $0x160, s30;
	[tilespmem:$0x1F800] =	vst v1;
	v1 =	vor.u32 s21, v0  }
0x36: {  	[dreg:$0x18] =	wrdreg s11;
	s11 =	sadd.s32 $0x16200, s1;
	s23 =	sadd.s32 $0x170, s30;
	[tilespmem:$0x1F810] =	vst v1;
	v1 =	vor.u32 s22, v0  }
0x37: {  	[smem:$0x7F5] =	sst s11;
	s11 =	sadd.s32 $0x180, s30;
	[tilespmem:$0x1F820] =	vst v1;
	v1 =	vor.u32 s23, v0  }
0x38: {  	s24 =	sadd.s32 $0x190, s30;
	[tilespmem:$0x1F830] =	vst v1;
	v1 =	vor.u32 s11, v0  }
0x39: {  	s25 =	sadd.s32 $0x1A0, s30;
	[tilespmem:$0x1F840] =	vst v1;
	v1 =	vor.u32 s24, v0  }
0x3a: {  	s26 =	sadd.s32 $0x1B0, s30;
	[tilespmem:$0x1F850] =	vst v1;
	v1 =	vor.u32 s25, v0  }
0x3b: {  	s12 =	sadd.s32 $0x1C0, s30;
	[tilespmem:$0x1F860] =	vst v1;
	v1 =	vor.u32 s26, v0  }
0x3c: {  	s28 =	sadd.s32 $0x1D0, s30;
	[tilespmem:$0x1F870] =	vst v1;
	v1 =	vor.u32 s12, v0  }
0x3d: {  	s14 =	sadd.s32 $0x1E0, s30;
	[tilespmem:$0x1F880] =	vst v1;
	v1 =	vor.u32 s28, v0  }
0x3e: {  	s0 =	sor.u32 s0, s4;
	s4 =	sadd.s32 $0x15680, s1;
	s15 =	sadd.s32 $0x1F0, s30;
	[tilespmem:$0x1F890] =	vst v1;
	v1 =	vor.u32 s14, v0  }
0x3f: {  	[dreg:$0x15] =	wrdreg s4;
	s4 =	sadd.s32 $0x16080, s1;
	s1 =	sadd.s32 $0x200, s30;
	[tilespmem:$0x1F8A0] =	vst v1;
	v1 =	vor.u32 s15, v0  }
0x40: {  	s31 =	sadd.s32 $0xC00, s7;
	s16 =	sadd.s32 $0x210, s30;
	[tilespmem:$0x1F8B0] =	vst v1;
	v1 =	vor.u32 s1, v0  }
0x41: {  	s6 =	smul.u32 $0x2710, s0;
	s0 =	sadd.s32 $0x600, s7;
	s17 =	sadd.s32 $0x220, s30;
	[tilespmem:$0x1F8C0] =	vst v1;
	v1 =	vor.u32 s16, v0  }
0x42: {  	s29 =	smax.u32 s2, $0x1;
	s2 =	sadd.s32 $0x1200, s7;
	s18 =	sadd.s32 $0x230, s30;
	[tilespmem:$0x1F8D0] =	vst v1;
	v1 =	vor.u32 s17, v0  }
0x43: {  	[smem:$0x7F2] =	sst s4;
	s4 =	sadd.s32 $0xB000, s7;
	s7 =	sadd.s32 $0x240, s30;
	[tilespmem:$0x1F8E0] =	vst v1;
	v1 =	vor.u32 s18, v0  }
0x44: {  	s19 =	sadd.s32 $0x250, s30;
	[tilespmem:$0x1F8F0] =	vst v1;
	v1 =	vor.u32 s7, v0  }
0x45: {  	s20 =	sadd.s32 $0x260, s30;
	[tilespmem:$0x1F900] =	vst v1;
	v1 =	vor.u32 s19, v0  }
0x46: {  	s21 =	sadd.s32 $0x270, s30;
	[tilespmem:$0x1F910] =	vst v1;
	v1 =	vor.u32 s20, v0  }
0x47: {  	s8 =	sadd.s32 $0x280, s30;
	[tilespmem:$0x1F920] =	vst v1;
	v1 =	vor.u32 s21, v0  }
0x48: {  	s22 =	sadd.s32 $0x290, s30;
	[tilespmem:$0x1F930] =	vst v1;
	v1 =	vor.u32 s8, v0  }
0x49: {  	s23 =	sadd.s32 $0x2A0, s30;
	[tilespmem:$0x1F940] =	vst v1;
	v1 =	vor.u32 s22, v0  }
0x4a: {  	s24 =	sadd.s32 $0x2B0, s30;
	[tilespmem:$0x1F950] =	vst v1;
	v1 =	vor.u32 s23, v0  }
0x4b: {  	s9 =	sadd.s32 $0x2C0, s30;
	[tilespmem:$0x1F960] =	vst v1;
	v1 =	vor.u32 s24, v0  }
0x4c: {  	s25 =	sadd.s32 $0x2D0, s30;
	[tilespmem:$0x1F970] =	vst v1;
	v1 =	vor.u32 s9, v0  }
0x4d: {  	s26 =	sadd.s32 $0x2E0, s30;
	[tilespmem:$0x1F980] =	vst v1;
	v1 =	vor.u32 s25, v0  }
0x4e: {  	s28 =	sadd.s32 $0x2F0, s30;
	[tilespmem:$0x1F990] =	vst v1;
	v1 =	vor.u32 s26, v0  }
0x4f: {  	s10 =	sadd.s32 $0x300, s30;
	[tilespmem:$0x1F9A0] =	vst v1;
	v1 =	vor.u32 s28, v0  }
0x50: {  	s15 =	sadd.s32 $0x310, s30;
	[tilespmem:$0x1F9B0] =	vst v1;
	v1 =	vor.u32 s10, v0  }
0x51: {  	s16 =	sadd.s32 $0x320, s30;
	[tilespmem:$0x1F9C0] =	vst v1;
	v1 =	vor.u32 s15, v0  }
0x52: {  	s17 =	sadd.s32 $0x330, s30;
	[tilespmem:$0x1F9D0] =	vst v1;
	v1 =	vor.u32 s16, v0  }
0x53: {  	s11 =	sadd.s32 $0x340, s30;
	[tilespmem:$0x1F9E0] =	vst v1;
	v1 =	vor.u32 s17, v0  }
0x54: {  	s18 =	sadd.s32 $0x350, s30;
	[tilespmem:$0x1F9F0] =	vst v1;
	v1 =	vor.u32 s11, v0  }
0x55: {  	s19 =	sadd.s32 $0x360, s30;
	[tilespmem:$0x1FA00] =	vst v1;
	v1 =	vor.u32 s18, v0  }
0x56: {  	s20 =	sadd.s32 $0x370, s30;
	[tilespmem:$0x1FA10] =	vst v1;
	v1 =	vor.u32 s19, v0  }
0x57: {  	s12 =	sadd.s32 $0x380, s30;
	[tilespmem:$0x1FA20] =	vst v1;
	v1 =	vor.u32 s20, v0  }
0x58: {  	s21 =	sadd.s32 $0x390, s30;
	[tilespmem:$0x1FA30] =	vst v1;
	v1 =	vor.u32 s12, v0  }
0x59: {  	s22 =	sadd.s32 $0x3A0, s30;
	[tilespmem:$0x1FA40] =	vst v1;
	v1 =	vor.u32 s21, v0  }
0x5a: {  	s23 =	sadd.s32 $0x3B0, s30;
	[tilespmem:$0x1FA50] =	vst v1;
	v1 =	vor.u32 s22, v0  }
0x5b: {  	s1 =	sadd.s32 $0x3C0, s30;
	[tilespmem:$0x1FA60] =	vst v1;
	v1 =	vor.u32 s23, v0  }
0x5c: {  	s24 =	sadd.s32 $0x3D0, s30;
	[tilespmem:$0x1FA70] =	vst v1;
	v1 =	vor.u32 s1, v0  }
0x5d: {  	s25 =	sadd.s32 $0x3E0, s30;
	[tilespmem:$0x1FA80] =	vst v1;
	v1 =	vor.u32 s24, v0  }
0x5e: {  	s26 =	sadd.s32 $0x3F0, s30;
	[tilespmem:$0x1FA90] =	vst v1;
	v1 =	vor.u32 s25, v0  }
0x5f: {  	s7 =	sadd.s32 $0x400, s30;
	[tilespmem:$0x1FAA0] =	vst v1;
	v1 =	vor.u32 s26, v0  }
0x60: {  	s28 =	sadd.s32 $0x410, s30;
	[tilespmem:$0x1FAB0] =	vst v1;
	v1 =	vor.u32 s7, v0  }
0x61: {  	s14 =	sadd.s32 $0x420, s30;
	[tilespmem:$0x1FAC0] =	vst v1;
	v1 =	vor.u32 s28, v0  }
0x62: {  	s15 =	sadd.s32 $0x430, s30;
	[tilespmem:$0x1FAD0] =	vst v1;
	v1 =	vor.u32 s14, v0  }
0x63: {  	s8 =	sadd.s32 $0x440, s30;
	[tilespmem:$0x1FAE0] =	vst v1;
	v1 =	vor.u32 s15, v0  }
0x64: {  	s16 =	sadd.s32 $0x450, s30;
	[tilespmem:$0x1FAF0] =	vst v1;
	v1 =	vor.u32 s8, v0  }
0x65: {  	s17 =	sadd.s32 $0x460, s30;
	[tilespmem:$0x1FB00] =	vst v1;
	v1 =	vor.u32 s16, v0  }
0x66: {  	s18 =	sadd.s32 $0x470, s30;
	[tilespmem:$0x1FB10] =	vst v1;
	v1 =	vor.u32 s17, v0  }
0x67: {  	s9 =	sadd.s32 $0x480, s30;
	[tilespmem:$0x1FB20] =	vst v1;
	v1 =	vor.u32 s18, v0  }
0x68: {  	s19 =	sadd.s32 $0x490, s30;
	[tilespmem:$0x1FB30] =	vst v1;
	v1 =	vor.u32 s9, v0  }
0x69: {  	s20 =	sadd.s32 $0x4A0, s30;
	[tilespmem:$0x1FB40] =	vst v1;
	v1 =	vor.u32 s19, v0  }
0x6a: {  	s21 =	sadd.s32 $0x4B0, s30;
	[tilespmem:$0x1FB50] =	vst v1;
	v1 =	vor.u32 s20, v0  }
0x6b: {  	s10 =	sadd.s32 $0x4C0, s30;
	[tilespmem:$0x1FB60] =	vst v1;
	v1 =	vor.u32 s21, v0  }
0x6c: {  	s22 =	sadd.s32 $0x4D0, s30;
	[tilespmem:$0x1FB70] =	vst v1;
	v1 =	vor.u32 s10, v0  }
0x6d: {  	s23 =	sadd.s32 $0x4E0, s30;
	[tilespmem:$0x1FB80] =	vst v1;
	v1 =	vor.u32 s22, v0  }
0x6e: {  	s24 =	sadd.s32 $0x4F0, s30;
	[tilespmem:$0x1FB90] =	vst v1;
	v1 =	vor.u32 s23, v0  }
0x6f: {  	s11 =	sadd.s32 $0x500, s30;
	[tilespmem:$0x1FBA0] =	vst v1;
	v1 =	vor.u32 s24, v0  }
0x70: {  	s25 =	sadd.s32 $0x510, s30;
	[tilespmem:$0x1FBB0] =	vst v1;
	v1 =	vor.u32 s11, v0  }
0x71: {  	s26 =	sadd.s32 $0x520, s30;
	[tilespmem:$0x1FBC0] =	vst v1;
	v1 =	vor.u32 s25, v0  }
0x72: {  	s28 =	sadd.s32 $0x530, s30;
	[tilespmem:$0x1FBD0] =	vst v1;
	v1 =	vor.u32 s26, v0  }
0x73: {  	s12 =	sadd.s32 $0x540, s30;
	[tilespmem:$0x1FBE0] =	vst v1;
	v1 =	vor.u32 s28, v0  }
0x74: {  	s15 =	sadd.s32 $0x550, s30;
	[tilespmem:$0x1FBF0] =	vst v1;
	v1 =	vor.u32 s12, v0  }
0x75: {  	s16 =	sadd.s32 $0x560, s30;
	[tilespmem:$0x1FC00] =	vst v1;
	v1 =	vor.u32 s15, v0  }
0x76: {  	s17 =	sadd.s32 $0x570, s30;
	[tilespmem:$0x1FC10] =	vst v1;
	v1 =	vor.u32 s16, v0  }
0x77: {  	s1 =	sadd.s32 $0x580, s30;
	[tilespmem:$0x1FC20] =	vst v1;
	v1 =	vor.u32 s17, v0  }
0x78: {  	s18 =	sadd.s32 $0x590, s30;
	[tilespmem:$0x1FC30] =	vst v1;
	v1 =	vor.u32 s1, v0  }
0x79: {  	s19 =	sadd.s32 $0x5A0, s30;
	[tilespmem:$0x1FC40] =	vst v1;
	v1 =	vor.u32 s18, v0  }
0x7a: {  	s20 =	sadd.s32 $0x5B0, s30;
	[tilespmem:$0x1FC50] =	vst v1;
	v1 =	vor.u32 s19, v0  }
0x7b: {  	s7 =	sadd.s32 $0x5C0, s30;
	[tilespmem:$0x1FC60] =	vst v1;
	v1 =	vor.u32 s20, v0  }
0x7c: {  	s21 =	sadd.s32 $0x5D0, s30;
	[tilespmem:$0x1FC70] =	vst v1;
	v1 =	vor.u32 s7, v0  }
0x7d: {  	s22 =	sadd.s32 $0x5E0, s30;
	[tilespmem:$0x1FC80] =	vst v1;
	v1 =	vor.u32 s21, v0  }
0x7e: {  	s23 =	sadd.s32 $0x5F0, s30;
	[tilespmem:$0x1FC90] =	vst v1;
	v1 =	vor.u32 s22, v0  }
0x7f: {  	s8 =	sadd.s32 $0x600, s30;
	[tilespmem:$0x1FCA0] =	vst v1;
	v1 =	vor.u32 s23, v0  }
0x80: {  	s24 =	sadd.s32 $0x610, s30;
	[tilespmem:$0x1FCB0] =	vst v1;
	v1 =	vor.u32 s8, v0  }
0x81: {  	s25 =	sadd.s32 $0x620, s30;
	[tilespmem:$0x1FCC0] =	vst v1;
	v1 =	vor.u32 s24, v0  }
0x82: {  	s26 =	sadd.s32 $0x630, s30;
	[tilespmem:$0x1FCD0] =	vst v1;
	v1 =	vor.u32 s25, v0  }
0x83: {  	s9 =	sadd.s32 $0x640, s30;
	[tilespmem:$0x1FCE0] =	vst v1;
	v1 =	vor.u32 s26, v0  }
0x84: {  	s28 =	sadd.s32 $0x650, s30;
	[tilespmem:$0x1FCF0] =	vst v1;
	v1 =	vor.u32 s9, v0  }
0x85: {  	s14 =	sadd.s32 $0x660, s30;
	[tilespmem:$0x1FD00] =	vst v1;
	v1 =	vor.u32 s28, v0  }
0x86: {  	s15 =	sadd.s32 $0x670, s30;
	[tilespmem:$0x1FD10] =	vst v1;
	v1 =	vor.u32 s14, v0  }
0x87: {  	s10 =	sadd.s32 $0x680, s30;
	[tilespmem:$0x1FD20] =	vst v1;
	v1 =	vor.u32 s15, v0  }
0x88: {  	s16 =	sadd.s32 $0x690, s30;
	[tilespmem:$0x1FD30] =	vst v1;
	v1 =	vor.u32 s10, v0  }
0x89: {  	s17 =	sadd.s32 $0x6A0, s30;
	[tilespmem:$0x1FD40] =	vst v1;
	v1 =	vor.u32 s16, v0  }
0x8a: {  	s18 =	sadd.s32 $0x6B0, s30;
	[tilespmem:$0x1FD50] =	vst v1;
	v1 =	vor.u32 s17, v0  }
0x8b: {  	s11 =	sadd.s32 $0x6C0, s30;
	[tilespmem:$0x1FD60] =	vst v1;
	v1 =	vor.u32 s18, v0  }
0x8c: {  	s19 =	sadd.s32 $0x6D0, s30;
	[tilespmem:$0x1FD70] =	vst v1;
	v1 =	vor.u32 s11, v0  }
0x8d: {  	s20 =	sadd.s32 $0x6E0, s30;
	[tilespmem:$0x1FD80] =	vst v1;
	v1 =	vor.u32 s19, v0  }
0x8e: {  	s21 =	sadd.s32 $0x6F0, s30;
	[tilespmem:$0x1FD90] =	vst v1;
	v1 =	vor.u32 s20, v0  }
0x8f: {  	s12 =	sadd.s32 $0x700, s30;
	[tilespmem:$0x1FDA0] =	vst v1;
	v1 =	vor.u32 s21, v0  }
0x90: {  	s22 =	sadd.s32 $0x710, s30;
	[tilespmem:$0x1FDB0] =	vst v1;
	v1 =	vor.u32 s12, v0  }
0x91: {  	s23 =	sadd.s32 $0x720, s30;
	[tilespmem:$0x1FDC0] =	vst v1;
	v1 =	vor.u32 s22, v0  }
0x92: {  	s24 =	sadd.s32 $0x730, s30;
	[tilespmem:$0x1FDD0] =	vst v1;
	v1 =	vor.u32 s23, v0  }
0x93: {  	s1 =	sadd.s32 $0x740, s30;
	[tilespmem:$0x1FDE0] =	vst v1;
	v1 =	vor.u32 s24, v0  }
0x94: {  	s25 =	sadd.s32 $0x750, s30;
	[tilespmem:$0x1FDF0] =	vst v1;
	v1 =	vor.u32 s1, v0  }
0x95: {  	s26 =	sadd.s32 $0x760, s30;
	[tilespmem:$0x1FE00] =	vst v1;
	v1 =	vor.u32 s25, v0  }
0x96: {  	s28 =	sadd.s32 $0x770, s30;
	[tilespmem:$0x1FE10] =	vst v1;
	v1 =	vor.u32 s26, v0  }
0x97: {  	s7 =	sadd.s32 $0x780, s30;
	[tilespmem:$0x1FE20] =	vst v1;
	v1 =	vor.u32 s28, v0  }
0x98: {  	s15 =	sadd.s32 $0x790, s30;
	[tilespmem:$0x1FE30] =	vst v1;
	v1 =	vor.u32 s7, v0  }
0x99: {  	s16 =	sadd.s32 $0x7A0, s30;
	[tilespmem:$0x1FE40] =	vst v1;
	v1 =	vor.u32 s15, v0  }
0x9a: {  	s17 =	sadd.s32 $0x7B0, s30;
	[tilespmem:$0x1FE50] =	vst v1;
	v1 =	vor.u32 s16, v0  }
0x9b: {  	s13 =	sadd.s32 $0xAF0, s30;
	s8 =	sadd.s32 $0x7C0, s30;
	[tilespmem:$0x1FE60] =	vst v1;
	v1 =	vor.u32 s17, v0  }
0x9c: {  	v49 =	vor.u32 s13, v0;
	s13 =	simm.s32 $0xE600;
	s9 =	sadd.s32 $0x800, s30;
	s18 =	sadd.s32 $0x7D0, s30;
	[tilespmem:$0x1FE70] =	vst v1;
	v1 =	vor.u32 s8, v0  }
0x9d: {  	s14 =	sadd.s32 $0x8A0, s30;
	s10 =	sadd.s32 $0x840, s30;
	s19 =	sadd.s32 $0x7E0, s30;
	[tilespmem:$0x1FE80] =	vst v1;
	v1 =	vor.u32 s18, v0  }
0x9e: {  	s11 =	sadd.s32 $0x880, s30;
	s20 =	sadd.s32 $0x7F0, s30;
	s21 =	sadd.s32 $0x810, s30;
	[tilespmem:$0x1FE90] =	vst v1;
	v1 =	vor.u32 s19, v0  }
0x9f: {  	v8 =	vimm.f32 $0.0e+00;
	s12 =	sadd.s32 $0x8C0, s30;
	s22 =	sadd.s32 $0x820, s30;
	s7 =	sadd.s32 $0x940, s30;
	[tilespmem:$0x1FEA0] =	vst v1;
	v1 =	vor.u32 s20, v0  }
0xa0: {  	vm0 =	vmmov $0xffff;
	s23 =	sadd.s32 $0x830, s30;
	s24 =	sadd.s32 $0x850, s30;
	v22 =	vor.u32 s7, v0;
	s7 =	sadd.s32 $0xB00, s30;
	[tilespmem:$0x1FEB0] =	vst v1;
	v1 =	vor.u32 s9, v0  }
0xa1: {  	v7 =	vor.u32 s30, v0;
	s1 =	sadd.s32 $0x900, s30;
	v50 =	vor.u32 s7, v0;
	s8 =	sadd.s32 $0x980, s30;
	s9 =	sadd.s32 $0x9C0, s30;
	[tilespmem:$0x1FEC0] =	vst v1;
	v1 =	vor.u32 s21, v0  }
0xa2: {  	s25 =	sadd.s32 $0x860, s30;
	v26 =	vor.u32 s8, v0;
	s8 =	sadd.s32 $0xB40, s30;
	v30 =	vor.u32 s9, v0;
	s9 =	sadd.s32 $0xB80, s30;
	[tilespmem:$0x1FED0] =	vst v1;
	v1 =	vor.u32 s22, v0  }
0xa3: {  	s26 =	sadd.s32 $0x870, s30;
	v54 =	vor.u32 s8, v0;
	s22 =	sadd.s32 $0x950, s30;
	v58 =	vor.u32 s9, v0;
	[tilespmem:$0x1FEE0] =	vst v1;
	v1 =	vor.u32 s23, v0;
	s23 =	sadd.s32 $0x960, s30  }
0xa4: {  	s28 =	sadd.s32 $0x890, s30;
	v23 =	vor.u32 s22, v0;
	s22 =	sadd.s32 $0xA70, s30;
	[tilespmem:$0x1FEF0] =	vst v1;
	v1 =	vor.u32 s10, v0;
	s10 =	sadd.s32 $0xA00, s30;
	v24 =	vor.u32 s23, v0  }
0xa5: {  	s15 =	sadd.s32 $0x8B0, s30;
	v41 =	vor.u32 s22, v0;
	s23 =	sadd.s32 $0xA90, s30;
	s22 =	sadd.s32 $0xBA0, s30;
	[tilespmem:$0x1FF00] =	vst v1;
	v1 =	vor.u32 s24, v0;
	v34 =	vor.u32 s10, v0  }
0xa6: {  	s24 =	sadd.s32 $0x970, s30;
	s10 =	sadd.s32 $0xBC0, s30;
	v43 =	vor.u32 s23, v0;
	s23 =	sadd.s32 $0xBB0, s30;
	v60 =	vor.u32 s22, v0;
	[tilespmem:$0x1FF10] =	vst v1;
	v1 =	vor.u32 s25, v0  }
0xa7: {  	s16 =	sadd.s32 $0x8D0, s30;
	v25 =	vor.u32 s24, v0;
	s25 =	sadd.s32 $0x990, s30;
	s24 =	sadd.s32 $0xAA0, s30;
	v61 =	vor.u32 s23, v0;
	v62 =	vor.u32 s10, v0  }
0xa8: {  	s7 =	simm.s32 $0x2780;
	[tilespmem:$0x1FF20] =	vst v1;
	v1 =	vor.u32 s26, v0;
	s26 =	sadd.s32 $0x9A0, s30;
	v27 =	vor.u32 s25, v0;
	v44 =	vor.u32 s24, v0;
	s25 =	sadd.s32 $0xAB0, s30  }
0xa9: {  	s17 =	sadd.s32 $0x8E0, s30;
	s24 =	sadd.s32 $0xBD0, s30;
	[tilespmem:$0x1FF30] =	vst v1;
	v1 =	vor.u32 s11, v0;
	s11 =	sadd.s32 $0xA40, s30;
	v28 =	vor.u32 s26, v0;
	v45 =	vor.u32 s25, v0  }
0xaa: {  	s18 =	sadd.s32 $0x8F0, s30;
	s26 =	sadd.s32 $0xAD0, s30;
	v63 =	vor.u32 s24, v0;
	[tilespmem:$0x1FF40] =	vst v1;
	v1 =	vor.u32 s28, v0;
	s28 =	sadd.s32 $0x9B0, s30;
	v38 =	vor.u32 s11, v0  }
0xab: {  	s19 =	sadd.s32 $0x910, s30;
	s11 =	sadd.s32 $0xC00, s30;
	v47 =	vor.u32 s26, v0;
	s26 =	sadd.s32 $0xBF0, s30;
	[tilespmem:$0x1FF50] =	vst v1;
	v1 =	vor.u32 s14, v0;
	v29 =	vor.u32 s28, v0  }
0xac: {  	s8 =	simm.s32 $0x4F00;
	s14 =	sadd.s32 $0x9D0, s30;
	s28 =	sadd.s32 $0xAE0, s30;
	v2 =	vor.u32 s26, v0;
	v3 =	vor.u32 s11, v0;
	[tilespmem:$0x1FF60] =	vst v1;
	v1 =	vor.u32 s15, v0  }
0xad: {  	s20 =	sadd.s32 $0x920, s30;
	s15 =	sadd.s32 $0x9E0, s30;
	v31 =	vor.u32 s14, v0;
	v48 =	vor.u32 s28, v0;
	s28 =	sadd.s32 $0xC10, s30;
	[tilespmem:$0x1FF70] =	vst v1;
	v1 =	vor.u32 s12, v0  }
0xae: {  	s21 =	sadd.s32 $0x930, s30;
	s12 =	sadd.s32 $0xA80, s30;
	v32 =	vor.u32 s15, v0;
	s15 =	sadd.s32 $0xB10, s30;
	v4 =	vor.u32 s28, v0;
	[tilespmem:$0x1FF80] =	vst v1;
	v1 =	vor.u32 s16, v0  }
0xaf: {  	s9 =	simm.s32 $0x7680;
	s16 =	sadd.s32 $0x9F0, s30;
	v42 =	vor.u32 s12, v0;
	v51 =	vor.u32 s15, v0;
	s15 =	sadd.s32 $0xC20, s30;
	[tilespmem:$0x1FF90] =	vst v1;
	v1 =	vor.u32 s17, v0  }
0xb0: {  	s10 =	simm.s32 $0xD600;
	s17 =	sadd.s32 $0xA10, s30;
	v33 =	vor.u32 s16, v0;
	s16 =	sadd.s32 $0xB20, s30;
	v5 =	vor.u32 s15, v0;
	[tilespmem:$0x1FFA0] =	vst v1;
	v1 =	vor.u32 s18, v0  }
0xb1: {  	s25 =	sadd.s32 $0xBE0, s30;
	v35 =	vor.u32 s17, v0;
	s18 =	sadd.s32 $0xA20, s30;
	s17 =	sadd.s32 $0xB30, s30;
	v52 =	vor.u32 s16, v0;
	[tilespmem:$0x1FFB0] =	vst v1;
	v1 =	vor.u32 s1, v0  }
0xb2: {  	s11 =	simm.s32 $0xAE00;
	s16 =	sadd.s32 $0xC30, s30;
	s1 =	sadd.s32 $0xAC0, s30;
	v36 =	vor.u32 s18, v0;
	v53 =	vor.u32 s17, v0;
	[tilespmem:$0x1FFC0] =	vst v1;
	v1 =	vor.u32 s19, v0  }
0xb3: {  	s14 =	simm.s32 $0xEE00;
	s18 =	sadd.s32 $0xB50, s30;
	v6 =	vor.u32 s16, v0;
	s19 =	sadd.s32 $0xA30, s30;
	v46 =	vor.u32 s1, v0;
	[tilespmem:$0x1FFD0] =	vst v1;
	v1 =	vor.u32 s20, v0  }
0xb4: {  	v55 =	vor.u32 s18, v0;
	v37 =	vor.u32 s19, v0;
	s20 =	sadd.s32 $0xA50, s30;
	s19 =	sadd.s32 $0xB60, s30;
	[tilespmem:$0x1FFE0] =	vst v1;
	v1 =	vor.u32 s21, v0;
	s21 =	sadd.s32 $0xA60, s30  }
0xb5: {  	s12 =	simm.s32 $0xDE00;
	v39 =	vor.u32 s20, v0;
	s20 =	sadd.s32 $0xB70, s30;
	v56 =	vor.u32 s19, v0;
	v40 =	vor.u32 s21, v0;
	s21 =	sadd.s32 $0xB90, s30  }
0xb6: {  	s15 =	simm.s32 $0xF600;
	s16 =	simm.s32 $0x0;
	s1 =	simm.s32 $0x1;
	[tilespmem:$0x1FFF0] =	vst v1;
	v57 =	vor.u32 s20, v0;
	v1 =	vor.u32 s25, v0;
	v59 =	vor.u32 s21, v0  }
.LBB2_1:
0xb7: {  	[tilespmem:s5], [sflag:$0x1] =	stream.linear.gather [hbm4b:s31+s5], $0x2780, $0x38;
	[tilespmem:$0x1BE00] =	vst v63  }
0xb8: {  	_ =	swait.ge [sflag:s1], $0x2780  }
0xb9: {  	[sflag:s1] =	ssyncset.done $0x0  }
0xba: {  	[sflag:s1] =	ssyncadd.s32 $0xFFFFD880  }
0xbb: {  	[tilespmem:s7], [sflag:$0x1] =	stream.linear.gather [hbm4b:s0+s5], $0x2780, $0x38;
	[tilespmem:$0x1BE00] =	vst v63  }
0xbc: {  	_ =	swait.ge [sflag:s1], $0x2780  }
0xbd: {  	[sflag:s1] =	ssyncset.done $0x0  }
0xbe: {  	[sflag:s1] =	ssyncadd.s32 $0xFFFFD880  }
0xbf: {  	s17 =	rddreg [dreg:$0x0]  }
0xc0: {  	[tilespmem:s8], [sflag:$0x1] =	stream.linear.gather [hbm4b:s17+s5], $0x2780, $0x38;
	[tilespmem:$0x1BE00] =	vst v63  }
0xc1: {  	_ =	swait.ge [sflag:s1], $0x2780  }
0xc2: {  	[sflag:s1] =	ssyncset.done $0x0  }
0xc3: {  	[sflag:s1] =	ssyncadd.s32 $0xFFFFD880  }
0xc4: {  	s25 =	rddreg [dreg:$0x1]  }
0xc5: {  	[tilespmem:s9], [sflag:$0x1] =	stream.linear.gather [hbm4b:s25+s5], $0x2780, $0x38;
	[tilespmem:$0x1BE00] =	vst v63  }
0xc6: {  	_ =	swait.ge [sflag:s1], $0x2780  }
0xc7: {  	[sflag:s1] =	ssyncset.done $0x0  }
0xc8: {  	[sflag:s1] =	ssyncadd.s32 $0xFFFFD880  }
0xc9: {  	[tilespmem:$0xD600] =	vst v8  }
0xca: {  	[tilespmem:$0xD680] =	vst v8  }
0xcb: {  	[tilespmem:$0xD700] =	vst v8  }
0xcc: {  	[tilespmem:$0xD780] =	vst v8  }
0xcd: {  	[tilespmem:$0xD800] =	vst v8  }
0xce: {  	[tilespmem:$0xD880] =	vst v8  }
0xcf: {  	[tilespmem:$0xD900] =	vst v8  }
0xd0: {  	[tilespmem:$0xD980] =	vst v8  }
0xd1: {  	[tilespmem:$0xDA00] =	vst v8  }
0xd2: {  	[tilespmem:$0xDA80] =	vst v8  }
0xd3: {  	s26 =	sadd.s32 $0x0, s30;
	[tilespmem:$0xDB00] =	vst v8  }
0xd4: {  	v9 =	vor.u32 s26, v0;
	[tilespmem:$0xDB80] =	vst v8  }
0xd5: {  	[tilespmem:$0xDC00] =	vst v8  }
0xd6: {  	[tilespmem:$0xDC80] =	vst v8  }
0xd7: {  	[tilespmem:$0xDD00] =	vst v8  }
0xd8: {  	s28 =	sadd.s32 $0x10, s30;
	[tilespmem:$0xDD80] =	vst v8  }
0xd9: {  	[spmem:s3] =	stream.indirect_vreg.scatter [tilespmem:s10], [sflag:$0x1], $0x10, v9, vm0, $0xb8;
	v9 =	vor.u32 s28, v0;
	[tilespmem:$0x1BE00] =	vst v63  }
0xda: {  	_ = 	snop  }
0xdb: {  	_ =	swait.ge [sflag:s1], $0x100  }
0xdc: {  	s17 =	simm.s32 $0x20;
	[sflag:s1] =	ssyncset.done $0x0  }
.LBB2_2:
0xdd: {  	s18 =	sadd.s32 s17, s30;
	[sflag:s1] =	ssyncadd.s32 $0xFFFFFF00;
	p0 =	sne.s32 s17, $0xC30  }
0xde: {  	[spmem:s3] =	stream.indirect_vreg.scatter [tilespmem:s10], [sflag:$0x1], $0x10, v9, vm0, $0xb8;
	[tilespmem:$0x1BE00] =	vst v63  }
.Ltmp0:
0xdf: {  	_ = 	snop;
	(pc) =	sbr.rel @p0 .LBB2_2-.Ltmp0, $3  }
0xe0: {  	v9 =	vor.u32 s18, v0;
	_ =	sdelay $0x1  }
0xe1: {  	s17 =	sadd.s32 $0x10, s17;
	_ =	swait.ge [sflag:s1], $0x100  }
0xe2: {  	[sflag:s1] =	ssyncset.done $0x0  }
0xe3: {  	_ =	sdelay $0x2  }
0xe4: {  	[sflag:s1] =	ssyncadd.s32 $0xFFFFFF00  }
0xe5: {  	[spmem:s3] =	stream.indirect_vreg.scatter [tilespmem:s10], [sflag:$0x1], $0x10, v9, vm0, $0xb8;
	[tilespmem:$0x1BE00] =	vst v63  }
0xe6: {  	_ =	swait.ge [sflag:s1], $0x100  }
0xe7: {  	[sflag:s1] =	ssyncset.done $0x0  }
0xe8: {  	[sflag:s1] =	ssyncadd.s32 $0xFFFFFF00  }
0xe9: {  	s17 =	simm.s32 $0x0;
	s18 =	simm.s32 $0x0;
	[bflag:$0x0] =	sbarrier.arrive $0xFFFF  }
.LBB2_4:
0xea: {  	s19 =	smul.u32 $0x7D0, s18;
	_ =	sdelay $0x1  }
0xeb: {  	s19 =	sadd.s32 s6, s19  }
0xec: {  	s19 =	sshrl.u32 s19, $0x3  }
0xed: {  	s24 =	simm.s32 $0x9E00;
	s20 =	sadd.s32 s4, s19  }
0xee: {  	[tilespmem:s24], [sflag:$0x1] =	stream.linear.gather [hbm4b:s20+s17], $0x7D0, $0x38;
	[tilespmem:$0x1BE00] =	vst v63  }
0xef: {  	_ =	swait.ge [sflag:s1], $0x7D0  }
0xf0: {  	[sflag:s1] =	ssyncset.done $0x0  }
0xf1: {  	s26 =	simm.s32 $0xA600;
	s19 =	sadd.s32 s2, s19;
	[sflag:s1] =	ssyncadd.s32 $0xFFFFF830  }
0xf2: {  	[tilespmem:s26], [sflag:$0x1] =	stream.linear.gather [hbm4b:s19+s17], $0x7D0, $0x38;
	[tilespmem:$0x1BE00] =	vst v63  }
0xf3: {  	_ =	swait.ge [sflag:s1], $0x7D0  }
0xf4: {  	[sflag:s1] =	ssyncset.done $0x0  }
0xf5: {  	s21 =	simm.s32 $0x0;
	[sflag:s1] =	ssyncadd.s32 $0xFFFFF830  }
.LBB2_5:
0xf6: {  	v9 =	vld [tilespmem:s24+$0x0];
	_ =	sdelay $0x1  }
0xf7: {  	v10 =	vld [tilespmem:s26+$0x0];
	_ =	sdelay $0x5  }
0xf8: {  	v11 =	vld.idx.msk [tilespmem:v9+s5+$0x0], $0xffff  }
0xf9: {  	v12 =	vld.idx.msk [tilespmem:v9+s7+$0x0], $0xffff  }
0xfa: {  	v13 =	vld.idx.msk [tilespmem:v10+s5+$0x0], $0xffff  }
0xfb: {  	v14 =	vld.idx.msk [tilespmem:v10+s7+$0x0], $0xffff  }
0xfc: {  	v15 =	vld.idx.msk [tilespmem:v10+s8+$0x0], $0xffff  }
0xfd: {  	v16 =	vld.idx.msk [tilespmem:v9+s8+$0x0], $0xffff;
	_ =	sdelay $0x2  }
0xfe: {  	v11 =	vsub.f32 v11, v13;
	v12 =	vsub.f32 v12, v14;
	_ =	sdelay $0x1  }
0xff: {  	v13 =	vsub.f32 v16, v15;
	v11 =	vmul.f32 v11, v11;
	v12 =	vmul.f32 v12, v12;
	_ =	sdelay $0x1  }
0x100: {  	v11 =	vadd.f32 v12, v11;
	v12 =	vmul.f32 v13, v13;
	_ =	sdelay $0x1  }
0x101: {  	v11 =	vadd.f32 v12, v11;
	_ =	sdelay $0x1  }
0x102: {  	v11 =	vadd.f32 $9.999999710e-10, v11;
	_ =	sdelay $0x1  }
0x103: {  	v12 =	vshra.s32 v11, $0x1;
	v13 =	vmul.f32 $5.000000000e-01, v11  }
0x104: {  	v12 =	vsub.s32 $0x5F3759DF, v12  }
0x105: {  	v14 =	vmul.f32 v12, v13;
	_ =	sdelay $0x1  }
0x106: {  	v14 =	vmul.f32 v12, v14;
	_ =	sdelay $0x1  }
0x107: {  	v14 =	vsub.f32 $1.500000000e+00, v14;
	_ =	sdelay $0x1  }
0x108: {  	v12 =	vmul.f32 v12, v14;
	_ =	sdelay $0x1  }
0x109: {  	v14 =	vmul.f32 v12, v13;
	_ =	sdelay $0x1  }
0x10a: {  	v14 =	vmul.f32 v14, v12;
	_ =	sdelay $0x1  }
0x10b: {  	v14 =	vsub.f32 $1.500000000e+00, v14;
	_ =	sdelay $0x1  }
0x10c: {  	v12 =	vmul.f32 v14, v12;
	_ =	sdelay $0x1  }
0x10d: {  	v13 =	vmul.f32 v12, v13;
	_ =	sdelay $0x1  }
0x10e: {  	v13 =	vmul.f32 v13, v12;
	_ =	sdelay $0x1  }
0x10f: {  	v13 =	vsub.f32 $1.500000000e+00, v13;
	_ =	sdelay $0x1  }
0x110: {  	v12 =	vmul.f32 v13, v12;
	_ =	sdelay $0x1  }
0x111: {  	v11 =	vmul.f32 v12, v11  }
0x112: {  	s19 =	simm.s32 $0x0  }
0x113: {  	v16 =	vmov s19;
	v12 =	vmul.f32 v11, v11;
	v13 =	vadd.f32 $-8.571428650e-01, v11  }
0x114: {  	v17 =	vld.idx.msk [tilespmem:v9+s9+$0x0], $0xffff;
	v9 =	vmul.u32 $0x80, v0;
	v16 =	vshll.u32 v16, $0x7  }
0x115: {  	v14 =	vadd.f32 $-1.714285730e+00, v11;
	v12 =	vsub.f32 $0.0e+00, v12;
	v13 =	vmul.f32 v13, v13  }
0x116: {  	v16 =	vor.u32 v9, v16;
	v15 =	vadd.f32 $-2.571428540e+00, v11  }
0x117: {  	v14 =	vmul.f32 v14, v14;
	v12 =	vmul.f32 $1.442695020e+00, v12;
	v13 =	vsub.f32 $0.0e+00, v13  }
0x118: {  	v18 =	vadd.f32 $-3.428571460e+00, v11;
	v19 =	vadd.f32 $-4.285714150e+00, v11;
	v15 =	vmul.f32 v15, v15  }
0x119: {  	v14 =	vsub.f32 $0.0e+00, v14;
	v13 =	vmul.f32 $1.442695020e+00, v13;
	(erf) = vpow2.f32 v12  }
0x11a: {  	v20 =	vadd.f32 $-5.142857070e+00, v11;
	v15 =	vsub.f32 $0.0e+00, v15;
	v12 =	vmul.f32 v18, v18  }
0x11b: {  	v14 =	vmul.f32 $1.442695020e+00, v14;
	v18 =	vshll.u32 v17, $0x3;
	(erf) = vpow2.f32 v13  }
0x11c: {  	v15 =	vmul.f32 $1.442695020e+00, v15;
	v13 =	vand.u32 $0x8, v18;
	v18 =	vmul.f32 v19, v19  }
0x11d: {  	v12 =	vsub.f32 $0.0e+00, v12;
	v19 =	vor.u32 v16, v13;
	(erf) = vpow2.f32 v14  }
0x11e: {  	v13 =	vsub.s32 v16, v13;
	v14 =	vsub.f32 $0.0e+00, v18;
	v18 =	vmul.f32 v20, v20  }
0x11f: {  	v12 =	vmul.f32 $1.442695020e+00, v12;
	v16 =	vadd.s32 $0x8, v13;
	(erf) = vpow2.f32 v15  }
0x120: {  	v15 =	vor.u32 $0x1, v19;
	v18 =	vsub.f32 $0.0e+00, v18  }
0x121: {  	v20 =	vadd.s32 $0x9, v13;
	v14 =	vmul.f32 $1.442695020e+00, v14;
	(erf) = vpow2.f32 v12  }
0x122: {  	v12 =	vor.u32 $0x2, v19;
	v18 =	vmul.f32 $1.442695020e+00, v18;
	v21 =	vpop (erf)  }
0x123: {  	(erf) = vpow2.f32 v14;
	[tilespmem:v19+s11+$0x0] =	vst.idx.msk $0xffff, v21;
	v21 =	vadd.s32 $0xA, v13  }
0x124: {  	v11 =	vadd.f32 $-6.000000000e+00, v11;
	v14 =	vor.u32 $0x3, v19;
	[tilespmem:v16+s11+$0x0] =	vst.idx.msk $0xffff, v8;
	v16 =	vpop (erf)  }
0x125: {  	[tilespmem:v15+s11+$0x0] =	vst.idx.msk $0xffff, v16;
	v15 =	vadd.s32 $0xB, v13  }
0x126: {  	v11 =	vmul.f32 v11, v11;
	(erf) = vpow2.f32 v18;
	v16 =	vor.u32 $0x4, v19;
	v18 =	vpop (erf);
	[tilespmem:v20+s11+$0x0] =	vst.idx.msk $0xffff, v8  }
0x127: {  	[tilespmem:v12+s11+$0x0] =	vst.idx.msk $0xffff, v18;
	v12 =	vadd.s32 $0xC, v13  }
0x128: {  	v11 =	vsub.f32 $0.0e+00, v11;
	v20 =	vpop (erf);
	[tilespmem:v21+s11+$0x0] =	vst.idx.msk $0xffff, v8  }
0x129: {  	[tilespmem:v14+s11+$0x0] =	vst.idx.msk $0xffff, v20  }
0x12a: {  	v11 =	vmul.f32 $1.442695020e+00, v11;
	v20 =	vpop (erf);
	[tilespmem:v15+s11+$0x0] =	vst.idx.msk $0xffff, v8  }
0x12b: {  	v18 =	vor.u32 $0x5, v19;
	[tilespmem:v16+s11+$0x0] =	vst.idx.msk $0xffff, v20  }
0x12c: {  	v14 =	vadd.s32 $0xD, v13;
	[tilespmem:v12+s11+$0x0] =	vst.idx.msk $0xffff, v8;
	v12 =	vpop (erf);
	(erf) = vpow2.f32 v11  }
0x12d: {  	v15 =	vor.u32 $0x6, v19;
	_ =	sdelay $0x1  }
0x12e: {  	v13 =	vadd.s32 $0xE, v13  }
0x12f: {  	[tilespmem:v18+s11+$0x0] =	vst.idx.msk $0xffff, v12  }
0x130: {  	v11 =	vor.u32 $0x7, v19;
	v12 =	vmul.u32 $0x5, v10;
	v10 =	vpop (erf);
	[tilespmem:v14+s11+$0x0] =	vst.idx.msk $0xffff, v8  }
0x131: {  	v14 =	vshra.s32 v17, $0x1;
	[tilespmem:v15+s11+$0x0] =	vst.idx.msk $0xffff, v10;
	v10 =	vxor.u32 $0xF, v19  }
0x132: {  	s22 =	simm.s32 $0xAE00;
	s23 =	simm.s32 $0x10;
	v12 =	vadd.s32 v12, v14  }
0x133: {  	s20 =	smov.u32 s26;
	s25 =	simm.s32 $0xAE00;
	s19 =	smov.u32 s24;
	[tilespmem:v13+s11+$0x0] =	vst.idx.msk $0xffff, v8  }
.LBB2_6:
0x134: {  	s22 =	sadd.s32 $0x800, s22;
	s19 =	sadd.s32 $0x10, s19;
	s20 =	sadd.s32 $0x10, s20;
	v13 =	vpop (erf)  }
0x135: {  	p0 =	sne.s32 s23, $0x40;
	s28 =	smov.u32 s23;
	s23 =	sadd.s32 $0x10, s23;
	[tilespmem:v11+s11+$0x0] =	vst.idx.msk $0xffff, v13  }
0x136: {  	[tilespmem:v10+s11+$0x0] =	vst.idx.msk $0xffff, v8  }
0x137: {  	[spmem:s3] =	stream.indirect_vreg.scatter.add.f32 [tilespmem:s25], [sflag:$0x1], $0x10, v12, vm0, $0xb8;
	[tilespmem:$0x1BE00] =	vst v63  }
0x138: {  	s25 =	smov.u32 s22;
	_ =	swait.ge [sflag:s1], $0x100  }
0x139: {  	[sflag:s1] =	ssyncset.done $0x0  }
0x13a: {  	[sflag:s1] =	ssyncadd.s32 $0xFFFFFF00  }
0x13b: {  	v11 =	vld [tilespmem:s19+$0x0]  }
0x13c: {  	v10 =	vld [tilespmem:s20+$0x0];
	_ =	sdelay $0x6  }
0x13d: {  	v12 =	vld.idx.msk [tilespmem:v11+s5+$0x0], $0xffff  }
0x13e: {  	v13 =	vld.idx.msk [tilespmem:v11+s7+$0x0], $0xffff  }
0x13f: {  	v14 =	vld.idx.msk [tilespmem:v10+s5+$0x0], $0xffff  }
0x140: {  	v15 =	vld.idx.msk [tilespmem:v10+s7+$0x0], $0xffff  }
0x141: {  	v16 =	vld.idx.msk [tilespmem:v10+s8+$0x0], $0xffff  }
0x142: {  	v17 =	vld.idx.msk [tilespmem:v11+s8+$0x0], $0xffff;
	_ =	sdelay $0x2  }
0x143: {  	v12 =	vsub.f32 v12, v14  }
0x144: {  	v13 =	vsub.f32 v13, v15;
	_ =	sdelay $0x1  }
0x145: {  	v12 =	vmul.f32 v12, v12;
	v14 =	vsub.f32 v17, v16;
	v13 =	vmul.f32 v13, v13;
	_ =	sdelay $0x1  }
0x146: {  	v12 =	vadd.f32 v13, v12;
	v13 =	vmul.f32 v14, v14;
	_ =	sdelay $0x1  }
0x147: {  	v12 =	vadd.f32 v13, v12;
	_ =	sdelay $0x1  }
0x148: {  	v12 =	vadd.f32 $9.999999710e-10, v12;
	_ =	sdelay $0x1  }
0x149: {  	v13 =	vshra.s32 v12, $0x1;
	v14 =	vmul.f32 $5.000000000e-01, v12  }
0x14a: {  	v13 =	vsub.s32 $0x5F3759DF, v13  }
0x14b: {  	v15 =	vmul.f32 v13, v14;
	_ =	sdelay $0x1  }
0x14c: {  	v15 =	vmul.f32 v13, v15;
	_ =	sdelay $0x1  }
0x14d: {  	v15 =	vsub.f32 $1.500000000e+00, v15;
	_ =	sdelay $0x1  }
0x14e: {  	v13 =	vmul.f32 v13, v15;
	_ =	sdelay $0x1  }
0x14f: {  	v15 =	vmul.f32 v13, v14;
	_ =	sdelay $0x1  }
0x150: {  	v15 =	vmul.f32 v15, v13;
	_ =	sdelay $0x1  }
0x151: {  	v15 =	vsub.f32 $1.500000000e+00, v15;
	_ =	sdelay $0x1  }
0x152: {  	v13 =	vmul.f32 v15, v13;
	_ =	sdelay $0x1  }
0x153: {  	v14 =	vmul.f32 v13, v14;
	_ =	sdelay $0x1  }
0x154: {  	v14 =	vmul.f32 v14, v13;
	_ =	sdelay $0x1  }
0x155: {  	v14 =	vsub.f32 $1.500000000e+00, v14;
	_ =	sdelay $0x1  }
0x156: {  	v13 =	vmul.f32 v14, v13;
	_ =	sdelay $0x1  }
0x157: {  	v12 =	vmul.f32 v13, v12;
	_ =	sdelay $0x1  }
0x158: {  	v13 =	vmov s28;
	v14 =	vmul.f32 v12, v12;
	v15 =	vadd.f32 $-8.571428650e-01, v12;
	v11 =	vld.idx.msk [tilespmem:v11+s9+$0x0], $0xffff  }
0x159: {  	v13 =	vshll.u32 v13, $0x7;
	v16 =	vadd.f32 $-1.714285730e+00, v12;
	v17 =	vadd.f32 $-2.571428540e+00, v12  }
0x15a: {  	v18 =	vadd.f32 $-3.428571460e+00, v12;
	v14 =	vsub.f32 $0.0e+00, v14;
	v15 =	vmul.f32 v15, v15  }
0x15b: {  	v19 =	vadd.f32 $-4.285714150e+00, v12;
	v16 =	vmul.f32 v16, v16;
	v17 =	vmul.f32 v17, v17  }
0x15c: {  	v13 =	vor.u32 v9, v13;
	v14 =	vmul.f32 $1.442695020e+00, v14;
	v15 =	vsub.f32 $0.0e+00, v15  }
0x15d: {  	v18 =	vmul.f32 v18, v18;
	v16 =	vsub.f32 $0.0e+00, v16;
	v17 =	vsub.f32 $0.0e+00, v17  }
0x15e: {  	v15 =	vmul.f32 $1.442695020e+00, v15;
	(erf) = vpow2.f32 v14;
	v14 =	vshll.u32 v11, $0x3  }
0x15f: {  	v16 =	vmul.f32 $1.442695020e+00, v16;
	v17 =	vmul.f32 $1.442695020e+00, v17;
	v14 =	vand.u32 $0x8, v14  }
0x160: {  	v18 =	vsub.f32 $0.0e+00, v18;
	(erf) = vpow2.f32 v15;
	v15 =	vor.u32 v13, v14  }
0x161: {  	v13 =	vsub.s32 v13, v14;
	v14 =	vmul.f32 v19, v19;
	v19 =	vadd.f32 $-5.142857070e+00, v12  }
0x162: {  	v18 =	vmul.f32 $1.442695020e+00, v18;
	v12 =	vadd.f32 $-6.000000000e+00, v12;
	(erf) = vpow2.f32 v16  }
0x163: {  	v16 =	vshra.s32 v11, $0x1;
	v11 =	vsub.f32 $0.0e+00, v14;
	v19 =	vmul.f32 v19, v19  }
0x164: {  	v14 =	vadd.s32 $0x8, v13;
	v12 =	vmul.f32 v12, v12;
	(erf) = vpow2.f32 v17  }
0x165: {  	v17 =	vor.u32 $0x1, v15;
	v11 =	vmul.f32 $1.442695020e+00, v11;
	v19 =	vsub.f32 $0.0e+00, v19  }
0x166: {  	v20 =	vadd.s32 $0x9, v13;
	(erf) = vpow2.f32 v18  }
0x167: {  	v12 =	vsub.f32 $0.0e+00, v12;
	v18 =	vor.u32 $0x2, v15;
	v19 =	vmul.f32 $1.442695020e+00, v19;
	v21 =	vpop (erf)  }
0x168: {  	[tilespmem:v15+s11+$0x0] =	vst.idx.msk $0xffff, v21;
	v21 =	vadd.s32 $0xA, v13;
	(erf) = vpow2.f32 v11  }
0x169: {  	v12 =	vmul.f32 $1.442695020e+00, v12;
	v11 =	vor.u32 $0x3, v15;
	[tilespmem:v14+s11+$0x0] =	vst.idx.msk $0xffff, v8;
	v14 =	vpop (erf)  }
0x16a: {  	[tilespmem:v17+s11+$0x0] =	vst.idx.msk $0xffff, v14;
	v14 =	vadd.s32 $0xB, v13;
	(erf) = vpow2.f32 v19  }
0x16b: {  	v17 =	vor.u32 $0x4, v15;
	[tilespmem:v20+s11+$0x0] =	vst.idx.msk $0xffff, v8;
	v19 =	vpop (erf)  }
0x16c: {  	[tilespmem:v18+s11+$0x0] =	vst.idx.msk $0xffff, v19;
	v18 =	vadd.s32 $0xC, v13  }
0x16d: {  	v19 =	vor.u32 $0x5, v15;
	[tilespmem:v21+s11+$0x0] =	vst.idx.msk $0xffff, v8;
	v20 =	vpop (erf);
	(erf) = vpow2.f32 v12  }
0x16e: {  	v12 =	vadd.s32 $0xD, v13;
	[tilespmem:v11+s11+$0x0] =	vst.idx.msk $0xffff, v20  }
0x16f: {  	[tilespmem:v14+s11+$0x0] =	vst.idx.msk $0xffff, v8;
	v14 =	vor.u32 $0x6, v15;
	v11 =	vpop (erf)  }
0x170: {  	v13 =	vadd.s32 $0xE, v13;
	[tilespmem:v17+s11+$0x0] =	vst.idx.msk $0xffff, v11  }
.Ltmp1:
0x171: {  	[tilespmem:v18+s11+$0x0] =	vst.idx.msk $0xffff, v8;
	v11 =	vpop (erf);
	(pc) =	sbr.rel @p0 .LBB2_6-.Ltmp1, $4  }
0x172: {  	v17 =	vmul.u32 $0x5, v10;
	[tilespmem:v19+s11+$0x0] =	vst.idx.msk $0xffff, v11;
	v11 =	vor.u32 $0x7, v15  }
0x173: {  	v10 =	vxor.u32 $0xF, v15;
	[tilespmem:v12+s11+$0x0] =	vst.idx.msk $0xffff, v8;
	v15 =	vpop (erf)  }
0x174: {  	v12 =	vadd.s32 v17, v16;
	[tilespmem:v14+s11+$0x0] =	vst.idx.msk $0xffff, v15  }
0x175: {  	[tilespmem:v13+s11+$0x0] =	vst.idx.msk $0xffff, v8  }
0x176: {  	_ =	sdelay $0x2  }
0x177: {  	v9 =	vpop (erf);
	s21 =	sadd.s32 $0x1, s21  }
0x178: {  	[tilespmem:v11+s11+$0x0] =	vst.idx.msk $0xffff, v9;
	p0 =	sne.s32 s21, $0x19  }
.Ltmp2:
0x179: {  	[tilespmem:v10+s11+$0x0] =	vst.idx.msk $0xffff, v8;
	(pc) =	sbr.rel @p0 .LBB2_5-.Ltmp2, $4  }
0x17a: {  	[spmem:s3] =	stream.indirect_vreg.scatter.add.f32 [tilespmem:s25], [sflag:$0x1], $0x10, v12, vm0, $0xb8;
	[tilespmem:$0x1BE00] =	vst v63  }
0x17b: {  	_ =	swait.ge [sflag:s1], $0x100  }
0x17c: {  	[sflag:s1] =	ssyncset.done $0x0  }
0x17d: {  	s24 =	sadd.s32 $0x50, s24;
	s26 =	sadd.s32 $0x50, s26;
	[sflag:s1] =	ssyncadd.s32 $0xFFFFFF00  }
0x17e: {  	s18 =	sadd.s32 $0x1, s18  }
0x17f: {  	p0 =	sne.s32 s18, $0x5  }
.Ltmp3:
0x180: {  	_ = 	snop;
	(pc) =	sbr.rel @p0 .LBB2_4-.Ltmp3, $1  }
0x181: {  	_ =	sdelay $0x3  }
0x182: {  	_ =	sdelay $0x2  }
0x183: {  	[bflag:$0x0] =	sbarrier.arrive $0xFFFF;
	s17 =	simm.s32 $0xD600  }
0x184: {  	[tilespmem:s17], [sflag:$0x1] =	stream.indirect_vreg.gather [spmem:s3], $0x10, v7, vm0, $0xb8;
	[tilespmem:$0x1BE00] =	vst v63  }
0x185: {  	_ =	swait.ge [sflag:s1], $0x100  }
0x186: {  	v9 =	vld [tilespmem:$0x1F6D0];
	_ =	sdelay $0x5  }
0x187: {  	[sflag:s1] =	ssyncset.done $0x0  }
0x188: {  	[sflag:s1] =	ssyncadd.s32 $0xFFFFFF00  }
0x189: {  	[tilespmem:s12], [sflag:$0x1] =	stream.indirect_vreg.gather [spmem:s3], $0x10, v9, vm0, $0xb8;
	[tilespmem:$0x1BE00] =	vst v63  }
0x18a: {  	_ =	swait.ge [sflag:s1], $0x100  }
0x18b: {  	v9 =	vld [tilespmem:$0x1F6E0];
	_ =	sdelay $0x5  }
0x18c: {  	[sflag:s1] =	ssyncset.done $0x0  }
0x18d: {  	[sflag:s1] =	ssyncadd.s32 $0xFFFFFF00  }
0x18e: {  	[tilespmem:s13], [sflag:$0x1] =	stream.indirect_vreg.gather [spmem:s3], $0x10, v9, vm0, $0xb8;
	[tilespmem:$0x1BE00] =	vst v63  }
0x18f: {  	_ =	swait.ge [sflag:s1], $0x100  }
0x190: {  	v9 =	vld [tilespmem:$0x1F6F0];
	_ =	sdelay $0x5  }
0x191: {  	[sflag:s1] =	ssyncset.done $0x0  }
0x192: {  	[sflag:s1] =	ssyncadd.s32 $0xFFFFFF00  }
0x193: {  	[tilespmem:s14], [sflag:$0x1] =	stream.indirect_vreg.gather [spmem:s3], $0x10, v9, vm0, $0xb8;
	[tilespmem:$0x1BE00] =	vst v63  }
0x194: {  	_ =	swait.ge [sflag:s1], $0x100  }
0x195: {  	[sflag:s1] =	ssyncset.done $0x0  }
0x196: {  	[sflag:s1] =	ssyncadd.s32 $0xFFFFFF00  }
0x197: {  	v9 =	vld [tilespmem:s17+$0x0];
	_ =	sdelay $0x1  }
0x198: {  	s19 =	simm.s32 $0x0  }
0x199: {  	s18 =	simm.s32 $0x10;
	s19 =	sand.u32 $0x3F0, s19  }
.LBB2_10:
0x19a: {  	p0 =	sne.s32 s18, $0x3F0  }
0x19b: {  	[tilespmem:s19+$0xF600] =	vst v9;
	s17 =	sadd.s32 $0x80, s17;
	s19 =	smov.u32 s18;
	s18 =	sadd.s32 $0x10, s18  }
.Ltmp4:
0x19c: {  	v9 =	vld [tilespmem:s17+$0x0];
	(pc) =	sbr.rel @p0 .LBB2_10-.Ltmp4, $2  }
0x19d: {  	_ =	sdelay $0x2  }
0x19e: {  	s19 =	sand.u32 $0x3F0, s19  }
0x19f: {  	[tilespmem:s19+$0xF600] =	vst v9;
	s28 =	simm.s32 $0x0;
	s17 =	rddreg [dreg:$0x4]  }
0x1a0: {  	[hbm4b:s17+s28] =	stream.linear.scatter [tilespmem:s15], [sflag:$0x1], $0x400, $0x38;
	[tilespmem:$0x1BE00] =	vst v63  }
0x1a1: {  	_ =	swait.ge [sflag:s1], $0x400  }
0x1a2: {  	v9 =	vld [tilespmem:$0x1F700];
	_ =	sdelay $0x5  }
0x1a3: {  	[sflag:s1] =	ssyncset.done $0x0  }
0x1a4: {  	s17 =	simm.s32 $0xD600;
	[sflag:s1] =	ssyncadd.s32 $0xFFFFFC00  }
0x1a5: {  	[tilespmem:s17], [sflag:$0x1] =	stream.indirect_vreg.gather [spmem:s3], $0x10, v9, vm0, $0xb8;
	[tilespmem:$0x1BE00] =	vst v63  }
0x1a6: {  	_ =	swait.ge [sflag:s1], $0x100  }
0x1a7: {  	v9 =	vld [tilespmem:$0x1F710];
	_ =	sdelay $0x5  }
0x1a8: {  	[sflag:s1] =	ssyncset.done $0x0  }
0x1a9: {  	[sflag:s1] =	ssyncadd.s32 $0xFFFFFF00  }
0x1aa: {  	[tilespmem:s12], [sflag:$0x1] =	stream.indirect_vreg.gather [spmem:s3], $0x10, v9, vm0, $0xb8;
	[tilespmem:$0x1BE00] =	vst v63  }
0x1ab: {  	_ =	swait.ge [sflag:s1], $0x100  }
0x1ac: {  	v9 =	vld [tilespmem:$0x1F720];
	_ =	sdelay $0x5  }
0x1ad: {  	[sflag:s1] =	ssyncset.done $0x0  }
0x1ae: {  	[sflag:s1] =	ssyncadd.s32 $0xFFFFFF00  }
0x1af: {  	[tilespmem:s13], [sflag:$0x1] =	stream.indirect_vreg.gather [spmem:s3], $0x10, v9, vm0, $0xb8;
	[tilespmem:$0x1BE00] =	vst v63  }
0x1b0: {  	_ =	swait.ge [sflag:s1], $0x100  }
0x1b1: {  	v9 =	vld [tilespmem:$0x1F730];
	_ =	sdelay $0x5  }
0x1b2: {  	[sflag:s1] =	ssyncset.done $0x0  }
0x1b3: {  	[sflag:s1] =	ssyncadd.s32 $0xFFFFFF00  }
0x1b4: {  	[tilespmem:s14], [sflag:$0x1] =	stream.indirect_vreg.gather [spmem:s3], $0x10, v9, vm0, $0xb8;
	[tilespmem:$0x1BE00] =	vst v63  }
0x1b5: {  	_ =	swait.ge [sflag:s1], $0x100  }
0x1b6: {  	[sflag:s1] =	ssyncset.done $0x0  }
0x1b7: {  	[sflag:s1] =	ssyncadd.s32 $0xFFFFFF00  }
0x1b8: {  	v9 =	vld [tilespmem:s17+$0x0];
	_ =	sdelay $0x2  }
0x1b9: {  	s18 =	simm.s32 $0x10;
	s19 =	sand.u32 $0x3F0, s28  }
.LBB2_12:
0x1ba: {  	p0 =	sne.s32 s18, $0x3F0  }
0x1bb: {  	[tilespmem:s19+$0xF600] =	vst v9;
	s17 =	sadd.s32 $0x80, s17;
	s19 =	smov.u32 s18;
	s18 =	sadd.s32 $0x10, s18  }
.Ltmp5:
0x1bc: {  	v9 =	vld [tilespmem:s17+$0x0];
	(pc) =	sbr.rel @p0 .LBB2_12-.Ltmp5, $2  }
0x1bd: {  	_ =	sdelay $0x2  }
0x1be: {  	s19 =	sand.u32 $0x3F0, s19  }
0x1bf: {  	[tilespmem:s19+$0xF600] =	vst v9;
	s28 =	simm.s32 $0x0;
	s17 =	rddreg [dreg:$0x5]  }
0x1c0: {  	[hbm4b:s17+s28] =	stream.linear.scatter [tilespmem:s15], [sflag:$0x1], $0x400, $0x38;
	[tilespmem:$0x1BE00] =	vst v63  }
0x1c1: {  	_ =	swait.ge [sflag:s1], $0x400  }
0x1c2: {  	v9 =	vld [tilespmem:$0x1F740];
	_ =	sdelay $0x5  }
0x1c3: {  	[sflag:s1] =	ssyncset.done $0x0  }
0x1c4: {  	s17 =	simm.s32 $0xD600;
	[sflag:s1] =	ssyncadd.s32 $0xFFFFFC00  }
0x1c5: {  	[tilespmem:s17], [sflag:$0x1] =	stream.indirect_vreg.gather [spmem:s3], $0x10, v9, vm0, $0xb8;
	[tilespmem:$0x1BE00] =	vst v63  }
0x1c6: {  	_ =	swait.ge [sflag:s1], $0x100  }
0x1c7: {  	v9 =	vld [tilespmem:$0x1F750];
	_ =	sdelay $0x5  }
0x1c8: {  	[sflag:s1] =	ssyncset.done $0x0  }
0x1c9: {  	[sflag:s1] =	ssyncadd.s32 $0xFFFFFF00  }
0x1ca: {  	[tilespmem:s12], [sflag:$0x1] =	stream.indirect_vreg.gather [spmem:s3], $0x10, v9, vm0, $0xb8;
	[tilespmem:$0x1BE00] =	vst v63  }
0x1cb: {  	_ =	swait.ge [sflag:s1], $0x100  }
0x1cc: {  	v9 =	vld [tilespmem:$0x1F760];
	_ =	sdelay $0x5  }
0x1cd: {  	[sflag:s1] =	ssyncset.done $0x0  }
0x1ce: {  	[sflag:s1] =	ssyncadd.s32 $0xFFFFFF00  }
0x1cf: {  	[tilespmem:s13], [sflag:$0x1] =	stream.indirect_vreg.gather [spmem:s3], $0x10, v9, vm0, $0xb8;
	[tilespmem:$0x1BE00] =	vst v63  }
0x1d0: {  	_ =	swait.ge [sflag:s1], $0x100  }
0x1d1: {  	v9 =	vld [tilespmem:$0x1F770];
	_ =	sdelay $0x5  }
0x1d2: {  	[sflag:s1] =	ssyncset.done $0x0  }
0x1d3: {  	[sflag:s1] =	ssyncadd.s32 $0xFFFFFF00  }
0x1d4: {  	[tilespmem:s14], [sflag:$0x1] =	stream.indirect_vreg.gather [spmem:s3], $0x10, v9, vm0, $0xb8;
	[tilespmem:$0x1BE00] =	vst v63  }
0x1d5: {  	_ =	swait.ge [sflag:s1], $0x100  }
0x1d6: {  	[sflag:s1] =	ssyncset.done $0x0  }
0x1d7: {  	[sflag:s1] =	ssyncadd.s32 $0xFFFFFF00  }
0x1d8: {  	v9 =	vld [tilespmem:s17+$0x0];
	_ =	sdelay $0x2  }
0x1d9: {  	s18 =	simm.s32 $0x10;
	s19 =	sand.u32 $0x3F0, s28  }
.LBB2_14:
0x1da: {  	p0 =	sne.s32 s18, $0x3F0  }
0x1db: {  	[tilespmem:s19+$0xF600] =	vst v9;
	s17 =	sadd.s32 $0x80, s17;
	s19 =	smov.u32 s18;
	s18 =	sadd.s32 $0x10, s18  }
.Ltmp6:
0x1dc: {  	v9 =	vld [tilespmem:s17+$0x0];
	(pc) =	sbr.rel @p0 .LBB2_14-.Ltmp6, $2  }
0x1dd: {  	_ =	sdelay $0x2  }
0x1de: {  	s19 =	sand.u32 $0x3F0, s19  }
0x1df: {  	[tilespmem:s19+$0xF600] =	vst v9;
	s28 =	simm.s32 $0x0;
	s17 =	rddreg [dreg:$0x6]  }
0x1e0: {  	[hbm4b:s17+s28] =	stream.linear.scatter [tilespmem:s15], [sflag:$0x1], $0x400, $0x38;
	[tilespmem:$0x1BE00] =	vst v63  }
0x1e1: {  	_ =	swait.ge [sflag:s1], $0x400  }
0x1e2: {  	v9 =	vld [tilespmem:$0x1F780];
	_ =	sdelay $0x5  }
0x1e3: {  	[sflag:s1] =	ssyncset.done $0x0  }
0x1e4: {  	s17 =	simm.s32 $0xD600;
	[sflag:s1] =	ssyncadd.s32 $0xFFFFFC00  }
0x1e5: {  	[tilespmem:s17], [sflag:$0x1] =	stream.indirect_vreg.gather [spmem:s3], $0x10, v9, vm0, $0xb8;
	[tilespmem:$0x1BE00] =	vst v63  }
0x1e6: {  	_ =	swait.ge [sflag:s1], $0x100  }
0x1e7: {  	v9 =	vld [tilespmem:$0x1F790];
	_ =	sdelay $0x5  }
0x1e8: {  	[sflag:s1] =	ssyncset.done $0x0  }
0x1e9: {  	[sflag:s1] =	ssyncadd.s32 $0xFFFFFF00  }
0x1ea: {  	[tilespmem:s12], [sflag:$0x1] =	stream.indirect_vreg.gather [spmem:s3], $0x10, v9, vm0, $0xb8;
	[tilespmem:$0x1BE00] =	vst v63  }
0x1eb: {  	_ =	swait.ge [sflag:s1], $0x100  }
0x1ec: {  	v9 =	vld [tilespmem:$0x1F7A0];
	_ =	sdelay $0x5  }
0x1ed: {  	[sflag:s1] =	ssyncset.done $0x0  }
0x1ee: {  	[sflag:s1] =	ssyncadd.s32 $0xFFFFFF00  }
0x1ef: {  	[tilespmem:s13], [sflag:$0x1] =	stream.indirect_vreg.gather [spmem:s3], $0x10, v9, vm0, $0xb8;
	[tilespmem:$0x1BE00] =	vst v63  }
0x1f0: {  	_ =	swait.ge [sflag:s1], $0x100  }
0x1f1: {  	v9 =	vld [tilespmem:$0x1F7B0];
	_ =	sdelay $0x5  }
0x1f2: {  	[sflag:s1] =	ssyncset.done $0x0  }
0x1f3: {  	[sflag:s1] =	ssyncadd.s32 $0xFFFFFF00  }
0x1f4: {  	[tilespmem:s14], [sflag:$0x1] =	stream.indirect_vreg.gather [spmem:s3], $0x10, v9, vm0, $0xb8;
	[tilespmem:$0x1BE00] =	vst v63  }
0x1f5: {  	_ =	swait.ge [sflag:s1], $0x100  }
0x1f6: {  	[sflag:s1] =	ssyncset.done $0x0  }
0x1f7: {  	[sflag:s1] =	ssyncadd.s32 $0xFFFFFF00  }
0x1f8: {  	v9 =	vld [tilespmem:s17+$0x0];
	_ =	sdelay $0x2  }
0x1f9: {  	s18 =	simm.s32 $0x10;
	s19 =	sand.u32 $0x3F0, s28  }
.LBB2_16:
0x1fa: {  	p0 =	sne.s32 s18, $0x3F0  }
0x1fb: {  	[tilespmem:s19+$0xF600] =	vst v9;
	s17 =	sadd.s32 $0x80, s17;
	s19 =	smov.u32 s18;
	s18 =	sadd.s32 $0x10, s18  }
.Ltmp7:
0x1fc: {  	v9 =	vld [tilespmem:s17+$0x0];
	(pc) =	sbr.rel @p0 .LBB2_16-.Ltmp7, $2  }
0x1fd: {  	_ =	sdelay $0x2  }
0x1fe: {  	s19 =	sand.u32 $0x3F0, s19  }
0x1ff: {  	[tilespmem:s19+$0xF600] =	vst v9;
	s28 =	simm.s32 $0x0;
	s17 =	rddreg [dreg:$0x7]  }
0x200: {  	[hbm4b:s17+s28] =	stream.linear.scatter [tilespmem:s15], [sflag:$0x1], $0x400, $0x38;
	[tilespmem:$0x1BE00] =	vst v63  }
0x201: {  	_ =	swait.ge [sflag:s1], $0x400  }
0x202: {  	v9 =	vld [tilespmem:$0x1F7C0];
	_ =	sdelay $0x5  }
0x203: {  	[sflag:s1] =	ssyncset.done $0x0  }
0x204: {  	s17 =	simm.s32 $0xD600;
	[sflag:s1] =	ssyncadd.s32 $0xFFFFFC00  }
0x205: {  	[tilespmem:s17], [sflag:$0x1] =	stream.indirect_vreg.gather [spmem:s3], $0x10, v9, vm0, $0xb8;
	[tilespmem:$0x1BE00] =	vst v63  }
0x206: {  	_ =	swait.ge [sflag:s1], $0x100  }
0x207: {  	v9 =	vld [tilespmem:$0x1F7D0];
	_ =	sdelay $0x5  }
0x208: {  	[sflag:s1] =	ssyncset.done $0x0  }
0x209: {  	[sflag:s1] =	ssyncadd.s32 $0xFFFFFF00  }
0x20a: {  	[tilespmem:s12], [sflag:$0x1] =	stream.indirect_vreg.gather [spmem:s3], $0x10, v9, vm0, $0xb8;
	[tilespmem:$0x1BE00] =	vst v63  }
0x20b: {  	_ =	swait.ge [sflag:s1], $0x100  }
0x20c: {  	v9 =	vld [tilespmem:$0x1F7E0];
	_ =	sdelay $0x5  }
0x20d: {  	[sflag:s1] =	ssyncset.done $0x0  }
0x20e: {  	[sflag:s1] =	ssyncadd.s32 $0xFFFFFF00  }
0x20f: {  	[tilespmem:s13], [sflag:$0x1] =	stream.indirect_vreg.gather [spmem:s3], $0x10, v9, vm0, $0xb8;
	[tilespmem:$0x1BE00] =	vst v63  }
0x210: {  	_ =	swait.ge [sflag:s1], $0x100  }
0x211: {  	v9 =	vld [tilespmem:$0x1F7F0];
	_ =	sdelay $0x5  }
0x212: {  	[sflag:s1] =	ssyncset.done $0x0  }
0x213: {  	[sflag:s1] =	ssyncadd.s32 $0xFFFFFF00  }
0x214: {  	[tilespmem:s14], [sflag:$0x1] =	stream.indirect_vreg.gather [spmem:s3], $0x10, v9, vm0, $0xb8;
	[tilespmem:$0x1BE00] =	vst v63  }
0x215: {  	_ =	swait.ge [sflag:s1], $0x100  }
0x216: {  	[sflag:s1] =	ssyncset.done $0x0  }
0x217: {  	[sflag:s1] =	ssyncadd.s32 $0xFFFFFF00  }
0x218: {  	v9 =	vld [tilespmem:s17+$0x0];
	_ =	sdelay $0x2  }
0x219: {  	s18 =	simm.s32 $0x10;
	s19 =	sand.u32 $0x3F0, s28  }
.LBB2_18:
0x21a: {  	p0 =	sne.s32 s18, $0x3F0  }
0x21b: {  	[tilespmem:s19+$0xF600] =	vst v9;
	s17 =	sadd.s32 $0x80, s17;
	s19 =	smov.u32 s18;
	s18 =	sadd.s32 $0x10, s18  }
.Ltmp8:
0x21c: {  	v9 =	vld [tilespmem:s17+$0x0];
	(pc) =	sbr.rel @p0 .LBB2_18-.Ltmp8, $2  }
0x21d: {  	_ =	sdelay $0x2  }
0x21e: {  	s19 =	sand.u32 $0x3F0, s19  }
0x21f: {  	[tilespmem:s19+$0xF600] =	vst v9;
	s28 =	simm.s32 $0x0;
	s17 =	rddreg [dreg:$0x8]  }
0x220: {  	[hbm4b:s17+s28] =	stream.linear.scatter [tilespmem:s15], [sflag:$0x1], $0x400, $0x38;
	[tilespmem:$0x1BE00] =	vst v63  }
0x221: {  	_ =	swait.ge [sflag:s1], $0x400  }
0x222: {  	v9 =	vld [tilespmem:$0x1F800];
	_ =	sdelay $0x5  }
0x223: {  	[sflag:s1] =	ssyncset.done $0x0  }
0x224: {  	s17 =	simm.s32 $0xD600;
	[sflag:s1] =	ssyncadd.s32 $0xFFFFFC00  }
0x225: {  	[tilespmem:s17], [sflag:$0x1] =	stream.indirect_vreg.gather [spmem:s3], $0x10, v9, vm0, $0xb8;
	[tilespmem:$0x1BE00] =	vst v63  }
0x226: {  	_ =	swait.ge [sflag:s1], $0x100  }
0x227: {  	v9 =	vld [tilespmem:$0x1F810];
	_ =	sdelay $0x5  }
0x228: {  	[sflag:s1] =	ssyncset.done $0x0  }
0x229: {  	[sflag:s1] =	ssyncadd.s32 $0xFFFFFF00  }
0x22a: {  	[tilespmem:s12], [sflag:$0x1] =	stream.indirect_vreg.gather [spmem:s3], $0x10, v9, vm0, $0xb8;
	[tilespmem:$0x1BE00] =	vst v63  }
0x22b: {  	_ =	swait.ge [sflag:s1], $0x100  }
0x22c: {  	v9 =	vld [tilespmem:$0x1F820];
	_ =	sdelay $0x5  }
0x22d: {  	[sflag:s1] =	ssyncset.done $0x0  }
0x22e: {  	[sflag:s1] =	ssyncadd.s32 $0xFFFFFF00  }
0x22f: {  	[tilespmem:s13], [sflag:$0x1] =	stream.indirect_vreg.gather [spmem:s3], $0x10, v9, vm0, $0xb8;
	[tilespmem:$0x1BE00] =	vst v63  }
0x230: {  	_ =	swait.ge [sflag:s1], $0x100  }
0x231: {  	v9 =	vld [tilespmem:$0x1F830];
	_ =	sdelay $0x5  }
0x232: {  	[sflag:s1] =	ssyncset.done $0x0  }
0x233: {  	[sflag:s1] =	ssyncadd.s32 $0xFFFFFF00  }
0x234: {  	[tilespmem:s14], [sflag:$0x1] =	stream.indirect_vreg.gather [spmem:s3], $0x10, v9, vm0, $0xb8;
	[tilespmem:$0x1BE00] =	vst v63  }
0x235: {  	_ =	swait.ge [sflag:s1], $0x100  }
0x236: {  	[sflag:s1] =	ssyncset.done $0x0  }
0x237: {  	[sflag:s1] =	ssyncadd.s32 $0xFFFFFF00  }
0x238: {  	v9 =	vld [tilespmem:s17+$0x0];
	_ =	sdelay $0x2  }
0x239: {  	s18 =	simm.s32 $0x10;
	s19 =	sand.u32 $0x3F0, s28  }
.LBB2_20:
0x23a: {  	p0 =	sne.s32 s18, $0x3F0  }
0x23b: {  	[tilespmem:s19+$0xF600] =	vst v9;
	s17 =	sadd.s32 $0x80, s17;
	s19 =	smov.u32 s18;
	s18 =	sadd.s32 $0x10, s18  }
.Ltmp9:
0x23c: {  	v9 =	vld [tilespmem:s17+$0x0];
	(pc) =	sbr.rel @p0 .LBB2_20-.Ltmp9, $2  }
0x23d: {  	_ =	sdelay $0x2  }
0x23e: {  	s19 =	sand.u32 $0x3F0, s19  }
0x23f: {  	[tilespmem:s19+$0xF600] =	vst v9;
	s28 =	simm.s32 $0x0;
	s17 =	rddreg [dreg:$0x9]  }
0x240: {  	[hbm4b:s17+s28] =	stream.linear.scatter [tilespmem:s15], [sflag:$0x1], $0x400, $0x38;
	[tilespmem:$0x1BE00] =	vst v63  }
0x241: {  	_ =	swait.ge [sflag:s1], $0x400  }
0x242: {  	v9 =	vld [tilespmem:$0x1F840];
	_ =	sdelay $0x5  }
0x243: {  	[sflag:s1] =	ssyncset.done $0x0  }
0x244: {  	s17 =	simm.s32 $0xD600;
	[sflag:s1] =	ssyncadd.s32 $0xFFFFFC00  }
0x245: {  	[tilespmem:s17], [sflag:$0x1] =	stream.indirect_vreg.gather [spmem:s3], $0x10, v9, vm0, $0xb8;
	[tilespmem:$0x1BE00] =	vst v63  }
0x246: {  	_ =	swait.ge [sflag:s1], $0x100  }
0x247: {  	v9 =	vld [tilespmem:$0x1F850];
	_ =	sdelay $0x5  }
0x248: {  	[sflag:s1] =	ssyncset.done $0x0  }
0x249: {  	[sflag:s1] =	ssyncadd.s32 $0xFFFFFF00  }
0x24a: {  	[tilespmem:s12], [sflag:$0x1] =	stream.indirect_vreg.gather [spmem:s3], $0x10, v9, vm0, $0xb8;
	[tilespmem:$0x1BE00] =	vst v63  }
0x24b: {  	_ =	swait.ge [sflag:s1], $0x100  }
0x24c: {  	v9 =	vld [tilespmem:$0x1F860];
	_ =	sdelay $0x5  }
0x24d: {  	[sflag:s1] =	ssyncset.done $0x0  }
0x24e: {  	[sflag:s1] =	ssyncadd.s32 $0xFFFFFF00  }
0x24f: {  	[tilespmem:s13], [sflag:$0x1] =	stream.indirect_vreg.gather [spmem:s3], $0x10, v9, vm0, $0xb8;
	[tilespmem:$0x1BE00] =	vst v63  }
0x250: {  	_ =	swait.ge [sflag:s1], $0x100  }
0x251: {  	v9 =	vld [tilespmem:$0x1F870];
	_ =	sdelay $0x5  }
0x252: {  	[sflag:s1] =	ssyncset.done $0x0  }
0x253: {  	[sflag:s1] =	ssyncadd.s32 $0xFFFFFF00  }
0x254: {  	[tilespmem:s14], [sflag:$0x1] =	stream.indirect_vreg.gather [spmem:s3], $0x10, v9, vm0, $0xb8;
	[tilespmem:$0x1BE00] =	vst v63  }
0x255: {  	_ =	swait.ge [sflag:s1], $0x100  }
0x256: {  	[sflag:s1] =	ssyncset.done $0x0  }
0x257: {  	[sflag:s1] =	ssyncadd.s32 $0xFFFFFF00  }
0x258: {  	v9 =	vld [tilespmem:s17+$0x0];
	_ =	sdelay $0x2  }
0x259: {  	s18 =	simm.s32 $0x10;
	s19 =	sand.u32 $0x3F0, s28  }
.LBB2_22:
0x25a: {  	p0 =	sne.s32 s18, $0x3F0  }
0x25b: {  	[tilespmem:s19+$0xF600] =	vst v9;
	s17 =	sadd.s32 $0x80, s17;
	s19 =	smov.u32 s18;
	s18 =	sadd.s32 $0x10, s18  }
.Ltmp10:
0x25c: {  	v9 =	vld [tilespmem:s17+$0x0];
	(pc) =	sbr.rel @p0 .LBB2_22-.Ltmp10, $2  }
0x25d: {  	_ =	sdelay $0x2  }
0x25e: {  	s19 =	sand.u32 $0x3F0, s19  }
0x25f: {  	[tilespmem:s19+$0xF600] =	vst v9;
	s28 =	simm.s32 $0x0;
	s17 =	rddreg [dreg:$0xa]  }
0x260: {  	[hbm4b:s17+s28] =	stream.linear.scatter [tilespmem:s15], [sflag:$0x1], $0x400, $0x38;
	[tilespmem:$0x1BE00] =	vst v63  }
0x261: {  	_ =	swait.ge [sflag:s1], $0x400  }
0x262: {  	v9 =	vld [tilespmem:$0x1F880];
	_ =	sdelay $0x5  }
0x263: {  	[sflag:s1] =	ssyncset.done $0x0  }
0x264: {  	s17 =	simm.s32 $0xD600;
	[sflag:s1] =	ssyncadd.s32 $0xFFFFFC00  }
0x265: {  	[tilespmem:s17], [sflag:$0x1] =	stream.indirect_vreg.gather [spmem:s3], $0x10, v9, vm0, $0xb8;
	[tilespmem:$0x1BE00] =	vst v63  }
0x266: {  	_ =	swait.ge [sflag:s1], $0x100  }
0x267: {  	v9 =	vld [tilespmem:$0x1F890];
	_ =	sdelay $0x5  }
0x268: {  	[sflag:s1] =	ssyncset.done $0x0  }
0x269: {  	[sflag:s1] =	ssyncadd.s32 $0xFFFFFF00  }
0x26a: {  	[tilespmem:s12], [sflag:$0x1] =	stream.indirect_vreg.gather [spmem:s3], $0x10, v9, vm0, $0xb8;
	[tilespmem:$0x1BE00] =	vst v63  }
0x26b: {  	_ =	swait.ge [sflag:s1], $0x100  }
0x26c: {  	v9 =	vld [tilespmem:$0x1F8A0];
	_ =	sdelay $0x5  }
0x26d: {  	[sflag:s1] =	ssyncset.done $0x0  }
0x26e: {  	[sflag:s1] =	ssyncadd.s32 $0xFFFFFF00  }
0x26f: {  	[tilespmem:s13], [sflag:$0x1] =	stream.indirect_vreg.gather [spmem:s3], $0x10, v9, vm0, $0xb8;
	[tilespmem:$0x1BE00] =	vst v63  }
0x270: {  	_ =	swait.ge [sflag:s1], $0x100  }
0x271: {  	v9 =	vld [tilespmem:$0x1F8B0];
	_ =	sdelay $0x5  }
0x272: {  	[sflag:s1] =	ssyncset.done $0x0  }
0x273: {  	[sflag:s1] =	ssyncadd.s32 $0xFFFFFF00  }
0x274: {  	[tilespmem:s14], [sflag:$0x1] =	stream.indirect_vreg.gather [spmem:s3], $0x10, v9, vm0, $0xb8;
	[tilespmem:$0x1BE00] =	vst v63  }
0x275: {  	_ =	swait.ge [sflag:s1], $0x100  }
0x276: {  	[sflag:s1] =	ssyncset.done $0x0  }
0x277: {  	[sflag:s1] =	ssyncadd.s32 $0xFFFFFF00  }
0x278: {  	v9 =	vld [tilespmem:s17+$0x0];
	_ =	sdelay $0x2  }
0x279: {  	s18 =	simm.s32 $0x10;
	s19 =	sand.u32 $0x3F0, s28  }
.LBB2_24:
0x27a: {  	p0 =	sne.s32 s18, $0x3F0  }
0x27b: {  	[tilespmem:s19+$0xF600] =	vst v9;
	s17 =	sadd.s32 $0x80, s17;
	s19 =	smov.u32 s18;
	s18 =	sadd.s32 $0x10, s18  }
.Ltmp11:
0x27c: {  	v9 =	vld [tilespmem:s17+$0x0];
	(pc) =	sbr.rel @p0 .LBB2_24-.Ltmp11, $2  }
0x27d: {  	_ =	sdelay $0x2  }
0x27e: {  	s19 =	sand.u32 $0x3F0, s19  }
0x27f: {  	[tilespmem:s19+$0xF600] =	vst v9;
	s28 =	simm.s32 $0x0;
	s17 =	rddreg [dreg:$0xb]  }
0x280: {  	[hbm4b:s17+s28] =	stream.linear.scatter [tilespmem:s15], [sflag:$0x1], $0x400, $0x38;
	[tilespmem:$0x1BE00] =	vst v63  }
0x281: {  	_ =	swait.ge [sflag:s1], $0x400  }
0x282: {  	v9 =	vld [tilespmem:$0x1F8C0];
	_ =	sdelay $0x5  }
0x283: {  	[sflag:s1] =	ssyncset.done $0x0  }
0x284: {  	s17 =	simm.s32 $0xD600;
	[sflag:s1] =	ssyncadd.s32 $0xFFFFFC00  }
0x285: {  	[tilespmem:s17], [sflag:$0x1] =	stream.indirect_vreg.gather [spmem:s3], $0x10, v9, vm0, $0xb8;
	[tilespmem:$0x1BE00] =	vst v63  }
0x286: {  	_ =	swait.ge [sflag:s1], $0x100  }
0x287: {  	v9 =	vld [tilespmem:$0x1F8D0];
	_ =	sdelay $0x5  }
0x288: {  	[sflag:s1] =	ssyncset.done $0x0  }
0x289: {  	[sflag:s1] =	ssyncadd.s32 $0xFFFFFF00  }
0x28a: {  	[tilespmem:s12], [sflag:$0x1] =	stream.indirect_vreg.gather [spmem:s3], $0x10, v9, vm0, $0xb8;
	[tilespmem:$0x1BE00] =	vst v63  }
0x28b: {  	_ =	swait.ge [sflag:s1], $0x100  }
0x28c: {  	v9 =	vld [tilespmem:$0x1F8E0];
	_ =	sdelay $0x5  }
0x28d: {  	[sflag:s1] =	ssyncset.done $0x0  }
0x28e: {  	[sflag:s1] =	ssyncadd.s32 $0xFFFFFF00  }
0x28f: {  	[tilespmem:s13], [sflag:$0x1] =	stream.indirect_vreg.gather [spmem:s3], $0x10, v9, vm0, $0xb8;
	[tilespmem:$0x1BE00] =	vst v63  }
0x290: {  	_ =	swait.ge [sflag:s1], $0x100  }
0x291: {  	v9 =	vld [tilespmem:$0x1F8F0];
	_ =	sdelay $0x5  }
0x292: {  	[sflag:s1] =	ssyncset.done $0x0  }
0x293: {  	[sflag:s1] =	ssyncadd.s32 $0xFFFFFF00  }
0x294: {  	[tilespmem:s14], [sflag:$0x1] =	stream.indirect_vreg.gather [spmem:s3], $0x10, v9, vm0, $0xb8;
	[tilespmem:$0x1BE00] =	vst v63  }
0x295: {  	_ =	swait.ge [sflag:s1], $0x100  }
0x296: {  	[sflag:s1] =	ssyncset.done $0x0  }
0x297: {  	[sflag:s1] =	ssyncadd.s32 $0xFFFFFF00  }
0x298: {  	v9 =	vld [tilespmem:s17+$0x0];
	_ =	sdelay $0x2  }
0x299: {  	s18 =	simm.s32 $0x10;
	s19 =	sand.u32 $0x3F0, s28  }
.LBB2_26:
0x29a: {  	p0 =	sne.s32 s18, $0x3F0  }
0x29b: {  	[tilespmem:s19+$0xF600] =	vst v9;
	s17 =	sadd.s32 $0x80, s17;
	s19 =	smov.u32 s18;
	s18 =	sadd.s32 $0x10, s18  }
.Ltmp12:
0x29c: {  	v9 =	vld [tilespmem:s17+$0x0];
	(pc) =	sbr.rel @p0 .LBB2_26-.Ltmp12, $2  }
0x29d: {  	_ =	sdelay $0x2  }
0x29e: {  	s19 =	sand.u32 $0x3F0, s19  }
0x29f: {  	[tilespmem:s19+$0xF600] =	vst v9;
	s28 =	simm.s32 $0x0;
	s17 =	rddreg [dreg:$0xc]  }
0x2a0: {  	[hbm4b:s17+s28] =	stream.linear.scatter [tilespmem:s15], [sflag:$0x1], $0x400, $0x38;
	[tilespmem:$0x1BE00] =	vst v63  }
0x2a1: {  	_ =	swait.ge [sflag:s1], $0x400  }
0x2a2: {  	v9 =	vld [tilespmem:$0x1F900];
	_ =	sdelay $0x5  }
0x2a3: {  	[sflag:s1] =	ssyncset.done $0x0  }
0x2a4: {  	s17 =	simm.s32 $0xD600;
	[sflag:s1] =	ssyncadd.s32 $0xFFFFFC00  }
0x2a5: {  	[tilespmem:s17], [sflag:$0x1] =	stream.indirect_vreg.gather [spmem:s3], $0x10, v9, vm0, $0xb8;
	[tilespmem:$0x1BE00] =	vst v63  }
0x2a6: {  	_ =	swait.ge [sflag:s1], $0x100  }
0x2a7: {  	v9 =	vld [tilespmem:$0x1F910];
	_ =	sdelay $0x5  }
0x2a8: {  	[sflag:s1] =	ssyncset.done $0x0  }
0x2a9: {  	[sflag:s1] =	ssyncadd.s32 $0xFFFFFF00  }
0x2aa: {  	[tilespmem:s12], [sflag:$0x1] =	stream.indirect_vreg.gather [spmem:s3], $0x10, v9, vm0, $0xb8;
	[tilespmem:$0x1BE00] =	vst v63  }
0x2ab: {  	_ =	swait.ge [sflag:s1], $0x100  }
0x2ac: {  	v9 =	vld [tilespmem:$0x1F920];
	_ =	sdelay $0x5  }
0x2ad: {  	[sflag:s1] =	ssyncset.done $0x0  }
0x2ae: {  	[sflag:s1] =	ssyncadd.s32 $0xFFFFFF00  }
0x2af: {  	[tilespmem:s13], [sflag:$0x1] =	stream.indirect_vreg.gather [spmem:s3], $0x10, v9, vm0, $0xb8;
	[tilespmem:$0x1BE00] =	vst v63  }
0x2b0: {  	_ =	swait.ge [sflag:s1], $0x100  }
0x2b1: {  	v9 =	vld [tilespmem:$0x1F930];
	_ =	sdelay $0x5  }
0x2b2: {  	[sflag:s1] =	ssyncset.done $0x0  }
0x2b3: {  	[sflag:s1] =	ssyncadd.s32 $0xFFFFFF00  }
0x2b4: {  	[tilespmem:s14], [sflag:$0x1] =	stream.indirect_vreg.gather [spmem:s3], $0x10, v9, vm0, $0xb8;
	[tilespmem:$0x1BE00] =	vst v63  }
0x2b5: {  	_ =	swait.ge [sflag:s1], $0x100  }
0x2b6: {  	[sflag:s1] =	ssyncset.done $0x0  }
0x2b7: {  	[sflag:s1] =	ssyncadd.s32 $0xFFFFFF00  }
0x2b8: {  	v9 =	vld [tilespmem:s17+$0x0];
	_ =	sdelay $0x2  }
0x2b9: {  	s18 =	simm.s32 $0x10;
	s19 =	sand.u32 $0x3F0, s28  }
.LBB2_28:
0x2ba: {  	p0 =	sne.s32 s18, $0x3F0  }
0x2bb: {  	[tilespmem:s19+$0xF600] =	vst v9;
	s17 =	sadd.s32 $0x80, s17;
	s19 =	smov.u32 s18;
	s18 =	sadd.s32 $0x10, s18  }
.Ltmp13:
0x2bc: {  	v9 =	vld [tilespmem:s17+$0x0];
	(pc) =	sbr.rel @p0 .LBB2_28-.Ltmp13, $2  }
0x2bd: {  	_ =	sdelay $0x2  }
0x2be: {  	s19 =	sand.u32 $0x3F0, s19  }
0x2bf: {  	[tilespmem:s19+$0xF600] =	vst v9;
	s28 =	simm.s32 $0x0;
	s17 =	rddreg [dreg:$0xd]  }
0x2c0: {  	[hbm4b:s17+s28] =	stream.linear.scatter [tilespmem:s15], [sflag:$0x1], $0x400, $0x38;
	[tilespmem:$0x1BE00] =	vst v63  }
0x2c1: {  	_ =	swait.ge [sflag:s1], $0x400  }
0x2c2: {  	v9 =	vld [tilespmem:$0x1F940];
	_ =	sdelay $0x5  }
0x2c3: {  	[sflag:s1] =	ssyncset.done $0x0  }
0x2c4: {  	s17 =	simm.s32 $0xD600;
	[sflag:s1] =	ssyncadd.s32 $0xFFFFFC00  }
0x2c5: {  	[tilespmem:s17], [sflag:$0x1] =	stream.indirect_vreg.gather [spmem:s3], $0x10, v9, vm0, $0xb8;
	[tilespmem:$0x1BE00] =	vst v63  }
0x2c6: {  	_ =	swait.ge [sflag:s1], $0x100  }
0x2c7: {  	v9 =	vld [tilespmem:$0x1F950];
	_ =	sdelay $0x5  }
0x2c8: {  	[sflag:s1] =	ssyncset.done $0x0  }
0x2c9: {  	[sflag:s1] =	ssyncadd.s32 $0xFFFFFF00  }
0x2ca: {  	[tilespmem:s12], [sflag:$0x1] =	stream.indirect_vreg.gather [spmem:s3], $0x10, v9, vm0, $0xb8;
	[tilespmem:$0x1BE00] =	vst v63  }
0x2cb: {  	_ =	swait.ge [sflag:s1], $0x100  }
0x2cc: {  	v9 =	vld [tilespmem:$0x1F960];
	_ =	sdelay $0x5  }
0x2cd: {  	[sflag:s1] =	ssyncset.done $0x0  }
0x2ce: {  	[sflag:s1] =	ssyncadd.s32 $0xFFFFFF00  }
0x2cf: {  	[tilespmem:s13], [sflag:$0x1] =	stream.indirect_vreg.gather [spmem:s3], $0x10, v9, vm0, $0xb8;
	[tilespmem:$0x1BE00] =	vst v63  }
0x2d0: {  	_ =	swait.ge [sflag:s1], $0x100  }
0x2d1: {  	v9 =	vld [tilespmem:$0x1F970];
	_ =	sdelay $0x5  }
0x2d2: {  	[sflag:s1] =	ssyncset.done $0x0  }
0x2d3: {  	[sflag:s1] =	ssyncadd.s32 $0xFFFFFF00  }
0x2d4: {  	[tilespmem:s14], [sflag:$0x1] =	stream.indirect_vreg.gather [spmem:s3], $0x10, v9, vm0, $0xb8;
	[tilespmem:$0x1BE00] =	vst v63  }
0x2d5: {  	_ =	swait.ge [sflag:s1], $0x100  }
0x2d6: {  	[sflag:s1] =	ssyncset.done $0x0  }
0x2d7: {  	[sflag:s1] =	ssyncadd.s32 $0xFFFFFF00  }
0x2d8: {  	v9 =	vld [tilespmem:s17+$0x0];
	_ =	sdelay $0x2  }
0x2d9: {  	s18 =	simm.s32 $0x10;
	s19 =	sand.u32 $0x3F0, s28  }
.LBB2_30:
0x2da: {  	p0 =	sne.s32 s18, $0x3F0  }
0x2db: {  	[tilespmem:s19+$0xF600] =	vst v9;
	s17 =	sadd.s32 $0x80, s17;
	s19 =	smov.u32 s18;
	s18 =	sadd.s32 $0x10, s18  }
.Ltmp14:
0x2dc: {  	v9 =	vld [tilespmem:s17+$0x0];
	(pc) =	sbr.rel @p0 .LBB2_30-.Ltmp14, $2  }
0x2dd: {  	_ =	sdelay $0x2  }
0x2de: {  	s19 =	sand.u32 $0x3F0, s19  }
0x2df: {  	[tilespmem:s19+$0xF600] =	vst v9;
	s28 =	simm.s32 $0x0;
	s17 =	rddreg [dreg:$0xe]  }
0x2e0: {  	[hbm4b:s17+s28] =	stream.linear.scatter [tilespmem:s15], [sflag:$0x1], $0x400, $0x38;
	[tilespmem:$0x1BE00] =	vst v63  }
0x2e1: {  	_ =	swait.ge [sflag:s1], $0x400  }
0x2e2: {  	v9 =	vld [tilespmem:$0x1F980];
	_ =	sdelay $0x5  }
0x2e3: {  	[sflag:s1] =	ssyncset.done $0x0  }
0x2e4: {  	s17 =	simm.s32 $0xD600;
	[sflag:s1] =	ssyncadd.s32 $0xFFFFFC00  }
0x2e5: {  	[tilespmem:s17], [sflag:$0x1] =	stream.indirect_vreg.gather [spmem:s3], $0x10, v9, vm0, $0xb8;
	[tilespmem:$0x1BE00] =	vst v63  }
0x2e6: {  	_ =	swait.ge [sflag:s1], $0x100  }
0x2e7: {  	v9 =	vld [tilespmem:$0x1F990];
	_ =	sdelay $0x5  }
0x2e8: {  	[sflag:s1] =	ssyncset.done $0x0  }
0x2e9: {  	[sflag:s1] =	ssyncadd.s32 $0xFFFFFF00  }
0x2ea: {  	[tilespmem:s12], [sflag:$0x1] =	stream.indirect_vreg.gather [spmem:s3], $0x10, v9, vm0, $0xb8;
	[tilespmem:$0x1BE00] =	vst v63  }
0x2eb: {  	_ =	swait.ge [sflag:s1], $0x100  }
0x2ec: {  	v9 =	vld [tilespmem:$0x1F9A0];
	_ =	sdelay $0x5  }
0x2ed: {  	[sflag:s1] =	ssyncset.done $0x0  }
0x2ee: {  	[sflag:s1] =	ssyncadd.s32 $0xFFFFFF00  }
0x2ef: {  	[tilespmem:s13], [sflag:$0x1] =	stream.indirect_vreg.gather [spmem:s3], $0x10, v9, vm0, $0xb8;
	[tilespmem:$0x1BE00] =	vst v63  }
0x2f0: {  	_ =	swait.ge [sflag:s1], $0x100  }
0x2f1: {  	v9 =	vld [tilespmem:$0x1F9B0];
	_ =	sdelay $0x5  }
0x2f2: {  	[sflag:s1] =	ssyncset.done $0x0  }
0x2f3: {  	[sflag:s1] =	ssyncadd.s32 $0xFFFFFF00  }
0x2f4: {  	[tilespmem:s14], [sflag:$0x1] =	stream.indirect_vreg.gather [spmem:s3], $0x10, v9, vm0, $0xb8;
	[tilespmem:$0x1BE00] =	vst v63  }
0x2f5: {  	_ =	swait.ge [sflag:s1], $0x100  }
0x2f6: {  	[sflag:s1] =	ssyncset.done $0x0  }
0x2f7: {  	[sflag:s1] =	ssyncadd.s32 $0xFFFFFF00  }
0x2f8: {  	v9 =	vld [tilespmem:s17+$0x0];
	_ =	sdelay $0x2  }
0x2f9: {  	s18 =	simm.s32 $0x10;
	s19 =	sand.u32 $0x3F0, s28  }
.LBB2_32:
0x2fa: {  	p0 =	sne.s32 s18, $0x3F0  }
0x2fb: {  	[tilespmem:s19+$0xF600] =	vst v9;
	s17 =	sadd.s32 $0x80, s17;
	s19 =	smov.u32 s18;
	s18 =	sadd.s32 $0x10, s18  }
.Ltmp15:
0x2fc: {  	v9 =	vld [tilespmem:s17+$0x0];
	(pc) =	sbr.rel @p0 .LBB2_32-.Ltmp15, $2  }
0x2fd: {  	_ =	sdelay $0x2  }
0x2fe: {  	s19 =	sand.u32 $0x3F0, s19  }
0x2ff: {  	[tilespmem:s19+$0xF600] =	vst v9;
	s28 =	simm.s32 $0x0;
	s17 =	rddreg [dreg:$0xf]  }
0x300: {  	[hbm4b:s17+s28] =	stream.linear.scatter [tilespmem:s15], [sflag:$0x1], $0x400, $0x38;
	[tilespmem:$0x1BE00] =	vst v63  }
0x301: {  	_ =	swait.ge [sflag:s1], $0x400  }
0x302: {  	v9 =	vld [tilespmem:$0x1F9C0];
	_ =	sdelay $0x5  }
0x303: {  	[sflag:s1] =	ssyncset.done $0x0  }
0x304: {  	s17 =	simm.s32 $0xD600;
	[sflag:s1] =	ssyncadd.s32 $0xFFFFFC00  }
0x305: {  	[tilespmem:s17], [sflag:$0x1] =	stream.indirect_vreg.gather [spmem:s3], $0x10, v9, vm0, $0xb8;
	[tilespmem:$0x1BE00] =	vst v63  }
0x306: {  	_ =	swait.ge [sflag:s1], $0x100  }
0x307: {  	v9 =	vld [tilespmem:$0x1F9D0];
	_ =	sdelay $0x5  }
0x308: {  	[sflag:s1] =	ssyncset.done $0x0  }
0x309: {  	[sflag:s1] =	ssyncadd.s32 $0xFFFFFF00  }
0x30a: {  	[tilespmem:s12], [sflag:$0x1] =	stream.indirect_vreg.gather [spmem:s3], $0x10, v9, vm0, $0xb8;
	[tilespmem:$0x1BE00] =	vst v63  }
0x30b: {  	_ =	swait.ge [sflag:s1], $0x100  }
0x30c: {  	v9 =	vld [tilespmem:$0x1F9E0];
	_ =	sdelay $0x5  }
0x30d: {  	[sflag:s1] =	ssyncset.done $0x0  }
0x30e: {  	[sflag:s1] =	ssyncadd.s32 $0xFFFFFF00  }
0x30f: {  	[tilespmem:s13], [sflag:$0x1] =	stream.indirect_vreg.gather [spmem:s3], $0x10, v9, vm0, $0xb8;
	[tilespmem:$0x1BE00] =	vst v63  }
0x310: {  	_ =	swait.ge [sflag:s1], $0x100  }
0x311: {  	v9 =	vld [tilespmem:$0x1F9F0];
	_ =	sdelay $0x5  }
0x312: {  	[sflag:s1] =	ssyncset.done $0x0  }
0x313: {  	[sflag:s1] =	ssyncadd.s32 $0xFFFFFF00  }
0x314: {  	[tilespmem:s14], [sflag:$0x1] =	stream.indirect_vreg.gather [spmem:s3], $0x10, v9, vm0, $0xb8;
	[tilespmem:$0x1BE00] =	vst v63  }
0x315: {  	_ =	swait.ge [sflag:s1], $0x100  }
0x316: {  	[sflag:s1] =	ssyncset.done $0x0  }
0x317: {  	[sflag:s1] =	ssyncadd.s32 $0xFFFFFF00  }
0x318: {  	v9 =	vld [tilespmem:s17+$0x0];
	_ =	sdelay $0x2  }
0x319: {  	s18 =	simm.s32 $0x10;
	s19 =	sand.u32 $0x3F0, s28  }
.LBB2_34:
0x31a: {  	p0 =	sne.s32 s18, $0x3F0  }
0x31b: {  	[tilespmem:s19+$0xF600] =	vst v9;
	s17 =	sadd.s32 $0x80, s17;
	s19 =	smov.u32 s18;
	s18 =	sadd.s32 $0x10, s18  }
.Ltmp16:
0x31c: {  	v9 =	vld [tilespmem:s17+$0x0];
	(pc) =	sbr.rel @p0 .LBB2_34-.Ltmp16, $2  }
0x31d: {  	_ =	sdelay $0x2  }
0x31e: {  	s19 =	sand.u32 $0x3F0, s19  }
0x31f: {  	[tilespmem:s19+$0xF600] =	vst v9;
	s28 =	simm.s32 $0x0;
	s17 =	rddreg [dreg:$0x10]  }
0x320: {  	[hbm4b:s17+s28] =	stream.linear.scatter [tilespmem:s15], [sflag:$0x1], $0x400, $0x38;
	[tilespmem:$0x1BE00] =	vst v63  }
0x321: {  	_ =	swait.ge [sflag:s1], $0x400  }
0x322: {  	v9 =	vld [tilespmem:$0x1FA00];
	_ =	sdelay $0x5  }
0x323: {  	[sflag:s1] =	ssyncset.done $0x0  }
0x324: {  	s17 =	simm.s32 $0xD600;
	[sflag:s1] =	ssyncadd.s32 $0xFFFFFC00  }
0x325: {  	[tilespmem:s17], [sflag:$0x1] =	stream.indirect_vreg.gather [spmem:s3], $0x10, v9, vm0, $0xb8;
	[tilespmem:$0x1BE00] =	vst v63  }
0x326: {  	_ =	swait.ge [sflag:s1], $0x100  }
0x327: {  	v9 =	vld [tilespmem:$0x1FA10];
	_ =	sdelay $0x5  }
0x328: {  	[sflag:s1] =	ssyncset.done $0x0  }
0x329: {  	[sflag:s1] =	ssyncadd.s32 $0xFFFFFF00  }
0x32a: {  	[tilespmem:s12], [sflag:$0x1] =	stream.indirect_vreg.gather [spmem:s3], $0x10, v9, vm0, $0xb8;
	[tilespmem:$0x1BE00] =	vst v63  }
0x32b: {  	_ =	swait.ge [sflag:s1], $0x100  }
0x32c: {  	v9 =	vld [tilespmem:$0x1FA20];
	_ =	sdelay $0x5  }
0x32d: {  	[sflag:s1] =	ssyncset.done $0x0  }
0x32e: {  	[sflag:s1] =	ssyncadd.s32 $0xFFFFFF00  }
0x32f: {  	[tilespmem:s13], [sflag:$0x1] =	stream.indirect_vreg.gather [spmem:s3], $0x10, v9, vm0, $0xb8;
	[tilespmem:$0x1BE00] =	vst v63  }
0x330: {  	_ =	swait.ge [sflag:s1], $0x100  }
0x331: {  	v9 =	vld [tilespmem:$0x1FA30];
	_ =	sdelay $0x5  }
0x332: {  	[sflag:s1] =	ssyncset.done $0x0  }
0x333: {  	[sflag:s1] =	ssyncadd.s32 $0xFFFFFF00  }
0x334: {  	[tilespmem:s14], [sflag:$0x1] =	stream.indirect_vreg.gather [spmem:s3], $0x10, v9, vm0, $0xb8;
	[tilespmem:$0x1BE00] =	vst v63  }
0x335: {  	_ =	swait.ge [sflag:s1], $0x100  }
0x336: {  	[sflag:s1] =	ssyncset.done $0x0  }
0x337: {  	[sflag:s1] =	ssyncadd.s32 $0xFFFFFF00  }
0x338: {  	v9 =	vld [tilespmem:s17+$0x0];
	_ =	sdelay $0x2  }
0x339: {  	s18 =	simm.s32 $0x10;
	s19 =	sand.u32 $0x3F0, s28  }
.LBB2_36:
0x33a: {  	p0 =	sne.s32 s18, $0x3F0  }
0x33b: {  	[tilespmem:s19+$0xF600] =	vst v9;
	s17 =	sadd.s32 $0x80, s17;
	s19 =	smov.u32 s18;
	s18 =	sadd.s32 $0x10, s18  }
.Ltmp17:
0x33c: {  	v9 =	vld [tilespmem:s17+$0x0];
	(pc) =	sbr.rel @p0 .LBB2_36-.Ltmp17, $2  }
0x33d: {  	_ =	sdelay $0x2  }
0x33e: {  	s19 =	sand.u32 $0x3F0, s19  }
0x33f: {  	[tilespmem:s19+$0xF600] =	vst v9;
	s28 =	simm.s32 $0x0;
	s17 =	rddreg [dreg:$0x11]  }
0x340: {  	[hbm4b:s17+s28] =	stream.linear.scatter [tilespmem:s15], [sflag:$0x1], $0x400, $0x38;
	[tilespmem:$0x1BE00] =	vst v63  }
0x341: {  	_ =	swait.ge [sflag:s1], $0x400  }
0x342: {  	v9 =	vld [tilespmem:$0x1FA40];
	_ =	sdelay $0x5  }
0x343: {  	[sflag:s1] =	ssyncset.done $0x0  }
0x344: {  	s17 =	simm.s32 $0xD600;
	[sflag:s1] =	ssyncadd.s32 $0xFFFFFC00  }
0x345: {  	[tilespmem:s17], [sflag:$0x1] =	stream.indirect_vreg.gather [spmem:s3], $0x10, v9, vm0, $0xb8;
	[tilespmem:$0x1BE00] =	vst v63  }
0x346: {  	_ =	swait.ge [sflag:s1], $0x100  }
0x347: {  	v9 =	vld [tilespmem:$0x1FA50];
	_ =	sdelay $0x5  }
0x348: {  	[sflag:s1] =	ssyncset.done $0x0  }
0x349: {  	[sflag:s1] =	ssyncadd.s32 $0xFFFFFF00  }
0x34a: {  	[tilespmem:s12], [sflag:$0x1] =	stream.indirect_vreg.gather [spmem:s3], $0x10, v9, vm0, $0xb8;
	[tilespmem:$0x1BE00] =	vst v63  }
0x34b: {  	_ =	swait.ge [sflag:s1], $0x100  }
0x34c: {  	v9 =	vld [tilespmem:$0x1FA60];
	_ =	sdelay $0x5  }
0x34d: {  	[sflag:s1] =	ssyncset.done $0x0  }
0x34e: {  	[sflag:s1] =	ssyncadd.s32 $0xFFFFFF00  }
0x34f: {  	[tilespmem:s13], [sflag:$0x1] =	stream.indirect_vreg.gather [spmem:s3], $0x10, v9, vm0, $0xb8;
	[tilespmem:$0x1BE00] =	vst v63  }
0x350: {  	_ =	swait.ge [sflag:s1], $0x100  }
0x351: {  	v9 =	vld [tilespmem:$0x1FA70];
	_ =	sdelay $0x5  }
0x352: {  	[sflag:s1] =	ssyncset.done $0x0  }
0x353: {  	[sflag:s1] =	ssyncadd.s32 $0xFFFFFF00  }
0x354: {  	[tilespmem:s14], [sflag:$0x1] =	stream.indirect_vreg.gather [spmem:s3], $0x10, v9, vm0, $0xb8;
	[tilespmem:$0x1BE00] =	vst v63  }
0x355: {  	_ =	swait.ge [sflag:s1], $0x100  }
0x356: {  	[sflag:s1] =	ssyncset.done $0x0  }
0x357: {  	[sflag:s1] =	ssyncadd.s32 $0xFFFFFF00  }
0x358: {  	v9 =	vld [tilespmem:s17+$0x0];
	_ =	sdelay $0x2  }
0x359: {  	s18 =	simm.s32 $0x10;
	s19 =	sand.u32 $0x3F0, s28  }
.LBB2_38:
0x35a: {  	p0 =	sne.s32 s18, $0x3F0  }
0x35b: {  	[tilespmem:s19+$0xF600] =	vst v9;
	s17 =	sadd.s32 $0x80, s17;
	s19 =	smov.u32 s18;
	s18 =	sadd.s32 $0x10, s18  }
.Ltmp18:
0x35c: {  	v9 =	vld [tilespmem:s17+$0x0];
	(pc) =	sbr.rel @p0 .LBB2_38-.Ltmp18, $2  }
0x35d: {  	_ =	sdelay $0x2  }
0x35e: {  	s19 =	sand.u32 $0x3F0, s19  }
0x35f: {  	[tilespmem:s19+$0xF600] =	vst v9;
	s28 =	simm.s32 $0x0;
	s17 =	rddreg [dreg:$0x12]  }
0x360: {  	[hbm4b:s17+s28] =	stream.linear.scatter [tilespmem:s15], [sflag:$0x1], $0x400, $0x38;
	[tilespmem:$0x1BE00] =	vst v63  }
0x361: {  	_ =	swait.ge [sflag:s1], $0x400  }
0x362: {  	v9 =	vld [tilespmem:$0x1FA80];
	_ =	sdelay $0x5  }
0x363: {  	[sflag:s1] =	ssyncset.done $0x0  }
0x364: {  	s17 =	simm.s32 $0xD600;
	[sflag:s1] =	ssyncadd.s32 $0xFFFFFC00  }
0x365: {  	[tilespmem:s17], [sflag:$0x1] =	stream.indirect_vreg.gather [spmem:s3], $0x10, v9, vm0, $0xb8;
	[tilespmem:$0x1BE00] =	vst v63  }
0x366: {  	_ =	swait.ge [sflag:s1], $0x100  }
0x367: {  	v9 =	vld [tilespmem:$0x1FA90];
	_ =	sdelay $0x5  }
0x368: {  	[sflag:s1] =	ssyncset.done $0x0  }
0x369: {  	[sflag:s1] =	ssyncadd.s32 $0xFFFFFF00  }
0x36a: {  	[tilespmem:s12], [sflag:$0x1] =	stream.indirect_vreg.gather [spmem:s3], $0x10, v9, vm0, $0xb8;
	[tilespmem:$0x1BE00] =	vst v63  }
0x36b: {  	_ =	swait.ge [sflag:s1], $0x100  }
0x36c: {  	v9 =	vld [tilespmem:$0x1FAA0];
	_ =	sdelay $0x5  }
0x36d: {  	[sflag:s1] =	ssyncset.done $0x0  }
0x36e: {  	[sflag:s1] =	ssyncadd.s32 $0xFFFFFF00  }
0x36f: {  	[tilespmem:s13], [sflag:$0x1] =	stream.indirect_vreg.gather [spmem:s3], $0x10, v9, vm0, $0xb8;
	[tilespmem:$0x1BE00] =	vst v63  }
0x370: {  	_ =	swait.ge [sflag:s1], $0x100  }
0x371: {  	v9 =	vld [tilespmem:$0x1FAB0];
	_ =	sdelay $0x5  }
0x372: {  	[sflag:s1] =	ssyncset.done $0x0  }
0x373: {  	[sflag:s1] =	ssyncadd.s32 $0xFFFFFF00  }
0x374: {  	[tilespmem:s14], [sflag:$0x1] =	stream.indirect_vreg.gather [spmem:s3], $0x10, v9, vm0, $0xb8;
	[tilespmem:$0x1BE00] =	vst v63  }
0x375: {  	_ =	swait.ge [sflag:s1], $0x100  }
0x376: {  	[sflag:s1] =	ssyncset.done $0x0  }
0x377: {  	[sflag:s1] =	ssyncadd.s32 $0xFFFFFF00  }
0x378: {  	v9 =	vld [tilespmem:s17+$0x0];
	_ =	sdelay $0x2  }
0x379: {  	s18 =	simm.s32 $0x10;
	s19 =	sand.u32 $0x3F0, s28  }
.LBB2_40:
0x37a: {  	p0 =	sne.s32 s18, $0x3F0  }
0x37b: {  	[tilespmem:s19+$0xF600] =	vst v9;
	s17 =	sadd.s32 $0x80, s17;
	s19 =	smov.u32 s18;
	s18 =	sadd.s32 $0x10, s18  }
.Ltmp19:
0x37c: {  	v9 =	vld [tilespmem:s17+$0x0];
	(pc) =	sbr.rel @p0 .LBB2_40-.Ltmp19, $2  }
0x37d: {  	_ =	sdelay $0x2  }
0x37e: {  	s19 =	sand.u32 $0x3F0, s19  }
0x37f: {  	[tilespmem:s19+$0xF600] =	vst v9;
	s28 =	simm.s32 $0x0;
	s17 =	rddreg [dreg:$0x13]  }
0x380: {  	[hbm4b:s17+s28] =	stream.linear.scatter [tilespmem:s15], [sflag:$0x1], $0x400, $0x38;
	[tilespmem:$0x1BE00] =	vst v63  }
0x381: {  	_ =	swait.ge [sflag:s1], $0x400  }
0x382: {  	v9 =	vld [tilespmem:$0x1FAC0];
	_ =	sdelay $0x5  }
0x383: {  	[sflag:s1] =	ssyncset.done $0x0  }
0x384: {  	s17 =	simm.s32 $0xD600;
	[sflag:s1] =	ssyncadd.s32 $0xFFFFFC00  }
0x385: {  	[tilespmem:s17], [sflag:$0x1] =	stream.indirect_vreg.gather [spmem:s3], $0x10, v9, vm0, $0xb8;
	[tilespmem:$0x1BE00] =	vst v63  }
0x386: {  	_ =	swait.ge [sflag:s1], $0x100  }
0x387: {  	v9 =	vld [tilespmem:$0x1FAD0];
	_ =	sdelay $0x5  }
0x388: {  	[sflag:s1] =	ssyncset.done $0x0  }
0x389: {  	[sflag:s1] =	ssyncadd.s32 $0xFFFFFF00  }
0x38a: {  	[tilespmem:s12], [sflag:$0x1] =	stream.indirect_vreg.gather [spmem:s3], $0x10, v9, vm0, $0xb8;
	[tilespmem:$0x1BE00] =	vst v63  }
0x38b: {  	_ =	swait.ge [sflag:s1], $0x100  }
0x38c: {  	v9 =	vld [tilespmem:$0x1FAE0];
	_ =	sdelay $0x5  }
0x38d: {  	[sflag:s1] =	ssyncset.done $0x0  }
0x38e: {  	[sflag:s1] =	ssyncadd.s32 $0xFFFFFF00  }
0x38f: {  	[tilespmem:s13], [sflag:$0x1] =	stream.indirect_vreg.gather [spmem:s3], $0x10, v9, vm0, $0xb8;
	[tilespmem:$0x1BE00] =	vst v63  }
0x390: {  	_ =	swait.ge [sflag:s1], $0x100  }
0x391: {  	v9 =	vld [tilespmem:$0x1FAF0];
	_ =	sdelay $0x5  }
0x392: {  	[sflag:s1] =	ssyncset.done $0x0  }
0x393: {  	[sflag:s1] =	ssyncadd.s32 $0xFFFFFF00  }
0x394: {  	[tilespmem:s14], [sflag:$0x1] =	stream.indirect_vreg.gather [spmem:s3], $0x10, v9, vm0, $0xb8;
	[tilespmem:$0x1BE00] =	vst v63  }
0x395: {  	_ =	swait.ge [sflag:s1], $0x100  }
0x396: {  	[sflag:s1] =	ssyncset.done $0x0  }
0x397: {  	[sflag:s1] =	ssyncadd.s32 $0xFFFFFF00  }
0x398: {  	v9 =	vld [tilespmem:s17+$0x0];
	_ =	sdelay $0x2  }
0x399: {  	s18 =	simm.s32 $0x10;
	s19 =	sand.u32 $0x3F0, s28  }
.LBB2_42:
0x39a: {  	p0 =	sne.s32 s18, $0x3F0  }
0x39b: {  	[tilespmem:s19+$0xF600] =	vst v9;
	s17 =	sadd.s32 $0x80, s17;
	s19 =	smov.u32 s18;
	s18 =	sadd.s32 $0x10, s18  }
.Ltmp20:
0x39c: {  	v9 =	vld [tilespmem:s17+$0x0];
	(pc) =	sbr.rel @p0 .LBB2_42-.Ltmp20, $2  }
0x39d: {  	_ =	sdelay $0x2  }
0x39e: {  	s19 =	sand.u32 $0x3F0, s19  }
0x39f: {  	[tilespmem:s19+$0xF600] =	vst v9;
	s28 =	simm.s32 $0x0;
	s17 =	rddreg [dreg:$0x14]  }
0x3a0: {  	[hbm4b:s17+s28] =	stream.linear.scatter [tilespmem:s15], [sflag:$0x1], $0x400, $0x38;
	[tilespmem:$0x1BE00] =	vst v63  }
0x3a1: {  	_ =	swait.ge [sflag:s1], $0x400  }
0x3a2: {  	v9 =	vld [tilespmem:$0x1FB00];
	_ =	sdelay $0x5  }
0x3a3: {  	[sflag:s1] =	ssyncset.done $0x0  }
0x3a4: {  	s17 =	simm.s32 $0xD600;
	[sflag:s1] =	ssyncadd.s32 $0xFFFFFC00  }
0x3a5: {  	[tilespmem:s17], [sflag:$0x1] =	stream.indirect_vreg.gather [spmem:s3], $0x10, v9, vm0, $0xb8;
	[tilespmem:$0x1BE00] =	vst v63  }
0x3a6: {  	_ =	swait.ge [sflag:s1], $0x100  }
0x3a7: {  	v9 =	vld [tilespmem:$0x1FB10];
	_ =	sdelay $0x5  }
0x3a8: {  	[sflag:s1] =	ssyncset.done $0x0  }
0x3a9: {  	[sflag:s1] =	ssyncadd.s32 $0xFFFFFF00  }
0x3aa: {  	[tilespmem:s12], [sflag:$0x1] =	stream.indirect_vreg.gather [spmem:s3], $0x10, v9, vm0, $0xb8;
	[tilespmem:$0x1BE00] =	vst v63  }
0x3ab: {  	_ =	swait.ge [sflag:s1], $0x100  }
0x3ac: {  	v9 =	vld [tilespmem:$0x1FB20];
	_ =	sdelay $0x5  }
0x3ad: {  	[sflag:s1] =	ssyncset.done $0x0  }
0x3ae: {  	[sflag:s1] =	ssyncadd.s32 $0xFFFFFF00  }
0x3af: {  	[tilespmem:s13], [sflag:$0x1] =	stream.indirect_vreg.gather [spmem:s3], $0x10, v9, vm0, $0xb8;
	[tilespmem:$0x1BE00] =	vst v63  }
0x3b0: {  	_ =	swait.ge [sflag:s1], $0x100  }
0x3b1: {  	v9 =	vld [tilespmem:$0x1FB30];
	_ =	sdelay $0x5  }
0x3b2: {  	[sflag:s1] =	ssyncset.done $0x0  }
0x3b3: {  	[sflag:s1] =	ssyncadd.s32 $0xFFFFFF00  }
0x3b4: {  	[tilespmem:s14], [sflag:$0x1] =	stream.indirect_vreg.gather [spmem:s3], $0x10, v9, vm0, $0xb8;
	[tilespmem:$0x1BE00] =	vst v63  }
0x3b5: {  	_ =	swait.ge [sflag:s1], $0x100  }
0x3b6: {  	[sflag:s1] =	ssyncset.done $0x0  }
0x3b7: {  	[sflag:s1] =	ssyncadd.s32 $0xFFFFFF00  }
0x3b8: {  	v9 =	vld [tilespmem:s17+$0x0];
	_ =	sdelay $0x2  }
0x3b9: {  	s18 =	simm.s32 $0x10;
	s19 =	sand.u32 $0x3F0, s28  }
.LBB2_44:
0x3ba: {  	p0 =	sne.s32 s18, $0x3F0  }
0x3bb: {  	[tilespmem:s19+$0xF600] =	vst v9;
	s17 =	sadd.s32 $0x80, s17;
	s19 =	smov.u32 s18;
	s18 =	sadd.s32 $0x10, s18  }
.Ltmp21:
0x3bc: {  	v9 =	vld [tilespmem:s17+$0x0];
	(pc) =	sbr.rel @p0 .LBB2_44-.Ltmp21, $2  }
0x3bd: {  	_ =	sdelay $0x2  }
0x3be: {  	s19 =	sand.u32 $0x3F0, s19  }
0x3bf: {  	[tilespmem:s19+$0xF600] =	vst v9;
	s28 =	simm.s32 $0x0;
	s17 =	rddreg [dreg:$0x15]  }
0x3c0: {  	[hbm4b:s17+s28] =	stream.linear.scatter [tilespmem:s15], [sflag:$0x1], $0x400, $0x38;
	[tilespmem:$0x1BE00] =	vst v63  }
0x3c1: {  	_ =	swait.ge [sflag:s1], $0x400  }
0x3c2: {  	v9 =	vld [tilespmem:$0x1FB40];
	_ =	sdelay $0x5  }
0x3c3: {  	[sflag:s1] =	ssyncset.done $0x0  }
0x3c4: {  	s17 =	simm.s32 $0xD600;
	[sflag:s1] =	ssyncadd.s32 $0xFFFFFC00  }
0x3c5: {  	[tilespmem:s17], [sflag:$0x1] =	stream.indirect_vreg.gather [spmem:s3], $0x10, v9, vm0, $0xb8;
	[tilespmem:$0x1BE00] =	vst v63  }
0x3c6: {  	_ =	swait.ge [sflag:s1], $0x100  }
0x3c7: {  	v9 =	vld [tilespmem:$0x1FB50];
	_ =	sdelay $0x5  }
0x3c8: {  	[sflag:s1] =	ssyncset.done $0x0  }
0x3c9: {  	[sflag:s1] =	ssyncadd.s32 $0xFFFFFF00  }
0x3ca: {  	[tilespmem:s12], [sflag:$0x1] =	stream.indirect_vreg.gather [spmem:s3], $0x10, v9, vm0, $0xb8;
	[tilespmem:$0x1BE00] =	vst v63  }
0x3cb: {  	_ =	swait.ge [sflag:s1], $0x100  }
0x3cc: {  	v9 =	vld [tilespmem:$0x1FB60];
	_ =	sdelay $0x5  }
0x3cd: {  	[sflag:s1] =	ssyncset.done $0x0  }
0x3ce: {  	[sflag:s1] =	ssyncadd.s32 $0xFFFFFF00  }
0x3cf: {  	[tilespmem:s13], [sflag:$0x1] =	stream.indirect_vreg.gather [spmem:s3], $0x10, v9, vm0, $0xb8;
	[tilespmem:$0x1BE00] =	vst v63  }
0x3d0: {  	_ =	swait.ge [sflag:s1], $0x100  }
0x3d1: {  	v9 =	vld [tilespmem:$0x1FB70];
	_ =	sdelay $0x5  }
0x3d2: {  	[sflag:s1] =	ssyncset.done $0x0  }
0x3d3: {  	[sflag:s1] =	ssyncadd.s32 $0xFFFFFF00  }
0x3d4: {  	[tilespmem:s14], [sflag:$0x1] =	stream.indirect_vreg.gather [spmem:s3], $0x10, v9, vm0, $0xb8;
	[tilespmem:$0x1BE00] =	vst v63  }
0x3d5: {  	_ =	swait.ge [sflag:s1], $0x100  }
0x3d6: {  	[sflag:s1] =	ssyncset.done $0x0  }
0x3d7: {  	[sflag:s1] =	ssyncadd.s32 $0xFFFFFF00  }
0x3d8: {  	v9 =	vld [tilespmem:s17+$0x0];
	_ =	sdelay $0x2  }
0x3d9: {  	s18 =	simm.s32 $0x10;
	s19 =	sand.u32 $0x3F0, s28  }
.LBB2_46:
0x3da: {  	p0 =	sne.s32 s18, $0x3F0  }
0x3db: {  	[tilespmem:s19+$0xF600] =	vst v9;
	s17 =	sadd.s32 $0x80, s17;
	s19 =	smov.u32 s18;
	s18 =	sadd.s32 $0x10, s18  }
.Ltmp22:
0x3dc: {  	v9 =	vld [tilespmem:s17+$0x0];
	(pc) =	sbr.rel @p0 .LBB2_46-.Ltmp22, $2  }
0x3dd: {  	_ =	sdelay $0x2  }
0x3de: {  	s19 =	sand.u32 $0x3F0, s19  }
0x3df: {  	[tilespmem:s19+$0xF600] =	vst v9;
	s28 =	simm.s32 $0x0;
	s17 =	rddreg [dreg:$0x16]  }
0x3e0: {  	[hbm4b:s17+s28] =	stream.linear.scatter [tilespmem:s15], [sflag:$0x1], $0x400, $0x38;
	[tilespmem:$0x1BE00] =	vst v63  }
0x3e1: {  	_ =	swait.ge [sflag:s1], $0x400  }
0x3e2: {  	v9 =	vld [tilespmem:$0x1FB80];
	_ =	sdelay $0x5  }
0x3e3: {  	[sflag:s1] =	ssyncset.done $0x0  }
0x3e4: {  	s17 =	simm.s32 $0xD600;
	[sflag:s1] =	ssyncadd.s32 $0xFFFFFC00  }
0x3e5: {  	[tilespmem:s17], [sflag:$0x1] =	stream.indirect_vreg.gather [spmem:s3], $0x10, v9, vm0, $0xb8;
	[tilespmem:$0x1BE00] =	vst v63  }
0x3e6: {  	_ =	swait.ge [sflag:s1], $0x100  }
0x3e7: {  	v9 =	vld [tilespmem:$0x1FB90];
	_ =	sdelay $0x5  }
0x3e8: {  	[sflag:s1] =	ssyncset.done $0x0  }
0x3e9: {  	[sflag:s1] =	ssyncadd.s32 $0xFFFFFF00  }
0x3ea: {  	[tilespmem:s12], [sflag:$0x1] =	stream.indirect_vreg.gather [spmem:s3], $0x10, v9, vm0, $0xb8;
	[tilespmem:$0x1BE00] =	vst v63  }
0x3eb: {  	_ =	swait.ge [sflag:s1], $0x100  }
0x3ec: {  	v9 =	vld [tilespmem:$0x1FBA0];
	_ =	sdelay $0x5  }
0x3ed: {  	[sflag:s1] =	ssyncset.done $0x0  }
0x3ee: {  	[sflag:s1] =	ssyncadd.s32 $0xFFFFFF00  }
0x3ef: {  	[tilespmem:s13], [sflag:$0x1] =	stream.indirect_vreg.gather [spmem:s3], $0x10, v9, vm0, $0xb8;
	[tilespmem:$0x1BE00] =	vst v63  }
0x3f0: {  	_ =	swait.ge [sflag:s1], $0x100  }
0x3f1: {  	v9 =	vld [tilespmem:$0x1FBB0];
	_ =	sdelay $0x5  }
0x3f2: {  	[sflag:s1] =	ssyncset.done $0x0  }
0x3f3: {  	[sflag:s1] =	ssyncadd.s32 $0xFFFFFF00  }
0x3f4: {  	[tilespmem:s14], [sflag:$0x1] =	stream.indirect_vreg.gather [spmem:s3], $0x10, v9, vm0, $0xb8;
	[tilespmem:$0x1BE00] =	vst v63  }
0x3f5: {  	_ =	swait.ge [sflag:s1], $0x100  }
0x3f6: {  	[sflag:s1] =	ssyncset.done $0x0  }
0x3f7: {  	[sflag:s1] =	ssyncadd.s32 $0xFFFFFF00  }
0x3f8: {  	v9 =	vld [tilespmem:s17+$0x0];
	_ =	sdelay $0x2  }
0x3f9: {  	s18 =	simm.s32 $0x10;
	s19 =	sand.u32 $0x3F0, s28  }
.LBB2_48:
0x3fa: {  	p0 =	sne.s32 s18, $0x3F0  }
0x3fb: {  	[tilespmem:s19+$0xF600] =	vst v9;
	s17 =	sadd.s32 $0x80, s17;
	s19 =	smov.u32 s18;
	s18 =	sadd.s32 $0x10, s18  }
.Ltmp23:
0x3fc: {  	v9 =	vld [tilespmem:s17+$0x0];
	(pc) =	sbr.rel @p0 .LBB2_48-.Ltmp23, $2  }
0x3fd: {  	_ =	sdelay $0x2  }
0x3fe: {  	s19 =	sand.u32 $0x3F0, s19  }
0x3ff: {  	[tilespmem:s19+$0xF600] =	vst v9;
	s28 =	simm.s32 $0x0;
	s17 =	rddreg [dreg:$0x17]  }
0x400: {  	[hbm4b:s17+s28] =	stream.linear.scatter [tilespmem:s15], [sflag:$0x1], $0x400, $0x38;
	[tilespmem:$0x1BE00] =	vst v63  }
0x401: {  	_ =	swait.ge [sflag:s1], $0x400  }
0x402: {  	v9 =	vld [tilespmem:$0x1FBC0];
	_ =	sdelay $0x5  }
0x403: {  	[sflag:s1] =	ssyncset.done $0x0  }
0x404: {  	s17 =	simm.s32 $0xD600;
	[sflag:s1] =	ssyncadd.s32 $0xFFFFFC00  }
0x405: {  	[tilespmem:s17], [sflag:$0x1] =	stream.indirect_vreg.gather [spmem:s3], $0x10, v9, vm0, $0xb8;
	[tilespmem:$0x1BE00] =	vst v63  }
0x406: {  	_ =	swait.ge [sflag:s1], $0x100  }
0x407: {  	v9 =	vld [tilespmem:$0x1FBD0];
	_ =	sdelay $0x5  }
0x408: {  	[sflag:s1] =	ssyncset.done $0x0  }
0x409: {  	[sflag:s1] =	ssyncadd.s32 $0xFFFFFF00  }
0x40a: {  	[tilespmem:s12], [sflag:$0x1] =	stream.indirect_vreg.gather [spmem:s3], $0x10, v9, vm0, $0xb8;
	[tilespmem:$0x1BE00] =	vst v63  }
0x40b: {  	_ =	swait.ge [sflag:s1], $0x100  }
0x40c: {  	v9 =	vld [tilespmem:$0x1FBE0];
	_ =	sdelay $0x5  }
0x40d: {  	[sflag:s1] =	ssyncset.done $0x0  }
0x40e: {  	[sflag:s1] =	ssyncadd.s32 $0xFFFFFF00  }
0x40f: {  	[tilespmem:s13], [sflag:$0x1] =	stream.indirect_vreg.gather [spmem:s3], $0x10, v9, vm0, $0xb8;
	[tilespmem:$0x1BE00] =	vst v63  }
0x410: {  	_ =	swait.ge [sflag:s1], $0x100  }
0x411: {  	v9 =	vld [tilespmem:$0x1FBF0];
	_ =	sdelay $0x5  }
0x412: {  	[sflag:s1] =	ssyncset.done $0x0  }
0x413: {  	[sflag:s1] =	ssyncadd.s32 $0xFFFFFF00  }
0x414: {  	[tilespmem:s14], [sflag:$0x1] =	stream.indirect_vreg.gather [spmem:s3], $0x10, v9, vm0, $0xb8;
	[tilespmem:$0x1BE00] =	vst v63  }
0x415: {  	_ =	swait.ge [sflag:s1], $0x100  }
0x416: {  	[sflag:s1] =	ssyncset.done $0x0  }
0x417: {  	[sflag:s1] =	ssyncadd.s32 $0xFFFFFF00  }
0x418: {  	v9 =	vld [tilespmem:s17+$0x0];
	_ =	sdelay $0x2  }
0x419: {  	s18 =	simm.s32 $0x10;
	s19 =	sand.u32 $0x3F0, s28  }
.LBB2_50:
0x41a: {  	p0 =	sne.s32 s18, $0x3F0  }
0x41b: {  	[tilespmem:s19+$0xF600] =	vst v9;
	s17 =	sadd.s32 $0x80, s17;
	s19 =	smov.u32 s18;
	s18 =	sadd.s32 $0x10, s18  }
.Ltmp24:
0x41c: {  	v9 =	vld [tilespmem:s17+$0x0];
	(pc) =	sbr.rel @p0 .LBB2_50-.Ltmp24, $2  }
0x41d: {  	_ =	sdelay $0x2  }
0x41e: {  	s19 =	sand.u32 $0x3F0, s19  }
0x41f: {  	[tilespmem:s19+$0xF600] =	vst v9;
	s28 =	simm.s32 $0x0;
	s17 =	rddreg [dreg:$0x18]  }
0x420: {  	[hbm4b:s17+s28] =	stream.linear.scatter [tilespmem:s15], [sflag:$0x1], $0x400, $0x38;
	[tilespmem:$0x1BE00] =	vst v63  }
0x421: {  	_ =	swait.ge [sflag:s1], $0x400  }
0x422: {  	v9 =	vld [tilespmem:$0x1FC00];
	_ =	sdelay $0x5  }
0x423: {  	[sflag:s1] =	ssyncset.done $0x0  }
0x424: {  	s17 =	simm.s32 $0xD600;
	[sflag:s1] =	ssyncadd.s32 $0xFFFFFC00  }
0x425: {  	[tilespmem:s17], [sflag:$0x1] =	stream.indirect_vreg.gather [spmem:s3], $0x10, v9, vm0, $0xb8;
	[tilespmem:$0x1BE00] =	vst v63  }
0x426: {  	_ =	swait.ge [sflag:s1], $0x100  }
0x427: {  	v9 =	vld [tilespmem:$0x1FC10];
	_ =	sdelay $0x5  }
0x428: {  	[sflag:s1] =	ssyncset.done $0x0  }
0x429: {  	[sflag:s1] =	ssyncadd.s32 $0xFFFFFF00  }
0x42a: {  	[tilespmem:s12], [sflag:$0x1] =	stream.indirect_vreg.gather [spmem:s3], $0x10, v9, vm0, $0xb8;
	[tilespmem:$0x1BE00] =	vst v63  }
0x42b: {  	_ =	swait.ge [sflag:s1], $0x100  }
0x42c: {  	v9 =	vld [tilespmem:$0x1FC20];
	_ =	sdelay $0x5  }
0x42d: {  	[sflag:s1] =	ssyncset.done $0x0  }
0x42e: {  	[sflag:s1] =	ssyncadd.s32 $0xFFFFFF00  }
0x42f: {  	[tilespmem:s13], [sflag:$0x1] =	stream.indirect_vreg.gather [spmem:s3], $0x10, v9, vm0, $0xb8;
	[tilespmem:$0x1BE00] =	vst v63  }
0x430: {  	_ =	swait.ge [sflag:s1], $0x100  }
0x431: {  	v9 =	vld [tilespmem:$0x1FC30];
	_ =	sdelay $0x5  }
0x432: {  	[sflag:s1] =	ssyncset.done $0x0  }
0x433: {  	[sflag:s1] =	ssyncadd.s32 $0xFFFFFF00  }
0x434: {  	[tilespmem:s14], [sflag:$0x1] =	stream.indirect_vreg.gather [spmem:s3], $0x10, v9, vm0, $0xb8;
	[tilespmem:$0x1BE00] =	vst v63  }
0x435: {  	_ =	swait.ge [sflag:s1], $0x100  }
0x436: {  	[sflag:s1] =	ssyncset.done $0x0  }
0x437: {  	[sflag:s1] =	ssyncadd.s32 $0xFFFFFF00  }
0x438: {  	v9 =	vld [tilespmem:s17+$0x0];
	_ =	sdelay $0x2  }
0x439: {  	s18 =	simm.s32 $0x10;
	s19 =	sand.u32 $0x3F0, s28  }
.LBB2_52:
0x43a: {  	p0 =	sne.s32 s18, $0x3F0  }
0x43b: {  	[tilespmem:s19+$0xF600] =	vst v9;
	s17 =	sadd.s32 $0x80, s17;
	s19 =	smov.u32 s18;
	s18 =	sadd.s32 $0x10, s18  }
.Ltmp25:
0x43c: {  	v9 =	vld [tilespmem:s17+$0x0];
	(pc) =	sbr.rel @p0 .LBB2_52-.Ltmp25, $2  }
0x43d: {  	_ =	sdelay $0x2  }
0x43e: {  	s19 =	sand.u32 $0x3F0, s19  }
0x43f: {  	[tilespmem:s19+$0xF600] =	vst v9;
	s28 =	simm.s32 $0x0;
	s17 =	rddreg [dreg:$0x19]  }
0x440: {  	[hbm4b:s17+s28] =	stream.linear.scatter [tilespmem:s15], [sflag:$0x1], $0x400, $0x38;
	[tilespmem:$0x1BE00] =	vst v63  }
0x441: {  	_ =	swait.ge [sflag:s1], $0x400  }
0x442: {  	v9 =	vld [tilespmem:$0x1FC40];
	_ =	sdelay $0x5  }
0x443: {  	[sflag:s1] =	ssyncset.done $0x0  }
0x444: {  	s17 =	simm.s32 $0xD600;
	[sflag:s1] =	ssyncadd.s32 $0xFFFFFC00  }
0x445: {  	[tilespmem:s17], [sflag:$0x1] =	stream.indirect_vreg.gather [spmem:s3], $0x10, v9, vm0, $0xb8;
	[tilespmem:$0x1BE00] =	vst v63  }
0x446: {  	_ =	swait.ge [sflag:s1], $0x100  }
0x447: {  	v9 =	vld [tilespmem:$0x1FC50];
	_ =	sdelay $0x5  }
0x448: {  	[sflag:s1] =	ssyncset.done $0x0  }
0x449: {  	[sflag:s1] =	ssyncadd.s32 $0xFFFFFF00  }
0x44a: {  	[tilespmem:s12], [sflag:$0x1] =	stream.indirect_vreg.gather [spmem:s3], $0x10, v9, vm0, $0xb8;
	[tilespmem:$0x1BE00] =	vst v63  }
0x44b: {  	_ =	swait.ge [sflag:s1], $0x100  }
0x44c: {  	v9 =	vld [tilespmem:$0x1FC60];
	_ =	sdelay $0x5  }
0x44d: {  	[sflag:s1] =	ssyncset.done $0x0  }
0x44e: {  	[sflag:s1] =	ssyncadd.s32 $0xFFFFFF00  }
0x44f: {  	[tilespmem:s13], [sflag:$0x1] =	stream.indirect_vreg.gather [spmem:s3], $0x10, v9, vm0, $0xb8;
	[tilespmem:$0x1BE00] =	vst v63  }
0x450: {  	_ =	swait.ge [sflag:s1], $0x100  }
0x451: {  	v9 =	vld [tilespmem:$0x1FC70];
	_ =	sdelay $0x5  }
0x452: {  	[sflag:s1] =	ssyncset.done $0x0  }
0x453: {  	[sflag:s1] =	ssyncadd.s32 $0xFFFFFF00  }
0x454: {  	[tilespmem:s14], [sflag:$0x1] =	stream.indirect_vreg.gather [spmem:s3], $0x10, v9, vm0, $0xb8;
	[tilespmem:$0x1BE00] =	vst v63  }
0x455: {  	_ =	swait.ge [sflag:s1], $0x100  }
0x456: {  	[sflag:s1] =	ssyncset.done $0x0  }
0x457: {  	[sflag:s1] =	ssyncadd.s32 $0xFFFFFF00  }
0x458: {  	v9 =	vld [tilespmem:s17+$0x0];
	_ =	sdelay $0x2  }
0x459: {  	s18 =	simm.s32 $0x10;
	s19 =	sand.u32 $0x3F0, s28  }
.LBB2_54:
0x45a: {  	p0 =	sne.s32 s18, $0x3F0  }
0x45b: {  	[tilespmem:s19+$0xF600] =	vst v9;
	s17 =	sadd.s32 $0x80, s17;
	s19 =	smov.u32 s18;
	s18 =	sadd.s32 $0x10, s18  }
.Ltmp26:
0x45c: {  	v9 =	vld [tilespmem:s17+$0x0];
	(pc) =	sbr.rel @p0 .LBB2_54-.Ltmp26, $2  }
0x45d: {  	_ =	sdelay $0x2  }
0x45e: {  	s19 =	sand.u32 $0x3F0, s19  }
0x45f: {  	[tilespmem:s19+$0xF600] =	vst v9;
	s28 =	simm.s32 $0x0;
	s17 =	rddreg [dreg:$0x1a]  }
0x460: {  	[hbm4b:s17+s28] =	stream.linear.scatter [tilespmem:s15], [sflag:$0x1], $0x400, $0x38;
	[tilespmem:$0x1BE00] =	vst v63  }
0x461: {  	_ =	swait.ge [sflag:s1], $0x400  }
0x462: {  	v9 =	vld [tilespmem:$0x1FC80];
	_ =	sdelay $0x5  }
0x463: {  	[sflag:s1] =	ssyncset.done $0x0  }
0x464: {  	s17 =	simm.s32 $0xD600;
	[sflag:s1] =	ssyncadd.s32 $0xFFFFFC00  }
0x465: {  	[tilespmem:s17], [sflag:$0x1] =	stream.indirect_vreg.gather [spmem:s3], $0x10, v9, vm0, $0xb8;
	[tilespmem:$0x1BE00] =	vst v63  }
0x466: {  	_ =	swait.ge [sflag:s1], $0x100  }
0x467: {  	v9 =	vld [tilespmem:$0x1FC90];
	_ =	sdelay $0x5  }
0x468: {  	[sflag:s1] =	ssyncset.done $0x0  }
0x469: {  	[sflag:s1] =	ssyncadd.s32 $0xFFFFFF00  }
0x46a: {  	[tilespmem:s12], [sflag:$0x1] =	stream.indirect_vreg.gather [spmem:s3], $0x10, v9, vm0, $0xb8;
	[tilespmem:$0x1BE00] =	vst v63  }
0x46b: {  	_ =	swait.ge [sflag:s1], $0x100  }
0x46c: {  	v9 =	vld [tilespmem:$0x1FCA0];
	_ =	sdelay $0x5  }
0x46d: {  	[sflag:s1] =	ssyncset.done $0x0  }
0x46e: {  	[sflag:s1] =	ssyncadd.s32 $0xFFFFFF00  }
0x46f: {  	[tilespmem:s13], [sflag:$0x1] =	stream.indirect_vreg.gather [spmem:s3], $0x10, v9, vm0, $0xb8;
	[tilespmem:$0x1BE00] =	vst v63  }
0x470: {  	_ =	swait.ge [sflag:s1], $0x100  }
0x471: {  	v9 =	vld [tilespmem:$0x1FCB0];
	_ =	sdelay $0x5  }
0x472: {  	[sflag:s1] =	ssyncset.done $0x0  }
0x473: {  	[sflag:s1] =	ssyncadd.s32 $0xFFFFFF00  }
0x474: {  	[tilespmem:s14], [sflag:$0x1] =	stream.indirect_vreg.gather [spmem:s3], $0x10, v9, vm0, $0xb8;
	[tilespmem:$0x1BE00] =	vst v63  }
0x475: {  	_ =	swait.ge [sflag:s1], $0x100  }
0x476: {  	[sflag:s1] =	ssyncset.done $0x0  }
0x477: {  	[sflag:s1] =	ssyncadd.s32 $0xFFFFFF00  }
0x478: {  	v9 =	vld [tilespmem:s17+$0x0];
	_ =	sdelay $0x2  }
0x479: {  	s18 =	simm.s32 $0x10;
	s19 =	sand.u32 $0x3F0, s28  }
.LBB2_56:
0x47a: {  	p0 =	sne.s32 s18, $0x3F0  }
0x47b: {  	[tilespmem:s19+$0xF600] =	vst v9;
	s17 =	sadd.s32 $0x80, s17;
	s19 =	smov.u32 s18;
	s18 =	sadd.s32 $0x10, s18  }
.Ltmp27:
0x47c: {  	v9 =	vld [tilespmem:s17+$0x0];
	(pc) =	sbr.rel @p0 .LBB2_56-.Ltmp27, $2  }
0x47d: {  	_ =	sdelay $0x2  }
0x47e: {  	s19 =	sand.u32 $0x3F0, s19  }
0x47f: {  	[tilespmem:s19+$0xF600] =	vst v9;
	s28 =	simm.s32 $0x0;
	s17 =	rddreg [dreg:$0x1b]  }
0x480: {  	[hbm4b:s17+s28] =	stream.linear.scatter [tilespmem:s15], [sflag:$0x1], $0x400, $0x38;
	[tilespmem:$0x1BE00] =	vst v63  }
0x481: {  	_ =	swait.ge [sflag:s1], $0x400  }
0x482: {  	v9 =	vld [tilespmem:$0x1FCC0];
	_ =	sdelay $0x5  }
0x483: {  	[sflag:s1] =	ssyncset.done $0x0  }
0x484: {  	s17 =	simm.s32 $0xD600;
	[sflag:s1] =	ssyncadd.s32 $0xFFFFFC00  }
0x485: {  	[tilespmem:s17], [sflag:$0x1] =	stream.indirect_vreg.gather [spmem:s3], $0x10, v9, vm0, $0xb8;
	[tilespmem:$0x1BE00] =	vst v63  }
0x486: {  	_ =	swait.ge [sflag:s1], $0x100  }
0x487: {  	v9 =	vld [tilespmem:$0x1FCD0];
	_ =	sdelay $0x5  }
0x488: {  	[sflag:s1] =	ssyncset.done $0x0  }
0x489: {  	[sflag:s1] =	ssyncadd.s32 $0xFFFFFF00  }
0x48a: {  	[tilespmem:s12], [sflag:$0x1] =	stream.indirect_vreg.gather [spmem:s3], $0x10, v9, vm0, $0xb8;
	[tilespmem:$0x1BE00] =	vst v63  }
0x48b: {  	_ =	swait.ge [sflag:s1], $0x100  }
0x48c: {  	v9 =	vld [tilespmem:$0x1FCE0];
	_ =	sdelay $0x5  }
0x48d: {  	[sflag:s1] =	ssyncset.done $0x0  }
0x48e: {  	[sflag:s1] =	ssyncadd.s32 $0xFFFFFF00  }
0x48f: {  	[tilespmem:s13], [sflag:$0x1] =	stream.indirect_vreg.gather [spmem:s3], $0x10, v9, vm0, $0xb8;
	[tilespmem:$0x1BE00] =	vst v63  }
0x490: {  	_ =	swait.ge [sflag:s1], $0x100  }
0x491: {  	v9 =	vld [tilespmem:$0x1FCF0];
	_ =	sdelay $0x5  }
0x492: {  	[sflag:s1] =	ssyncset.done $0x0  }
0x493: {  	[sflag:s1] =	ssyncadd.s32 $0xFFFFFF00  }
0x494: {  	[tilespmem:s14], [sflag:$0x1] =	stream.indirect_vreg.gather [spmem:s3], $0x10, v9, vm0, $0xb8;
	[tilespmem:$0x1BE00] =	vst v63  }
0x495: {  	_ =	swait.ge [sflag:s1], $0x100  }
0x496: {  	[sflag:s1] =	ssyncset.done $0x0  }
0x497: {  	[sflag:s1] =	ssyncadd.s32 $0xFFFFFF00  }
0x498: {  	v9 =	vld [tilespmem:s17+$0x0];
	_ =	sdelay $0x2  }
0x499: {  	s18 =	simm.s32 $0x10;
	s19 =	sand.u32 $0x3F0, s28  }
.LBB2_58:
0x49a: {  	p0 =	sne.s32 s18, $0x3F0  }
0x49b: {  	[tilespmem:s19+$0xF600] =	vst v9;
	s17 =	sadd.s32 $0x80, s17;
	s19 =	smov.u32 s18;
	s18 =	sadd.s32 $0x10, s18  }
.Ltmp28:
0x49c: {  	v9 =	vld [tilespmem:s17+$0x0];
	(pc) =	sbr.rel @p0 .LBB2_58-.Ltmp28, $2  }
0x49d: {  	_ =	sdelay $0x2  }
0x49e: {  	s19 =	sand.u32 $0x3F0, s19  }
0x49f: {  	[tilespmem:s19+$0xF600] =	vst v9;
	s28 =	simm.s32 $0x0;
	s17 =	rddreg [dreg:$0x1c]  }
0x4a0: {  	[hbm4b:s17+s28] =	stream.linear.scatter [tilespmem:s15], [sflag:$0x1], $0x400, $0x38;
	[tilespmem:$0x1BE00] =	vst v63  }
0x4a1: {  	_ =	swait.ge [sflag:s1], $0x400  }
0x4a2: {  	v9 =	vld [tilespmem:$0x1FD00];
	_ =	sdelay $0x5  }
0x4a3: {  	[sflag:s1] =	ssyncset.done $0x0  }
0x4a4: {  	s17 =	simm.s32 $0xD600;
	[sflag:s1] =	ssyncadd.s32 $0xFFFFFC00  }
0x4a5: {  	[tilespmem:s17], [sflag:$0x1] =	stream.indirect_vreg.gather [spmem:s3], $0x10, v9, vm0, $0xb8;
	[tilespmem:$0x1BE00] =	vst v63  }
0x4a6: {  	_ =	swait.ge [sflag:s1], $0x100  }
0x4a7: {  	v9 =	vld [tilespmem:$0x1FD10];
	_ =	sdelay $0x5  }
0x4a8: {  	[sflag:s1] =	ssyncset.done $0x0  }
0x4a9: {  	[sflag:s1] =	ssyncadd.s32 $0xFFFFFF00  }
0x4aa: {  	[tilespmem:s12], [sflag:$0x1] =	stream.indirect_vreg.gather [spmem:s3], $0x10, v9, vm0, $0xb8;
	[tilespmem:$0x1BE00] =	vst v63  }
0x4ab: {  	_ =	swait.ge [sflag:s1], $0x100  }
0x4ac: {  	v9 =	vld [tilespmem:$0x1FD20];
	_ =	sdelay $0x5  }
0x4ad: {  	[sflag:s1] =	ssyncset.done $0x0  }
0x4ae: {  	[sflag:s1] =	ssyncadd.s32 $0xFFFFFF00  }
0x4af: {  	[tilespmem:s13], [sflag:$0x1] =	stream.indirect_vreg.gather [spmem:s3], $0x10, v9, vm0, $0xb8;
	[tilespmem:$0x1BE00] =	vst v63  }
0x4b0: {  	_ =	swait.ge [sflag:s1], $0x100  }
0x4b1: {  	v9 =	vld [tilespmem:$0x1FD30];
	_ =	sdelay $0x5  }
0x4b2: {  	[sflag:s1] =	ssyncset.done $0x0  }
0x4b3: {  	[sflag:s1] =	ssyncadd.s32 $0xFFFFFF00  }
0x4b4: {  	[tilespmem:s14], [sflag:$0x1] =	stream.indirect_vreg.gather [spmem:s3], $0x10, v9, vm0, $0xb8;
	[tilespmem:$0x1BE00] =	vst v63  }
0x4b5: {  	_ =	swait.ge [sflag:s1], $0x100  }
0x4b6: {  	[sflag:s1] =	ssyncset.done $0x0  }
0x4b7: {  	[sflag:s1] =	ssyncadd.s32 $0xFFFFFF00  }
0x4b8: {  	v9 =	vld [tilespmem:s17+$0x0];
	_ =	sdelay $0x2  }
0x4b9: {  	s18 =	simm.s32 $0x10;
	s19 =	sand.u32 $0x3F0, s28  }
.LBB2_60:
0x4ba: {  	p0 =	sne.s32 s18, $0x3F0  }
0x4bb: {  	[tilespmem:s19+$0xF600] =	vst v9;
	s17 =	sadd.s32 $0x80, s17;
	s19 =	smov.u32 s18;
	s18 =	sadd.s32 $0x10, s18  }
.Ltmp29:
0x4bc: {  	v9 =	vld [tilespmem:s17+$0x0];
	(pc) =	sbr.rel @p0 .LBB2_60-.Ltmp29, $2  }
0x4bd: {  	_ =	sdelay $0x2  }
0x4be: {  	s19 =	sand.u32 $0x3F0, s19  }
0x4bf: {  	[tilespmem:s19+$0xF600] =	vst v9;
	s28 =	simm.s32 $0x0;
	s17 =	rddreg [dreg:$0x1d]  }
0x4c0: {  	[hbm4b:s17+s28] =	stream.linear.scatter [tilespmem:s15], [sflag:$0x1], $0x400, $0x38;
	[tilespmem:$0x1BE00] =	vst v63  }
0x4c1: {  	_ =	swait.ge [sflag:s1], $0x400  }
0x4c2: {  	v9 =	vld [tilespmem:$0x1FD40];
	_ =	sdelay $0x5  }
0x4c3: {  	[sflag:s1] =	ssyncset.done $0x0  }
0x4c4: {  	s17 =	simm.s32 $0xD600;
	[sflag:s1] =	ssyncadd.s32 $0xFFFFFC00  }
0x4c5: {  	[tilespmem:s17], [sflag:$0x1] =	stream.indirect_vreg.gather [spmem:s3], $0x10, v9, vm0, $0xb8;
	[tilespmem:$0x1BE00] =	vst v63  }
0x4c6: {  	_ =	swait.ge [sflag:s1], $0x100  }
0x4c7: {  	v9 =	vld [tilespmem:$0x1FD50];
	_ =	sdelay $0x5  }
0x4c8: {  	[sflag:s1] =	ssyncset.done $0x0  }
0x4c9: {  	[sflag:s1] =	ssyncadd.s32 $0xFFFFFF00  }
0x4ca: {  	[tilespmem:s12], [sflag:$0x1] =	stream.indirect_vreg.gather [spmem:s3], $0x10, v9, vm0, $0xb8;
	[tilespmem:$0x1BE00] =	vst v63  }
0x4cb: {  	_ =	swait.ge [sflag:s1], $0x100  }
0x4cc: {  	v9 =	vld [tilespmem:$0x1FD60];
	_ =	sdelay $0x5  }
0x4cd: {  	[sflag:s1] =	ssyncset.done $0x0  }
0x4ce: {  	[sflag:s1] =	ssyncadd.s32 $0xFFFFFF00  }
0x4cf: {  	[tilespmem:s13], [sflag:$0x1] =	stream.indirect_vreg.gather [spmem:s3], $0x10, v9, vm0, $0xb8;
	[tilespmem:$0x1BE00] =	vst v63  }
0x4d0: {  	_ =	swait.ge [sflag:s1], $0x100  }
0x4d1: {  	v9 =	vld [tilespmem:$0x1FD70];
	_ =	sdelay $0x5  }
0x4d2: {  	[sflag:s1] =	ssyncset.done $0x0  }
0x4d3: {  	[sflag:s1] =	ssyncadd.s32 $0xFFFFFF00  }
0x4d4: {  	[tilespmem:s14], [sflag:$0x1] =	stream.indirect_vreg.gather [spmem:s3], $0x10, v9, vm0, $0xb8;
	[tilespmem:$0x1BE00] =	vst v63  }
0x4d5: {  	_ =	swait.ge [sflag:s1], $0x100  }
0x4d6: {  	[sflag:s1] =	ssyncset.done $0x0  }
0x4d7: {  	[sflag:s1] =	ssyncadd.s32 $0xFFFFFF00  }
0x4d8: {  	v9 =	vld [tilespmem:s17+$0x0];
	_ =	sdelay $0x2  }
0x4d9: {  	s18 =	simm.s32 $0x10;
	s19 =	sand.u32 $0x3F0, s28  }
.LBB2_62:
0x4da: {  	p0 =	sne.s32 s18, $0x3F0  }
0x4db: {  	[tilespmem:s19+$0xF600] =	vst v9;
	s17 =	sadd.s32 $0x80, s17;
	s19 =	smov.u32 s18;
	s18 =	sadd.s32 $0x10, s18  }
.Ltmp30:
0x4dc: {  	v9 =	vld [tilespmem:s17+$0x0];
	(pc) =	sbr.rel @p0 .LBB2_62-.Ltmp30, $2  }
0x4dd: {  	_ =	sdelay $0x2  }
0x4de: {  	s19 =	sand.u32 $0x3F0, s19  }
0x4df: {  	[tilespmem:s19+$0xF600] =	vst v9;
	s28 =	simm.s32 $0x0;
	s17 =	rddreg [dreg:$0x1e]  }
0x4e0: {  	[hbm4b:s17+s28] =	stream.linear.scatter [tilespmem:s15], [sflag:$0x1], $0x400, $0x38;
	[tilespmem:$0x1BE00] =	vst v63  }
0x4e1: {  	_ =	swait.ge [sflag:s1], $0x400  }
0x4e2: {  	v9 =	vld [tilespmem:$0x1FD80];
	_ =	sdelay $0x5  }
0x4e3: {  	[sflag:s1] =	ssyncset.done $0x0  }
0x4e4: {  	s17 =	simm.s32 $0xD600;
	[sflag:s1] =	ssyncadd.s32 $0xFFFFFC00  }
0x4e5: {  	[tilespmem:s17], [sflag:$0x1] =	stream.indirect_vreg.gather [spmem:s3], $0x10, v9, vm0, $0xb8;
	[tilespmem:$0x1BE00] =	vst v63  }
0x4e6: {  	_ =	swait.ge [sflag:s1], $0x100  }
0x4e7: {  	v9 =	vld [tilespmem:$0x1FD90];
	_ =	sdelay $0x5  }
0x4e8: {  	[sflag:s1] =	ssyncset.done $0x0  }
0x4e9: {  	[sflag:s1] =	ssyncadd.s32 $0xFFFFFF00  }
0x4ea: {  	[tilespmem:s12], [sflag:$0x1] =	stream.indirect_vreg.gather [spmem:s3], $0x10, v9, vm0, $0xb8;
	[tilespmem:$0x1BE00] =	vst v63  }
0x4eb: {  	_ =	swait.ge [sflag:s1], $0x100  }
0x4ec: {  	v9 =	vld [tilespmem:$0x1FDA0];
	_ =	sdelay $0x5  }
0x4ed: {  	[sflag:s1] =	ssyncset.done $0x0  }
0x4ee: {  	[sflag:s1] =	ssyncadd.s32 $0xFFFFFF00  }
0x4ef: {  	[tilespmem:s13], [sflag:$0x1] =	stream.indirect_vreg.gather [spmem:s3], $0x10, v9, vm0, $0xb8;
	[tilespmem:$0x1BE00] =	vst v63  }
0x4f0: {  	_ =	swait.ge [sflag:s1], $0x100  }
0x4f1: {  	v9 =	vld [tilespmem:$0x1FDB0];
	_ =	sdelay $0x5  }
0x4f2: {  	[sflag:s1] =	ssyncset.done $0x0  }
0x4f3: {  	[sflag:s1] =	ssyncadd.s32 $0xFFFFFF00  }
0x4f4: {  	[tilespmem:s14], [sflag:$0x1] =	stream.indirect_vreg.gather [spmem:s3], $0x10, v9, vm0, $0xb8;
	[tilespmem:$0x1BE00] =	vst v63  }
0x4f5: {  	_ =	swait.ge [sflag:s1], $0x100  }
0x4f6: {  	[sflag:s1] =	ssyncset.done $0x0  }
0x4f7: {  	[sflag:s1] =	ssyncadd.s32 $0xFFFFFF00  }
0x4f8: {  	v9 =	vld [tilespmem:s17+$0x0];
	_ =	sdelay $0x2  }
0x4f9: {  	s18 =	simm.s32 $0x10;
	s19 =	sand.u32 $0x3F0, s28  }
.LBB2_64:
0x4fa: {  	p0 =	sne.s32 s18, $0x3F0  }
0x4fb: {  	[tilespmem:s19+$0xF600] =	vst v9;
	s17 =	sadd.s32 $0x80, s17;
	s19 =	smov.u32 s18;
	s18 =	sadd.s32 $0x10, s18  }
.Ltmp31:
0x4fc: {  	v9 =	vld [tilespmem:s17+$0x0];
	(pc) =	sbr.rel @p0 .LBB2_64-.Ltmp31, $2  }
0x4fd: {  	_ =	sdelay $0x2  }
0x4fe: {  	s19 =	sand.u32 $0x3F0, s19  }
0x4ff: {  	[tilespmem:s19+$0xF600] =	vst v9;
	s28 =	simm.s32 $0x0;
	s17 =	rddreg [dreg:$0x1f]  }
0x500: {  	[hbm4b:s17+s28] =	stream.linear.scatter [tilespmem:s15], [sflag:$0x1], $0x400, $0x38;
	[tilespmem:$0x1BE00] =	vst v63  }
0x501: {  	_ =	swait.ge [sflag:s1], $0x400  }
0x502: {  	v9 =	vld [tilespmem:$0x1FDC0];
	_ =	sdelay $0x5  }
0x503: {  	[sflag:s1] =	ssyncset.done $0x0  }
0x504: {  	s17 =	simm.s32 $0xD600;
	[sflag:s1] =	ssyncadd.s32 $0xFFFFFC00  }
0x505: {  	[tilespmem:s17], [sflag:$0x1] =	stream.indirect_vreg.gather [spmem:s3], $0x10, v9, vm0, $0xb8;
	[tilespmem:$0x1BE00] =	vst v63  }
0x506: {  	_ =	swait.ge [sflag:s1], $0x100  }
0x507: {  	v9 =	vld [tilespmem:$0x1FDD0];
	_ =	sdelay $0x5  }
0x508: {  	[sflag:s1] =	ssyncset.done $0x0  }
0x509: {  	[sflag:s1] =	ssyncadd.s32 $0xFFFFFF00  }
0x50a: {  	[tilespmem:s12], [sflag:$0x1] =	stream.indirect_vreg.gather [spmem:s3], $0x10, v9, vm0, $0xb8;
	[tilespmem:$0x1BE00] =	vst v63  }
0x50b: {  	_ =	swait.ge [sflag:s1], $0x100  }
0x50c: {  	v9 =	vld [tilespmem:$0x1FDE0];
	_ =	sdelay $0x5  }
0x50d: {  	[sflag:s1] =	ssyncset.done $0x0  }
0x50e: {  	[sflag:s1] =	ssyncadd.s32 $0xFFFFFF00  }
0x50f: {  	[tilespmem:s13], [sflag:$0x1] =	stream.indirect_vreg.gather [spmem:s3], $0x10, v9, vm0, $0xb8;
	[tilespmem:$0x1BE00] =	vst v63  }
0x510: {  	_ =	swait.ge [sflag:s1], $0x100  }
0x511: {  	v9 =	vld [tilespmem:$0x1FDF0];
	_ =	sdelay $0x5  }
0x512: {  	[sflag:s1] =	ssyncset.done $0x0  }
0x513: {  	[sflag:s1] =	ssyncadd.s32 $0xFFFFFF00  }
0x514: {  	[tilespmem:s14], [sflag:$0x1] =	stream.indirect_vreg.gather [spmem:s3], $0x10, v9, vm0, $0xb8;
	[tilespmem:$0x1BE00] =	vst v63  }
0x515: {  	_ =	swait.ge [sflag:s1], $0x100  }
0x516: {  	[sflag:s1] =	ssyncset.done $0x0  }
0x517: {  	[sflag:s1] =	ssyncadd.s32 $0xFFFFFF00  }
0x518: {  	v9 =	vld [tilespmem:s17+$0x0];
	_ =	sdelay $0x2  }
0x519: {  	s18 =	simm.s32 $0x10;
	s19 =	sand.u32 $0x3F0, s28  }
.LBB2_66:
0x51a: {  	p0 =	sne.s32 s18, $0x3F0  }
0x51b: {  	[tilespmem:s19+$0xF600] =	vst v9;
	s17 =	sadd.s32 $0x80, s17;
	s19 =	smov.u32 s18;
	s18 =	sadd.s32 $0x10, s18  }
.Ltmp32:
0x51c: {  	v9 =	vld [tilespmem:s17+$0x0];
	(pc) =	sbr.rel @p0 .LBB2_66-.Ltmp32, $2  }
0x51d: {  	_ =	sdelay $0x2  }
0x51e: {  	s19 =	sand.u32 $0x3F0, s19  }
0x51f: {  	s17 =	sld [smem:$0x7E9];
	_ =	sdelay $0x1  }
0x520: {  	[tilespmem:s19+$0xF600] =	vst v9;
	s28 =	simm.s32 $0x0  }
0x521: {  	[hbm4b:s17+s28] =	stream.linear.scatter [tilespmem:s15], [sflag:$0x1], $0x400, $0x38;
	[tilespmem:$0x1BE00] =	vst v63  }
0x522: {  	_ =	swait.ge [sflag:s1], $0x400  }
0x523: {  	v9 =	vld [tilespmem:$0x1FE00];
	_ =	sdelay $0x5  }
0x524: {  	[sflag:s1] =	ssyncset.done $0x0  }
0x525: {  	s17 =	simm.s32 $0xD600;
	[sflag:s1] =	ssyncadd.s32 $0xFFFFFC00  }
0x526: {  	[tilespmem:s17], [sflag:$0x1] =	stream.indirect_vreg.gather [spmem:s3], $0x10, v9, vm0, $0xb8;
	[tilespmem:$0x1BE00] =	vst v63  }
0x527: {  	_ =	swait.ge [sflag:s1], $0x100  }
0x528: {  	v9 =	vld [tilespmem:$0x1FE10];
	_ =	sdelay $0x5  }
0x529: {  	[sflag:s1] =	ssyncset.done $0x0  }
0x52a: {  	[sflag:s1] =	ssyncadd.s32 $0xFFFFFF00  }
0x52b: {  	[tilespmem:s12], [sflag:$0x1] =	stream.indirect_vreg.gather [spmem:s3], $0x10, v9, vm0, $0xb8;
	[tilespmem:$0x1BE00] =	vst v63  }
0x52c: {  	_ =	swait.ge [sflag:s1], $0x100  }
0x52d: {  	v9 =	vld [tilespmem:$0x1FE20];
	_ =	sdelay $0x5  }
0x52e: {  	[sflag:s1] =	ssyncset.done $0x0  }
0x52f: {  	[sflag:s1] =	ssyncadd.s32 $0xFFFFFF00  }
0x530: {  	[tilespmem:s13], [sflag:$0x1] =	stream.indirect_vreg.gather [spmem:s3], $0x10, v9, vm0, $0xb8;
	[tilespmem:$0x1BE00] =	vst v63  }
0x531: {  	_ =	swait.ge [sflag:s1], $0x100  }
0x532: {  	v9 =	vld [tilespmem:$0x1FE30];
	_ =	sdelay $0x5  }
0x533: {  	[sflag:s1] =	ssyncset.done $0x0  }
0x534: {  	[sflag:s1] =	ssyncadd.s32 $0xFFFFFF00  }
0x535: {  	[tilespmem:s14], [sflag:$0x1] =	stream.indirect_vreg.gather [spmem:s3], $0x10, v9, vm0, $0xb8;
	[tilespmem:$0x1BE00] =	vst v63  }
0x536: {  	_ =	swait.ge [sflag:s1], $0x100  }
0x537: {  	[sflag:s1] =	ssyncset.done $0x0  }
0x538: {  	[sflag:s1] =	ssyncadd.s32 $0xFFFFFF00  }
0x539: {  	v9 =	vld [tilespmem:s17+$0x0];
	_ =	sdelay $0x2  }
0x53a: {  	s18 =	simm.s32 $0x10;
	s19 =	sand.u32 $0x3F0, s28  }
.LBB2_68:
0x53b: {  	p0 =	sne.s32 s18, $0x3F0  }
0x53c: {  	[tilespmem:s19+$0xF600] =	vst v9;
	s17 =	sadd.s32 $0x80, s17;
	s19 =	smov.u32 s18;
	s18 =	sadd.s32 $0x10, s18  }
.Ltmp33:
0x53d: {  	v9 =	vld [tilespmem:s17+$0x0];
	(pc) =	sbr.rel @p0 .LBB2_68-.Ltmp33, $2  }
0x53e: {  	_ =	sdelay $0x2  }
0x53f: {  	s19 =	sand.u32 $0x3F0, s19  }
0x540: {  	s17 =	sld [smem:$0x7EA];
	_ =	sdelay $0x1  }
0x541: {  	[tilespmem:s19+$0xF600] =	vst v9;
	s28 =	simm.s32 $0x0  }
0x542: {  	[hbm4b:s17+s28] =	stream.linear.scatter [tilespmem:s15], [sflag:$0x1], $0x400, $0x38;
	[tilespmem:$0x1BE00] =	vst v63  }
0x543: {  	_ =	swait.ge [sflag:s1], $0x400  }
0x544: {  	v9 =	vld [tilespmem:$0x1FE40];
	_ =	sdelay $0x5  }
0x545: {  	[sflag:s1] =	ssyncset.done $0x0  }
0x546: {  	s17 =	simm.s32 $0xD600;
	[sflag:s1] =	ssyncadd.s32 $0xFFFFFC00  }
0x547: {  	[tilespmem:s17], [sflag:$0x1] =	stream.indirect_vreg.gather [spmem:s3], $0x10, v9, vm0, $0xb8;
	[tilespmem:$0x1BE00] =	vst v63  }
0x548: {  	_ =	swait.ge [sflag:s1], $0x100  }
0x549: {  	v9 =	vld [tilespmem:$0x1FE50];
	_ =	sdelay $0x5  }
0x54a: {  	[sflag:s1] =	ssyncset.done $0x0  }
0x54b: {  	[sflag:s1] =	ssyncadd.s32 $0xFFFFFF00  }
0x54c: {  	[tilespmem:s12], [sflag:$0x1] =	stream.indirect_vreg.gather [spmem:s3], $0x10, v9, vm0, $0xb8;
	[tilespmem:$0x1BE00] =	vst v63  }
0x54d: {  	_ =	swait.ge [sflag:s1], $0x100  }
0x54e: {  	v9 =	vld [tilespmem:$0x1FE60];
	_ =	sdelay $0x5  }
0x54f: {  	[sflag:s1] =	ssyncset.done $0x0  }
0x550: {  	[sflag:s1] =	ssyncadd.s32 $0xFFFFFF00  }
0x551: {  	[tilespmem:s13], [sflag:$0x1] =	stream.indirect_vreg.gather [spmem:s3], $0x10, v9, vm0, $0xb8;
	[tilespmem:$0x1BE00] =	vst v63  }
0x552: {  	_ =	swait.ge [sflag:s1], $0x100  }
0x553: {  	v9 =	vld [tilespmem:$0x1FE70];
	_ =	sdelay $0x5  }
0x554: {  	[sflag:s1] =	ssyncset.done $0x0  }
0x555: {  	[sflag:s1] =	ssyncadd.s32 $0xFFFFFF00  }
0x556: {  	[tilespmem:s14], [sflag:$0x1] =	stream.indirect_vreg.gather [spmem:s3], $0x10, v9, vm0, $0xb8;
	[tilespmem:$0x1BE00] =	vst v63  }
0x557: {  	_ =	swait.ge [sflag:s1], $0x100  }
0x558: {  	[sflag:s1] =	ssyncset.done $0x0  }
0x559: {  	[sflag:s1] =	ssyncadd.s32 $0xFFFFFF00  }
0x55a: {  	v9 =	vld [tilespmem:s17+$0x0];
	_ =	sdelay $0x2  }
0x55b: {  	s18 =	simm.s32 $0x10;
	s19 =	sand.u32 $0x3F0, s28  }
.LBB2_70:
0x55c: {  	p0 =	sne.s32 s18, $0x3F0  }
0x55d: {  	[tilespmem:s19+$0xF600] =	vst v9;
	s17 =	sadd.s32 $0x80, s17;
	s19 =	smov.u32 s18;
	s18 =	sadd.s32 $0x10, s18  }
.Ltmp34:
0x55e: {  	v9 =	vld [tilespmem:s17+$0x0];
	(pc) =	sbr.rel @p0 .LBB2_70-.Ltmp34, $2  }
0x55f: {  	_ =	sdelay $0x2  }
0x560: {  	s19 =	sand.u32 $0x3F0, s19  }
0x561: {  	s17 =	sld [smem:$0x7EB];
	_ =	sdelay $0x1  }
0x562: {  	[tilespmem:s19+$0xF600] =	vst v9;
	s28 =	simm.s32 $0x0  }
0x563: {  	[hbm4b:s17+s28] =	stream.linear.scatter [tilespmem:s15], [sflag:$0x1], $0x400, $0x38;
	[tilespmem:$0x1BE00] =	vst v63  }
0x564: {  	_ =	swait.ge [sflag:s1], $0x400  }
0x565: {  	v9 =	vld [tilespmem:$0x1FE80];
	_ =	sdelay $0x5  }
0x566: {  	[sflag:s1] =	ssyncset.done $0x0  }
0x567: {  	s17 =	simm.s32 $0xD600;
	[sflag:s1] =	ssyncadd.s32 $0xFFFFFC00  }
0x568: {  	[tilespmem:s17], [sflag:$0x1] =	stream.indirect_vreg.gather [spmem:s3], $0x10, v9, vm0, $0xb8;
	[tilespmem:$0x1BE00] =	vst v63  }
0x569: {  	_ =	swait.ge [sflag:s1], $0x100  }
0x56a: {  	v9 =	vld [tilespmem:$0x1FE90];
	_ =	sdelay $0x5  }
0x56b: {  	[sflag:s1] =	ssyncset.done $0x0  }
0x56c: {  	[sflag:s1] =	ssyncadd.s32 $0xFFFFFF00  }
0x56d: {  	[tilespmem:s12], [sflag:$0x1] =	stream.indirect_vreg.gather [spmem:s3], $0x10, v9, vm0, $0xb8;
	[tilespmem:$0x1BE00] =	vst v63  }
0x56e: {  	_ =	swait.ge [sflag:s1], $0x100  }
0x56f: {  	v9 =	vld [tilespmem:$0x1FEA0];
	_ =	sdelay $0x5  }
0x570: {  	[sflag:s1] =	ssyncset.done $0x0  }
0x571: {  	[sflag:s1] =	ssyncadd.s32 $0xFFFFFF00  }
0x572: {  	[tilespmem:s13], [sflag:$0x1] =	stream.indirect_vreg.gather [spmem:s3], $0x10, v9, vm0, $0xb8;
	[tilespmem:$0x1BE00] =	vst v63  }
0x573: {  	_ =	swait.ge [sflag:s1], $0x100  }
0x574: {  	v9 =	vld [tilespmem:$0x1FEB0];
	_ =	sdelay $0x5  }
0x575: {  	[sflag:s1] =	ssyncset.done $0x0  }
0x576: {  	[sflag:s1] =	ssyncadd.s32 $0xFFFFFF00  }
0x577: {  	[tilespmem:s14], [sflag:$0x1] =	stream.indirect_vreg.gather [spmem:s3], $0x10, v9, vm0, $0xb8;
	[tilespmem:$0x1BE00] =	vst v63  }
0x578: {  	_ =	swait.ge [sflag:s1], $0x100  }
0x579: {  	[sflag:s1] =	ssyncset.done $0x0  }
0x57a: {  	[sflag:s1] =	ssyncadd.s32 $0xFFFFFF00  }
0x57b: {  	v9 =	vld [tilespmem:s17+$0x0];
	_ =	sdelay $0x2  }
0x57c: {  	s18 =	simm.s32 $0x10;
	s19 =	sand.u32 $0x3F0, s28  }
.LBB2_72:
0x57d: {  	p0 =	sne.s32 s18, $0x3F0  }
0x57e: {  	[tilespmem:s19+$0xF600] =	vst v9;
	s17 =	sadd.s32 $0x80, s17;
	s19 =	smov.u32 s18;
	s18 =	sadd.s32 $0x10, s18  }
.Ltmp35:
0x57f: {  	v9 =	vld [tilespmem:s17+$0x0];
	(pc) =	sbr.rel @p0 .LBB2_72-.Ltmp35, $2  }
0x580: {  	_ =	sdelay $0x2  }
0x581: {  	s19 =	sand.u32 $0x3F0, s19  }
0x582: {  	s17 =	sld [smem:$0x7EC];
	_ =	sdelay $0x1  }
0x583: {  	[tilespmem:s19+$0xF600] =	vst v9;
	s28 =	simm.s32 $0x0  }
0x584: {  	[hbm4b:s17+s28] =	stream.linear.scatter [tilespmem:s15], [sflag:$0x1], $0x400, $0x38;
	[tilespmem:$0x1BE00] =	vst v63  }
0x585: {  	_ =	swait.ge [sflag:s1], $0x400  }
0x586: {  	v9 =	vld [tilespmem:$0x1FEC0];
	_ =	sdelay $0x5  }
0x587: {  	[sflag:s1] =	ssyncset.done $0x0  }
0x588: {  	s17 =	simm.s32 $0xD600;
	[sflag:s1] =	ssyncadd.s32 $0xFFFFFC00  }
0x589: {  	[tilespmem:s17], [sflag:$0x1] =	stream.indirect_vreg.gather [spmem:s3], $0x10, v9, vm0, $0xb8;
	[tilespmem:$0x1BE00] =	vst v63  }
0x58a: {  	_ =	swait.ge [sflag:s1], $0x100  }
0x58b: {  	v9 =	vld [tilespmem:$0x1FED0];
	_ =	sdelay $0x5  }
0x58c: {  	[sflag:s1] =	ssyncset.done $0x0  }
0x58d: {  	[sflag:s1] =	ssyncadd.s32 $0xFFFFFF00  }
0x58e: {  	[tilespmem:s12], [sflag:$0x1] =	stream.indirect_vreg.gather [spmem:s3], $0x10, v9, vm0, $0xb8;
	[tilespmem:$0x1BE00] =	vst v63  }
0x58f: {  	_ =	swait.ge [sflag:s1], $0x100  }
0x590: {  	v9 =	vld [tilespmem:$0x1FEE0];
	_ =	sdelay $0x5  }
0x591: {  	[sflag:s1] =	ssyncset.done $0x0  }
0x592: {  	[sflag:s1] =	ssyncadd.s32 $0xFFFFFF00  }
0x593: {  	[tilespmem:s13], [sflag:$0x1] =	stream.indirect_vreg.gather [spmem:s3], $0x10, v9, vm0, $0xb8;
	[tilespmem:$0x1BE00] =	vst v63  }
0x594: {  	_ =	swait.ge [sflag:s1], $0x100  }
0x595: {  	v9 =	vld [tilespmem:$0x1FEF0];
	_ =	sdelay $0x5  }
0x596: {  	[sflag:s1] =	ssyncset.done $0x0  }
0x597: {  	[sflag:s1] =	ssyncadd.s32 $0xFFFFFF00  }
0x598: {  	[tilespmem:s14], [sflag:$0x1] =	stream.indirect_vreg.gather [spmem:s3], $0x10, v9, vm0, $0xb8;
	[tilespmem:$0x1BE00] =	vst v63  }
0x599: {  	_ =	swait.ge [sflag:s1], $0x100  }
0x59a: {  	[sflag:s1] =	ssyncset.done $0x0  }
0x59b: {  	[sflag:s1] =	ssyncadd.s32 $0xFFFFFF00  }
0x59c: {  	v9 =	vld [tilespmem:s17+$0x0];
	_ =	sdelay $0x2  }
0x59d: {  	s18 =	simm.s32 $0x10;
	s19 =	sand.u32 $0x3F0, s28  }
.LBB2_74:
0x59e: {  	p0 =	sne.s32 s18, $0x3F0  }
0x59f: {  	[tilespmem:s19+$0xF600] =	vst v9;
	s17 =	sadd.s32 $0x80, s17;
	s19 =	smov.u32 s18;
	s18 =	sadd.s32 $0x10, s18  }
.Ltmp36:
0x5a0: {  	v9 =	vld [tilespmem:s17+$0x0];
	(pc) =	sbr.rel @p0 .LBB2_74-.Ltmp36, $2  }
0x5a1: {  	_ =	sdelay $0x2  }
0x5a2: {  	s19 =	sand.u32 $0x3F0, s19  }
0x5a3: {  	s17 =	sld [smem:$0x7ED];
	_ =	sdelay $0x1  }
0x5a4: {  	[tilespmem:s19+$0xF600] =	vst v9;
	s28 =	simm.s32 $0x0  }
0x5a5: {  	[hbm4b:s17+s28] =	stream.linear.scatter [tilespmem:s15], [sflag:$0x1], $0x400, $0x38;
	[tilespmem:$0x1BE00] =	vst v63  }
0x5a6: {  	_ =	swait.ge [sflag:s1], $0x400  }
0x5a7: {  	v9 =	vld [tilespmem:$0x1FF00];
	_ =	sdelay $0x5  }
0x5a8: {  	[sflag:s1] =	ssyncset.done $0x0  }
0x5a9: {  	s17 =	simm.s32 $0xD600;
	[sflag:s1] =	ssyncadd.s32 $0xFFFFFC00  }
0x5aa: {  	[tilespmem:s17], [sflag:$0x1] =	stream.indirect_vreg.gather [spmem:s3], $0x10, v9, vm0, $0xb8;
	[tilespmem:$0x1BE00] =	vst v63  }
0x5ab: {  	_ =	swait.ge [sflag:s1], $0x100  }
0x5ac: {  	v9 =	vld [tilespmem:$0x1FF10];
	_ =	sdelay $0x5  }
0x5ad: {  	[sflag:s1] =	ssyncset.done $0x0  }
0x5ae: {  	[sflag:s1] =	ssyncadd.s32 $0xFFFFFF00  }
0x5af: {  	[tilespmem:s12], [sflag:$0x1] =	stream.indirect_vreg.gather [spmem:s3], $0x10, v9, vm0, $0xb8;
	[tilespmem:$0x1BE00] =	vst v63  }
0x5b0: {  	_ =	swait.ge [sflag:s1], $0x100  }
0x5b1: {  	v9 =	vld [tilespmem:$0x1FF20];
	_ =	sdelay $0x5  }
0x5b2: {  	[sflag:s1] =	ssyncset.done $0x0  }
0x5b3: {  	[sflag:s1] =	ssyncadd.s32 $0xFFFFFF00  }
0x5b4: {  	[tilespmem:s13], [sflag:$0x1] =	stream.indirect_vreg.gather [spmem:s3], $0x10, v9, vm0, $0xb8;
	[tilespmem:$0x1BE00] =	vst v63  }
0x5b5: {  	_ =	swait.ge [sflag:s1], $0x100  }
0x5b6: {  	v9 =	vld [tilespmem:$0x1FF30];
	_ =	sdelay $0x5  }
0x5b7: {  	[sflag:s1] =	ssyncset.done $0x0  }
0x5b8: {  	[sflag:s1] =	ssyncadd.s32 $0xFFFFFF00  }
0x5b9: {  	[tilespmem:s14], [sflag:$0x1] =	stream.indirect_vreg.gather [spmem:s3], $0x10, v9, vm0, $0xb8;
	[tilespmem:$0x1BE00] =	vst v63  }
0x5ba: {  	_ =	swait.ge [sflag:s1], $0x100  }
0x5bb: {  	[sflag:s1] =	ssyncset.done $0x0  }
0x5bc: {  	[sflag:s1] =	ssyncadd.s32 $0xFFFFFF00  }
0x5bd: {  	v9 =	vld [tilespmem:s17+$0x0];
	_ =	sdelay $0x2  }
0x5be: {  	s18 =	simm.s32 $0x10;
	s19 =	sand.u32 $0x3F0, s28  }
.LBB2_76:
0x5bf: {  	p0 =	sne.s32 s18, $0x3F0  }
0x5c0: {  	[tilespmem:s19+$0xF600] =	vst v9;
	s17 =	sadd.s32 $0x80, s17;
	s19 =	smov.u32 s18;
	s18 =	sadd.s32 $0x10, s18  }
.Ltmp37:
0x5c1: {  	v9 =	vld [tilespmem:s17+$0x0];
	(pc) =	sbr.rel @p0 .LBB2_76-.Ltmp37, $2  }
0x5c2: {  	_ =	sdelay $0x2  }
0x5c3: {  	s19 =	sand.u32 $0x3F0, s19  }
0x5c4: {  	s17 =	sld [smem:$0x7EE];
	_ =	sdelay $0x1  }
0x5c5: {  	[tilespmem:s19+$0xF600] =	vst v9;
	s28 =	simm.s32 $0x0  }
0x5c6: {  	[hbm4b:s17+s28] =	stream.linear.scatter [tilespmem:s15], [sflag:$0x1], $0x400, $0x38;
	[tilespmem:$0x1BE00] =	vst v63  }
0x5c7: {  	_ =	swait.ge [sflag:s1], $0x400  }
0x5c8: {  	v9 =	vld [tilespmem:$0x1FF40];
	_ =	sdelay $0x5  }
0x5c9: {  	[sflag:s1] =	ssyncset.done $0x0  }
0x5ca: {  	s17 =	simm.s32 $0xD600;
	[sflag:s1] =	ssyncadd.s32 $0xFFFFFC00  }
0x5cb: {  	[tilespmem:s17], [sflag:$0x1] =	stream.indirect_vreg.gather [spmem:s3], $0x10, v9, vm0, $0xb8;
	[tilespmem:$0x1BE00] =	vst v63  }
0x5cc: {  	_ =	swait.ge [sflag:s1], $0x100  }
0x5cd: {  	v9 =	vld [tilespmem:$0x1FF50];
	_ =	sdelay $0x5  }
0x5ce: {  	[sflag:s1] =	ssyncset.done $0x0  }
0x5cf: {  	[sflag:s1] =	ssyncadd.s32 $0xFFFFFF00  }
0x5d0: {  	[tilespmem:s12], [sflag:$0x1] =	stream.indirect_vreg.gather [spmem:s3], $0x10, v9, vm0, $0xb8;
	[tilespmem:$0x1BE00] =	vst v63  }
0x5d1: {  	_ =	swait.ge [sflag:s1], $0x100  }
0x5d2: {  	v9 =	vld [tilespmem:$0x1FF60];
	_ =	sdelay $0x5  }
0x5d3: {  	[sflag:s1] =	ssyncset.done $0x0  }
0x5d4: {  	[sflag:s1] =	ssyncadd.s32 $0xFFFFFF00  }
0x5d5: {  	[tilespmem:s13], [sflag:$0x1] =	stream.indirect_vreg.gather [spmem:s3], $0x10, v9, vm0, $0xb8;
	[tilespmem:$0x1BE00] =	vst v63  }
0x5d6: {  	_ =	swait.ge [sflag:s1], $0x100  }
0x5d7: {  	v9 =	vld [tilespmem:$0x1FF70];
	_ =	sdelay $0x5  }
0x5d8: {  	[sflag:s1] =	ssyncset.done $0x0  }
0x5d9: {  	[sflag:s1] =	ssyncadd.s32 $0xFFFFFF00  }
0x5da: {  	[tilespmem:s14], [sflag:$0x1] =	stream.indirect_vreg.gather [spmem:s3], $0x10, v9, vm0, $0xb8;
	[tilespmem:$0x1BE00] =	vst v63  }
0x5db: {  	_ =	swait.ge [sflag:s1], $0x100  }
0x5dc: {  	[sflag:s1] =	ssyncset.done $0x0  }
0x5dd: {  	[sflag:s1] =	ssyncadd.s32 $0xFFFFFF00  }
0x5de: {  	v9 =	vld [tilespmem:s17+$0x0];
	_ =	sdelay $0x2  }
0x5df: {  	s18 =	simm.s32 $0x10;
	s19 =	sand.u32 $0x3F0, s28  }
.LBB2_78:
0x5e0: {  	p0 =	sne.s32 s18, $0x3F0  }
0x5e1: {  	[tilespmem:s19+$0xF600] =	vst v9;
	s17 =	sadd.s32 $0x80, s17;
	s19 =	smov.u32 s18;
	s18 =	sadd.s32 $0x10, s18  }
.Ltmp38:
0x5e2: {  	v9 =	vld [tilespmem:s17+$0x0];
	(pc) =	sbr.rel @p0 .LBB2_78-.Ltmp38, $2  }
0x5e3: {  	_ =	sdelay $0x2  }
0x5e4: {  	s19 =	sand.u32 $0x3F0, s19  }
0x5e5: {  	s17 =	sld [smem:$0x7EF];
	_ =	sdelay $0x1  }
0x5e6: {  	[tilespmem:s19+$0xF600] =	vst v9;
	s28 =	simm.s32 $0x0  }
0x5e7: {  	[hbm4b:s17+s28] =	stream.linear.scatter [tilespmem:s15], [sflag:$0x1], $0x400, $0x38;
	[tilespmem:$0x1BE00] =	vst v63  }
0x5e8: {  	_ =	swait.ge [sflag:s1], $0x400  }
0x5e9: {  	v9 =	vld [tilespmem:$0x1FF80];
	_ =	sdelay $0x5  }
0x5ea: {  	[sflag:s1] =	ssyncset.done $0x0  }
0x5eb: {  	s17 =	simm.s32 $0xD600;
	[sflag:s1] =	ssyncadd.s32 $0xFFFFFC00  }
0x5ec: {  	[tilespmem:s17], [sflag:$0x1] =	stream.indirect_vreg.gather [spmem:s3], $0x10, v9, vm0, $0xb8;
	[tilespmem:$0x1BE00] =	vst v63  }
0x5ed: {  	_ =	swait.ge [sflag:s1], $0x100  }
0x5ee: {  	v9 =	vld [tilespmem:$0x1FF90];
	_ =	sdelay $0x5  }
0x5ef: {  	[sflag:s1] =	ssyncset.done $0x0  }
0x5f0: {  	[sflag:s1] =	ssyncadd.s32 $0xFFFFFF00  }
0x5f1: {  	[tilespmem:s12], [sflag:$0x1] =	stream.indirect_vreg.gather [spmem:s3], $0x10, v9, vm0, $0xb8;
	[tilespmem:$0x1BE00] =	vst v63  }
0x5f2: {  	_ =	swait.ge [sflag:s1], $0x100  }
0x5f3: {  	v9 =	vld [tilespmem:$0x1FFA0];
	_ =	sdelay $0x5  }
0x5f4: {  	[sflag:s1] =	ssyncset.done $0x0  }
0x5f5: {  	[sflag:s1] =	ssyncadd.s32 $0xFFFFFF00  }
0x5f6: {  	[tilespmem:s13], [sflag:$0x1] =	stream.indirect_vreg.gather [spmem:s3], $0x10, v9, vm0, $0xb8;
	[tilespmem:$0x1BE00] =	vst v63  }
0x5f7: {  	_ =	swait.ge [sflag:s1], $0x100  }
0x5f8: {  	v9 =	vld [tilespmem:$0x1FFB0];
	_ =	sdelay $0x5  }
0x5f9: {  	[sflag:s1] =	ssyncset.done $0x0  }
0x5fa: {  	[sflag:s1] =	ssyncadd.s32 $0xFFFFFF00  }
0x5fb: {  	[tilespmem:s14], [sflag:$0x1] =	stream.indirect_vreg.gather [spmem:s3], $0x10, v9, vm0, $0xb8;
	[tilespmem:$0x1BE00] =	vst v63  }
0x5fc: {  	_ =	swait.ge [sflag:s1], $0x100  }
0x5fd: {  	[sflag:s1] =	ssyncset.done $0x0  }
0x5fe: {  	[sflag:s1] =	ssyncadd.s32 $0xFFFFFF00  }
0x5ff: {  	v9 =	vld [tilespmem:s17+$0x0];
	_ =	sdelay $0x2  }
0x600: {  	s18 =	simm.s32 $0x10;
	s19 =	sand.u32 $0x3F0, s28  }
.LBB2_80:
0x601: {  	p0 =	sne.s32 s18, $0x3F0  }
0x602: {  	[tilespmem:s19+$0xF600] =	vst v9;
	s17 =	sadd.s32 $0x80, s17;
	s19 =	smov.u32 s18;
	s18 =	sadd.s32 $0x10, s18  }
.Ltmp39:
0x603: {  	v9 =	vld [tilespmem:s17+$0x0];
	(pc) =	sbr.rel @p0 .LBB2_80-.Ltmp39, $2  }
0x604: {  	_ =	sdelay $0x2  }
0x605: {  	s19 =	sand.u32 $0x3F0, s19  }
0x606: {  	s17 =	sld [smem:$0x7F0];
	_ =	sdelay $0x1  }
0x607: {  	[tilespmem:s19+$0xF600] =	vst v9;
	s28 =	simm.s32 $0x0  }
0x608: {  	[hbm4b:s17+s28] =	stream.linear.scatter [tilespmem:s15], [sflag:$0x1], $0x400, $0x38;
	[tilespmem:$0x1BE00] =	vst v63  }
0x609: {  	_ =	swait.ge [sflag:s1], $0x400  }
0x60a: {  	v9 =	vld [tilespmem:$0x1FFC0];
	_ =	sdelay $0x5  }
0x60b: {  	[sflag:s1] =	ssyncset.done $0x0  }
0x60c: {  	s17 =	simm.s32 $0xD600;
	[sflag:s1] =	ssyncadd.s32 $0xFFFFFC00  }
0x60d: {  	[tilespmem:s17], [sflag:$0x1] =	stream.indirect_vreg.gather [spmem:s3], $0x10, v9, vm0, $0xb8;
	[tilespmem:$0x1BE00] =	vst v63  }
0x60e: {  	_ =	swait.ge [sflag:s1], $0x100  }
0x60f: {  	v9 =	vld [tilespmem:$0x1FFD0];
	_ =	sdelay $0x5  }
0x610: {  	[sflag:s1] =	ssyncset.done $0x0  }
0x611: {  	[sflag:s1] =	ssyncadd.s32 $0xFFFFFF00  }
0x612: {  	[tilespmem:s12], [sflag:$0x1] =	stream.indirect_vreg.gather [spmem:s3], $0x10, v9, vm0, $0xb8;
	[tilespmem:$0x1BE00] =	vst v63  }
0x613: {  	_ =	swait.ge [sflag:s1], $0x100  }
0x614: {  	v9 =	vld [tilespmem:$0x1FFE0];
	_ =	sdelay $0x5  }
0x615: {  	[sflag:s1] =	ssyncset.done $0x0  }
0x616: {  	[sflag:s1] =	ssyncadd.s32 $0xFFFFFF00  }
0x617: {  	[tilespmem:s13], [sflag:$0x1] =	stream.indirect_vreg.gather [spmem:s3], $0x10, v9, vm0, $0xb8;
	[tilespmem:$0x1BE00] =	vst v63  }
0x618: {  	_ =	swait.ge [sflag:s1], $0x100  }
0x619: {  	v9 =	vld [tilespmem:$0x1FFF0];
	_ =	sdelay $0x5  }
0x61a: {  	[sflag:s1] =	ssyncset.done $0x0  }
0x61b: {  	[sflag:s1] =	ssyncadd.s32 $0xFFFFFF00  }
0x61c: {  	[tilespmem:s14], [sflag:$0x1] =	stream.indirect_vreg.gather [spmem:s3], $0x10, v9, vm0, $0xb8;
	[tilespmem:$0x1BE00] =	vst v63  }
0x61d: {  	_ =	swait.ge [sflag:s1], $0x100  }
0x61e: {  	[sflag:s1] =	ssyncset.done $0x0  }
0x61f: {  	[sflag:s1] =	ssyncadd.s32 $0xFFFFFF00  }
0x620: {  	v9 =	vld [tilespmem:s17+$0x0];
	_ =	sdelay $0x2  }
0x621: {  	s18 =	simm.s32 $0x10;
	s19 =	sand.u32 $0x3F0, s28  }
.LBB2_82:
0x622: {  	p0 =	sne.s32 s18, $0x3F0  }
0x623: {  	[tilespmem:s19+$0xF600] =	vst v9;
	s17 =	sadd.s32 $0x80, s17;
	s19 =	smov.u32 s18;
	s18 =	sadd.s32 $0x10, s18  }
.Ltmp40:
0x624: {  	v9 =	vld [tilespmem:s17+$0x0];
	(pc) =	sbr.rel @p0 .LBB2_82-.Ltmp40, $2  }
0x625: {  	_ =	sdelay $0x2  }
0x626: {  	s19 =	sand.u32 $0x3F0, s19  }
0x627: {  	s17 =	sld [smem:$0x7F1];
	_ =	sdelay $0x1  }
0x628: {  	[tilespmem:s19+$0xF600] =	vst v9;
	s28 =	simm.s32 $0x0  }
0x629: {  	[hbm4b:s17+s28] =	stream.linear.scatter [tilespmem:s15], [sflag:$0x1], $0x400, $0x38;
	[tilespmem:$0x1BE00] =	vst v63  }
0x62a: {  	_ =	swait.ge [sflag:s1], $0x400  }
0x62b: {  	[sflag:s1] =	ssyncset.done $0x0  }
0x62c: {  	s17 =	simm.s32 $0xD600;
	[sflag:s1] =	ssyncadd.s32 $0xFFFFFC00  }
0x62d: {  	[tilespmem:s17], [sflag:$0x1] =	stream.indirect_vreg.gather [spmem:s3], $0x10, v22, vm0, $0xb8;
	[tilespmem:$0x1BE00] =	vst v63  }
0x62e: {  	_ =	swait.ge [sflag:s1], $0x100  }
0x62f: {  	[sflag:s1] =	ssyncset.done $0x0  }
0x630: {  	[sflag:s1] =	ssyncadd.s32 $0xFFFFFF00  }
0x631: {  	[tilespmem:s12], [sflag:$0x1] =	stream.indirect_vreg.gather [spmem:s3], $0x10, v23, vm0, $0xb8;
	[tilespmem:$0x1BE00] =	vst v63  }
0x632: {  	_ =	swait.ge [sflag:s1], $0x100  }
0x633: {  	[sflag:s1] =	ssyncset.done $0x0  }
0x634: {  	[sflag:s1] =	ssyncadd.s32 $0xFFFFFF00  }
0x635: {  	[tilespmem:s13], [sflag:$0x1] =	stream.indirect_vreg.gather [spmem:s3], $0x10, v24, vm0, $0xb8;
	[tilespmem:$0x1BE00] =	vst v63  }
0x636: {  	_ =	swait.ge [sflag:s1], $0x100  }
0x637: {  	[sflag:s1] =	ssyncset.done $0x0  }
0x638: {  	[sflag:s1] =	ssyncadd.s32 $0xFFFFFF00  }
0x639: {  	[tilespmem:s14], [sflag:$0x1] =	stream.indirect_vreg.gather [spmem:s3], $0x10, v25, vm0, $0xb8;
	[tilespmem:$0x1BE00] =	vst v63  }
0x63a: {  	_ =	swait.ge [sflag:s1], $0x100  }
0x63b: {  	[sflag:s1] =	ssyncset.done $0x0  }
0x63c: {  	[sflag:s1] =	ssyncadd.s32 $0xFFFFFF00  }
0x63d: {  	v9 =	vld [tilespmem:s17+$0x0];
	_ =	sdelay $0x2  }
0x63e: {  	s18 =	simm.s32 $0x10;
	s19 =	sand.u32 $0x3F0, s28  }
.LBB2_84:
0x63f: {  	p0 =	sne.s32 s18, $0x3F0  }
0x640: {  	[tilespmem:s19+$0xF600] =	vst v9;
	s17 =	sadd.s32 $0x80, s17;
	s19 =	smov.u32 s18;
	s18 =	sadd.s32 $0x10, s18  }
.Ltmp41:
0x641: {  	v9 =	vld [tilespmem:s17+$0x0];
	(pc) =	sbr.rel @p0 .LBB2_84-.Ltmp41, $2  }
0x642: {  	_ =	sdelay $0x2  }
0x643: {  	s19 =	sand.u32 $0x3F0, s19  }
0x644: {  	s17 =	sld [smem:$0x7F2];
	_ =	sdelay $0x1  }
0x645: {  	[tilespmem:s19+$0xF600] =	vst v9;
	s28 =	simm.s32 $0x0  }
0x646: {  	[hbm4b:s17+s28] =	stream.linear.scatter [tilespmem:s15], [sflag:$0x1], $0x400, $0x38;
	[tilespmem:$0x1BE00] =	vst v63  }
0x647: {  	_ =	swait.ge [sflag:s1], $0x400  }
0x648: {  	[sflag:s1] =	ssyncset.done $0x0  }
0x649: {  	s17 =	simm.s32 $0xD600;
	[sflag:s1] =	ssyncadd.s32 $0xFFFFFC00  }
0x64a: {  	[tilespmem:s17], [sflag:$0x1] =	stream.indirect_vreg.gather [spmem:s3], $0x10, v26, vm0, $0xb8;
	[tilespmem:$0x1BE00] =	vst v63  }
0x64b: {  	_ =	swait.ge [sflag:s1], $0x100  }
0x64c: {  	[sflag:s1] =	ssyncset.done $0x0  }
0x64d: {  	[sflag:s1] =	ssyncadd.s32 $0xFFFFFF00  }
0x64e: {  	[tilespmem:s12], [sflag:$0x1] =	stream.indirect_vreg.gather [spmem:s3], $0x10, v27, vm0, $0xb8;
	[tilespmem:$0x1BE00] =	vst v63  }
0x64f: {  	_ =	swait.ge [sflag:s1], $0x100  }
0x650: {  	[sflag:s1] =	ssyncset.done $0x0  }
0x651: {  	[sflag:s1] =	ssyncadd.s32 $0xFFFFFF00  }
0x652: {  	[tilespmem:s13], [sflag:$0x1] =	stream.indirect_vreg.gather [spmem:s3], $0x10, v28, vm0, $0xb8;
	[tilespmem:$0x1BE00] =	vst v63  }
0x653: {  	_ =	swait.ge [sflag:s1], $0x100  }
0x654: {  	[sflag:s1] =	ssyncset.done $0x0  }
0x655: {  	[sflag:s1] =	ssyncadd.s32 $0xFFFFFF00  }
0x656: {  	[tilespmem:s14], [sflag:$0x1] =	stream.indirect_vreg.gather [spmem:s3], $0x10, v29, vm0, $0xb8;
	[tilespmem:$0x1BE00] =	vst v63  }
0x657: {  	_ =	swait.ge [sflag:s1], $0x100  }
0x658: {  	[sflag:s1] =	ssyncset.done $0x0  }
0x659: {  	[sflag:s1] =	ssyncadd.s32 $0xFFFFFF00  }
0x65a: {  	v9 =	vld [tilespmem:s17+$0x0];
	_ =	sdelay $0x2  }
0x65b: {  	s18 =	simm.s32 $0x10;
	s19 =	sand.u32 $0x3F0, s28  }
.LBB2_86:
0x65c: {  	p0 =	sne.s32 s18, $0x3F0  }
0x65d: {  	[tilespmem:s19+$0xF600] =	vst v9;
	s17 =	sadd.s32 $0x80, s17;
	s19 =	smov.u32 s18;
	s18 =	sadd.s32 $0x10, s18  }
.Ltmp42:
0x65e: {  	v9 =	vld [tilespmem:s17+$0x0];
	(pc) =	sbr.rel @p0 .LBB2_86-.Ltmp42, $2  }
0x65f: {  	_ =	sdelay $0x2  }
0x660: {  	s19 =	sand.u32 $0x3F0, s19  }
0x661: {  	s17 =	sld [smem:$0x7F3];
	_ =	sdelay $0x1  }
0x662: {  	[tilespmem:s19+$0xF600] =	vst v9;
	s28 =	simm.s32 $0x0  }
0x663: {  	[hbm4b:s17+s28] =	stream.linear.scatter [tilespmem:s15], [sflag:$0x1], $0x400, $0x38;
	[tilespmem:$0x1BE00] =	vst v63  }
0x664: {  	_ =	swait.ge [sflag:s1], $0x400  }
0x665: {  	[sflag:s1] =	ssyncset.done $0x0  }
0x666: {  	s17 =	simm.s32 $0xD600;
	[sflag:s1] =	ssyncadd.s32 $0xFFFFFC00  }
0x667: {  	[tilespmem:s17], [sflag:$0x1] =	stream.indirect_vreg.gather [spmem:s3], $0x10, v30, vm0, $0xb8;
	[tilespmem:$0x1BE00] =	vst v63  }
0x668: {  	_ =	swait.ge [sflag:s1], $0x100  }
0x669: {  	[sflag:s1] =	ssyncset.done $0x0  }
0x66a: {  	[sflag:s1] =	ssyncadd.s32 $0xFFFFFF00  }
0x66b: {  	[tilespmem:s12], [sflag:$0x1] =	stream.indirect_vreg.gather [spmem:s3], $0x10, v31, vm0, $0xb8;
	[tilespmem:$0x1BE00] =	vst v63  }
0x66c: {  	_ =	swait.ge [sflag:s1], $0x100  }
0x66d: {  	[sflag:s1] =	ssyncset.done $0x0  }
0x66e: {  	[sflag:s1] =	ssyncadd.s32 $0xFFFFFF00  }
0x66f: {  	[tilespmem:s13], [sflag:$0x1] =	stream.indirect_vreg.gather [spmem:s3], $0x10, v32, vm0, $0xb8;
	[tilespmem:$0x1BE00] =	vst v63  }
0x670: {  	_ =	swait.ge [sflag:s1], $0x100  }
0x671: {  	[sflag:s1] =	ssyncset.done $0x0  }
0x672: {  	[sflag:s1] =	ssyncadd.s32 $0xFFFFFF00  }
0x673: {  	[tilespmem:s14], [sflag:$0x1] =	stream.indirect_vreg.gather [spmem:s3], $0x10, v33, vm0, $0xb8;
	[tilespmem:$0x1BE00] =	vst v63  }
0x674: {  	_ =	swait.ge [sflag:s1], $0x100  }
0x675: {  	[sflag:s1] =	ssyncset.done $0x0  }
0x676: {  	[sflag:s1] =	ssyncadd.s32 $0xFFFFFF00  }
0x677: {  	v9 =	vld [tilespmem:s17+$0x0];
	_ =	sdelay $0x2  }
0x678: {  	s18 =	simm.s32 $0x10;
	s19 =	sand.u32 $0x3F0, s28  }
.LBB2_88:
0x679: {  	p0 =	sne.s32 s18, $0x3F0  }
0x67a: {  	[tilespmem:s19+$0xF600] =	vst v9;
	s17 =	sadd.s32 $0x80, s17;
	s19 =	smov.u32 s18;
	s18 =	sadd.s32 $0x10, s18  }
.Ltmp43:
0x67b: {  	v9 =	vld [tilespmem:s17+$0x0];
	(pc) =	sbr.rel @p0 .LBB2_88-.Ltmp43, $2  }
0x67c: {  	_ =	sdelay $0x2  }
0x67d: {  	s19 =	sand.u32 $0x3F0, s19  }
0x67e: {  	s17 =	sld [smem:$0x7F4];
	_ =	sdelay $0x1  }
0x67f: {  	[tilespmem:s19+$0xF600] =	vst v9;
	s28 =	simm.s32 $0x0  }
0x680: {  	[hbm4b:s17+s28] =	stream.linear.scatter [tilespmem:s15], [sflag:$0x1], $0x400, $0x38;
	[tilespmem:$0x1BE00] =	vst v63  }
0x681: {  	_ =	swait.ge [sflag:s1], $0x400  }
0x682: {  	[sflag:s1] =	ssyncset.done $0x0  }
0x683: {  	s17 =	simm.s32 $0xD600;
	[sflag:s1] =	ssyncadd.s32 $0xFFFFFC00  }
0x684: {  	[tilespmem:s17], [sflag:$0x1] =	stream.indirect_vreg.gather [spmem:s3], $0x10, v34, vm0, $0xb8;
	[tilespmem:$0x1BE00] =	vst v63  }
0x685: {  	_ =	swait.ge [sflag:s1], $0x100  }
0x686: {  	[sflag:s1] =	ssyncset.done $0x0  }
0x687: {  	[sflag:s1] =	ssyncadd.s32 $0xFFFFFF00  }
0x688: {  	[tilespmem:s12], [sflag:$0x1] =	stream.indirect_vreg.gather [spmem:s3], $0x10, v35, vm0, $0xb8;
	[tilespmem:$0x1BE00] =	vst v63  }
0x689: {  	_ =	swait.ge [sflag:s1], $0x100  }
0x68a: {  	[sflag:s1] =	ssyncset.done $0x0  }
0x68b: {  	[sflag:s1] =	ssyncadd.s32 $0xFFFFFF00  }
0x68c: {  	[tilespmem:s13], [sflag:$0x1] =	stream.indirect_vreg.gather [spmem:s3], $0x10, v36, vm0, $0xb8;
	[tilespmem:$0x1BE00] =	vst v63  }
0x68d: {  	_ =	swait.ge [sflag:s1], $0x100  }
0x68e: {  	[sflag:s1] =	ssyncset.done $0x0  }
0x68f: {  	[sflag:s1] =	ssyncadd.s32 $0xFFFFFF00  }
0x690: {  	[tilespmem:s14], [sflag:$0x1] =	stream.indirect_vreg.gather [spmem:s3], $0x10, v37, vm0, $0xb8;
	[tilespmem:$0x1BE00] =	vst v63  }
0x691: {  	_ =	swait.ge [sflag:s1], $0x100  }
0x692: {  	[sflag:s1] =	ssyncset.done $0x0  }
0x693: {  	[sflag:s1] =	ssyncadd.s32 $0xFFFFFF00  }
0x694: {  	v9 =	vld [tilespmem:s17+$0x0];
	_ =	sdelay $0x2  }
0x695: {  	s18 =	simm.s32 $0x10;
	s19 =	sand.u32 $0x3F0, s28  }
.LBB2_90:
0x696: {  	p0 =	sne.s32 s18, $0x3F0  }
0x697: {  	[tilespmem:s19+$0xF600] =	vst v9;
	s17 =	sadd.s32 $0x80, s17;
	s19 =	smov.u32 s18;
	s18 =	sadd.s32 $0x10, s18  }
.Ltmp44:
0x698: {  	v9 =	vld [tilespmem:s17+$0x0];
	(pc) =	sbr.rel @p0 .LBB2_90-.Ltmp44, $2  }
0x699: {  	_ =	sdelay $0x2  }
0x69a: {  	s19 =	sand.u32 $0x3F0, s19  }
0x69b: {  	s17 =	sld [smem:$0x7F5];
	_ =	sdelay $0x1  }
0x69c: {  	[tilespmem:s19+$0xF600] =	vst v9;
	s28 =	simm.s32 $0x0  }
0x69d: {  	[hbm4b:s17+s28] =	stream.linear.scatter [tilespmem:s15], [sflag:$0x1], $0x400, $0x38;
	[tilespmem:$0x1BE00] =	vst v63  }
0x69e: {  	_ =	swait.ge [sflag:s1], $0x400  }
0x69f: {  	[sflag:s1] =	ssyncset.done $0x0  }
0x6a0: {  	s17 =	simm.s32 $0xD600;
	[sflag:s1] =	ssyncadd.s32 $0xFFFFFC00  }
0x6a1: {  	[tilespmem:s17], [sflag:$0x1] =	stream.indirect_vreg.gather [spmem:s3], $0x10, v38, vm0, $0xb8;
	[tilespmem:$0x1BE00] =	vst v63  }
0x6a2: {  	_ =	swait.ge [sflag:s1], $0x100  }
0x6a3: {  	[sflag:s1] =	ssyncset.done $0x0  }
0x6a4: {  	[sflag:s1] =	ssyncadd.s32 $0xFFFFFF00  }
0x6a5: {  	[tilespmem:s12], [sflag:$0x1] =	stream.indirect_vreg.gather [spmem:s3], $0x10, v39, vm0, $0xb8;
	[tilespmem:$0x1BE00] =	vst v63  }
0x6a6: {  	_ =	swait.ge [sflag:s1], $0x100  }
0x6a7: {  	[sflag:s1] =	ssyncset.done $0x0  }
0x6a8: {  	[sflag:s1] =	ssyncadd.s32 $0xFFFFFF00  }
0x6a9: {  	[tilespmem:s13], [sflag:$0x1] =	stream.indirect_vreg.gather [spmem:s3], $0x10, v40, vm0, $0xb8;
	[tilespmem:$0x1BE00] =	vst v63  }
0x6aa: {  	_ =	swait.ge [sflag:s1], $0x100  }
0x6ab: {  	[sflag:s1] =	ssyncset.done $0x0  }
0x6ac: {  	[sflag:s1] =	ssyncadd.s32 $0xFFFFFF00  }
0x6ad: {  	[tilespmem:s14], [sflag:$0x1] =	stream.indirect_vreg.gather [spmem:s3], $0x10, v41, vm0, $0xb8;
	[tilespmem:$0x1BE00] =	vst v63  }
0x6ae: {  	_ =	swait.ge [sflag:s1], $0x100  }
0x6af: {  	[sflag:s1] =	ssyncset.done $0x0  }
0x6b0: {  	[sflag:s1] =	ssyncadd.s32 $0xFFFFFF00  }
0x6b1: {  	v9 =	vld [tilespmem:s17+$0x0];
	_ =	sdelay $0x2  }
0x6b2: {  	s18 =	simm.s32 $0x10;
	s19 =	sand.u32 $0x3F0, s28  }
.LBB2_92:
0x6b3: {  	p0 =	sne.s32 s18, $0x3F0  }
0x6b4: {  	[tilespmem:s19+$0xF600] =	vst v9;
	s17 =	sadd.s32 $0x80, s17;
	s19 =	smov.u32 s18;
	s18 =	sadd.s32 $0x10, s18  }
.Ltmp45:
0x6b5: {  	v9 =	vld [tilespmem:s17+$0x0];
	(pc) =	sbr.rel @p0 .LBB2_92-.Ltmp45, $2  }
0x6b6: {  	_ =	sdelay $0x2  }
0x6b7: {  	s19 =	sand.u32 $0x3F0, s19  }
0x6b8: {  	s17 =	sld [smem:$0x7F6];
	_ =	sdelay $0x1  }
0x6b9: {  	[tilespmem:s19+$0xF600] =	vst v9;
	s28 =	simm.s32 $0x0  }
0x6ba: {  	[hbm4b:s17+s28] =	stream.linear.scatter [tilespmem:s15], [sflag:$0x1], $0x400, $0x38;
	[tilespmem:$0x1BE00] =	vst v63  }
0x6bb: {  	_ =	swait.ge [sflag:s1], $0x400  }
0x6bc: {  	[sflag:s1] =	ssyncset.done $0x0  }
0x6bd: {  	s17 =	simm.s32 $0xD600;
	[sflag:s1] =	ssyncadd.s32 $0xFFFFFC00  }
0x6be: {  	[tilespmem:s17], [sflag:$0x1] =	stream.indirect_vreg.gather [spmem:s3], $0x10, v42, vm0, $0xb8;
	[tilespmem:$0x1BE00] =	vst v63  }
0x6bf: {  	_ =	swait.ge [sflag:s1], $0x100  }
0x6c0: {  	[sflag:s1] =	ssyncset.done $0x0  }
0x6c1: {  	[sflag:s1] =	ssyncadd.s32 $0xFFFFFF00  }
0x6c2: {  	[tilespmem:s12], [sflag:$0x1] =	stream.indirect_vreg.gather [spmem:s3], $0x10, v43, vm0, $0xb8;
	[tilespmem:$0x1BE00] =	vst v63  }
0x6c3: {  	_ =	swait.ge [sflag:s1], $0x100  }
0x6c4: {  	[sflag:s1] =	ssyncset.done $0x0  }
0x6c5: {  	[sflag:s1] =	ssyncadd.s32 $0xFFFFFF00  }
0x6c6: {  	[tilespmem:s13], [sflag:$0x1] =	stream.indirect_vreg.gather [spmem:s3], $0x10, v44, vm0, $0xb8;
	[tilespmem:$0x1BE00] =	vst v63  }
0x6c7: {  	_ =	swait.ge [sflag:s1], $0x100  }
0x6c8: {  	[sflag:s1] =	ssyncset.done $0x0  }
0x6c9: {  	[sflag:s1] =	ssyncadd.s32 $0xFFFFFF00  }
0x6ca: {  	[tilespmem:s14], [sflag:$0x1] =	stream.indirect_vreg.gather [spmem:s3], $0x10, v45, vm0, $0xb8;
	[tilespmem:$0x1BE00] =	vst v63  }
0x6cb: {  	_ =	swait.ge [sflag:s1], $0x100  }
0x6cc: {  	[sflag:s1] =	ssyncset.done $0x0  }
0x6cd: {  	[sflag:s1] =	ssyncadd.s32 $0xFFFFFF00  }
0x6ce: {  	v9 =	vld [tilespmem:s17+$0x0];
	_ =	sdelay $0x2  }
0x6cf: {  	s18 =	simm.s32 $0x10;
	s19 =	sand.u32 $0x3F0, s28  }
.LBB2_94:
0x6d0: {  	p0 =	sne.s32 s18, $0x3F0  }
0x6d1: {  	[tilespmem:s19+$0xF600] =	vst v9;
	s17 =	sadd.s32 $0x80, s17;
	s19 =	smov.u32 s18;
	s18 =	sadd.s32 $0x10, s18  }
.Ltmp46:
0x6d2: {  	v9 =	vld [tilespmem:s17+$0x0];
	(pc) =	sbr.rel @p0 .LBB2_94-.Ltmp46, $2  }
0x6d3: {  	_ =	sdelay $0x2  }
0x6d4: {  	s19 =	sand.u32 $0x3F0, s19  }
0x6d5: {  	s17 =	sld [smem:$0x7F7];
	_ =	sdelay $0x1  }
0x6d6: {  	[tilespmem:s19+$0xF600] =	vst v9;
	s28 =	simm.s32 $0x0  }
0x6d7: {  	[hbm4b:s17+s28] =	stream.linear.scatter [tilespmem:s15], [sflag:$0x1], $0x400, $0x38;
	[tilespmem:$0x1BE00] =	vst v63  }
0x6d8: {  	_ =	swait.ge [sflag:s1], $0x400  }
0x6d9: {  	[sflag:s1] =	ssyncset.done $0x0  }
0x6da: {  	s17 =	simm.s32 $0xD600;
	[sflag:s1] =	ssyncadd.s32 $0xFFFFFC00  }
0x6db: {  	[tilespmem:s17], [sflag:$0x1] =	stream.indirect_vreg.gather [spmem:s3], $0x10, v46, vm0, $0xb8;
	[tilespmem:$0x1BE00] =	vst v63  }
0x6dc: {  	_ =	swait.ge [sflag:s1], $0x100  }
0x6dd: {  	[sflag:s1] =	ssyncset.done $0x0  }
0x6de: {  	[sflag:s1] =	ssyncadd.s32 $0xFFFFFF00  }
0x6df: {  	[tilespmem:s12], [sflag:$0x1] =	stream.indirect_vreg.gather [spmem:s3], $0x10, v47, vm0, $0xb8;
	[tilespmem:$0x1BE00] =	vst v63  }
0x6e0: {  	_ =	swait.ge [sflag:s1], $0x100  }
0x6e1: {  	[sflag:s1] =	ssyncset.done $0x0  }
0x6e2: {  	[sflag:s1] =	ssyncadd.s32 $0xFFFFFF00  }
0x6e3: {  	[tilespmem:s13], [sflag:$0x1] =	stream.indirect_vreg.gather [spmem:s3], $0x10, v48, vm0, $0xb8;
	[tilespmem:$0x1BE00] =	vst v63  }
0x6e4: {  	_ =	swait.ge [sflag:s1], $0x100  }
0x6e5: {  	[sflag:s1] =	ssyncset.done $0x0  }
0x6e6: {  	[sflag:s1] =	ssyncadd.s32 $0xFFFFFF00  }
0x6e7: {  	[tilespmem:s14], [sflag:$0x1] =	stream.indirect_vreg.gather [spmem:s3], $0x10, v49, vm0, $0xb8;
	[tilespmem:$0x1BE00] =	vst v63  }
0x6e8: {  	_ =	swait.ge [sflag:s1], $0x100  }
0x6e9: {  	[sflag:s1] =	ssyncset.done $0x0  }
0x6ea: {  	[sflag:s1] =	ssyncadd.s32 $0xFFFFFF00  }
0x6eb: {  	v9 =	vld [tilespmem:s17+$0x0];
	_ =	sdelay $0x2  }
0x6ec: {  	s18 =	simm.s32 $0x10;
	s19 =	sand.u32 $0x3F0, s28  }
.LBB2_96:
0x6ed: {  	p0 =	sne.s32 s18, $0x3F0  }
0x6ee: {  	[tilespmem:s19+$0xF600] =	vst v9;
	s17 =	sadd.s32 $0x80, s17;
	s19 =	smov.u32 s18;
	s18 =	sadd.s32 $0x10, s18  }
.Ltmp47:
0x6ef: {  	v9 =	vld [tilespmem:s17+$0x0];
	(pc) =	sbr.rel @p0 .LBB2_96-.Ltmp47, $2  }
0x6f0: {  	_ =	sdelay $0x2  }
0x6f1: {  	s19 =	sand.u32 $0x3F0, s19  }
0x6f2: {  	s17 =	sld [smem:$0x7F8];
	_ =	sdelay $0x1  }
0x6f3: {  	[tilespmem:s19+$0xF600] =	vst v9;
	s28 =	simm.s32 $0x0  }
0x6f4: {  	[hbm4b:s17+s28] =	stream.linear.scatter [tilespmem:s15], [sflag:$0x1], $0x400, $0x38;
	[tilespmem:$0x1BE00] =	vst v63  }
0x6f5: {  	_ =	swait.ge [sflag:s1], $0x400  }
0x6f6: {  	[sflag:s1] =	ssyncset.done $0x0  }
0x6f7: {  	s17 =	simm.s32 $0xD600;
	[sflag:s1] =	ssyncadd.s32 $0xFFFFFC00  }
0x6f8: {  	[tilespmem:s17], [sflag:$0x1] =	stream.indirect_vreg.gather [spmem:s3], $0x10, v50, vm0, $0xb8;
	[tilespmem:$0x1BE00] =	vst v63  }
0x6f9: {  	_ =	swait.ge [sflag:s1], $0x100  }
0x6fa: {  	[sflag:s1] =	ssyncset.done $0x0  }
0x6fb: {  	[sflag:s1] =	ssyncadd.s32 $0xFFFFFF00  }
0x6fc: {  	[tilespmem:s12], [sflag:$0x1] =	stream.indirect_vreg.gather [spmem:s3], $0x10, v51, vm0, $0xb8;
	[tilespmem:$0x1BE00] =	vst v63  }
0x6fd: {  	_ =	swait.ge [sflag:s1], $0x100  }
0x6fe: {  	[sflag:s1] =	ssyncset.done $0x0  }
0x6ff: {  	[sflag:s1] =	ssyncadd.s32 $0xFFFFFF00  }
0x700: {  	[tilespmem:s13], [sflag:$0x1] =	stream.indirect_vreg.gather [spmem:s3], $0x10, v52, vm0, $0xb8;
	[tilespmem:$0x1BE00] =	vst v63  }
0x701: {  	_ =	swait.ge [sflag:s1], $0x100  }
0x702: {  	[sflag:s1] =	ssyncset.done $0x0  }
0x703: {  	[sflag:s1] =	ssyncadd.s32 $0xFFFFFF00  }
0x704: {  	[tilespmem:s14], [sflag:$0x1] =	stream.indirect_vreg.gather [spmem:s3], $0x10, v53, vm0, $0xb8;
	[tilespmem:$0x1BE00] =	vst v63  }
0x705: {  	_ =	swait.ge [sflag:s1], $0x100  }
0x706: {  	[sflag:s1] =	ssyncset.done $0x0  }
0x707: {  	[sflag:s1] =	ssyncadd.s32 $0xFFFFFF00  }
0x708: {  	v9 =	vld [tilespmem:s17+$0x0];
	_ =	sdelay $0x2  }
0x709: {  	s18 =	simm.s32 $0x10;
	s19 =	sand.u32 $0x3F0, s28  }
.LBB2_98:
0x70a: {  	p0 =	sne.s32 s18, $0x3F0  }
0x70b: {  	[tilespmem:s19+$0xF600] =	vst v9;
	s17 =	sadd.s32 $0x80, s17;
	s19 =	smov.u32 s18;
	s18 =	sadd.s32 $0x10, s18  }
.Ltmp48:
0x70c: {  	v9 =	vld [tilespmem:s17+$0x0];
	(pc) =	sbr.rel @p0 .LBB2_98-.Ltmp48, $2  }
0x70d: {  	_ =	sdelay $0x2  }
0x70e: {  	s19 =	sand.u32 $0x3F0, s19  }
0x70f: {  	s17 =	sld [smem:$0x7F9];
	_ =	sdelay $0x1  }
0x710: {  	[tilespmem:s19+$0xF600] =	vst v9;
	s28 =	simm.s32 $0x0  }
0x711: {  	[hbm4b:s17+s28] =	stream.linear.scatter [tilespmem:s15], [sflag:$0x1], $0x400, $0x38;
	[tilespmem:$0x1BE00] =	vst v63  }
0x712: {  	_ =	swait.ge [sflag:s1], $0x400  }
0x713: {  	[sflag:s1] =	ssyncset.done $0x0  }
0x714: {  	s17 =	simm.s32 $0xD600;
	[sflag:s1] =	ssyncadd.s32 $0xFFFFFC00  }
0x715: {  	[tilespmem:s17], [sflag:$0x1] =	stream.indirect_vreg.gather [spmem:s3], $0x10, v54, vm0, $0xb8;
	[tilespmem:$0x1BE00] =	vst v63  }
0x716: {  	_ =	swait.ge [sflag:s1], $0x100  }
0x717: {  	[sflag:s1] =	ssyncset.done $0x0  }
0x718: {  	[sflag:s1] =	ssyncadd.s32 $0xFFFFFF00  }
0x719: {  	[tilespmem:s12], [sflag:$0x1] =	stream.indirect_vreg.gather [spmem:s3], $0x10, v55, vm0, $0xb8;
	[tilespmem:$0x1BE00] =	vst v63  }
0x71a: {  	_ =	swait.ge [sflag:s1], $0x100  }
0x71b: {  	[sflag:s1] =	ssyncset.done $0x0  }
0x71c: {  	[sflag:s1] =	ssyncadd.s32 $0xFFFFFF00  }
0x71d: {  	[tilespmem:s13], [sflag:$0x1] =	stream.indirect_vreg.gather [spmem:s3], $0x10, v56, vm0, $0xb8;
	[tilespmem:$0x1BE00] =	vst v63  }
0x71e: {  	_ =	swait.ge [sflag:s1], $0x100  }
0x71f: {  	[sflag:s1] =	ssyncset.done $0x0  }
0x720: {  	[sflag:s1] =	ssyncadd.s32 $0xFFFFFF00  }
0x721: {  	[tilespmem:s14], [sflag:$0x1] =	stream.indirect_vreg.gather [spmem:s3], $0x10, v57, vm0, $0xb8;
	[tilespmem:$0x1BE00] =	vst v63  }
0x722: {  	_ =	swait.ge [sflag:s1], $0x100  }
0x723: {  	[sflag:s1] =	ssyncset.done $0x0  }
0x724: {  	[sflag:s1] =	ssyncadd.s32 $0xFFFFFF00  }
0x725: {  	v9 =	vld [tilespmem:s17+$0x0];
	_ =	sdelay $0x2  }
0x726: {  	s18 =	simm.s32 $0x10;
	s19 =	sand.u32 $0x3F0, s28  }
.LBB2_100:
0x727: {  	p0 =	sne.s32 s18, $0x3F0  }
0x728: {  	[tilespmem:s19+$0xF600] =	vst v9;
	s17 =	sadd.s32 $0x80, s17;
	s19 =	smov.u32 s18;
	s18 =	sadd.s32 $0x10, s18  }
.Ltmp49:
0x729: {  	v9 =	vld [tilespmem:s17+$0x0];
	(pc) =	sbr.rel @p0 .LBB2_100-.Ltmp49, $2  }
0x72a: {  	_ =	sdelay $0x2  }
0x72b: {  	s19 =	sand.u32 $0x3F0, s19  }
0x72c: {  	s17 =	sld [smem:$0x7FA];
	_ =	sdelay $0x1  }
0x72d: {  	[tilespmem:s19+$0xF600] =	vst v9;
	s28 =	simm.s32 $0x0  }
0x72e: {  	[hbm4b:s17+s28] =	stream.linear.scatter [tilespmem:s15], [sflag:$0x1], $0x400, $0x38;
	[tilespmem:$0x1BE00] =	vst v63  }
0x72f: {  	_ =	swait.ge [sflag:s1], $0x400  }
0x730: {  	[sflag:s1] =	ssyncset.done $0x0  }
0x731: {  	s17 =	simm.s32 $0xD600;
	[sflag:s1] =	ssyncadd.s32 $0xFFFFFC00  }
0x732: {  	[tilespmem:s17], [sflag:$0x1] =	stream.indirect_vreg.gather [spmem:s3], $0x10, v58, vm0, $0xb8;
	[tilespmem:$0x1BE00] =	vst v63  }
0x733: {  	_ =	swait.ge [sflag:s1], $0x100  }
0x734: {  	[sflag:s1] =	ssyncset.done $0x0  }
0x735: {  	[sflag:s1] =	ssyncadd.s32 $0xFFFFFF00  }
0x736: {  	[tilespmem:s12], [sflag:$0x1] =	stream.indirect_vreg.gather [spmem:s3], $0x10, v59, vm0, $0xb8;
	[tilespmem:$0x1BE00] =	vst v63  }
0x737: {  	_ =	swait.ge [sflag:s1], $0x100  }
0x738: {  	[sflag:s1] =	ssyncset.done $0x0  }
0x739: {  	[sflag:s1] =	ssyncadd.s32 $0xFFFFFF00  }
0x73a: {  	[tilespmem:s13], [sflag:$0x1] =	stream.indirect_vreg.gather [spmem:s3], $0x10, v60, vm0, $0xb8;
	[tilespmem:$0x1BE00] =	vst v63  }
0x73b: {  	_ =	swait.ge [sflag:s1], $0x100  }
0x73c: {  	[sflag:s1] =	ssyncset.done $0x0  }
0x73d: {  	[sflag:s1] =	ssyncadd.s32 $0xFFFFFF00  }
0x73e: {  	[tilespmem:s14], [sflag:$0x1] =	stream.indirect_vreg.gather [spmem:s3], $0x10, v61, vm0, $0xb8;
	[tilespmem:$0x1BE00] =	vst v63  }
0x73f: {  	_ =	swait.ge [sflag:s1], $0x100  }
0x740: {  	[sflag:s1] =	ssyncset.done $0x0  }
0x741: {  	[sflag:s1] =	ssyncadd.s32 $0xFFFFFF00  }
0x742: {  	v9 =	vld [tilespmem:s17+$0x0];
	_ =	sdelay $0x2  }
0x743: {  	s18 =	simm.s32 $0x10;
	s19 =	sand.u32 $0x3F0, s28  }
.LBB2_102:
0x744: {  	p0 =	sne.s32 s18, $0x3F0  }
0x745: {  	[tilespmem:s19+$0xF600] =	vst v9;
	s17 =	sadd.s32 $0x80, s17;
	s19 =	smov.u32 s18;
	s18 =	sadd.s32 $0x10, s18  }
.Ltmp50:
0x746: {  	v9 =	vld [tilespmem:s17+$0x0];
	(pc) =	sbr.rel @p0 .LBB2_102-.Ltmp50, $2  }
0x747: {  	_ =	sdelay $0x2  }
0x748: {  	s19 =	sand.u32 $0x3F0, s19  }
0x749: {  	s17 =	sld [smem:$0x7FB];
	_ =	sdelay $0x1  }
0x74a: {  	[tilespmem:s19+$0xF600] =	vst v9;
	s28 =	simm.s32 $0x0  }
0x74b: {  	[hbm4b:s17+s28] =	stream.linear.scatter [tilespmem:s15], [sflag:$0x1], $0x400, $0x38;
	[tilespmem:$0x1BE00] =	vst v63  }
0x74c: {  	_ =	swait.ge [sflag:s1], $0x400  }
0x74d: {  	[sflag:s1] =	ssyncset.done $0x0  }
0x74e: {  	s17 =	simm.s32 $0xD600;
	[sflag:s1] =	ssyncadd.s32 $0xFFFFFC00  }
0x74f: {  	[tilespmem:s17], [sflag:$0x1] =	stream.indirect_vreg.gather [spmem:s3], $0x10, v62, vm0, $0xb8;
	[tilespmem:$0x1BE00] =	vst v63  }
0x750: {  	_ =	swait.ge [sflag:s1], $0x100  }
0x751: {  	[sflag:s1] =	ssyncset.done $0x0  }
0x752: {  	[sflag:s1] =	ssyncadd.s32 $0xFFFFFF00  }
0x753: {  	[tilespmem:s12], [sflag:$0x1] =	stream.indirect_vreg.gather [spmem:s3], $0x10, v63, vm0, $0xb8;
	[tilespmem:$0x1BE00] =	vst v63  }
0x754: {  	_ =	swait.ge [sflag:s1], $0x100  }
0x755: {  	[sflag:s1] =	ssyncset.done $0x0  }
0x756: {  	[sflag:s1] =	ssyncadd.s32 $0xFFFFFF00  }
0x757: {  	[tilespmem:s13], [sflag:$0x1] =	stream.indirect_vreg.gather [spmem:s3], $0x10, v1, vm0, $0xb8;
	[tilespmem:$0x1BE00] =	vst v63  }
0x758: {  	_ =	swait.ge [sflag:s1], $0x100  }
0x759: {  	[sflag:s1] =	ssyncset.done $0x0  }
0x75a: {  	[sflag:s1] =	ssyncadd.s32 $0xFFFFFF00  }
0x75b: {  	[tilespmem:s14], [sflag:$0x1] =	stream.indirect_vreg.gather [spmem:s3], $0x10, v2, vm0, $0xb8;
	[tilespmem:$0x1BE00] =	vst v63  }
0x75c: {  	_ =	swait.ge [sflag:s1], $0x100  }
0x75d: {  	[sflag:s1] =	ssyncset.done $0x0  }
0x75e: {  	[sflag:s1] =	ssyncadd.s32 $0xFFFFFF00  }
0x75f: {  	v9 =	vld [tilespmem:s17+$0x0];
	_ =	sdelay $0x2  }
0x760: {  	s18 =	simm.s32 $0x10;
	s19 =	sand.u32 $0x3F0, s28  }
.LBB2_104:
0x761: {  	p0 =	sne.s32 s18, $0x3F0  }
0x762: {  	[tilespmem:s19+$0xF600] =	vst v9;
	s17 =	sadd.s32 $0x80, s17;
	s19 =	smov.u32 s18;
	s18 =	sadd.s32 $0x10, s18  }
.Ltmp51:
0x763: {  	v9 =	vld [tilespmem:s17+$0x0];
	(pc) =	sbr.rel @p0 .LBB2_104-.Ltmp51, $2  }
0x764: {  	_ =	sdelay $0x2  }
0x765: {  	s19 =	sand.u32 $0x3F0, s19  }
0x766: {  	s17 =	sld [smem:$0x7FC];
	_ =	sdelay $0x1  }
0x767: {  	[tilespmem:s19+$0xF600] =	vst v9;
	s28 =	simm.s32 $0x0  }
0x768: {  	[hbm4b:s17+s28] =	stream.linear.scatter [tilespmem:s15], [sflag:$0x1], $0x400, $0x38;
	[tilespmem:$0x1BE00] =	vst v63  }
0x769: {  	_ =	swait.ge [sflag:s1], $0x400  }
0x76a: {  	[sflag:s1] =	ssyncset.done $0x0  }
0x76b: {  	s17 =	simm.s32 $0xD600;
	[sflag:s1] =	ssyncadd.s32 $0xFFFFFC00  }
0x76c: {  	[tilespmem:s17], [sflag:$0x1] =	stream.indirect_vreg.gather [spmem:s3], $0x10, v3, vm0, $0xb8;
	[tilespmem:$0x1BE00] =	vst v63  }
0x76d: {  	_ =	swait.ge [sflag:s1], $0x100  }
0x76e: {  	[sflag:s1] =	ssyncset.done $0x0  }
0x76f: {  	[sflag:s1] =	ssyncadd.s32 $0xFFFFFF00  }
0x770: {  	[tilespmem:s12], [sflag:$0x1] =	stream.indirect_vreg.gather [spmem:s3], $0x10, v4, vm0, $0xb8;
	[tilespmem:$0x1BE00] =	vst v63  }
0x771: {  	_ =	swait.ge [sflag:s1], $0x100  }
0x772: {  	[sflag:s1] =	ssyncset.done $0x0  }
0x773: {  	[sflag:s1] =	ssyncadd.s32 $0xFFFFFF00  }
0x774: {  	[tilespmem:s13], [sflag:$0x1] =	stream.indirect_vreg.gather [spmem:s3], $0x10, v5, vm0, $0xb8;
	[tilespmem:$0x1BE00] =	vst v63  }
0x775: {  	_ =	swait.ge [sflag:s1], $0x100  }
0x776: {  	[sflag:s1] =	ssyncset.done $0x0  }
0x777: {  	[sflag:s1] =	ssyncadd.s32 $0xFFFFFF00  }
0x778: {  	[tilespmem:s14], [sflag:$0x1] =	stream.indirect_vreg.gather [spmem:s3], $0x10, v6, vm0, $0xb8;
	[tilespmem:$0x1BE00] =	vst v63  }
0x779: {  	_ =	swait.ge [sflag:s1], $0x100  }
0x77a: {  	[sflag:s1] =	ssyncset.done $0x0  }
0x77b: {  	[sflag:s1] =	ssyncadd.s32 $0xFFFFFF00  }
0x77c: {  	v9 =	vld [tilespmem:s17+$0x0];
	_ =	sdelay $0x2  }
0x77d: {  	s18 =	simm.s32 $0x10;
	s19 =	sand.u32 $0x3F0, s28  }
.LBB2_106:
0x77e: {  	p0 =	sne.s32 s18, $0x3F0  }
0x77f: {  	[tilespmem:s19+$0xF600] =	vst v9;
	s17 =	sadd.s32 $0x80, s17;
	s19 =	smov.u32 s18;
	s18 =	sadd.s32 $0x10, s18  }
.Ltmp52:
0x780: {  	v9 =	vld [tilespmem:s17+$0x0];
	(pc) =	sbr.rel @p0 .LBB2_106-.Ltmp52, $2  }
0x781: {  	_ =	sdelay $0x2  }
0x782: {  	s19 =	sand.u32 $0x3F0, s19  }
0x783: {  	s17 =	sld [smem:$0x7FD];
	s16 =	sadd.s32 $0x1, s16  }
0x784: {  	p0 =	sne.s32 s16, s29  }
.Ltmp53:
0x785: {  	[tilespmem:s19+$0xF600] =	vst v9;
	(pc) =	sbr.rel @p0 .LBB2_1-.Ltmp53, $4  }
0x786: {  	[hbm4b:s17+s5] =	stream.linear.scatter [tilespmem:s15], [sflag:$0x1], $0x400, $0x38;
	[tilespmem:$0x1BE00] =	vst v63  }
0x787: {  	_ =	swait.ge [sflag:s1], $0x400  }
0x788: {  	[sflag:s1] =	ssyncset.done $0x0  }
0x789: {  	[sflag:s1] =	ssyncadd.s32 $0xFFFFFC00  }
0x78a: {  	_ =	sfence.sel $0x180000  }
0x78b: {  	[bflag:$0x0] =	sbarrier.arrive $0xFFFF  }
0x78c: {  	_ =	strace $0x90000047  }
0x78d: {  	s0 =	stileid.u32;
	[bflag:$0x2] =	sbarrier.arrive $0xFFFF  }
0x78e: {  	p0 =	sne.s32 s0, $0x0;
	s0 =	rddreg [dreg:$0x3]  }
0x78f: {  	s0 =	sadd.s32 @!p0 $0x100000, s0  }
0x790: {  	[sflag:s0] =	ssyncadd.tile.s32 @!p0 $0x1;
	_ =	shalt  }
.Lfunc_end2:
_tile_overlayer_lowered:
.L_overlay_start_2:
0x791: {  	(tag) =	ssettag $0x2  }
0x792: {  	s0 =	rddreg [dreg:$0x0];
	s2 =	stileid.u32  }
0x793: {  	s1 =	rddreg [dreg:$0x1];
	p0 =	sne.s32 s2, $0x0  }
0x794: {  	s3 =	rddreg [dreg:$0x2];
	[bflag:$0x3] =	sbarrier.arrive $0xFFFF;
	s2 =	simm.s32 @!p0 $0x1C01  }
0x795: {  	[timem:s3], [sflag:s2] =	dma.local @!p0 [hbm:s0], s1  }
0x796: {  	s0 =	simm.s32 @!p0 $0x1  }
0x797: {  	_ =	swait.ge @!p0 [sflag:s0], s1  }
0x798: {  	s1 =	ssub.s32 @!p0 $0x0, s1;
	[sflag:s0] =	ssyncset.done @!p0 $0x0  }
0x799: {  	[sflag:s0] =	ssyncadd.s32 @!p0 s1  }
0x79a: {  	[bflag:$0x3] =	sbarrier.arrive $0xFFFF  }
0x79b: {  	_ =	shalt  }

</sc_bundles>
